<compile_context>
chip_gen: v7x
topology: tpu7x:2x2x1
jax: 0.10.2.dev20260603
libtpu: 0.0.44.dev20260713+nightly
codegen_flags: <defaults>
</compile_context>

<pallas_src>
import functools

import numpy as np

import jax
import jax.numpy as jnp
from jax import lax
from jax.experimental import pallas as pl
from jax.experimental.pallas import tpu as pltpu
from jax.experimental.pallas import tpu_sc as plsc

B = 16384
D = 64
L = 20
V = 1000
NW = 32
CHUNK = 128
RPS = B // 16
PCH = 256


_SC_PARAMS = pltpu.CompilerParams(
    use_tc_tiling_on_sc=False, needs_layout_passes=False)
_MESH = plsc.VectorSubcoreMesh(core_axis_name="c", subcore_axis_name="s")


def _sc_pool(use_W, water_W, use_idx_t, water_idx_t):

  @functools.partial(
      pl.kernel,
      mesh=_MESH,
      compiler_params=_SC_PARAMS,
      out_type=(
          jax.ShapeDtypeStruct((B, D), jnp.float32),
          jax.ShapeDtypeStruct((B, D), jnp.float32),
      ),
      scratch_types=[
          pltpu.VMEM((V * D // 2,), jnp.int32),
          pltpu.VMEM((L, PCH), jnp.int32),
          pltpu.VMEM((PCH, D), jnp.float32),
          pltpu.SemaphoreType.DMA,
      ],
  )
  def k(use_tab, water_tab, uidx_h, widx_h,
        upool_out, wpool_out,
        tab_v, idx_v, out_v, tsem):
    c = lax.axis_index("c")
    s = lax.axis_index("s")
    on_use = c == 0

    @pl.when(on_use)
    def _():
      pltpu.async_copy(use_tab, tab_v, tsem)

    @pl.when(jnp.logical_not(on_use))
    def _():
      pltpu.async_copy(water_tab, tab_v, tsem)

    @pl.when(on_use)
    def _():
      pltpu.make_async_copy(use_tab, tab_v, tsem).wait()

    @pl.when(jnp.logical_not(on_use))
    def _():
      pltpu.make_async_copy(water_tab, tab_v, tsem).wait()

    inv = jnp.float32(1.0 / L)
    lane = lax.iota(jnp.int32, 16)
    offs = [lane + q * 16 for q in range(D // 32)]
    lane2 = lane * 2
    himask = jnp.full((16,), -65536, jnp.int32)

    for ch in range(RPS // PCH):
      base = s * RPS + ch * PCH

      @pl.when(on_use)
      def _():
        pltpu.sync_copy(uidx_h.at[:, pl.ds(base, PCH)], idx_v)

      @pl.when(jnp.logical_not(on_use))
      def _():
        pltpu.sync_copy(widx_h.at[:, pl.ds(base, PCH)], idx_v)

      def rowbody(b, _):
        bv = jnp.full((16,), b, jnp.int32)
        alo = [None] * (D // 32)
        ahi = [None] * (D // 32)
        for l in range(L):
          lv = jnp.full((16,), l, jnp.int32)
          rb = plsc.load_gather(idx_v, [lv, bv]) * (D // 2)
          for q in range(D // 32):
            w = plsc.load_gather(tab_v, [rb + offs[q]])
            lo = plsc.bitcast(lax.shift_left(w, 16), jnp.float32)
            hi = plsc.bitcast(w & himask, jnp.float32)
            alo[q] = lo if alo[q] is None else alo[q] + lo
            ahi[q] = hi if ahi[q] is None else ahi[q] + hi
        for q in range(D // 32):
          plsc.store_scatter(out_v, [bv, lane2 + (q * 32)], alo[q] * inv)
          plsc.store_scatter(out_v, [bv, lane2 + (q * 32 + 1)], ahi[q] * inv)
        return 0

      lax.fori_loop(0, PCH, rowbody, 0)

      @pl.when(on_use)
      def _():
        pltpu.sync_copy(out_v, upool_out.at[pl.ds(base, PCH)])

      @pl.when(jnp.logical_not(on_use))
      def _():
        pltpu.sync_copy(out_v, wpool_out.at[pl.ds(base, PCH)])

  return k(use_W, water_W, use_idx_t, water_idx_t)


def _sc_climate(climate_W, clim_idx):
  b_w = B // NW

  @functools.partial(
      pl.kernel,
      mesh=_MESH,
      compiler_params=_SC_PARAMS,
      out_type=jax.ShapeDtypeStruct((B, D), jnp.float32),
      scratch_types=[
          pltpu.VMEM((b_w,), jnp.int32),
          pltpu.VMEM((b_w, D), jnp.float32),
          pltpu.SemaphoreType.DMA,
      ],
  )
  def k(clim_tab, cidx_h, clim_out, cidx_v, crows_v, gsem):
    c = lax.axis_index("c")
    s = lax.axis_index("s")
    wid = s * 2 + c
    pltpu.sync_copy(cidx_h.at[pl.ds(wid * b_w, b_w)], cidx_v)
    for cc in range(b_w // CHUNK):
      pltpu.async_copy(
          clim_tab.at[cidx_v.at[pl.ds(cc * CHUNK, CHUNK)]],
          crows_v.at[pl.ds(cc * CHUNK, CHUNK)],
          gsem,
      )
    for cc in range(b_w // CHUNK):
      pltpu.make_async_copy(
          clim_tab.at[cidx_v.at[pl.ds(cc * CHUNK, CHUNK)]],
          crows_v.at[pl.ds(cc * CHUNK, CHUNK)],
          gsem,
      ).wait()
    pltpu.sync_copy(crows_v, clim_out.at[pl.ds(wid * b_w, b_w)])

  return k(climate_W, clim_idx)


_FEATS = (
    (0, 3, 0),
    (1, 4, 64),
    (2, 3, 128),
    (3, 3, 192),
    (4, 2, 320),
    (5, 3, 384),
    (6, 3, 448),
    (7, 3, 512),
)
_KF = sum(nv for _, nv, _ in _FEATS) + 2


def _feat_consts():
  code, masko = [], []
  for (_, nv, _) in _FEATS:
    code.extend(range(nv))
    masko.extend([1.0] * nv)
  code.extend([-1.0, -1.0])
  masko.extend([0.0, 0.0])
  code = np.asarray(code, np.float32).reshape(1, _KF)
  masko = np.asarray(masko, np.float32).reshape(1, _KF)
  return code, masko, 1.0 - masko


def _tc_body(*refs):
  (feat_ref, code_ref, masko_ref, clim_ref, upool_ref, wpool_ref, exp_ref,
   light_ref, humid_ref, space_ref, pets_ref, commit_ref, sun_ref, size_ref,
   tempW_ref, tempb_ref, W1_ref, b1_ref, W2_ref, b2_ref, out_ref,
   Wsm_ref) = refs
  tab_refs = (exp_ref, light_ref, humid_ref, space_ref, pets_ref, commit_ref,
              sun_ref, size_ref)

  @pl.when(pl.program_id(0) == 0)
  def _():
    W1 = W1_ref[...]
    rows = []
    for (f, nv, base) in _FEATS:
      rows.append(jnp.dot(tab_refs[f][...], W1[base:base + D],
                          preferred_element_type=jnp.float32))
    rows.append(jnp.dot(tempW_ref[...], W1[576:640],
                        preferred_element_type=jnp.float32))
    rows.append(jnp.dot(tempb_ref[...], W1[576:640],
                        preferred_element_type=jnp.float32) + b1_ref[...])
    Wsm_ref[...] = jnp.concatenate(rows, axis=0)

  code = code_ref[...]
  masko = masko_ref[...]
  X = feat_ref[...]
  F = (X == code).astype(jnp.float32) * masko + X * (1.0 - masko)

  W1 = W1_ref[...]
  acc = jnp.dot(F, Wsm_ref[...], preferred_element_type=jnp.float32)
  acc += jnp.dot(clim_ref[...], W1[256:320],
                 preferred_element_type=jnp.float32)
  acc += jnp.dot(upool_ref[...], W1[640:704],
                 preferred_element_type=jnp.float32)
  acc += jnp.dot(wpool_ref[...], W1[704:768],
                 preferred_element_type=jnp.float32)
  h = jnp.maximum(acc, 0.0)
  out_ref[...] = (
      jnp.dot(h, W2_ref[...], preferred_element_type=jnp.float32)
      + b2_ref[...])


def kernel(experience, light_available, humidity, space_size, climate,
           has_pets, time_to_commit, sun_time_bucket, size_pref_bucket,
           avg_room_temp_n, use, use_mask, water, water_mask,
           exp_W, light_W, humid_W, space_W, climate_W, pets_W, commit_W,
           sun_W, size_W, use_W, water_W, temp_W, temp_b, W1, b1, W2, b2):
  pack = lambda t: jax.lax.bitcast_convert_type(
      t.astype(jnp.bfloat16).reshape(V * D // 2, 2), jnp.int32)
  upool, wpool = _sc_pool(
      pack(use_W), pack(water_W),
      use.astype(jnp.int32).T, water.astype(jnp.int32).T)
  clim_rows = _sc_climate(climate_W, climate.astype(jnp.int32))

  col = lambda a: a.astype(jnp.float32).reshape(B, 1)
  fcols = []
  for a, (_, nv, _) in zip((experience, light_available, humidity, space_size,
                            has_pets, time_to_commit, sun_time_bucket,
                            size_pref_bucket), _FEATS):
    fcols.append(jnp.broadcast_to(col(a), (B, nv)))
  fcols.append(col(avg_room_temp_n))
  fcols.append(jnp.ones((B, 1), jnp.float32))
  feats = jnp.concatenate(fcols, axis=1)

  R = 512
  grid = (B // R,)
  full = lambda shape: pl.BlockSpec(shape, lambda i: tuple(0 for _ in shape))
  rowblk = lambda w: pl.BlockSpec((R, w), lambda i: (i, 0))
  out = pl.pallas_call(
      _tc_body,
      grid=grid,
      in_specs=[
          rowblk(_KF),
          full((1, _KF)), full((1, _KF)),
          rowblk(D), rowblk(D), rowblk(D),
          full((3, D)), full((4, D)), full((3, D)), full((3, D)),
          full((2, D)), full((3, D)), full((3, D)), full((3, D)),
          full((1, D)), full((1, D)),
          full((12 * D, 2 * D)), full((1, 2 * D)),
          full((2 * D, D)), full((1, D)),
      ],
      out_specs=pl.BlockSpec((R, D), lambda i: (i, 0)),
      out_shape=jax.ShapeDtypeStruct((B, D), jnp.float32),
      scratch_shapes=[pltpu.VMEM((_KF, 2 * D), jnp.float32)],
      compiler_params=pltpu.CompilerParams(
          dimension_semantics=("arbitrary",)),
  )
  code_c, masko_c, _ = _feat_consts()
  return out(
      feats, jnp.asarray(code_c), jnp.asarray(masko_c),
      clim_rows, upool, wpool,
      exp_W, light_W, humid_W, space_W, pets_W, commit_W, sun_W, size_W,
      temp_W, temp_b.reshape(1, D), W1, b1.reshape(1, 2 * D), W2,
      b2.reshape(1, D))

# --- scband reference (transcript-rebuilt; emitter-appended) ---
"""Pipeline reference for scband-user-tower-17540646437322 (READ-ONLY COPY).

The authoritative reference and input builder live on the scoring server;
editing this copy changes nothing except your own understanding.
"""

import jax, jax.numpy as jnp
import numpy as np

B = 16384
D = 64
L = 20
CLIMATE_V = 100000
USE_V = 1000
WATER_V = 1000
OUT = 64


def setup_inputs(seed: int = 0) -> dict:
    key = jax.random.key(seed)
    ks = jax.random.split(key, 40)
    inp = {}
    inp["experience"] = jax.random.randint(ks[0], (B,), 0, 3)
    inp["light_available"] = jax.random.randint(ks[1], (B,), 0, 4)
    inp["humidity"] = jax.random.randint(ks[2], (B,), 0, 3)
    inp["space_size"] = jax.random.randint(ks[3], (B,), 0, 3)
    inp["climate"] = jax.random.randint(ks[4], (B,), 0, CLIMATE_V)
    inp["has_pets"] = jax.random.randint(ks[5], (B,), 0, 2)
    inp["time_to_commit"] = jax.random.randint(ks[6], (B,), 0, 3)
    inp["sun_time_bucket"] = jax.random.randint(ks[7], (B,), 0, 3)
    inp["size_pref_bucket"] = jax.random.randint(ks[8], (B,), 0, 3)
    inp["avg_room_temp_n"] = jax.random.normal(ks[9], (B,), dtype=jnp.float32)
    inp["use"] = jax.random.randint(ks[10], (B, L), 0, USE_V)
    inp["use_mask"] = jnp.ones((B, L), dtype=jnp.float32)
    inp["water"] = jax.random.randint(ks[11], (B, L), 0, WATER_V)
    inp["water_mask"] = jnp.ones((B, L), dtype=jnp.float32)
    # parameters
    inp["exp_W"] = jax.random.normal(ks[12], (3, D), dtype=jnp.float32) * 0.02
    inp["light_W"] = jax.random.normal(ks[13], (4, D), dtype=jnp.float32) * 0.02
    inp["humid_W"] = jax.random.normal(ks[14], (3, D), dtype=jnp.float32) * 0.02
    inp["space_W"] = jax.random.normal(ks[15], (3, D), dtype=jnp.float32) * 0.02
    inp["climate_W"] = jax.random.normal(ks[16], (CLIMATE_V, D), dtype=jnp.float32) * 0.02
    inp["pets_W"] = jax.random.normal(ks[17], (2, D), dtype=jnp.float32) * 0.02
    inp["commit_W"] = jax.random.normal(ks[18], (3, D), dtype=jnp.float32) * 0.02
    inp["sun_W"] = jax.random.normal(ks[19], (3, D), dtype=jnp.float32) * 0.02
    inp["size_W"] = jax.random.normal(ks[20], (3, D), dtype=jnp.float32) * 0.02
    use_W = jax.random.normal(ks[21], (USE_V, D), dtype=jnp.float32) * 0.02
    inp["use_W"] = use_W.at[0].set(0.0)  # padding_idx=0
    water_W = jax.random.normal(ks[22], (WATER_V, D), dtype=jnp.float32) * 0.02
    inp["water_W"] = water_W.at[0].set(0.0)  # padding_idx=0
    inp["temp_W"] = jax.random.normal(ks[23], (1, D), dtype=jnp.float32) * 0.02
    inp["temp_b"] = jnp.zeros((D,), dtype=jnp.float32)
    inp["W1"] = jax.random.normal(ks[24], (12 * D, 2 * D), dtype=jnp.float32) * 0.02
    inp["b1"] = jnp.zeros((2 * D,), dtype=jnp.float32)
    inp["W2"] = jax.random.normal(ks[25], (2 * D, OUT), dtype=jnp.float32) * 0.02
    inp["b2"] = jnp.zeros((OUT,), dtype=jnp.float32)
    return inp


def _multilabel(table, x, mask):
    emb = jnp.take(table, x, axis=0)            # [B, L, D]
    emb = emb * mask[..., None]
    summed = jnp.sum(emb, axis=1)               # [B, D]
    count = jnp.clip(jnp.sum(mask, axis=1, keepdims=True), 1.0, None)
    return summed / count


def reference(experience, light_available, humidity, space_size, climate, has_pets,
              time_to_commit, sun_time_bucket, size_pref_bucket, avg_room_temp_n,
              use, use_mask, water, water_mask,
              exp_W, light_W, humid_W, space_W, climate_W, pets_W, commit_W,
              sun_W, size_W, use_W, water_W, temp_W, temp_b, W1, b1, W2, b2):
    parts = [
        jnp.take(exp_W, experience, axis=0),
        jnp.take(light_W, light_available, axis=0),
        jnp.take(humid_W, humidity, axis=0),
        jnp.take(space_W, space_size, axis=0),
        jnp.take(climate_W, climate, axis=0),
        jnp.take(pets_W, has_pets, axis=0),
        jnp.take(commit_W, time_to_commit, axis=0),
        jnp.take(sun_W, sun_time_bucket, axis=0),
        jnp.take(size_W, size_pref_bucket, axis=0),
        avg_room_temp_n[:, None] @ temp_W + temp_b,
        _multilabel(use_W, use, use_mask),
        _multilabel(water_W, water, water_mask),
    ]
    x = jnp.concatenate(parts, axis=-1)         # [B, 12*D]
    h = jnp.maximum(x @ W1 + b1, 0.0)
    return h @ W2 + b2                          # [B, OUT]

if __name__ == "__main__":
    import jax
    _d = setup_inputs()
    print(jax.jit(kernel)(*tuple(_d.values())))

</pallas_src>

<mosaic_0001>
#map = affine_map<(d0, d1) -> (0)>
#map1 = affine_map<(d0, d1) -> (0, 0)>
module attributes {stable_mosaic.version = 14 : i64} {
  func.func @k(%arg0: i32, %arg1: i32, %arg2: memref<32000xi32, #tpu.memory_space<hbm>>, %arg3: memref<32000xi32, #tpu.memory_space<hbm>>, %arg4: memref<20x16384xi32, #tpu.memory_space<hbm>>, %arg5: memref<20x16384xi32, #tpu.memory_space<hbm>>, %arg6: memref<16384x64xf32, #tpu.memory_space<hbm>>, %arg7: memref<16384x64xf32, #tpu.memory_space<hbm>>, %arg8: memref<32000xi32, #tpu.memory_space<vmem>>, %arg9: memref<20x256xi32, #tpu.memory_space<vmem>>, %arg10: memref<256x64xf32, #tpu.memory_space<vmem>>, %arg11: memref<!tpu.dma_semaphore, #tpu.memory_space<semaphore_mem>>) attributes {dimension_semantics = [#tpu.dimension_semantics<core_parallel>, #tpu.dimension_semantics<subcore_parallel>], iteration_bounds = array<i64: 2, 16>, scalar_prefetch = 0 : i64, scratch_operands = 4 : i64, tpu.core_type = #tpu.core_type<sc_vector_subcore>, window_params = [{transform_indices = #map}, {transform_indices = #map}, {transform_indices = #map1}, {transform_indices = #map1}, {transform_indices = #map1}, {transform_indices = #map1}]} {
    %eq3A = arith.constant 0 : i32
    %eq3A_0 = arith.cmpi eq, %arg0, %eq3A : i32
    %convert_element_type3A = arith.extui %eq3A_0 : i1 to i32
    %cond3A = arith.constant 0 : i32
    %cond3A_1 = arith.cmpi ne, %convert_element_type3A, %cond3A : i32
    scf.if %cond3A_1 {
      tpu.enqueue_dma source(%arg2 : memref<32000xi32, #tpu.memory_space<hbm>>) target(%arg8 : memref<32000xi32, #tpu.memory_space<vmem>>) target_semaphore(%arg11 : memref<!tpu.dma_semaphore, #tpu.memory_space<semaphore_mem>>)
    } else {
    }
    %not3A = arith.constant true
    %not3A_2 = arith.xori %eq3A_0, %not3A : i1
    %convert_element_type3A_3 = arith.extui %not3A_2 : i1 to i32
    %cond3A_4 = arith.constant 0 : i32
    %cond3A_5 = arith.cmpi ne, %convert_element_type3A_3, %cond3A_4 : i32
    scf.if %cond3A_5 {
      tpu.enqueue_dma source(%arg3 : memref<32000xi32, #tpu.memory_space<hbm>>) target(%arg8 : memref<32000xi32, #tpu.memory_space<vmem>>) target_semaphore(%arg11 : memref<!tpu.dma_semaphore, #tpu.memory_space<semaphore_mem>>)
    } else {
    }
    %convert_element_type3A_6 = arith.extui %eq3A_0 : i1 to i32
    %cond3A_7 = arith.constant 0 : i32
    %cond3A_8 = arith.cmpi ne, %convert_element_type3A_6, %cond3A_7 : i32
    scf.if %cond3A_8 {
      tpu.wait_dma2 semaphore(%arg11 : memref<!tpu.dma_semaphore, #tpu.memory_space<semaphore_mem>>) src(%arg2 : memref<32000xi32, #tpu.memory_space<hbm>>) dst(%arg8 : memref<32000xi32, #tpu.memory_space<vmem>>)
    } else {
    }
    %not3A_9 = arith.constant true
    %not3A_10 = arith.xori %eq3A_0, %not3A_9 : i1
    %convert_element_type3A_11 = arith.extui %not3A_10 : i1 to i32
    %cond3A_12 = arith.constant 0 : i32
    %cond3A_13 = arith.cmpi ne, %convert_element_type3A_11, %cond3A_12 : i32
    scf.if %cond3A_13 {
      tpu.wait_dma2 semaphore(%arg11 : memref<!tpu.dma_semaphore, #tpu.memory_space<semaphore_mem>>) src(%arg3 : memref<32000xi32, #tpu.memory_space<hbm>>) dst(%arg8 : memref<32000xi32, #tpu.memory_space<vmem>>)
    } else {
    }
    %iota3A = tpu.iota {dimensions = array<i32: 0>} : vector<16xi32>
    %add3A = arith.constant 0 : i32
    %add3A_14 = vector.broadcast %add3A : i32 to vector<16xi32>
    %add3A_15 = arith.addi %iota3A, %add3A_14 : vector<16xi32>
    %add3A_16 = arith.constant 16 : i32
    %add3A_17 = vector.broadcast %add3A_16 : i32 to vector<16xi32>
    %add3A_18 = arith.addi %iota3A, %add3A_17 : vector<16xi32>
    %mul3A = arith.constant 2 : i32
    %mul3A_19 = vector.broadcast %mul3A : i32 to vector<16xi32>
    %mul3A_20 = arith.muli %iota3A, %mul3A_19 : vector<16xi32>
    %broadcast_in_dim3A = arith.constant -65536 : i32
    %broadcast_in_dim3A_21 = vector.broadcast %broadcast_in_dim3A : i32 to vector<16xi32>
    %mul3A_22 = arith.constant 1024 : i32
    %mul3A_23 = arith.muli %arg1, %mul3A_22 : i32
    %add3A_24 = arith.constant 0 : i32
    %add3A_25 = arith.addi %mul3A_23, %add3A_24 : i32
    %convert_element_type3A_26 = arith.extui %eq3A_0 : i1 to i32
    %cond3A_27 = arith.constant 0 : i32
    %cond3A_28 = arith.cmpi ne, %convert_element_type3A_26, %cond3A_27 : i32
    scf.if %cond3A_28 {
      "tpu.region"() ({
        %run_scoped3A = tpu.sem_alloc : memref<!tpu.dma_semaphore, #tpu.memory_space<semaphore_mem>>
        %dma_start3A = arith.constant 0 : i32
        %dma_start3A_133 = tpu.memref_slice %arg4[%dma_start3A, %add3A_25] : memref<20x16384xi32, #tpu.memory_space<hbm>> -> memref<20x256xi32, #tpu.memory_space<hbm>>
        %dma_start3A_134 = arith.constant 0 : i32
        %dma_start3A_135 = tpu.memref_slice %arg4[%dma_start3A_134, %add3A_25] : memref<20x16384xi32, #tpu.memory_space<hbm>> -> memref<20x256xi32, #tpu.memory_space<hbm>>
        tpu.enqueue_dma source(%dma_start3A_135 : memref<20x256xi32, #tpu.memory_space<hbm>>) target(%arg9 : memref<20x256xi32, #tpu.memory_space<vmem>>) target_semaphore(%run_scoped3A : memref<!tpu.dma_semaphore, #tpu.memory_space<semaphore_mem>>)
        %dma_wait3A = arith.constant 0 : i32
        %dma_wait3A_136 = tpu.memref_slice %arg4[%dma_wait3A, %add3A_25] : memref<20x16384xi32, #tpu.memory_space<hbm>> -> memref<20x256xi32, #tpu.memory_space<hbm>>
        %dma_wait3A_137 = arith.constant 0 : i32
        %dma_wait3A_138 = tpu.memref_slice %arg4[%dma_wait3A_137, %add3A_25] : memref<20x16384xi32, #tpu.memory_space<hbm>> -> memref<20x256xi32, #tpu.memory_space<hbm>>
        tpu.wait_dma2 semaphore(%run_scoped3A : memref<!tpu.dma_semaphore, #tpu.memory_space<semaphore_mem>>) src(%dma_wait3A_138 : memref<20x256xi32, #tpu.memory_space<hbm>>) dst(%arg9 : memref<20x256xi32, #tpu.memory_space<vmem>>)
        tpu.yield
      }) : () -> ()
    } else {
    }
    %not3A_29 = arith.constant true
    %not3A_30 = arith.xori %eq3A_0, %not3A_29 : i1
    %convert_element_type3A_31 = arith.extui %not3A_30 : i1 to i32
    %cond3A_32 = arith.constant 0 : i32
    %cond3A_33 = arith.cmpi ne, %convert_element_type3A_31, %cond3A_32 : i32
    scf.if %cond3A_33 {
      "tpu.region"() ({
        %run_scoped3A = tpu.sem_alloc : memref<!tpu.dma_semaphore, #tpu.memory_space<semaphore_mem>>
        %dma_start3A = arith.constant 0 : i32
        %dma_start3A_133 = tpu.memref_slice %arg5[%dma_start3A, %add3A_25] : memref<20x16384xi32, #tpu.memory_space<hbm>> -> memref<20x256xi32, #tpu.memory_space<hbm>>
        %dma_start3A_134 = arith.constant 0 : i32
        %dma_start3A_135 = tpu.memref_slice %arg5[%dma_start3A_134, %add3A_25] : memref<20x16384xi32, #tpu.memory_space<hbm>> -> memref<20x256xi32, #tpu.memory_space<hbm>>
        tpu.enqueue_dma source(%dma_start3A_135 : memref<20x256xi32, #tpu.memory_space<hbm>>) target(%arg9 : memref<20x256xi32, #tpu.memory_space<vmem>>) target_semaphore(%run_scoped3A : memref<!tpu.dma_semaphore, #tpu.memory_space<semaphore_mem>>)
        %dma_wait3A = arith.constant 0 : i32
        %dma_wait3A_136 = tpu.memref_slice %arg5[%dma_wait3A, %add3A_25] : memref<20x16384xi32, #tpu.memory_space<hbm>> -> memref<20x256xi32, #tpu.memory_space<hbm>>
        %dma_wait3A_137 = arith.constant 0 : i32
        %dma_wait3A_138 = tpu.memref_slice %arg5[%dma_wait3A_137, %add3A_25] : memref<20x16384xi32, #tpu.memory_space<hbm>> -> memref<20x256xi32, #tpu.memory_space<hbm>>
        tpu.wait_dma2 semaphore(%run_scoped3A : memref<!tpu.dma_semaphore, #tpu.memory_space<semaphore_mem>>) src(%dma_wait3A_138 : memref<20x256xi32, #tpu.memory_space<hbm>>) dst(%arg9 : memref<20x256xi32, #tpu.memory_space<vmem>>)
        tpu.yield
      }) : () -> ()
    } else {
    }
    %scan3A = arith.constant 5.000000e-02 : f32
    %scan3A_34 = arith.constant 0 : i32
    %scan3A_35 = arith.constant 0 : i32
    %scan3A_36 = arith.constant 256 : i32
    %scan3A_37 = arith.addi %scan3A_35, %scan3A_36 : i32
    %scan3A_38 = arith.constant 1 : i32
    %scan3A_39 = scf.for %scan3A_133 = %scan3A_35 to %scan3A_37 step %scan3A_38 iter_args(%scan3A_134 = %scan3A_34) -> (i32)  : i32 {
      %broadcast_in_dim3A_135 = vector.broadcast %scan3A_133 : i32 to vector<16xi32>
      %broadcast_in_dim3A_136 = arith.constant 0 : i32
      %broadcast_in_dim3A_137 = vector.broadcast %broadcast_in_dim3A_136 : i32 to vector<16xi32>
      %gather3A = tpu.vector_load_idx %arg9[%broadcast_in_dim3A_137, %broadcast_in_dim3A_135] : memref<20x256xi32, #tpu.memory_space<vmem>>[vector<16xi32>, vector<16xi32>], vector<16xi32>,
      %mul3A_138 = arith.constant 32 : i32
      %mul3A_139 = vector.broadcast %mul3A_138 : i32 to vector<16xi32>
      %mul3A_140 = arith.muli %gather3A, %mul3A_139 : vector<16xi32>
      %add3A_141 = arith.addi %mul3A_140, %add3A_15 : vector<16xi32>
      %gather3A_142 = tpu.vector_load_idx %arg8[%add3A_141] : memref<32000xi32, #tpu.memory_space<vmem>>[vector<16xi32>], vector<16xi32>,
      %shift_left3A = arith.constant 16 : i32
      %shift_left3A_143 = vector.broadcast %shift_left3A : i32 to vector<16xi32>
      %shift_left3A_144 = arith.shli %gather3A_142, %shift_left3A_143 : vector<16xi32>
      %bitcast3A = vector.bitcast %shift_left3A_144 : vector<16xi32> to vector<16xf32>
      %and3A = arith.andi %gather3A_142, %broadcast_in_dim3A_21 : vector<16xi32>
      %bitcast3A_145 = vector.bitcast %and3A : vector<16xi32> to vector<16xf32>
      %add3A_146 = arith.addi %mul3A_140, %add3A_18 : vector<16xi32>
      %gather3A_147 = tpu.vector_load_idx %arg8[%add3A_146] : memref<32000xi32, #tpu.memory_space<vmem>>[vector<16xi32>], vector<16xi32>,
      %shift_left3A_148 = arith.constant 16 : i32
      %shift_left3A_149 = vector.broadcast %shift_left3A_148 : i32 to vector<16xi32>
      %shift_left3A_150 = arith.shli %gather3A_147, %shift_left3A_149 : vector<16xi32>
      %bitcast3A_151 = vector.bitcast %shift_left3A_150 : vector<16xi32> to vector<16xf32>
      %and3A_152 = arith.andi %gather3A_147, %broadcast_in_dim3A_21 : vector<16xi32>
      %bitcast3A_153 = vector.bitcast %and3A_152 : vector<16xi32> to vector<16xf32>
      %broadcast_in_dim3A_154 = arith.constant 1 : i32
      %broadcast_in_dim3A_155 = vector.broadcast %broadcast_in_dim3A_154 : i32 to vector<16xi32>
      %gather3A_156 = tpu.vector_load_idx %arg9[%broadcast_in_dim3A_155, %broadcast_in_dim3A_135] : memref<20x256xi32, #tpu.memory_space<vmem>>[vector<16xi32>, vector<16xi32>], vector<16xi32>,
      %mul3A_157 = arith.constant 32 : i32
      %mul3A_158 = vector.broadcast %mul3A_157 : i32 to vector<16xi32>
      %mul3A_159 = arith.muli %gather3A_156, %mul3A_158 : vector<16xi32>
      %add3A_160 = arith.addi %mul3A_159, %add3A_15 : vector<16xi32>
      %gather3A_161 = tpu.vector_load_idx %arg8[%add3A_160] : memref<32000xi32, #tpu.memory_space<vmem>>[vector<16xi32>], vector<16xi32>,
      %shift_left3A_162 = arith.constant 16 : i32
      %shift_left3A_163 = vector.broadcast %shift_left3A_162 : i32 to vector<16xi32>
      %shift_left3A_164 = arith.shli %gather3A_161, %shift_left3A_163 : vector<16xi32>
      %bitcast3A_165 = vector.bitcast %shift_left3A_164 : vector<16xi32> to vector<16xf32>
      %and3A_166 = arith.andi %gather3A_161, %broadcast_in_dim3A_21 : vector<16xi32>
      %bitcast3A_167 = vector.bitcast %and3A_166 : vector<16xi32> to vector<16xf32>
      %add3A_168 = arith.addf %bitcast3A, %bitcast3A_165 : vector<16xf32>
      %add3A_169 = arith.addf %bitcast3A_145, %bitcast3A_167 : vector<16xf32>
      %add3A_170 = arith.addi %mul3A_159, %add3A_18 : vector<16xi32>
      %gather3A_171 = tpu.vector_load_idx %arg8[%add3A_170] : memref<32000xi32, #tpu.memory_space<vmem>>[vector<16xi32>], vector<16xi32>,
      %shift_left3A_172 = arith.constant 16 : i32
      %shift_left3A_173 = vector.broadcast %shift_left3A_172 : i32 to vector<16xi32>
      %shift_left3A_174 = arith.shli %gather3A_171, %shift_left3A_173 : vector<16xi32>
      %bitcast3A_175 = vector.bitcast %shift_left3A_174 : vector<16xi32> to vector<16xf32>
      %and3A_176 = arith.andi %gather3A_171, %broadcast_in_dim3A_21 : vector<16xi32>
      %bitcast3A_177 = vector.bitcast %and3A_176 : vector<16xi32> to vector<16xf32>
      %add3A_178 = arith.addf %bitcast3A_151, %bitcast3A_175 : vector<16xf32>
      %add3A_179 = arith.addf %bitcast3A_153, %bitcast3A_177 : vector<16xf32>
      %broadcast_in_dim3A_180 = arith.constant 2 : i32
      %broadcast_in_dim3A_181 = vector.broadcast %broadcast_in_dim3A_180 : i32 to vector<16xi32>
      %gather3A_182 = tpu.vector_load_idx %arg9[%broadcast_in_dim3A_181, %broadcast_in_dim3A_135] : memref<20x256xi32, #tpu.memory_space<vmem>>[vector<16xi32>, vector<16xi32>], vector<16xi32>,
      %mul3A_183 = arith.constant 32 : i32
      %mul3A_184 = vector.broadcast %mul3A_183 : i32 to vector<16xi32>
      %mul3A_185 = arith.muli %gather3A_182, %mul3A_184 : vector<16xi32>
      %add3A_186 = arith.addi %mul3A_185, %add3A_15 : vector<16xi32>
      %gather3A_187 = tpu.vector_load_idx %arg8[%add3A_186] : memref<32000xi32, #tpu.memory_space<vmem>>[vector<16xi32>], vector<16xi32>,
      %shift_left3A_188 = arith.constant 16 : i32
      %shift_left3A_189 = vector.broadcast %shift_left3A_188 : i32 to vector<16xi32>
      %shift_left3A_190 = arith.shli %gather3A_187, %shift_left3A_189 : vector<16xi32>
      %bitcast3A_191 = vector.bitcast %shift_left3A_190 : vector<16xi32> to vector<16xf32>
      %and3A_192 = arith.andi %gather3A_187, %broadcast_in_dim3A_21 : vector<16xi32>
      %bitcast3A_193 = vector.bitcast %and3A_192 : vector<16xi32> to vector<16xf32>
      %add3A_194 = arith.addf %add3A_168, %bitcast3A_191 : vector<16xf32>
      %add3A_195 = arith.addf %add3A_169, %bitcast3A_193 : vector<16xf32>
      %add3A_196 = arith.addi %mul3A_185, %add3A_18 : vector<16xi32>
      %gather3A_197 = tpu.vector_load_idx %arg8[%add3A_196] : memref<32000xi32, #tpu.memory_space<vmem>>[vector<16xi32>], vector<16xi32>,
      %shift_left3A_198 = arith.constant 16 : i32
      %shift_left3A_199 = vector.broadcast %shift_left3A_198 : i32 to vector<16xi32>
      %shift_left3A_200 = arith.shli %gather3A_197, %shift_left3A_199 : vector<16xi32>
      %bitcast3A_201 = vector.bitcast %shift_left3A_200 : vector<16xi32> to vector<16xf32>
      %and3A_202 = arith.andi %gather3A_197, %broadcast_in_dim3A_21 : vector<16xi32>
      %bitcast3A_203 = vector.bitcast %and3A_202 : vector<16xi32> to vector<16xf32>
      %add3A_204 = arith.addf %add3A_178, %bitcast3A_201 : vector<16xf32>
      %add3A_205 = arith.addf %add3A_179, %bitcast3A_203 : vector<16xf32>
      %broadcast_in_dim3A_206 = arith.constant 3 : i32
      %broadcast_in_dim3A_207 = vector.broadcast %broadcast_in_dim3A_206 : i32 to vector<16xi32>
      %gather3A_208 = tpu.vector_load_idx %arg9[%broadcast_in_dim3A_207, %broadcast_in_dim3A_135] : memref<20x256xi32, #tpu.memory_space<vmem>>[vector<16xi32>, vector<16xi32>], vector<16xi32>,
      %mul3A_209 = arith.constant 32 : i32
      %mul3A_210 = vector.broadcast %mul3A_209 : i32 to vector<16xi32>
      %mul3A_211 = arith.muli %gather3A_208, %mul3A_210 : vector<16xi32>
      %add3A_212 = arith.addi %mul3A_211, %add3A_15 : vector<16xi32>
      %gather3A_213 = tpu.vector_load_idx %arg8[%add3A_212] : memref<32000xi32, #tpu.memory_space<vmem>>[vector<16xi32>], vector<16xi32>,
      %shift_left3A_214 = arith.constant 16 : i32
      %shift_left3A_215 = vector.broadcast %shift_left3A_214 : i32 to vector<16xi32>
      %shift_left3A_216 = arith.shli %gather3A_213, %shift_left3A_215 : vector<16xi32>
      %bitcast3A_217 = vector.bitcast %shift_left3A_216 : vector<16xi32> to vector<16xf32>
      %and3A_218 = arith.andi %gather3A_213, %broadcast_in_dim3A_21 : vector<16xi32>
      %bitcast3A_219 = vector.bitcast %and3A_218 : vector<16xi32> to vector<16xf32>
      %add3A_220 = arith.addf %add3A_194, %bitcast3A_217 : vector<16xf32>
      %add3A_221 = arith.addf %add3A_195, %bitcast3A_219 : vector<16xf32>
      %add3A_222 = arith.addi %mul3A_211, %add3A_18 : vector<16xi32>
      %gather3A_223 = tpu.vector_load_idx %arg8[%add3A_222] : memref<32000xi32, #tpu.memory_space<vmem>>[vector<16xi32>], vector<16xi32>,
      %shift_left3A_224 = arith.constant 16 : i32
      %shift_left3A_225 = vector.broadcast %shift_left3A_224 : i32 to vector<16xi32>
      %shift_left3A_226 = arith.shli %gather3A_223, %shift_left3A_225 : vector<16xi32>
      %bitcast3A_227 = vector.bitcast %shift_left3A_226 : vector<16xi32> to vector<16xf32>
      %and3A_228 = arith.andi %gather3A_223, %broadcast_in_dim3A_21 : vector<16xi32>
      %bitcast3A_229 = vector.bitcast %and3A_228 : vector<16xi32> to vector<16xf32>
      %add3A_230 = arith.addf %add3A_204, %bitcast3A_227 : vector<16xf32>
      %add3A_231 = arith.addf %add3A_205, %bitcast3A_229 : vector<16xf32>
      %broadcast_in_dim3A_232 = arith.constant 4 : i32
      %broadcast_in_dim3A_233 = vector.broadcast %broadcast_in_dim3A_232 : i32 to vector<16xi32>
      %gather3A_234 = tpu.vector_load_idx %arg9[%broadcast_in_dim3A_233, %broadcast_in_dim3A_135] : memref<20x256xi32, #tpu.memory_space<vmem>>[vector<16xi32>, vector<16xi32>], vector<16xi32>,
      %mul3A_235 = arith.constant 32 : i32
      %mul3A_236 = vector.broadcast %mul3A_235 : i32 to vector<16xi32>
      %mul3A_237 = arith.muli %gather3A_234, %mul3A_236 : vector<16xi32>
      %add3A_238 = arith.addi %mul3A_237, %add3A_15 : vector<16xi32>
      %gather3A_239 = tpu.vector_load_idx %arg8[%add3A_238] : memref<32000xi32, #tpu.memory_space<vmem>>[vector<16xi32>], vector<16xi32>,
      %shift_left3A_240 = arith.constant 16 : i32
      %shift_left3A_241 = vector.broadcast %shift_left3A_240 : i32 to vector<16xi32>
      %shift_left3A_242 = arith.shli %gather3A_239, %shift_left3A_241 : vector<16xi32>
      %bitcast3A_243 = vector.bitcast %shift_left3A_242 : vector<16xi32> to vector<16xf32>
      %and3A_244 = arith.andi %gather3A_239, %broadcast_in_dim3A_21 : vector<16xi32>
      %bitcast3A_245 = vector.bitcast %and3A_244 : vector<16xi32> to vector<16xf32>
      %add3A_246 = arith.addf %add3A_220, %bitcast3A_243 : vector<16xf32>
      %add3A_247 = arith.addf %add3A_221, %bitcast3A_245 : vector<16xf32>
      %add3A_248 = arith.addi %mul3A_237, %add3A_18 : vector<16xi32>
      %gather3A_249 = tpu.vector_load_idx %arg8[%add3A_248] : memref<32000xi32, #tpu.memory_space<vmem>>[vector<16xi32>], vector<16xi32>,
      %shift_left3A_250 = arith.constant 16 : i32
      %shift_left3A_251 = vector.broadcast %shift_left3A_250 : i32 to vector<16xi32>
      %shift_left3A_252 = arith.shli %gather3A_249, %shift_left3A_251 : vector<16xi32>
      %bitcast3A_253 = vector.bitcast %shift_left3A_252 : vector<16xi32> to vector<16xf32>
      %and3A_254 = arith.andi %gather3A_249, %broadcast_in_dim3A_21 : vector<16xi32>
      %bitcast3A_255 = vector.bitcast %and3A_254 : vector<16xi32> to vector<16xf32>
      %add3A_256 = arith.addf %add3A_230, %bitcast3A_253 : vector<16xf32>
      %add3A_257 = arith.addf %add3A_231, %bitcast3A_255 : vector<16xf32>
      %broadcast_in_dim3A_258 = arith.constant 5 : i32
      %broadcast_in_dim3A_259 = vector.broadcast %broadcast_in_dim3A_258 : i32 to vector<16xi32>
      %gather3A_260 = tpu.vector_load_idx %arg9[%broadcast_in_dim3A_259, %broadcast_in_dim3A_135] : memref<20x256xi32, #tpu.memory_space<vmem>>[vector<16xi32>, vector<16xi32>], vector<16xi32>,
      %mul3A_261 = arith.constant 32 : i32
      %mul3A_262 = vector.broadcast %mul3A_261 : i32 to vector<16xi32>
      %mul3A_263 = arith.muli %gather3A_260, %mul3A_262 : vector<16xi32>
      %add3A_264 = arith.addi %mul3A_263, %add3A_15 : vector<16xi32>
      %gather3A_265 = tpu.vector_load_idx %arg8[%add3A_264] : memref<32000xi32, #tpu.memory_space<vmem>>[vector<16xi32>], vector<16xi32>,
      %shift_left3A_266 = arith.constant 16 : i32
      %shift_left3A_267 = vector.broadcast %shift_left3A_266 : i32 to vector<16xi32>
      %shift_left3A_268 = arith.shli %gather3A_265, %shift_left3A_267 : vector<16xi32>
      %bitcast3A_269 = vector.bitcast %shift_left3A_268 : vector<16xi32> to vector<16xf32>
      %and3A_270 = arith.andi %gather3A_265, %broadcast_in_dim3A_21 : vector<16xi32>
      %bitcast3A_271 = vector.bitcast %and3A_270 : vector<16xi32> to vector<16xf32>
      %add3A_272 = arith.addf %add3A_246, %bitcast3A_269 : vector<16xf32>
      %add3A_273 = arith.addf %add3A_247, %bitcast3A_271 : vector<16xf32>
      %add3A_274 = arith.addi %mul3A_263, %add3A_18 : vector<16xi32>
      %gather3A_275 = tpu.vector_load_idx %arg8[%add3A_274] : memref<32000xi32, #tpu.memory_space<vmem>>[vector<16xi32>], vector<16xi32>,
      %shift_left3A_276 = arith.constant 16 : i32
      %shift_left3A_277 = vector.broadcast %shift_left3A_276 : i32 to vector<16xi32>
      %shift_left3A_278 = arith.shli %gather3A_275, %shift_left3A_277 : vector<16xi32>
      %bitcast3A_279 = vector.bitcast %shift_left3A_278 : vector<16xi32> to vector<16xf32>
      %and3A_280 = arith.andi %gather3A_275, %broadcast_in_dim3A_21 : vector<16xi32>
      %bitcast3A_281 = vector.bitcast %and3A_280 : vector<16xi32> to vector<16xf32>
      %add3A_282 = arith.addf %add3A_256, %bitcast3A_279 : vector<16xf32>
      %add3A_283 = arith.addf %add3A_257, %bitcast3A_281 : vector<16xf32>
      %broadcast_in_dim3A_284 = arith.constant 6 : i32
      %broadcast_in_dim3A_285 = vector.broadcast %broadcast_in_dim3A_284 : i32 to vector<16xi32>
      %gather3A_286 = tpu.vector_load_idx %arg9[%broadcast_in_dim3A_285, %broadcast_in_dim3A_135] : memref<20x256xi32, #tpu.memory_space<vmem>>[vector<16xi32>, vector<16xi32>], vector<16xi32>,
      %mul3A_287 = arith.constant 32 : i32
      %mul3A_288 = vector.broadcast %mul3A_287 : i32 to vector<16xi32>
      %mul3A_289 = arith.muli %gather3A_286, %mul3A_288 : vector<16xi32>
      %add3A_290 = arith.addi %mul3A_289, %add3A_15 : vector<16xi32>
      %gather3A_291 = tpu.vector_load_idx %arg8[%add3A_290] : memref<32000xi32, #tpu.memory_space<vmem>>[vector<16xi32>], vector<16xi32>,
      %shift_left3A_292 = arith.constant 16 : i32
      %shift_left3A_293 = vector.broadcast %shift_left3A_292 : i32 to vector<16xi32>
      %shift_left3A_294 = arith.shli %gather3A_291, %shift_left3A_293 : vector<16xi32>
      %bitcast3A_295 = vector.bitcast %shift_left3A_294 : vector<16xi32> to vector<16xf32>
      %and3A_296 = arith.andi %gather3A_291, %broadcast_in_dim3A_21 : vector<16xi32>
      %bitcast3A_297 = vector.bitcast %and3A_296 : vector<16xi32> to vector<16xf32>
      %add3A_298 = arith.addf %add3A_272, %bitcast3A_295 : vector<16xf32>
      %add3A_299 = arith.addf %add3A_273, %bitcast3A_297 : vector<16xf32>
      %add3A_300 = arith.addi %mul3A_289, %add3A_18 : vector<16xi32>
      %gather3A_301 = tpu.vector_load_idx %arg8[%add3A_300] : memref<32000xi32, #tpu.memory_space<vmem>>[vector<16xi32>], vector<16xi32>,
      %shift_left3A_302 = arith.constant 16 : i32
      %shift_left3A_303 = vector.broadcast %shift_left3A_302 : i32 to vector<16xi32>
      %shift_left3A_304 = arith.shli %gather3A_301, %shift_left3A_303 : vector<16xi32>
      %bitcast3A_305 = vector.bitcast %shift_left3A_304 : vector<16xi32> to vector<16xf32>
      %and3A_306 = arith.andi %gather3A_301, %broadcast_in_dim3A_21 : vector<16xi32>
      %bitcast3A_307 = vector.bitcast %and3A_306 : vector<16xi32> to vector<16xf32>
      %add3A_308 = arith.addf %add3A_282, %bitcast3A_305 : vector<16xf32>
      %add3A_309 = arith.addf %add3A_283, %bitcast3A_307 : vector<16xf32>
      %broadcast_in_dim3A_310 = arith.constant 7 : i32
      %broadcast_in_dim3A_311 = vector.broadcast %broadcast_in_dim3A_310 : i32 to vector<16xi32>
      %gather3A_312 = tpu.vector_load_idx %arg9[%broadcast_in_dim3A_311, %broadcast_in_dim3A_135] : memref<20x256xi32, #tpu.memory_space<vmem>>[vector<16xi32>, vector<16xi32>], vector<16xi32>,
      %mul3A_313 = arith.constant 32 : i32
      %mul3A_314 = vector.broadcast %mul3A_313 : i32 to vector<16xi32>
      %mul3A_315 = arith.muli %gather3A_312, %mul3A_314 : vector<16xi32>
      %add3A_316 = arith.addi %mul3A_315, %add3A_15 : vector<16xi32>
      %gather3A_317 = tpu.vector_load_idx %arg8[%add3A_316] : memref<32000xi32, #tpu.memory_space<vmem>>[vector<16xi32>], vector<16xi32>,
      %shift_left3A_318 = arith.constant 16 : i32
      %shift_left3A_319 = vector.broadcast %shift_left3A_318 : i32 to vector<16xi32>
      %shift_left3A_320 = arith.shli %gather3A_317, %shift_left3A_319 : vector<16xi32>
      %bitcast3A_321 = vector.bitcast %shift_left3A_320 : vector<16xi32> to vector<16xf32>
      %and3A_322 = arith.andi %gather3A_317, %broadcast_in_dim3A_21 : vector<16xi32>
      %bitcast3A_323 = vector.bitcast %and3A_322 : vector<16xi32> to vector<16xf32>
      %add3A_324 = arith.addf %add3A_298, %bitcast3A_321 : vector<16xf32>
      %add3A_325 = arith.addf %add3A_299, %bitcast3A_323 : vector<16xf32>
      %add3A_326 = arith.addi %mul3A_315, %add3A_18 : vector<16xi32>
      %gather3A_327 = tpu.vector_load_idx %arg8[%add3A_326] : memref<32000xi32, #tpu.memory_space<vmem>>[vector<16xi32>], vector<16xi32>,
      %shift_left3A_328 = arith.constant 16 : i32
      %shift_left3A_329 = vector.broadcast %shift_left3A_328 : i32 to vector<16xi32>
      %shift_left3A_330 = arith.shli %gather3A_327, %shift_left3A_329 : vector<16xi32>
      %bitcast3A_331 = vector.bitcast %shift_left3A_330 : vector<16xi32> to vector<16xf32>
      %and3A_332 = arith.andi %gather3A_327, %broadcast_in_dim3A_21 : vector<16xi32>
      %bitcast3A_333 = vector.bitcast %and3A_332 : vector<16xi32> to vector<16xf32>
      %add3A_334 = arith.addf %add3A_308, %bitcast3A_331 : vector<16xf32>
      %add3A_335 = arith.addf %add3A_309, %bitcast3A_333 : vector<16xf32>
      %broadcast_in_dim3A_336 = arith.constant 8 : i32
      %broadcast_in_dim3A_337 = vector.broadcast %broadcast_in_dim3A_336 : i32 to vector<16xi32>
      %gather3A_338 = tpu.vector_load_idx %arg9[%broadcast_in_dim3A_337, %broadcast_in_dim3A_135] : memref<20x256xi32, #tpu.memory_space<vmem>>[vector<16xi32>, vector<16xi32>], vector<16xi32>,
      %mul3A_339 = arith.constant 32 : i32
      %mul3A_340 = vector.broadcast %mul3A_339 : i32 to vector<16xi32>
      %mul3A_341 = arith.muli %gather3A_338, %mul3A_340 : vector<16xi32>
      %add3A_342 = arith.addi %mul3A_341, %add3A_15 : vector<16xi32>
      %gather3A_343 = tpu.vector_load_idx %arg8[%add3A_342] : memref<32000xi32, #tpu.memory_space<vmem>>[vector<16xi32>], vector<16xi32>,
      %shift_left3A_344 = arith.constant 16 : i32
      %shift_left3A_345 = vector.broadcast %shift_left3A_344 : i32 to vector<16xi32>
      %shift_left3A_346 = arith.shli %gather3A_343, %shift_left3A_345 : vector<16xi32>
      %bitcast3A_347 = vector.bitcast %shift_left3A_346 : vector<16xi32> to vector<16xf32>
      %and3A_348 = arith.andi %gather3A_343, %broadcast_in_dim3A_21 : vector<16xi32>
      %bitcast3A_349 = vector.bitcast %and3A_348 : vector<16xi32> to vector<16xf32>
      %add3A_350 = arith.addf %add3A_324, %bitcast3A_347 : vector<16xf32>
      %add3A_351 = arith.addf %add3A_325, %bitcast3A_349 : vector<16xf32>
      %add3A_352 = arith.addi %mul3A_341, %add3A_18 : vector<16xi32>
      %gather3A_353 = tpu.vector_load_idx %arg8[%add3A_352] : memref<32000xi32, #tpu.memory_space<vmem>>[vector<16xi32>], vector<16xi32>,
      %shift_left3A_354 = arith.constant 16 : i32
      %shift_left3A_355 = vector.broadcast %shift_left3A_354 : i32 to vector<16xi32>
      %shift_left3A_356 = arith.shli %gather3A_353, %shift_left3A_355 : vector<16xi32>
      %bitcast3A_357 = vector.bitcast %shift_left3A_356 : vector<16xi32> to vector<16xf32>
      %and3A_358 = arith.andi %gather3A_353, %broadcast_in_dim3A_21 : vector<16xi32>
      %bitcast3A_359 = vector.bitcast %and3A_358 : vector<16xi32> to vector<16xf32>
      %add3A_360 = arith.addf %add3A_334, %bitcast3A_357 : vector<16xf32>
      %add3A_361 = arith.addf %add3A_335, %bitcast3A_359 : vector<16xf32>
      %broadcast_in_dim3A_362 = arith.constant 9 : i32
      %broadcast_in_dim3A_363 = vector.broadcast %broadcast_in_dim3A_362 : i32 to vector<16xi32>
      %gather3A_364 = tpu.vector_load_idx %arg9[%broadcast_in_dim3A_363, %broadcast_in_dim3A_135] : memref<20x256xi32, #tpu.memory_space<vmem>>[vector<16xi32>, vector<16xi32>], vector<16xi32>,
      %mul3A_365 = arith.constant 32 : i32
      %mul3A_366 = vector.broadcast %mul3A_365 : i32 to vector<16xi32>
      %mul3A_367 = arith.muli %gather3A_364, %mul3A_366 : vector<16xi32>
      %add3A_368 = arith.addi %mul3A_367, %add3A_15 : vector<16xi32>
      %gather3A_369 = tpu.vector_load_idx %arg8[%add3A_368] : memref<32000xi32, #tpu.memory_space<vmem>>[vector<16xi32>], vector<16xi32>,
      %shift_left3A_370 = arith.constant 16 : i32
      %shift_left3A_371 = vector.broadcast %shift_left3A_370 : i32 to vector<16xi32>
      %shift_left3A_372 = arith.shli %gather3A_369, %shift_left3A_371 : vector<16xi32>
      %bitcast3A_373 = vector.bitcast %shift_left3A_372 : vector<16xi32> to vector<16xf32>
      %and3A_374 = arith.andi %gather3A_369, %broadcast_in_dim3A_21 : vector<16xi32>
      %bitcast3A_375 = vector.bitcast %and3A_374 : vector<16xi32> to vector<16xf32>
      %add3A_376 = arith.addf %add3A_350, %bitcast3A_373 : vector<16xf32>
      %add3A_377 = arith.addf %add3A_351, %bitcast3A_375 : vector<16xf32>
      %add3A_378 = arith.addi %mul3A_367, %add3A_18 : vector<16xi32>
      %gather3A_379 = tpu.vector_load_idx %arg8[%add3A_378] : memref<32000xi32, #tpu.memory_space<vmem>>[vector<16xi32>], vector<16xi32>,
      %shift_left3A_380 = arith.constant 16 : i32
      %shift_left3A_381 = vector.broadcast %shift_left3A_380 : i32 to vector<16xi32>
      %shift_left3A_382 = arith.shli %gather3A_379, %shift_left3A_381 : vector<16xi32>
      %bitcast3A_383 = vector.bitcast %shift_left3A_382 : vector<16xi32> to vector<16xf32>
      %and3A_384 = arith.andi %gather3A_379, %broadcast_in_dim3A_21 : vector<16xi32>
      %bitcast3A_385 = vector.bitcast %and3A_384 : vector<16xi32> to vector<16xf32>
      %add3A_386 = arith.addf %add3A_360, %bitcast3A_383 : vector<16xf32>
      %add3A_387 = arith.addf %add3A_361, %bitcast3A_385 : vector<16xf32>
      %broadcast_in_dim3A_388 = arith.constant 10 : i32
      %broadcast_in_dim3A_389 = vector.broadcast %broadcast_in_dim3A_388 : i32 to vector<16xi32>
      %gather3A_390 = tpu.vector_load_idx %arg9[%broadcast_in_dim3A_389, %broadcast_in_dim3A_135] : memref<20x256xi32, #tpu.memory_space<vmem>>[vector<16xi32>, vector<16xi32>], vector<16xi32>,
      %mul3A_391 = arith.constant 32 : i32
      %mul3A_392 = vector.broadcast %mul3A_391 : i32 to vector<16xi32>
      %mul3A_393 = arith.muli %gather3A_390, %mul3A_392 : vector<16xi32>
      %add3A_394 = arith.addi %mul3A_393, %add3A_15 : vector<16xi32>
      %gather3A_395 = tpu.vector_load_idx %arg8[%add3A_394] : memref<32000xi32, #tpu.memory_space<vmem>>[vector<16xi32>], vector<16xi32>,
      %shift_left3A_396 = arith.constant 16 : i32
      %shift_left3A_397 = vector.broadcast %shift_left3A_396 : i32 to vector<16xi32>
      %shift_left3A_398 = arith.shli %gather3A_395, %shift_left3A_397 : vector<16xi32>
      %bitcast3A_399 = vector.bitcast %shift_left3A_398 : vector<16xi32> to vector<16xf32>
      %and3A_400 = arith.andi %gather3A_395, %broadcast_in_dim3A_21 : vector<16xi32>
      %bitcast3A_401 = vector.bitcast %and3A_400 : vector<16xi32> to vector<16xf32>
      %add3A_402 = arith.addf %add3A_376, %bitcast3A_399 : vector<16xf32>
      %add3A_403 = arith.addf %add3A_377, %bitcast3A_401 : vector<16xf32>
      %add3A_404 = arith.addi %mul3A_393, %add3A_18 : vector<16xi32>
      %gather3A_405 = tpu.vector_load_idx %arg8[%add3A_404] : memref<32000xi32, #tpu.memory_space<vmem>>[vector<16xi32>], vector<16xi32>,
      %shift_left3A_406 = arith.constant 16 : i32
      %shift_left3A_407 = vector.broadcast %shift_left3A_406 : i32 to vector<16xi32>
      %shift_left3A_408 = arith.shli %gather3A_405, %shift_left3A_407 : vector<16xi32>
      %bitcast3A_409 = vector.bitcast %shift_left3A_408 : vector<16xi32> to vector<16xf32>
      %and3A_410 = arith.andi %gather3A_405, %broadcast_in_dim3A_21 : vector<16xi32>
      %bitcast3A_411 = vector.bitcast %and3A_410 : vector<16xi32> to vector<16xf32>
      %add3A_412 = arith.addf %add3A_386, %bitcast3A_409 : vector<16xf32>
      %add3A_413 = arith.addf %add3A_387, %bitcast3A_411 : vector<16xf32>
      %broadcast_in_dim3A_414 = arith.constant 11 : i32
      %broadcast_in_dim3A_415 = vector.broadcast %broadcast_in_dim3A_414 : i32 to vector<16xi32>
      %gather3A_416 = tpu.vector_load_idx %arg9[%broadcast_in_dim3A_415, %broadcast_in_dim3A_135] : memref<20x256xi32, #tpu.memory_space<vmem>>[vector<16xi32>, vector<16xi32>], vector<16xi32>,
      %mul3A_417 = arith.constant 32 : i32
      %mul3A_418 = vector.broadcast %mul3A_417 : i32 to vector<16xi32>
      %mul3A_419 = arith.muli %gather3A_416, %mul3A_418 : vector<16xi32>
      %add3A_420 = arith.addi %mul3A_419, %add3A_15 : vector<16xi32>
      %gather3A_421 = tpu.vector_load_idx %arg8[%add3A_420] : memref<32000xi32, #tpu.memory_space<vmem>>[vector<16xi32>], vector<16xi32>,
      %shift_left3A_422 = arith.constant 16 : i32
      %shift_left3A_423 = vector.broadcast %shift_left3A_422 : i32 to vector<16xi32>
      %shift_left3A_424 = arith.shli %gather3A_421, %shift_left3A_423 : vector<16xi32>
      %bitcast3A_425 = vector.bitcast %shift_left3A_424 : vector<16xi32> to vector<16xf32>
      %and3A_426 = arith.andi %gather3A_421, %broadcast_in_dim3A_21 : vector<16xi32>
      %bitcast3A_427 = vector.bitcast %and3A_426 : vector<16xi32> to vector<16xf32>
      %add3A_428 = arith.addf %add3A_402, %bitcast3A_425 : vector<16xf32>
      %add3A_429 = arith.addf %add3A_403, %bitcast3A_427 : vector<16xf32>
      %add3A_430 = arith.addi %mul3A_419, %add3A_18 : vector<16xi32>
      %gather3A_431 = tpu.vector_load_idx %arg8[%add3A_430] : memref<32000xi32, #tpu.memory_space<vmem>>[vector<16xi32>], vector<16xi32>,
      %shift_left3A_432 = arith.constant 16 : i32
      %shift_left3A_433 = vector.broadcast %shift_left3A_432 : i32 to vector<16xi32>
      %shift_left3A_434 = arith.shli %gather3A_431, %shift_left3A_433 : vector<16xi32>
      %bitcast3A_435 = vector.bitcast %shift_left3A_434 : vector<16xi32> to vector<16xf32>
      %and3A_436 = arith.andi %gather3A_431, %broadcast_in_dim3A_21 : vector<16xi32>
      %bitcast3A_437 = vector.bitcast %and3A_436 : vector<16xi32> to vector<16xf32>
      %add3A_438 = arith.addf %add3A_412, %bitcast3A_435 : vector<16xf32>
      %add3A_439 = arith.addf %add3A_413, %bitcast3A_437 : vector<16xf32>
      %broadcast_in_dim3A_440 = arith.constant 12 : i32
      %broadcast_in_dim3A_441 = vector.broadcast %broadcast_in_dim3A_440 : i32 to vector<16xi32>
      %gather3A_442 = tpu.vector_load_idx %arg9[%broadcast_in_dim3A_441, %broadcast_in_dim3A_135] : memref<20x256xi32, #tpu.memory_space<vmem>>[vector<16xi32>, vector<16xi32>], vector<16xi32>,
      %mul3A_443 = arith.constant 32 : i32
      %mul3A_444 = vector.broadcast %mul3A_443 : i32 to vector<16xi32>
      %mul3A_445 = arith.muli %gather3A_442, %mul3A_444 : vector<16xi32>
      %add3A_446 = arith.addi %mul3A_445, %add3A_15 : vector<16xi32>
      %gather3A_447 = tpu.vector_load_idx %arg8[%add3A_446] : memref<32000xi32, #tpu.memory_space<vmem>>[vector<16xi32>], vector<16xi32>,
      %shift_left3A_448 = arith.constant 16 : i32
      %shift_left3A_449 = vector.broadcast %shift_left3A_448 : i32 to vector<16xi32>
      %shift_left3A_450 = arith.shli %gather3A_447, %shift_left3A_449 : vector<16xi32>
      %bitcast3A_451 = vector.bitcast %shift_left3A_450 : vector<16xi32> to vector<16xf32>
      %and3A_452 = arith.andi %gather3A_447, %broadcast_in_dim3A_21 : vector<16xi32>
      %bitcast3A_453 = vector.bitcast %and3A_452 : vector<16xi32> to vector<16xf32>
      %add3A_454 = arith.addf %add3A_428, %bitcast3A_451 : vector<16xf32>
      %add3A_455 = arith.addf %add3A_429, %bitcast3A_453 : vector<16xf32>
      %add3A_456 = arith.addi %mul3A_445, %add3A_18 : vector<16xi32>
      %gather3A_457 = tpu.vector_load_idx %arg8[%add3A_456] : memref<32000xi32, #tpu.memory_space<vmem>>[vector<16xi32>], vector<16xi32>,
      %shift_left3A_458 = arith.constant 16 : i32
      %shift_left3A_459 = vector.broadcast %shift_left3A_458 : i32 to vector<16xi32>
      %shift_left3A_460 = arith.shli %gather3A_457, %shift_left3A_459 : vector<16xi32>
      %bitcast3A_461 = vector.bitcast %shift_left3A_460 : vector<16xi32> to vector<16xf32>
      %and3A_462 = arith.andi %gather3A_457, %broadcast_in_dim3A_21 : vector<16xi32>
      %bitcast3A_463 = vector.bitcast %and3A_462 : vector<16xi32> to vector<16xf32>
      %add3A_464 = arith.addf %add3A_438, %bitcast3A_461 : vector<16xf32>
      %add3A_465 = arith.addf %add3A_439, %bitcast3A_463 : vector<16xf32>
      %broadcast_in_dim3A_466 = arith.constant 13 : i32
      %broadcast_in_dim3A_467 = vector.broadcast %broadcast_in_dim3A_466 : i32 to vector<16xi32>
      %gather3A_468 = tpu.vector_load_idx %arg9[%broadcast_in_dim3A_467, %broadcast_in_dim3A_135] : memref<20x256xi32, #tpu.memory_space<vmem>>[vector<16xi32>, vector<16xi32>], vector<16xi32>,
      %mul3A_469 = arith.constant 32 : i32
      %mul3A_470 = vector.broadcast %mul3A_469 : i32 to vector<16xi32>
      %mul3A_471 = arith.muli %gather3A_468, %mul3A_470 : vector<16xi32>
      %add3A_472 = arith.addi %mul3A_471, %add3A_15 : vector<16xi32>
      %gather3A_473 = tpu.vector_load_idx %arg8[%add3A_472] : memref<32000xi32, #tpu.memory_space<vmem>>[vector<16xi32>], vector<16xi32>,
      %shift_left3A_474 = arith.constant 16 : i32
      %shift_left3A_475 = vector.broadcast %shift_left3A_474 : i32 to vector<16xi32>
      %shift_left3A_476 = arith.shli %gather3A_473, %shift_left3A_475 : vector<16xi32>
      %bitcast3A_477 = vector.bitcast %shift_left3A_476 : vector<16xi32> to vector<16xf32>
      %and3A_478 = arith.andi %gather3A_473, %broadcast_in_dim3A_21 : vector<16xi32>
      %bitcast3A_479 = vector.bitcast %and3A_478 : vector<16xi32> to vector<16xf32>
      %add3A_480 = arith.addf %add3A_454, %bitcast3A_477 : vector<16xf32>
      %add3A_481 = arith.addf %add3A_455, %bitcast3A_479 : vector<16xf32>
      %add3A_482 = arith.addi %mul3A_471, %add3A_18 : vector<16xi32>
      %gather3A_483 = tpu.vector_load_idx %arg8[%add3A_482] : memref<32000xi32, #tpu.memory_space<vmem>>[vector<16xi32>], vector<16xi32>,
      %shift_left3A_484 = arith.constant 16 : i32
      %shift_left3A_485 = vector.broadcast %shift_left3A_484 : i32 to vector<16xi32>
      %shift_left3A_486 = arith.shli %gather3A_483, %shift_left3A_485 : vector<16xi32>
      %bitcast3A_487 = vector.bitcast %shift_left3A_486 : vector<16xi32> to vector<16xf32>
      %and3A_488 = arith.andi %gather3A_483, %broadcast_in_dim3A_21 : vector<16xi32>
      %bitcast3A_489 = vector.bitcast %and3A_488 : vector<16xi32> to vector<16xf32>
      %add3A_490 = arith.addf %add3A_464, %bitcast3A_487 : vector<16xf32>
      %add3A_491 = arith.addf %add3A_465, %bitcast3A_489 : vector<16xf32>
      %broadcast_in_dim3A_492 = arith.constant 14 : i32
      %broadcast_in_dim3A_493 = vector.broadcast %broadcast_in_dim3A_492 : i32 to vector<16xi32>
      %gather3A_494 = tpu.vector_load_idx %arg9[%broadcast_in_dim3A_493, %broadcast_in_dim3A_135] : memref<20x256xi32, #tpu.memory_space<vmem>>[vector<16xi32>, vector<16xi32>], vector<16xi32>,
      %mul3A_495 = arith.constant 32 : i32
      %mul3A_496 = vector.broadcast %mul3A_495 : i32 to vector<16xi32>
      %mul3A_497 = arith.muli %gather3A_494, %mul3A_496 : vector<16xi32>
      %add3A_498 = arith.addi %mul3A_497, %add3A_15 : vector<16xi32>
      %gather3A_499 = tpu.vector_load_idx %arg8[%add3A_498] : memref<32000xi32, #tpu.memory_space<vmem>>[vector<16xi32>], vector<16xi32>,
      %shift_left3A_500 = arith.constant 16 : i32
      %shift_left3A_501 = vector.broadcast %shift_left3A_500 : i32 to vector<16xi32>
      %shift_left3A_502 = arith.shli %gather3A_499, %shift_left3A_501 : vector<16xi32>
      %bitcast3A_503 = vector.bitcast %shift_left3A_502 : vector<16xi32> to vector<16xf32>
      %and3A_504 = arith.andi %gather3A_499, %broadcast_in_dim3A_21 : vector<16xi32>
      %bitcast3A_505 = vector.bitcast %and3A_504 : vector<16xi32> to vector<16xf32>
      %add3A_506 = arith.addf %add3A_480, %bitcast3A_503 : vector<16xf32>
      %add3A_507 = arith.addf %add3A_481, %bitcast3A_505 : vector<16xf32>
      %add3A_508 = arith.addi %mul3A_497, %add3A_18 : vector<16xi32>
      %gather3A_509 = tpu.vector_load_idx %arg8[%add3A_508] : memref<32000xi32, #tpu.memory_space<vmem>>[vector<16xi32>], vector<16xi32>,
      %shift_left3A_510 = arith.constant 16 : i32
      %shift_left3A_511 = vector.broadcast %shift_left3A_510 : i32 to vector<16xi32>
      %shift_left3A_512 = arith.shli %gather3A_509, %shift_left3A_511 : vector<16xi32>
      %bitcast3A_513 = vector.bitcast %shift_left3A_512 : vector<16xi32> to vector<16xf32>
      %and3A_514 = arith.andi %gather3A_509, %broadcast_in_dim3A_21 : vector<16xi32>
      %bitcast3A_515 = vector.bitcast %and3A_514 : vector<16xi32> to vector<16xf32>
      %add3A_516 = arith.addf %add3A_490, %bitcast3A_513 : vector<16xf32>
      %add3A_517 = arith.addf %add3A_491, %bitcast3A_515 : vector<16xf32>
      %broadcast_in_dim3A_518 = arith.constant 15 : i32
      %broadcast_in_dim3A_519 = vector.broadcast %broadcast_in_dim3A_518 : i32 to vector<16xi32>
      %gather3A_520 = tpu.vector_load_idx %arg9[%broadcast_in_dim3A_519, %broadcast_in_dim3A_135] : memref<20x256xi32, #tpu.memory_space<vmem>>[vector<16xi32>, vector<16xi32>], vector<16xi32>,
      %mul3A_521 = arith.constant 32 : i32
      %mul3A_522 = vector.broadcast %mul3A_521 : i32 to vector<16xi32>
      %mul3A_523 = arith.muli %gather3A_520, %mul3A_522 : vector<16xi32>
      %add3A_524 = arith.addi %mul3A_523, %add3A_15 : vector<16xi32>
      %gather3A_525 = tpu.vector_load_idx %arg8[%add3A_524] : memref<32000xi32, #tpu.memory_space<vmem>>[vector<16xi32>], vector<16xi32>,
      %shift_left3A_526 = arith.constant 16 : i32
      %shift_left3A_527 = vector.broadcast %shift_left3A_526 : i32 to vector<16xi32>
      %shift_left3A_528 = arith.shli %gather3A_525, %shift_left3A_527 : vector<16xi32>
      %bitcast3A_529 = vector.bitcast %shift_left3A_528 : vector<16xi32> to vector<16xf32>
      %and3A_530 = arith.andi %gather3A_525, %broadcast_in_dim3A_21 : vector<16xi32>
      %bitcast3A_531 = vector.bitcast %and3A_530 : vector<16xi32> to vector<16xf32>
      %add3A_532 = arith.addf %add3A_506, %bitcast3A_529 : vector<16xf32>
      %add3A_533 = arith.addf %add3A_507, %bitcast3A_531 : vector<16xf32>
      %add3A_534 = arith.addi %mul3A_523, %add3A_18 : vector<16xi32>
      %gather3A_535 = tpu.vector_load_idx %arg8[%add3A_534] : memref<32000xi32, #tpu.memory_space<vmem>>[vector<16xi32>], vector<16xi32>,
      %shift_left3A_536 = arith.constant 16 : i32
      %shift_left3A_537 = vector.broadcast %shift_left3A_536 : i32 to vector<16xi32>
      %shift_left3A_538 = arith.shli %gather3A_535, %shift_left3A_537 : vector<16xi32>
      %bitcast3A_539 = vector.bitcast %shift_left3A_538 : vector<16xi32> to vector<16xf32>
      %and3A_540 = arith.andi %gather3A_535, %broadcast_in_dim3A_21 : vector<16xi32>
      %bitcast3A_541 = vector.bitcast %and3A_540 : vector<16xi32> to vector<16xf32>
      %add3A_542 = arith.addf %add3A_516, %bitcast3A_539 : vector<16xf32>
      %add3A_543 = arith.addf %add3A_517, %bitcast3A_541 : vector<16xf32>
      %broadcast_in_dim3A_544 = arith.constant 16 : i32
      %broadcast_in_dim3A_545 = vector.broadcast %broadcast_in_dim3A_544 : i32 to vector<16xi32>
      %gather3A_546 = tpu.vector_load_idx %arg9[%broadcast_in_dim3A_545, %broadcast_in_dim3A_135] : memref<20x256xi32, #tpu.memory_space<vmem>>[vector<16xi32>, vector<16xi32>], vector<16xi32>,
      %mul3A_547 = arith.constant 32 : i32
      %mul3A_548 = vector.broadcast %mul3A_547 : i32 to vector<16xi32>
      %mul3A_549 = arith.muli %gather3A_546, %mul3A_548 : vector<16xi32>
      %add3A_550 = arith.addi %mul3A_549, %add3A_15 : vector<16xi32>
      %gather3A_551 = tpu.vector_load_idx %arg8[%add3A_550] : memref<32000xi32, #tpu.memory_space<vmem>>[vector<16xi32>], vector<16xi32>,
      %shift_left3A_552 = arith.constant 16 : i32
      %shift_left3A_553 = vector.broadcast %shift_left3A_552 : i32 to vector<16xi32>
      %shift_left3A_554 = arith.shli %gather3A_551, %shift_left3A_553 : vector<16xi32>
      %bitcast3A_555 = vector.bitcast %shift_left3A_554 : vector<16xi32> to vector<16xf32>
      %and3A_556 = arith.andi %gather3A_551, %broadcast_in_dim3A_21 : vector<16xi32>
      %bitcast3A_557 = vector.bitcast %and3A_556 : vector<16xi32> to vector<16xf32>
      %add3A_558 = arith.addf %add3A_532, %bitcast3A_555 : vector<16xf32>
      %add3A_559 = arith.addf %add3A_533, %bitcast3A_557 : vector<16xf32>
      %add3A_560 = arith.addi %mul3A_549, %add3A_18 : vector<16xi32>
      %gather3A_561 = tpu.vector_load_idx %arg8[%add3A_560] : memref<32000xi32, #tpu.memory_space<vmem>>[vector<16xi32>], vector<16xi32>,
      %shift_left3A_562 = arith.constant 16 : i32
      %shift_left3A_563 = vector.broadcast %shift_left3A_562 : i32 to vector<16xi32>
      %shift_left3A_564 = arith.shli %gather3A_561, %shift_left3A_563 : vector<16xi32>
      %bitcast3A_565 = vector.bitcast %shift_left3A_564 : vector<16xi32> to vector<16xf32>
      %and3A_566 = arith.andi %gather3A_561, %broadcast_in_dim3A_21 : vector<16xi32>
      %bitcast3A_567 = vector.bitcast %and3A_566 : vector<16xi32> to vector<16xf32>
      %add3A_568 = arith.addf %add3A_542, %bitcast3A_565 : vector<16xf32>
      %add3A_569 = arith.addf %add3A_543, %bitcast3A_567 : vector<16xf32>
      %broadcast_in_dim3A_570 = arith.constant 17 : i32
      %broadcast_in_dim3A_571 = vector.broadcast %broadcast_in_dim3A_570 : i32 to vector<16xi32>
      %gather3A_572 = tpu.vector_load_idx %arg9[%broadcast_in_dim3A_571, %broadcast_in_dim3A_135] : memref<20x256xi32, #tpu.memory_space<vmem>>[vector<16xi32>, vector<16xi32>], vector<16xi32>,
      %mul3A_573 = arith.constant 32 : i32
      %mul3A_574 = vector.broadcast %mul3A_573 : i32 to vector<16xi32>
      %mul3A_575 = arith.muli %gather3A_572, %mul3A_574 : vector<16xi32>
      %add3A_576 = arith.addi %mul3A_575, %add3A_15 : vector<16xi32>
      %gather3A_577 = tpu.vector_load_idx %arg8[%add3A_576] : memref<32000xi32, #tpu.memory_space<vmem>>[vector<16xi32>], vector<16xi32>,
      %shift_left3A_578 = arith.constant 16 : i32
      %shift_left3A_579 = vector.broadcast %shift_left3A_578 : i32 to vector<16xi32>
      %shift_left3A_580 = arith.shli %gather3A_577, %shift_left3A_579 : vector<16xi32>
      %bitcast3A_581 = vector.bitcast %shift_left3A_580 : vector<16xi32> to vector<16xf32>
      %and3A_582 = arith.andi %gather3A_577, %broadcast_in_dim3A_21 : vector<16xi32>
      %bitcast3A_583 = vector.bitcast %and3A_582 : vector<16xi32> to vector<16xf32>
      %add3A_584 = arith.addf %add3A_558, %bitcast3A_581 : vector<16xf32>
      %add3A_585 = arith.addf %add3A_559, %bitcast3A_583 : vector<16xf32>
      %add3A_586 = arith.addi %mul3A_575, %add3A_18 : vector<16xi32>
      %gather3A_587 = tpu.vector_load_idx %arg8[%add3A_586] : memref<32000xi32, #tpu.memory_space<vmem>>[vector<16xi32>], vector<16xi32>,
      %shift_left3A_588 = arith.constant 16 : i32
      %shift_left3A_589 = vector.broadcast %shift_left3A_588 : i32 to vector<16xi32>
      %shift_left3A_590 = arith.shli %gather3A_587, %shift_left3A_589 : vector<16xi32>
      %bitcast3A_591 = vector.bitcast %shift_left3A_590 : vector<16xi32> to vector<16xf32>
      %and3A_592 = arith.andi %gather3A_587, %broadcast_in_dim3A_21 : vector<16xi32>
      %bitcast3A_593 = vector.bitcast %and3A_592 : vector<16xi32> to vector<16xf32>
      %add3A_594 = arith.addf %add3A_568, %bitcast3A_591 : vector<16xf32>
      %add3A_595 = arith.addf %add3A_569, %bitcast3A_593 : vector<16xf32>
      %broadcast_in_dim3A_596 = arith.constant 18 : i32
      %broadcast_in_dim3A_597 = vector.broadcast %broadcast_in_dim3A_596 : i32 to vector<16xi32>
      %gather3A_598 = tpu.vector_load_idx %arg9[%broadcast_in_dim3A_597, %broadcast_in_dim3A_135] : memref<20x256xi32, #tpu.memory_space<vmem>>[vector<16xi32>, vector<16xi32>], vector<16xi32>,
      %mul3A_599 = arith.constant 32 : i32
      %mul3A_600 = vector.broadcast %mul3A_599 : i32 to vector<16xi32>
      %mul3A_601 = arith.muli %gather3A_598, %mul3A_600 : vector<16xi32>
      %add3A_602 = arith.addi %mul3A_601, %add3A_15 : vector<16xi32>
      %gather3A_603 = tpu.vector_load_idx %arg8[%add3A_602] : memref<32000xi32, #tpu.memory_space<vmem>>[vector<16xi32>], vector<16xi32>,
      %shift_left3A_604 = arith.constant 16 : i32
      %shift_left3A_605 = vector.broadcast %shift_left3A_604 : i32 to vector<16xi32>
      %shift_left3A_606 = arith.shli %gather3A_603, %shift_left3A_605 : vector<16xi32>
      %bitcast3A_607 = vector.bitcast %shift_left3A_606 : vector<16xi32> to vector<16xf32>
      %and3A_608 = arith.andi %gather3A_603, %broadcast_in_dim3A_21 : vector<16xi32>
      %bitcast3A_609 = vector.bitcast %and3A_608 : vector<16xi32> to vector<16xf32>
      %add3A_610 = arith.addf %add3A_584, %bitcast3A_607 : vector<16xf32>
      %add3A_611 = arith.addf %add3A_585, %bitcast3A_609 : vector<16xf32>
      %add3A_612 = arith.addi %mul3A_601, %add3A_18 : vector<16xi32>
      %gather3A_613 = tpu.vector_load_idx %arg8[%add3A_612] : memref<32000xi32, #tpu.memory_space<vmem>>[vector<16xi32>], vector<16xi32>,
      %shift_left3A_614 = arith.constant 16 : i32
      %shift_left3A_615 = vector.broadcast %shift_left3A_614 : i32 to vector<16xi32>
      %shift_left3A_616 = arith.shli %gather3A_613, %shift_left3A_615 : vector<16xi32>
      %bitcast3A_617 = vector.bitcast %shift_left3A_616 : vector<16xi32> to vector<16xf32>
      %and3A_618 = arith.andi %gather3A_613, %broadcast_in_dim3A_21 : vector<16xi32>
      %bitcast3A_619 = vector.bitcast %and3A_618 : vector<16xi32> to vector<16xf32>
      %add3A_620 = arith.addf %add3A_594, %bitcast3A_617 : vector<16xf32>
      %add3A_621 = arith.addf %add3A_595, %bitcast3A_619 : vector<16xf32>
      %broadcast_in_dim3A_622 = arith.constant 19 : i32
      %broadcast_in_dim3A_623 = vector.broadcast %broadcast_in_dim3A_622 : i32 to vector<16xi32>
      %gather3A_624 = tpu.vector_load_idx %arg9[%broadcast_in_dim3A_623, %broadcast_in_dim3A_135] : memref<20x256xi32, #tpu.memory_space<vmem>>[vector<16xi32>, vector<16xi32>], vector<16xi32>,
      %mul3A_625 = arith.constant 32 : i32
      %mul3A_626 = vector.broadcast %mul3A_625 : i32 to vector<16xi32>
      %mul3A_627 = arith.muli %gather3A_624, %mul3A_626 : vector<16xi32>
      %add3A_628 = arith.addi %mul3A_627, %add3A_15 : vector<16xi32>
      %gather3A_629 = tpu.vector_load_idx %arg8[%add3A_628] : memref<32000xi32, #tpu.memory_space<vmem>>[vector<16xi32>], vector<16xi32>,
      %shift_left3A_630 = arith.constant 16 : i32
      %shift_left3A_631 = vector.broadcast %shift_left3A_630 : i32 to vector<16xi32>
      %shift_left3A_632 = arith.shli %gather3A_629, %shift_left3A_631 : vector<16xi32>
      %bitcast3A_633 = vector.bitcast %shift_left3A_632 : vector<16xi32> to vector<16xf32>
      %and3A_634 = arith.andi %gather3A_629, %broadcast_in_dim3A_21 : vector<16xi32>
      %bitcast3A_635 = vector.bitcast %and3A_634 : vector<16xi32> to vector<16xf32>
      %add3A_636 = arith.addf %add3A_610, %bitcast3A_633 : vector<16xf32>
      %add3A_637 = arith.addf %add3A_611, %bitcast3A_635 : vector<16xf32>
      %add3A_638 = arith.addi %mul3A_627, %add3A_18 : vector<16xi32>
      %gather3A_639 = tpu.vector_load_idx %arg8[%add3A_638] : memref<32000xi32, #tpu.memory_space<vmem>>[vector<16xi32>], vector<16xi32>,
      %shift_left3A_640 = arith.constant 16 : i32
      %shift_left3A_641 = vector.broadcast %shift_left3A_640 : i32 to vector<16xi32>
      %shift_left3A_642 = arith.shli %gather3A_639, %shift_left3A_641 : vector<16xi32>
      %bitcast3A_643 = vector.bitcast %shift_left3A_642 : vector<16xi32> to vector<16xf32>
      %and3A_644 = arith.andi %gather3A_639, %broadcast_in_dim3A_21 : vector<16xi32>
      %bitcast3A_645 = vector.bitcast %and3A_644 : vector<16xi32> to vector<16xf32>
      %add3A_646 = arith.addf %add3A_620, %bitcast3A_643 : vector<16xf32>
      %add3A_647 = arith.addf %add3A_621, %bitcast3A_645 : vector<16xf32>
      %add3A_648 = arith.constant 0 : i32
      %add3A_649 = vector.broadcast %add3A_648 : i32 to vector<16xi32>
      %add3A_650 = arith.addi %mul3A_20, %add3A_649 : vector<16xi32>
      %mul3A_651 = vector.broadcast %scan3A : f32 to vector<16xf32>
      %mul3A_652 = arith.mulf %add3A_636, %mul3A_651 : vector<16xf32>
      tpu.vector_store_idx %arg10[%broadcast_in_dim3A_135, %add3A_650], %mul3A_652 : memref<256x64xf32, #tpu.memory_space<vmem>>[vector<16xi32>, vector<16xi32>], vector<16xf32>,
      %add3A_653 = arith.constant 1 : i32
      %add3A_654 = vector.broadcast %add3A_653 : i32 to vector<16xi32>
      %add3A_655 = arith.addi %mul3A_20, %add3A_654 : vector<16xi32>
      %mul3A_656 = vector.broadcast %scan3A : f32 to vector<16xf32>
      %mul3A_657 = arith.mulf %add3A_637, %mul3A_656 : vector<16xf32>
      tpu.vector_store_idx %arg10[%broadcast_in_dim3A_135, %add3A_655], %mul3A_657 : memref<256x64xf32, #tpu.memory_space<vmem>>[vector<16xi32>, vector<16xi32>], vector<16xf32>,
      %add3A_658 = arith.constant 32 : i32
      %add3A_659 = vector.broadcast %add3A_658 : i32 to vector<16xi32>
      %add3A_660 = arith.addi %mul3A_20, %add3A_659 : vector<16xi32>
      %mul3A_661 = vector.broadcast %scan3A : f32 to vector<16xf32>
      %mul3A_662 = arith.mulf %add3A_646, %mul3A_661 : vector<16xf32>
      tpu.vector_store_idx %arg10[%broadcast_in_dim3A_135, %add3A_660], %mul3A_662 : memref<256x64xf32, #tpu.memory_space<vmem>>[vector<16xi32>, vector<16xi32>], vector<16xf32>,
      %add3A_663 = arith.constant 33 : i32
      %add3A_664 = vector.broadcast %add3A_663 : i32 to vector<16xi32>
      %add3A_665 = arith.addi %mul3A_20, %add3A_664 : vector<16xi32>
      %mul3A_666 = vector.broadcast %scan3A : f32 to vector<16xf32>
      %mul3A_667 = arith.mulf %add3A_647, %mul3A_666 : vector<16xf32>
      tpu.vector_store_idx %arg10[%broadcast_in_dim3A_135, %add3A_665], %mul3A_667 : memref<256x64xf32, #tpu.memory_space<vmem>>[vector<16xi32>, vector<16xi32>], vector<16xf32>,
      %scan3A_668 = arith.constant 0 : i32
      scf.yield %scan3A_668 : i32
    }
    %scan3A_40 = arith.constant 256 : i32
    %convert_element_type3A_41 = arith.extui %eq3A_0 : i1 to i32
    %cond3A_42 = arith.constant 0 : i32
    %cond3A_43 = arith.cmpi ne, %convert_element_type3A_41, %cond3A_42 : i32
    scf.if %cond3A_43 {
      "tpu.region"() ({
        %run_scoped3A = tpu.sem_alloc : memref<!tpu.dma_semaphore, #tpu.memory_space<semaphore_mem>>
        %dma_start3A = arith.constant 0 : i32
        %dma_start3A_133 = tpu.memref_slice %arg6[%add3A_25, %dma_start3A] : memref<16384x64xf32, #tpu.memory_space<hbm>> -> memref<256x64xf32, #tpu.memory_space<hbm>>
        %dma_start3A_134 = arith.constant 0 : i32
        %dma_start3A_135 = tpu.memref_slice %arg6[%add3A_25, %dma_start3A_134] : memref<16384x64xf32, #tpu.memory_space<hbm>> -> memref<256x64xf32, #tpu.memory_space<hbm>>
        tpu.enqueue_dma source(%arg10 : memref<256x64xf32, #tpu.memory_space<vmem>>) target(%dma_start3A_135 : memref<256x64xf32, #tpu.memory_space<hbm>>) target_semaphore(%run_scoped3A : memref<!tpu.dma_semaphore, #tpu.memory_space<semaphore_mem>>)
        %dma_wait3A = arith.constant 0 : i32
        %dma_wait3A_136 = tpu.memref_slice %arg6[%add3A_25, %dma_wait3A] : memref<16384x64xf32, #tpu.memory_space<hbm>> -> memref<256x64xf32, #tpu.memory_space<hbm>>
        %dma_wait3A_137 = arith.constant 0 : i32
        %dma_wait3A_138 = tpu.memref_slice %arg6[%add3A_25, %dma_wait3A_137] : memref<16384x64xf32, #tpu.memory_space<hbm>> -> memref<256x64xf32, #tpu.memory_space<hbm>>
        tpu.wait_dma2 semaphore(%run_scoped3A : memref<!tpu.dma_semaphore, #tpu.memory_space<semaphore_mem>>) src(%arg10 : memref<256x64xf32, #tpu.memory_space<vmem>>) dst(%dma_wait3A_138 : memref<256x64xf32, #tpu.memory_space<hbm>>)
        tpu.yield
      }) : () -> ()
    } else {
    }
    %not3A_44 = arith.constant true
    %not3A_45 = arith.xori %eq3A_0, %not3A_44 : i1
    %convert_element_type3A_46 = arith.extui %not3A_45 : i1 to i32
    %cond3A_47 = arith.constant 0 : i32
    %cond3A_48 = arith.cmpi ne, %convert_element_type3A_46, %cond3A_47 : i32
    scf.if %cond3A_48 {
      "tpu.region"() ({
        %run_scoped3A = tpu.sem_alloc : memref<!tpu.dma_semaphore, #tpu.memory_space<semaphore_mem>>
        %dma_start3A = arith.constant 0 : i32
        %dma_start3A_133 = tpu.memref_slice %arg7[%add3A_25, %dma_start3A] : memref<16384x64xf32, #tpu.memory_space<hbm>> -> memref<256x64xf32, #tpu.memory_space<hbm>>
        %dma_start3A_134 = arith.constant 0 : i32
        %dma_start3A_135 = tpu.memref_slice %arg7[%add3A_25, %dma_start3A_134] : memref<16384x64xf32, #tpu.memory_space<hbm>> -> memref<256x64xf32, #tpu.memory_space<hbm>>
        tpu.enqueue_dma source(%arg10 : memref<256x64xf32, #tpu.memory_space<vmem>>) target(%dma_start3A_135 : memref<256x64xf32, #tpu.memory_space<hbm>>) target_semaphore(%run_scoped3A : memref<!tpu.dma_semaphore, #tpu.memory_space<semaphore_mem>>)
        %dma_wait3A = arith.constant 0 : i32
        %dma_wait3A_136 = tpu.memref_slice %arg7[%add3A_25, %dma_wait3A] : memref<16384x64xf32, #tpu.memory_space<hbm>> -> memref<256x64xf32, #tpu.memory_space<hbm>>
        %dma_wait3A_137 = arith.constant 0 : i32
        %dma_wait3A_138 = tpu.memref_slice %arg7[%add3A_25, %dma_wait3A_137] : memref<16384x64xf32, #tpu.memory_space<hbm>> -> memref<256x64xf32, #tpu.memory_space<hbm>>
        tpu.wait_dma2 semaphore(%run_scoped3A : memref<!tpu.dma_semaphore, #tpu.memory_space<semaphore_mem>>) src(%arg10 : memref<256x64xf32, #tpu.memory_space<vmem>>) dst(%dma_wait3A_138 : memref<256x64xf32, #tpu.memory_space<hbm>>)
        tpu.yield
      }) : () -> ()
    } else {
    }
    %mul3A_49 = arith.constant 1024 : i32
    %mul3A_50 = arith.muli %arg1, %mul3A_49 : i32
    %add3A_51 = arith.constant 256 : i32
    %add3A_52 = arith.addi %mul3A_50, %add3A_51 : i32
    %convert_element_type3A_53 = arith.extui %eq3A_0 : i1 to i32
    %cond3A_54 = arith.constant 0 : i32
    %cond3A_55 = arith.cmpi ne, %convert_element_type3A_53, %cond3A_54 : i32
    scf.if %cond3A_55 {
      "tpu.region"() ({
        %run_scoped3A = tpu.sem_alloc : memref<!tpu.dma_semaphore, #tpu.memory_space<semaphore_mem>>
        %dma_start3A = arith.constant 0 : i32
        %dma_start3A_133 = tpu.memref_slice %arg4[%dma_start3A, %add3A_52] : memref<20x16384xi32, #tpu.memory_space<hbm>> -> memref<20x256xi32, #tpu.memory_space<hbm>>
        %dma_start3A_134 = arith.constant 0 : i32
        %dma_start3A_135 = tpu.memref_slice %arg4[%dma_start3A_134, %add3A_52] : memref<20x16384xi32, #tpu.memory_space<hbm>> -> memref<20x256xi32, #tpu.memory_space<hbm>>
        tpu.enqueue_dma source(%dma_start3A_135 : memref<20x256xi32, #tpu.memory_space<hbm>>) target(%arg9 : memref<20x256xi32, #tpu.memory_space<vmem>>) target_semaphore(%run_scoped3A : memref<!tpu.dma_semaphore, #tpu.memory_space<semaphore_mem>>)
        %dma_wait3A = arith.constant 0 : i32
        %dma_wait3A_136 = tpu.memref_slice %arg4[%dma_wait3A, %add3A_52] : memref<20x16384xi32, #tpu.memory_space<hbm>> -> memref<20x256xi32, #tpu.memory_space<hbm>>
        %dma_wait3A_137 = arith.constant 0 : i32
        %dma_wait3A_138 = tpu.memref_slice %arg4[%dma_wait3A_137, %add3A_52] : memref<20x16384xi32, #tpu.memory_space<hbm>> -> memref<20x256xi32, #tpu.memory_space<hbm>>
        tpu.wait_dma2 semaphore(%run_scoped3A : memref<!tpu.dma_semaphore, #tpu.memory_space<semaphore_mem>>) src(%dma_wait3A_138 : memref<20x256xi32, #tpu.memory_space<hbm>>) dst(%arg9 : memref<20x256xi32, #tpu.memory_space<vmem>>)
        tpu.yield
      }) : () -> ()
    } else {
    }
    %not3A_56 = arith.constant true
    %not3A_57 = arith.xori %eq3A_0, %not3A_56 : i1
    %convert_element_type3A_58 = arith.extui %not3A_57 : i1 to i32
    %cond3A_59 = arith.constant 0 : i32
    %cond3A_60 = arith.cmpi ne, %convert_element_type3A_58, %cond3A_59 : i32
    scf.if %cond3A_60 {
      "tpu.region"() ({
        %run_scoped3A = tpu.sem_alloc : memref<!tpu.dma_semaphore, #tpu.memory_space<semaphore_mem>>
        %dma_start3A = arith.constant 0 : i32
        %dma_start3A_133 = tpu.memref_slice %arg5[%dma_start3A, %add3A_52] : memref<20x16384xi32, #tpu.memory_space<hbm>> -> memref<20x256xi32, #tpu.memory_space<hbm>>
        %dma_start3A_134 = arith.constant 0 : i32
        %dma_start3A_135 = tpu.memref_slice %arg5[%dma_start3A_134, %add3A_52] : memref<20x16384xi32, #tpu.memory_space<hbm>> -> memref<20x256xi32, #tpu.memory_space<hbm>>
        tpu.enqueue_dma source(%dma_start3A_135 : memref<20x256xi32, #tpu.memory_space<hbm>>) target(%arg9 : memref<20x256xi32, #tpu.memory_space<vmem>>) target_semaphore(%run_scoped3A : memref<!tpu.dma_semaphore, #tpu.memory_space<semaphore_mem>>)
        %dma_wait3A = arith.constant 0 : i32
        %dma_wait3A_136 = tpu.memref_slice %arg5[%dma_wait3A, %add3A_52] : memref<20x16384xi32, #tpu.memory_space<hbm>> -> memref<20x256xi32, #tpu.memory_space<hbm>>
        %dma_wait3A_137 = arith.constant 0 : i32
        %dma_wait3A_138 = tpu.memref_slice %arg5[%dma_wait3A_137, %add3A_52] : memref<20x16384xi32, #tpu.memory_space<hbm>> -> memref<20x256xi32, #tpu.memory_space<hbm>>
        tpu.wait_dma2 semaphore(%run_scoped3A : memref<!tpu.dma_semaphore, #tpu.memory_space<semaphore_mem>>) src(%dma_wait3A_138 : memref<20x256xi32, #tpu.memory_space<hbm>>) dst(%arg9 : memref<20x256xi32, #tpu.memory_space<vmem>>)
        tpu.yield
      }) : () -> ()
    } else {
    }
    %scan3A_61 = arith.constant 5.000000e-02 : f32
    %scan3A_62 = arith.constant 0 : i32
    %scan3A_63 = arith.constant 0 : i32
    %scan3A_64 = arith.constant 256 : i32
    %scan3A_65 = arith.addi %scan3A_63, %scan3A_64 : i32
    %scan3A_66 = arith.constant 1 : i32
    %scan3A_67 = scf.for %scan3A_133 = %scan3A_63 to %scan3A_65 step %scan3A_66 iter_args(%scan3A_134 = %scan3A_62) -> (i32)  : i32 {
      %broadcast_in_dim3A_135 = vector.broadcast %scan3A_133 : i32 to vector<16xi32>
      %broadcast_in_dim3A_136 = arith.constant 0 : i32
      %broadcast_in_dim3A_137 = vector.broadcast %broadcast_in_dim3A_136 : i32 to vector<16xi32>
      %gather3A = tpu.vector_load_idx %arg9[%broadcast_in_dim3A_137, %broadcast_in_dim3A_135] : memref<20x256xi32, #tpu.memory_space<vmem>>[vector<16xi32>, vector<16xi32>], vector<16xi32>,
      %mul3A_138 = arith.constant 32 : i32
      %mul3A_139 = vector.broadcast %mul3A_138 : i32 to vector<16xi32>
      %mul3A_140 = arith.muli %gather3A, %mul3A_139 : vector<16xi32>
      %add3A_141 = arith.addi %mul3A_140, %add3A_15 : vector<16xi32>
      %gather3A_142 = tpu.vector_load_idx %arg8[%add3A_141] : memref<32000xi32, #tpu.memory_space<vmem>>[vector<16xi32>], vector<16xi32>,
      %shift_left3A = arith.constant 16 : i32
      %shift_left3A_143 = vector.broadcast %shift_left3A : i32 to vector<16xi32>
      %shift_left3A_144 = arith.shli %gather3A_142, %shift_left3A_143 : vector<16xi32>
      %bitcast3A = vector.bitcast %shift_left3A_144 : vector<16xi32> to vector<16xf32>
      %and3A = arith.andi %gather3A_142, %broadcast_in_dim3A_21 : vector<16xi32>
      %bitcast3A_145 = vector.bitcast %and3A : vector<16xi32> to vector<16xf32>
      %add3A_146 = arith.addi %mul3A_140, %add3A_18 : vector<16xi32>
      %gather3A_147 = tpu.vector_load_idx %arg8[%add3A_146] : memref<32000xi32, #tpu.memory_space<vmem>>[vector<16xi32>], vector<16xi32>,
      %shift_left3A_148 = arith.constant 16 : i32
      %shift_left3A_149 = vector.broadcast %shift_left3A_148 : i32 to vector<16xi32>
      %shift_left3A_150 = arith.shli %gather3A_147, %shift_left3A_149 : vector<16xi32>
      %bitcast3A_151 = vector.bitcast %shift_left3A_150 : vector<16xi32> to vector<16xf32>
      %and3A_152 = arith.andi %gather3A_147, %broadcast_in_dim3A_21 : vector<16xi32>
      %bitcast3A_153 = vector.bitcast %and3A_152 : vector<16xi32> to vector<16xf32>
      %broadcast_in_dim3A_154 = arith.constant 1 : i32
      %broadcast_in_dim3A_155 = vector.broadcast %broadcast_in_dim3A_154 : i32 to vector<16xi32>
      %gather3A_156 = tpu.vector_load_idx %arg9[%broadcast_in_dim3A_155, %broadcast_in_dim3A_135] : memref<20x256xi32, #tpu.memory_space<vmem>>[vector<16xi32>, vector<16xi32>], vector<16xi32>,
      %mul3A_157 = arith.constant 32 : i32
      %mul3A_158 = vector.broadcast %mul3A_157 : i32 to vector<16xi32>
      %mul3A_159 = arith.muli %gather3A_156, %mul3A_158 : vector<16xi32>
      %add3A_160 = arith.addi %mul3A_159, %add3A_15 : vector<16xi32>
      %gather3A_161 = tpu.vector_load_idx %arg8[%add3A_160] : memref<32000xi32, #tpu.memory_space<vmem>>[vector<16xi32>], vector<16xi32>,
      %shift_left3A_162 = arith.constant 16 : i32
      %shift_left3A_163 = vector.broadcast %shift_left3A_162 : i32 to vector<16xi32>
      %shift_left3A_164 = arith.shli %gather3A_161, %shift_left3A_163 : vector<16xi32>
      %bitcast3A_165 = vector.bitcast %shift_left3A_164 : vector<16xi32> to vector<16xf32>
      %and3A_166 = arith.andi %gather3A_161, %broadcast_in_dim3A_21 : vector<16xi32>
      %bitcast3A_167 = vector.bitcast %and3A_166 : vector<16xi32> to vector<16xf32>
      %add3A_168 = arith.addf %bitcast3A, %bitcast3A_165 : vector<16xf32>
      %add3A_169 = arith.addf %bitcast3A_145, %bitcast3A_167 : vector<16xf32>
      %add3A_170 = arith.addi %mul3A_159, %add3A_18 : vector<16xi32>
      %gather3A_171 = tpu.vector_load_idx %arg8[%add3A_170] : memref<32000xi32, #tpu.memory_space<vmem>>[vector<16xi32>], vector<16xi32>,
      %shift_left3A_172 = arith.constant 16 : i32
      %shift_left3A_173 = vector.broadcast %shift_left3A_172 : i32 to vector<16xi32>
      %shift_left3A_174 = arith.shli %gather3A_171, %shift_left3A_173 : vector<16xi32>
      %bitcast3A_175 = vector.bitcast %shift_left3A_174 : vector<16xi32> to vector<16xf32>
      %and3A_176 = arith.andi %gather3A_171, %broadcast_in_dim3A_21 : vector<16xi32>
      %bitcast3A_177 = vector.bitcast %and3A_176 : vector<16xi32> to vector<16xf32>
      %add3A_178 = arith.addf %bitcast3A_151, %bitcast3A_175 : vector<16xf32>
      %add3A_179 = arith.addf %bitcast3A_153, %bitcast3A_177 : vector<16xf32>
      %broadcast_in_dim3A_180 = arith.constant 2 : i32
      %broadcast_in_dim3A_181 = vector.broadcast %broadcast_in_dim3A_180 : i32 to vector<16xi32>
      %gather3A_182 = tpu.vector_load_idx %arg9[%broadcast_in_dim3A_181, %broadcast_in_dim3A_135] : memref<20x256xi32, #tpu.memory_space<vmem>>[vector<16xi32>, vector<16xi32>], vector<16xi32>,
      %mul3A_183 = arith.constant 32 : i32
      %mul3A_184 = vector.broadcast %mul3A_183 : i32 to vector<16xi32>
      %mul3A_185 = arith.muli %gather3A_182, %mul3A_184 : vector<16xi32>
      %add3A_186 = arith.addi %mul3A_185, %add3A_15 : vector<16xi32>
      %gather3A_187 = tpu.vector_load_idx %arg8[%add3A_186] : memref<32000xi32, #tpu.memory_space<vmem>>[vector<16xi32>], vector<16xi32>,
      %shift_left3A_188 = arith.constant 16 : i32
      %shift_left3A_189 = vector.broadcast %shift_left3A_188 : i32 to vector<16xi32>
      %shift_left3A_190 = arith.shli %gather3A_187, %shift_left3A_189 : vector<16xi32>
      %bitcast3A_191 = vector.bitcast %shift_left3A_190 : vector<16xi32> to vector<16xf32>
      %and3A_192 = arith.andi %gather3A_187, %broadcast_in_dim3A_21 : vector<16xi32>
      %bitcast3A_193 = vector.bitcast %and3A_192 : vector<16xi32> to vector<16xf32>
      %add3A_194 = arith.addf %add3A_168, %bitcast3A_191 : vector<16xf32>
      %add3A_195 = arith.addf %add3A_169, %bitcast3A_193 : vector<16xf32>
      %add3A_196 = arith.addi %mul3A_185, %add3A_18 : vector<16xi32>
      %gather3A_197 = tpu.vector_load_idx %arg8[%add3A_196] : memref<32000xi32, #tpu.memory_space<vmem>>[vector<16xi32>], vector<16xi32>,
      %shift_left3A_198 = arith.constant 16 : i32
      %shift_left3A_199 = vector.broadcast %shift_left3A_198 : i32 to vector<16xi32>
      %shift_left3A_200 = arith.shli %gather3A_197, %shift_left3A_199 : vector<16xi32>
      %bitcast3A_201 = vector.bitcast %shift_left3A_200 : vector<16xi32> to vector<16xf32>
      %and3A_202 = arith.andi %gather3A_197, %broadcast_in_dim3A_21 : vector<16xi32>
      %bitcast3A_203 = vector.bitcast %and3A_202 : vector<16xi32> to vector<16xf32>
      %add3A_204 = arith.addf %add3A_178, %bitcast3A_201 : vector<16xf32>
      %add3A_205 = arith.addf %add3A_179, %bitcast3A_203 : vector<16xf32>
      %broadcast_in_dim3A_206 = arith.constant 3 : i32
      %broadcast_in_dim3A_207 = vector.broadcast %broadcast_in_dim3A_206 : i32 to vector<16xi32>
      %gather3A_208 = tpu.vector_load_idx %arg9[%broadcast_in_dim3A_207, %broadcast_in_dim3A_135] : memref<20x256xi32, #tpu.memory_space<vmem>>[vector<16xi32>, vector<16xi32>], vector<16xi32>,
      %mul3A_209 = arith.constant 32 : i32
      %mul3A_210 = vector.broadcast %mul3A_209 : i32 to vector<16xi32>
      %mul3A_211 = arith.muli %gather3A_208, %mul3A_210 : vector<16xi32>
      %add3A_212 = arith.addi %mul3A_211, %add3A_15 : vector<16xi32>
      %gather3A_213 = tpu.vector_load_idx %arg8[%add3A_212] : memref<32000xi32, #tpu.memory_space<vmem>>[vector<16xi32>], vector<16xi32>,
      %shift_left3A_214 = arith.constant 16 : i32
      %shift_left3A_215 = vector.broadcast %shift_left3A_214 : i32 to vector<16xi32>
      %shift_left3A_216 = arith.shli %gather3A_213, %shift_left3A_215 : vector<16xi32>
      %bitcast3A_217 = vector.bitcast %shift_left3A_216 : vector<16xi32> to vector<16xf32>
      %and3A_218 = arith.andi %gather3A_213, %broadcast_in_dim3A_21 : vector<16xi32>
      %bitcast3A_219 = vector.bitcast %and3A_218 : vector<16xi32> to vector<16xf32>
      %add3A_220 = arith.addf %add3A_194, %bitcast3A_217 : vector<16xf32>
      %add3A_221 = arith.addf %add3A_195, %bitcast3A_219 : vector<16xf32>
      %add3A_222 = arith.addi %mul3A_211, %add3A_18 : vector<16xi32>
      %gather3A_223 = tpu.vector_load_idx %arg8[%add3A_222] : memref<32000xi32, #tpu.memory_space<vmem>>[vector<16xi32>], vector<16xi32>,
      %shift_left3A_224 = arith.constant 16 : i32
      %shift_left3A_225 = vector.broadcast %shift_left3A_224 : i32 to vector<16xi32>
      %shift_left3A_226 = arith.shli %gather3A_223, %shift_left3A_225 : vector<16xi32>
      %bitcast3A_227 = vector.bitcast %shift_left3A_226 : vector<16xi32> to vector<16xf32>
      %and3A_228 = arith.andi %gather3A_223, %broadcast_in_dim3A_21 : vector<16xi32>
      %bitcast3A_229 = vector.bitcast %and3A_228 : vector<16xi32> to vector<16xf32>
      %add3A_230 = arith.addf %add3A_204, %bitcast3A_227 : vector<16xf32>
      %add3A_231 = arith.addf %add3A_205, %bitcast3A_229 : vector<16xf32>
      %broadcast_in_dim3A_232 = arith.constant 4 : i32
      %broadcast_in_dim3A_233 = vector.broadcast %broadcast_in_dim3A_232 : i32 to vector<16xi32>
      %gather3A_234 = tpu.vector_load_idx %arg9[%broadcast_in_dim3A_233, %broadcast_in_dim3A_135] : memref<20x256xi32, #tpu.memory_space<vmem>>[vector<16xi32>, vector<16xi32>], vector<16xi32>,
      %mul3A_235 = arith.constant 32 : i32
      %mul3A_236 = vector.broadcast %mul3A_235 : i32 to vector<16xi32>
      %mul3A_237 = arith.muli %gather3A_234, %mul3A_236 : vector<16xi32>
      %add3A_238 = arith.addi %mul3A_237, %add3A_15 : vector<16xi32>
      %gather3A_239 = tpu.vector_load_idx %arg8[%add3A_238] : memref<32000xi32, #tpu.memory_space<vmem>>[vector<16xi32>], vector<16xi32>,
      %shift_left3A_240 = arith.constant 16 : i32
      %shift_left3A_241 = vector.broadcast %shift_left3A_240 : i32 to vector<16xi32>
      %shift_left3A_242 = arith.shli %gather3A_239, %shift_left3A_241 : vector<16xi32>
      %bitcast3A_243 = vector.bitcast %shift_left3A_242 : vector<16xi32> to vector<16xf32>
      %and3A_244 = arith.andi %gather3A_239, %broadcast_in_dim3A_21 : vector<16xi32>
      %bitcast3A_245 = vector.bitcast %and3A_244 : vector<16xi32> to vector<16xf32>
      %add3A_246 = arith.addf %add3A_220, %bitcast3A_243 : vector<16xf32>
      %add3A_247 = arith.addf %add3A_221, %bitcast3A_245 : vector<16xf32>
      %add3A_248 = arith.addi %mul3A_237, %add3A_18 : vector<16xi32>
      %gather3A_249 = tpu.vector_load_idx %arg8[%add3A_248] : memref<32000xi32, #tpu.memory_space<vmem>>[vector<16xi32>], vector<16xi32>,
      %shift_left3A_250 = arith.constant 16 : i32
      %shift_left3A_251 = vector.broadcast %shift_left3A_250 : i32 to vector<16xi32>
      %shift_left3A_252 = arith.shli %gather3A_249, %shift_left3A_251 : vector<16xi32>
      %bitcast3A_253 = vector.bitcast %shift_left3A_252 : vector<16xi32> to vector<16xf32>
      %and3A_254 = arith.andi %gather3A_249, %broadcast_in_dim3A_21 : vector<16xi32>
      %bitcast3A_255 = vector.bitcast %and3A_254 : vector<16xi32> to vector<16xf32>
      %add3A_256 = arith.addf %add3A_230, %bitcast3A_253 : vector<16xf32>
      %add3A_257 = arith.addf %add3A_231, %bitcast3A_255 : vector<16xf32>
      %broadcast_in_dim3A_258 = arith.constant 5 : i32
      %broadcast_in_dim3A_259 = vector.broadcast %broadcast_in_dim3A_258 : i32 to vector<16xi32>
      %gather3A_260 = tpu.vector_load_idx %arg9[%broadcast_in_dim3A_259, %broadcast_in_dim3A_135] : memref<20x256xi32, #tpu.memory_space<vmem>>[vector<16xi32>, vector<16xi32>], vector<16xi32>,
      %mul3A_261 = arith.constant 32 : i32
      %mul3A_262 = vector.broadcast %mul3A_261 : i32 to vector<16xi32>
      %mul3A_263 = arith.muli %gather3A_260, %mul3A_262 : vector<16xi32>
      %add3A_264 = arith.addi %mul3A_263, %add3A_15 : vector<16xi32>
      %gather3A_265 = tpu.vector_load_idx %arg8[%add3A_264] : memref<32000xi32, #tpu.memory_space<vmem>>[vector<16xi32>], vector<16xi32>,
      %shift_left3A_266 = arith.constant 16 : i32
      %shift_left3A_267 = vector.broadcast %shift_left3A_266 : i32 to vector<16xi32>
      %shift_left3A_268 = arith.shli %gather3A_265, %shift_left3A_267 : vector<16xi32>
      %bitcast3A_269 = vector.bitcast %shift_left3A_268 : vector<16xi32> to vector<16xf32>
      %and3A_270 = arith.andi %gather3A_265, %broadcast_in_dim3A_21 : vector<16xi32>
      %bitcast3A_271 = vector.bitcast %and3A_270 : vector<16xi32> to vector<16xf32>
      %add3A_272 = arith.addf %add3A_246, %bitcast3A_269 : vector<16xf32>
      %add3A_273 = arith.addf %add3A_247, %bitcast3A_271 : vector<16xf32>
      %add3A_274 = arith.addi %mul3A_263, %add3A_18 : vector<16xi32>
      %gather3A_275 = tpu.vector_load_idx %arg8[%add3A_274] : memref<32000xi32, #tpu.memory_space<vmem>>[vector<16xi32>], vector<16xi32>,
      %shift_left3A_276 = arith.constant 16 : i32
      %shift_left3A_277 = vector.broadcast %shift_left3A_276 : i32 to vector<16xi32>
      %shift_left3A_278 = arith.shli %gather3A_275, %shift_left3A_277 : vector<16xi32>
      %bitcast3A_279 = vector.bitcast %shift_left3A_278 : vector<16xi32> to vector<16xf32>
      %and3A_280 = arith.andi %gather3A_275, %broadcast_in_dim3A_21 : vector<16xi32>
      %bitcast3A_281 = vector.bitcast %and3A_280 : vector<16xi32> to vector<16xf32>
      %add3A_282 = arith.addf %add3A_256, %bitcast3A_279 : vector<16xf32>
      %add3A_283 = arith.addf %add3A_257, %bitcast3A_281 : vector<16xf32>
      %broadcast_in_dim3A_284 = arith.constant 6 : i32
      %broadcast_in_dim3A_285 = vector.broadcast %broadcast_in_dim3A_284 : i32 to vector<16xi32>
      %gather3A_286 = tpu.vector_load_idx %arg9[%broadcast_in_dim3A_285, %broadcast_in_dim3A_135] : memref<20x256xi32, #tpu.memory_space<vmem>>[vector<16xi32>, vector<16xi32>], vector<16xi32>,
      %mul3A_287 = arith.constant 32 : i32
      %mul3A_288 = vector.broadcast %mul3A_287 : i32 to vector<16xi32>
      %mul3A_289 = arith.muli %gather3A_286, %mul3A_288 : vector<16xi32>
      %add3A_290 = arith.addi %mul3A_289, %add3A_15 : vector<16xi32>
      %gather3A_291 = tpu.vector_load_idx %arg8[%add3A_290] : memref<32000xi32, #tpu.memory_space<vmem>>[vector<16xi32>], vector<16xi32>,
      %shift_left3A_292 = arith.constant 16 : i32
      %shift_left3A_293 = vector.broadcast %shift_left3A_292 : i32 to vector<16xi32>
      %shift_left3A_294 = arith.shli %gather3A_291, %shift_left3A_293 : vector<16xi32>
      %bitcast3A_295 = vector.bitcast %shift_left3A_294 : vector<16xi32> to vector<16xf32>
      %and3A_296 = arith.andi %gather3A_291, %broadcast_in_dim3A_21 : vector<16xi32>
      %bitcast3A_297 = vector.bitcast %and3A_296 : vector<16xi32> to vector<16xf32>
      %add3A_298 = arith.addf %add3A_272, %bitcast3A_295 : vector<16xf32>
      %add3A_299 = arith.addf %add3A_273, %bitcast3A_297 : vector<16xf32>
      %add3A_300 = arith.addi %mul3A_289, %add3A_18 : vector<16xi32>
      %gather3A_301 = tpu.vector_load_idx %arg8[%add3A_300] : memref<32000xi32, #tpu.memory_space<vmem>>[vector<16xi32>], vector<16xi32>,
      %shift_left3A_302 = arith.constant 16 : i32
      %shift_left3A_303 = vector.broadcast %shift_left3A_302 : i32 to vector<16xi32>
      %shift_left3A_304 = arith.shli %gather3A_301, %shift_left3A_303 : vector<16xi32>
      %bitcast3A_305 = vector.bitcast %shift_left3A_304 : vector<16xi32> to vector<16xf32>
      %and3A_306 = arith.andi %gather3A_301, %broadcast_in_dim3A_21 : vector<16xi32>
      %bitcast3A_307 = vector.bitcast %and3A_306 : vector<16xi32> to vector<16xf32>
      %add3A_308 = arith.addf %add3A_282, %bitcast3A_305 : vector<16xf32>
      %add3A_309 = arith.addf %add3A_283, %bitcast3A_307 : vector<16xf32>
      %broadcast_in_dim3A_310 = arith.constant 7 : i32
      %broadcast_in_dim3A_311 = vector.broadcast %broadcast_in_dim3A_310 : i32 to vector<16xi32>
      %gather3A_312 = tpu.vector_load_idx %arg9[%broadcast_in_dim3A_311, %broadcast_in_dim3A_135] : memref<20x256xi32, #tpu.memory_space<vmem>>[vector<16xi32>, vector<16xi32>], vector<16xi32>,
      %mul3A_313 = arith.constant 32 : i32
      %mul3A_314 = vector.broadcast %mul3A_313 : i32 to vector<16xi32>
      %mul3A_315 = arith.muli %gather3A_312, %mul3A_314 : vector<16xi32>
      %add3A_316 = arith.addi %mul3A_315, %add3A_15 : vector<16xi32>
      %gather3A_317 = tpu.vector_load_idx %arg8[%add3A_316] : memref<32000xi32, #tpu.memory_space<vmem>>[vector<16xi32>], vector<16xi32>,
      %shift_left3A_318 = arith.constant 16 : i32
      %shift_left3A_319 = vector.broadcast %shift_left3A_318 : i32 to vector<16xi32>
      %shift_left3A_320 = arith.shli %gather3A_317, %shift_left3A_319 : vector<16xi32>
      %bitcast3A_321 = vector.bitcast %shift_left3A_320 : vector<16xi32> to vector<16xf32>
      %and3A_322 = arith.andi %gather3A_317, %broadcast_in_dim3A_21 : vector<16xi32>
      %bitcast3A_323 = vector.bitcast %and3A_322 : vector<16xi32> to vector<16xf32>
      %add3A_324 = arith.addf %add3A_298, %bitcast3A_321 : vector<16xf32>
      %add3A_325 = arith.addf %add3A_299, %bitcast3A_323 : vector<16xf32>
      %add3A_326 = arith.addi %mul3A_315, %add3A_18 : vector<16xi32>
      %gather3A_327 = tpu.vector_load_idx %arg8[%add3A_326] : memref<32000xi32, #tpu.memory_space<vmem>>[vector<16xi32>], vector<16xi32>,
      %shift_left3A_328 = arith.constant 16 : i32
      %shift_left3A_329 = vector.broadcast %shift_left3A_328 : i32 to vector<16xi32>
      %shift_left3A_330 = arith.shli %gather3A_327, %shift_left3A_329 : vector<16xi32>
      %bitcast3A_331 = vector.bitcast %shift_left3A_330 : vector<16xi32> to vector<16xf32>
      %and3A_332 = arith.andi %gather3A_327, %broadcast_in_dim3A_21 : vector<16xi32>
      %bitcast3A_333 = vector.bitcast %and3A_332 : vector<16xi32> to vector<16xf32>
      %add3A_334 = arith.addf %add3A_308, %bitcast3A_331 : vector<16xf32>
      %add3A_335 = arith.addf %add3A_309, %bitcast3A_333 : vector<16xf32>
      %broadcast_in_dim3A_336 = arith.constant 8 : i32
      %broadcast_in_dim3A_337 = vector.broadcast %broadcast_in_dim3A_336 : i32 to vector<16xi32>
      %gather3A_338 = tpu.vector_load_idx %arg9[%broadcast_in_dim3A_337, %broadcast_in_dim3A_135] : memref<20x256xi32, #tpu.memory_space<vmem>>[vector<16xi32>, vector<16xi32>], vector<16xi32>,
      %mul3A_339 = arith.constant 32 : i32
      %mul3A_340 = vector.broadcast %mul3A_339 : i32 to vector<16xi32>
      %mul3A_341 = arith.muli %gather3A_338, %mul3A_340 : vector<16xi32>
      %add3A_342 = arith.addi %mul3A_341, %add3A_15 : vector<16xi32>
      %gather3A_343 = tpu.vector_load_idx %arg8[%add3A_342] : memref<32000xi32, #tpu.memory_space<vmem>>[vector<16xi32>], vector<16xi32>,
      %shift_left3A_344 = arith.constant 16 : i32
      %shift_left3A_345 = vector.broadcast %shift_left3A_344 : i32 to vector<16xi32>
      %shift_left3A_346 = arith.shli %gather3A_343, %shift_left3A_345 : vector<16xi32>
      %bitcast3A_347 = vector.bitcast %shift_left3A_346 : vector<16xi32> to vector<16xf32>
      %and3A_348 = arith.andi %gather3A_343, %broadcast_in_dim3A_21 : vector<16xi32>
      %bitcast3A_349 = vector.bitcast %and3A_348 : vector<16xi32> to vector<16xf32>
      %add3A_350 = arith.addf %add3A_324, %bitcast3A_347 : vector<16xf32>
      %add3A_351 = arith.addf %add3A_325, %bitcast3A_349 : vector<16xf32>
      %add3A_352 = arith.addi %mul3A_341, %add3A_18 : vector<16xi32>
      %gather3A_353 = tpu.vector_load_idx %arg8[%add3A_352] : memref<32000xi32, #tpu.memory_space<vmem>>[vector<16xi32>], vector<16xi32>,
      %shift_left3A_354 = arith.constant 16 : i32
      %shift_left3A_355 = vector.broadcast %shift_left3A_354 : i32 to vector<16xi32>
      %shift_left3A_356 = arith.shli %gather3A_353, %shift_left3A_355 : vector<16xi32>
      %bitcast3A_357 = vector.bitcast %shift_left3A_356 : vector<16xi32> to vector<16xf32>
      %and3A_358 = arith.andi %gather3A_353, %broadcast_in_dim3A_21 : vector<16xi32>
      %bitcast3A_359 = vector.bitcast %and3A_358 : vector<16xi32> to vector<16xf32>
      %add3A_360 = arith.addf %add3A_334, %bitcast3A_357 : vector<16xf32>
      %add3A_361 = arith.addf %add3A_335, %bitcast3A_359 : vector<16xf32>
      %broadcast_in_dim3A_362 = arith.constant 9 : i32
      %broadcast_in_dim3A_363 = vector.broadcast %broadcast_in_dim3A_362 : i32 to vector<16xi32>
      %gather3A_364 = tpu.vector_load_idx %arg9[%broadcast_in_dim3A_363, %broadcast_in_dim3A_135] : memref<20x256xi32, #tpu.memory_space<vmem>>[vector<16xi32>, vector<16xi32>], vector<16xi32>,
      %mul3A_365 = arith.constant 32 : i32
      %mul3A_366 = vector.broadcast %mul3A_365 : i32 to vector<16xi32>
      %mul3A_367 = arith.muli %gather3A_364, %mul3A_366 : vector<16xi32>
      %add3A_368 = arith.addi %mul3A_367, %add3A_15 : vector<16xi32>
      %gather3A_369 = tpu.vector_load_idx %arg8[%add3A_368] : memref<32000xi32, #tpu.memory_space<vmem>>[vector<16xi32>], vector<16xi32>,
      %shift_left3A_370 = arith.constant 16 : i32
      %shift_left3A_371 = vector.broadcast %shift_left3A_370 : i32 to vector<16xi32>
      %shift_left3A_372 = arith.shli %gather3A_369, %shift_left3A_371 : vector<16xi32>
      %bitcast3A_373 = vector.bitcast %shift_left3A_372 : vector<16xi32> to vector<16xf32>
      %and3A_374 = arith.andi %gather3A_369, %broadcast_in_dim3A_21 : vector<16xi32>
      %bitcast3A_375 = vector.bitcast %and3A_374 : vector<16xi32> to vector<16xf32>
      %add3A_376 = arith.addf %add3A_350, %bitcast3A_373 : vector<16xf32>
      %add3A_377 = arith.addf %add3A_351, %bitcast3A_375 : vector<16xf32>
      %add3A_378 = arith.addi %mul3A_367, %add3A_18 : vector<16xi32>
      %gather3A_379 = tpu.vector_load_idx %arg8[%add3A_378] : memref<32000xi32, #tpu.memory_space<vmem>>[vector<16xi32>], vector<16xi32>,
      %shift_left3A_380 = arith.constant 16 : i32
      %shift_left3A_381 = vector.broadcast %shift_left3A_380 : i32 to vector<16xi32>
      %shift_left3A_382 = arith.shli %gather3A_379, %shift_left3A_381 : vector<16xi32>
      %bitcast3A_383 = vector.bitcast %shift_left3A_382 : vector<16xi32> to vector<16xf32>
      %and3A_384 = arith.andi %gather3A_379, %broadcast_in_dim3A_21 : vector<16xi32>
      %bitcast3A_385 = vector.bitcast %and3A_384 : vector<16xi32> to vector<16xf32>
      %add3A_386 = arith.addf %add3A_360, %bitcast3A_383 : vector<16xf32>
      %add3A_387 = arith.addf %add3A_361, %bitcast3A_385 : vector<16xf32>
      %broadcast_in_dim3A_388 = arith.constant 10 : i32
      %broadcast_in_dim3A_389 = vector.broadcast %broadcast_in_dim3A_388 : i32 to vector<16xi32>
      %gather3A_390 = tpu.vector_load_idx %arg9[%broadcast_in_dim3A_389, %broadcast_in_dim3A_135] : memref<20x256xi32, #tpu.memory_space<vmem>>[vector<16xi32>, vector<16xi32>], vector<16xi32>,
      %mul3A_391 = arith.constant 32 : i32
      %mul3A_392 = vector.broadcast %mul3A_391 : i32 to vector<16xi32>
      %mul3A_393 = arith.muli %gather3A_390, %mul3A_392 : vector<16xi32>
      %add3A_394 = arith.addi %mul3A_393, %add3A_15 : vector<16xi32>
      %gather3A_395 = tpu.vector_load_idx %arg8[%add3A_394] : memref<32000xi32, #tpu.memory_space<vmem>>[vector<16xi32>], vector<16xi32>,
      %shift_left3A_396 = arith.constant 16 : i32
      %shift_left3A_397 = vector.broadcast %shift_left3A_396 : i32 to vector<16xi32>
      %shift_left3A_398 = arith.shli %gather3A_395, %shift_left3A_397 : vector<16xi32>
      %bitcast3A_399 = vector.bitcast %shift_left3A_398 : vector<16xi32> to vector<16xf32>
      %and3A_400 = arith.andi %gather3A_395, %broadcast_in_dim3A_21 : vector<16xi32>
      %bitcast3A_401 = vector.bitcast %and3A_400 : vector<16xi32> to vector<16xf32>
      %add3A_402 = arith.addf %add3A_376, %bitcast3A_399 : vector<16xf32>
      %add3A_403 = arith.addf %add3A_377, %bitcast3A_401 : vector<16xf32>
      %add3A_404 = arith.addi %mul3A_393, %add3A_18 : vector<16xi32>
      %gather3A_405 = tpu.vector_load_idx %arg8[%add3A_404] : memref<32000xi32, #tpu.memory_space<vmem>>[vector<16xi32>], vector<16xi32>,
      %shift_left3A_406 = arith.constant 16 : i32
      %shift_left3A_407 = vector.broadcast %shift_left3A_406 : i32 to vector<16xi32>
      %shift_left3A_408 = arith.shli %gather3A_405, %shift_left3A_407 : vector<16xi32>
      %bitcast3A_409 = vector.bitcast %shift_left3A_408 : vector<16xi32> to vector<16xf32>
      %and3A_410 = arith.andi %gather3A_405, %broadcast_in_dim3A_21 : vector<16xi32>
      %bitcast3A_411 = vector.bitcast %and3A_410 : vector<16xi32> to vector<16xf32>
      %add3A_412 = arith.addf %add3A_386, %bitcast3A_409 : vector<16xf32>
      %add3A_413 = arith.addf %add3A_387, %bitcast3A_411 : vector<16xf32>
      %broadcast_in_dim3A_414 = arith.constant 11 : i32
      %broadcast_in_dim3A_415 = vector.broadcast %broadcast_in_dim3A_414 : i32 to vector<16xi32>
      %gather3A_416 = tpu.vector_load_idx %arg9[%broadcast_in_dim3A_415, %broadcast_in_dim3A_135] : memref<20x256xi32, #tpu.memory_space<vmem>>[vector<16xi32>, vector<16xi32>], vector<16xi32>,
      %mul3A_417 = arith.constant 32 : i32
      %mul3A_418 = vector.broadcast %mul3A_417 : i32 to vector<16xi32>
      %mul3A_419 = arith.muli %gather3A_416, %mul3A_418 : vector<16xi32>
      %add3A_420 = arith.addi %mul3A_419, %add3A_15 : vector<16xi32>
      %gather3A_421 = tpu.vector_load_idx %arg8[%add3A_420] : memref<32000xi32, #tpu.memory_space<vmem>>[vector<16xi32>], vector<16xi32>,
      %shift_left3A_422 = arith.constant 16 : i32
      %shift_left3A_423 = vector.broadcast %shift_left3A_422 : i32 to vector<16xi32>
      %shift_left3A_424 = arith.shli %gather3A_421, %shift_left3A_423 : vector<16xi32>
      %bitcast3A_425 = vector.bitcast %shift_left3A_424 : vector<16xi32> to vector<16xf32>
      %and3A_426 = arith.andi %gather3A_421, %broadcast_in_dim3A_21 : vector<16xi32>
      %bitcast3A_427 = vector.bitcast %and3A_426 : vector<16xi32> to vector<16xf32>
      %add3A_428 = arith.addf %add3A_402, %bitcast3A_425 : vector<16xf32>
      %add3A_429 = arith.addf %add3A_403, %bitcast3A_427 : vector<16xf32>
      %add3A_430 = arith.addi %mul3A_419, %add3A_18 : vector<16xi32>
      %gather3A_431 = tpu.vector_load_idx %arg8[%add3A_430] : memref<32000xi32, #tpu.memory_space<vmem>>[vector<16xi32>], vector<16xi32>,
      %shift_left3A_432 = arith.constant 16 : i32
      %shift_left3A_433 = vector.broadcast %shift_left3A_432 : i32 to vector<16xi32>
      %shift_left3A_434 = arith.shli %gather3A_431, %shift_left3A_433 : vector<16xi32>
      %bitcast3A_435 = vector.bitcast %shift_left3A_434 : vector<16xi32> to vector<16xf32>
      %and3A_436 = arith.andi %gather3A_431, %broadcast_in_dim3A_21 : vector<16xi32>
      %bitcast3A_437 = vector.bitcast %and3A_436 : vector<16xi32> to vector<16xf32>
      %add3A_438 = arith.addf %add3A_412, %bitcast3A_435 : vector<16xf32>
      %add3A_439 = arith.addf %add3A_413, %bitcast3A_437 : vector<16xf32>
      %broadcast_in_dim3A_440 = arith.constant 12 : i32
      %broadcast_in_dim3A_441 = vector.broadcast %broadcast_in_dim3A_440 : i32 to vector<16xi32>
      %gather3A_442 = tpu.vector_load_idx %arg9[%broadcast_in_dim3A_441, %broadcast_in_dim3A_135] : memref<20x256xi32, #tpu.memory_space<vmem>>[vector<16xi32>, vector<16xi32>], vector<16xi32>,
      %mul3A_443 = arith.constant 32 : i32
      %mul3A_444 = vector.broadcast %mul3A_443 : i32 to vector<16xi32>
      %mul3A_445 = arith.muli %gather3A_442, %mul3A_444 : vector<16xi32>
      %add3A_446 = arith.addi %mul3A_445, %add3A_15 : vector<16xi32>
      %gather3A_447 = tpu.vector_load_idx %arg8[%add3A_446] : memref<32000xi32, #tpu.memory_space<vmem>>[vector<16xi32>], vector<16xi32>,
      %shift_left3A_448 = arith.constant 16 : i32
      %shift_left3A_449 = vector.broadcast %shift_left3A_448 : i32 to vector<16xi32>
      %shift_left3A_450 = arith.shli %gather3A_447, %shift_left3A_449 : vector<16xi32>
      %bitcast3A_451 = vector.bitcast %shift_left3A_450 : vector<16xi32> to vector<16xf32>
      %and3A_452 = arith.andi %gather3A_447, %broadcast_in_dim3A_21 : vector<16xi32>
      %bitcast3A_453 = vector.bitcast %and3A_452 : vector<16xi32> to vector<16xf32>
      %add3A_454 = arith.addf %add3A_428, %bitcast3A_451 : vector<16xf32>
      %add3A_455 = arith.addf %add3A_429, %bitcast3A_453 : vector<16xf32>
      %add3A_456 = arith.addi %mul3A_445, %add3A_18 : vector<16xi32>
      %gather3A_457 = tpu.vector_load_idx %arg8[%add3A_456] : memref<32000xi32, #tpu.memory_space<vmem>>[vector<16xi32>], vector<16xi32>,
      %shift_left3A_458 = arith.constant 16 : i32
      %shift_left3A_459 = vector.broadcast %shift_left3A_458 : i32 to vector<16xi32>
      %shift_left3A_460 = arith.shli %gather3A_457, %shift_left3A_459 : vector<16xi32>
      %bitcast3A_461 = vector.bitcast %shift_left3A_460 : vector<16xi32> to vector<16xf32>
      %and3A_462 = arith.andi %gather3A_457, %broadcast_in_dim3A_21 : vector<16xi32>
      %bitcast3A_463 = vector.bitcast %and3A_462 : vector<16xi32> to vector<16xf32>
      %add3A_464 = arith.addf %add3A_438, %bitcast3A_461 : vector<16xf32>
      %add3A_465 = arith.addf %add3A_439, %bitcast3A_463 : vector<16xf32>
      %broadcast_in_dim3A_466 = arith.constant 13 : i32
      %broadcast_in_dim3A_467 = vector.broadcast %broadcast_in_dim3A_466 : i32 to vector<16xi32>
      %gather3A_468 = tpu.vector_load_idx %arg9[%broadcast_in_dim3A_467, %broadcast_in_dim3A_135] : memref<20x256xi32, #tpu.memory_space<vmem>>[vector<16xi32>, vector<16xi32>], vector<16xi32>,
      %mul3A_469 = arith.constant 32 : i32
      %mul3A_470 = vector.broadcast %mul3A_469 : i32 to vector<16xi32>
      %mul3A_471 = arith.muli %gather3A_468, %mul3A_470 : vector<16xi32>
      %add3A_472 = arith.addi %mul3A_471, %add3A_15 : vector<16xi32>
      %gather3A_473 = tpu.vector_load_idx %arg8[%add3A_472] : memref<32000xi32, #tpu.memory_space<vmem>>[vector<16xi32>], vector<16xi32>,
      %shift_left3A_474 = arith.constant 16 : i32
      %shift_left3A_475 = vector.broadcast %shift_left3A_474 : i32 to vector<16xi32>
      %shift_left3A_476 = arith.shli %gather3A_473, %shift_left3A_475 : vector<16xi32>
      %bitcast3A_477 = vector.bitcast %shift_left3A_476 : vector<16xi32> to vector<16xf32>
      %and3A_478 = arith.andi %gather3A_473, %broadcast_in_dim3A_21 : vector<16xi32>
      %bitcast3A_479 = vector.bitcast %and3A_478 : vector<16xi32> to vector<16xf32>
      %add3A_480 = arith.addf %add3A_454, %bitcast3A_477 : vector<16xf32>
      %add3A_481 = arith.addf %add3A_455, %bitcast3A_479 : vector<16xf32>
      %add3A_482 = arith.addi %mul3A_471, %add3A_18 : vector<16xi32>
      %gather3A_483 = tpu.vector_load_idx %arg8[%add3A_482] : memref<32000xi32, #tpu.memory_space<vmem>>[vector<16xi32>], vector<16xi32>,
      %shift_left3A_484 = arith.constant 16 : i32
      %shift_left3A_485 = vector.broadcast %shift_left3A_484 : i32 to vector<16xi32>
      %shift_left3A_486 = arith.shli %gather3A_483, %shift_left3A_485 : vector<16xi32>
      %bitcast3A_487 = vector.bitcast %shift_left3A_486 : vector<16xi32> to vector<16xf32>
      %and3A_488 = arith.andi %gather3A_483, %broadcast_in_dim3A_21 : vector<16xi32>
      %bitcast3A_489 = vector.bitcast %and3A_488 : vector<16xi32> to vector<16xf32>
      %add3A_490 = arith.addf %add3A_464, %bitcast3A_487 : vector<16xf32>
      %add3A_491 = arith.addf %add3A_465, %bitcast3A_489 : vector<16xf32>
      %broadcast_in_dim3A_492 = arith.constant 14 : i32
      %broadcast_in_dim3A_493 = vector.broadcast %broadcast_in_dim3A_492 : i32 to vector<16xi32>
      %gather3A_494 = tpu.vector_load_idx %arg9[%broadcast_in_dim3A_493, %broadcast_in_dim3A_135] : memref<20x256xi32, #tpu.memory_space<vmem>>[vector<16xi32>, vector<16xi32>], vector<16xi32>,
      %mul3A_495 = arith.constant 32 : i32
      %mul3A_496 = vector.broadcast %mul3A_495 : i32 to vector<16xi32>
      %mul3A_497 = arith.muli %gather3A_494, %mul3A_496 : vector<16xi32>
      %add3A_498 = arith.addi %mul3A_497, %add3A_15 : vector<16xi32>
      %gather3A_499 = tpu.vector_load_idx %arg8[%add3A_498] : memref<32000xi32, #tpu.memory_space<vmem>>[vector<16xi32>], vector<16xi32>,
      %shift_left3A_500 = arith.constant 16 : i32
      %shift_left3A_501 = vector.broadcast %shift_left3A_500 : i32 to vector<16xi32>
      %shift_left3A_502 = arith.shli %gather3A_499, %shift_left3A_501 : vector<16xi32>
      %bitcast3A_503 = vector.bitcast %shift_left3A_502 : vector<16xi32> to vector<16xf32>
      %and3A_504 = arith.andi %gather3A_499, %broadcast_in_dim3A_21 : vector<16xi32>
      %bitcast3A_505 = vector.bitcast %and3A_504 : vector<16xi32> to vector<16xf32>
      %add3A_506 = arith.addf %add3A_480, %bitcast3A_503 : vector<16xf32>
      %add3A_507 = arith.addf %add3A_481, %bitcast3A_505 : vector<16xf32>
      %add3A_508 = arith.addi %mul3A_497, %add3A_18 : vector<16xi32>
      %gather3A_509 = tpu.vector_load_idx %arg8[%add3A_508] : memref<32000xi32, #tpu.memory_space<vmem>>[vector<16xi32>], vector<16xi32>,
      %shift_left3A_510 = arith.constant 16 : i32
      %shift_left3A_511 = vector.broadcast %shift_left3A_510 : i32 to vector<16xi32>
      %shift_left3A_512 = arith.shli %gather3A_509, %shift_left3A_511 : vector<16xi32>
      %bitcast3A_513 = vector.bitcast %shift_left3A_512 : vector<16xi32> to vector<16xf32>
      %and3A_514 = arith.andi %gather3A_509, %broadcast_in_dim3A_21 : vector<16xi32>
      %bitcast3A_515 = vector.bitcast %and3A_514 : vector<16xi32> to vector<16xf32>
      %add3A_516 = arith.addf %add3A_490, %bitcast3A_513 : vector<16xf32>
      %add3A_517 = arith.addf %add3A_491, %bitcast3A_515 : vector<16xf32>
      %broadcast_in_dim3A_518 = arith.constant 15 : i32
      %broadcast_in_dim3A_519 = vector.broadcast %broadcast_in_dim3A_518 : i32 to vector<16xi32>
      %gather3A_520 = tpu.vector_load_idx %arg9[%broadcast_in_dim3A_519, %broadcast_in_dim3A_135] : memref<20x256xi32, #tpu.memory_space<vmem>>[vector<16xi32>, vector<16xi32>], vector<16xi32>,
      %mul3A_521 = arith.constant 32 : i32
      %mul3A_522 = vector.broadcast %mul3A_521 : i32 to vector<16xi32>
      %mul3A_523 = arith.muli %gather3A_520, %mul3A_522 : vector<16xi32>
      %add3A_524 = arith.addi %mul3A_523, %add3A_15 : vector<16xi32>
      %gather3A_525 = tpu.vector_load_idx %arg8[%add3A_524] : memref<32000xi32, #tpu.memory_space<vmem>>[vector<16xi32>], vector<16xi32>,
      %shift_left3A_526 = arith.constant 16 : i32
      %shift_left3A_527 = vector.broadcast %shift_left3A_526 : i32 to vector<16xi32>
      %shift_left3A_528 = arith.shli %gather3A_525, %shift_left3A_527 : vector<16xi32>
      %bitcast3A_529 = vector.bitcast %shift_left3A_528 : vector<16xi32> to vector<16xf32>
      %and3A_530 = arith.andi %gather3A_525, %broadcast_in_dim3A_21 : vector<16xi32>
      %bitcast3A_531 = vector.bitcast %and3A_530 : vector<16xi32> to vector<16xf32>
      %add3A_532 = arith.addf %add3A_506, %bitcast3A_529 : vector<16xf32>
      %add3A_533 = arith.addf %add3A_507, %bitcast3A_531 : vector<16xf32>
      %add3A_534 = arith.addi %mul3A_523, %add3A_18 : vector<16xi32>
      %gather3A_535 = tpu.vector_load_idx %arg8[%add3A_534] : memref<32000xi32, #tpu.memory_space<vmem>>[vector<16xi32>], vector<16xi32>,
      %shift_left3A_536 = arith.constant 16 : i32
      %shift_left3A_537 = vector.broadcast %shift_left3A_536 : i32 to vector<16xi32>
      %shift_left3A_538 = arith.shli %gather3A_535, %shift_left3A_537 : vector<16xi32>
      %bitcast3A_539 = vector.bitcast %shift_left3A_538 : vector<16xi32> to vector<16xf32>
      %and3A_540 = arith.andi %gather3A_535, %broadcast_in_dim3A_21 : vector<16xi32>
      %bitcast3A_541 = vector.bitcast %and3A_540 : vector<16xi32> to vector<16xf32>
      %add3A_542 = arith.addf %add3A_516, %bitcast3A_539 : vector<16xf32>
      %add3A_543 = arith.addf %add3A_517, %bitcast3A_541 : vector<16xf32>
      %broadcast_in_dim3A_544 = arith.constant 16 : i32
      %broadcast_in_dim3A_545 = vector.broadcast %broadcast_in_dim3A_544 : i32 to vector<16xi32>
      %gather3A_546 = tpu.vector_load_idx %arg9[%broadcast_in_dim3A_545, %broadcast_in_dim3A_135] : memref<20x256xi32, #tpu.memory_space<vmem>>[vector<16xi32>, vector<16xi32>], vector<16xi32>,
      %mul3A_547 = arith.constant 32 : i32
      %mul3A_548 = vector.broadcast %mul3A_547 : i32 to vector<16xi32>
      %mul3A_549 = arith.muli %gather3A_546, %mul3A_548 : vector<16xi32>
      %add3A_550 = arith.addi %mul3A_549, %add3A_15 : vector<16xi32>
      %gather3A_551 = tpu.vector_load_idx %arg8[%add3A_550] : memref<32000xi32, #tpu.memory_space<vmem>>[vector<16xi32>], vector<16xi32>,
      %shift_left3A_552 = arith.constant 16 : i32
      %shift_left3A_553 = vector.broadcast %shift_left3A_552 : i32 to vector<16xi32>
      %shift_left3A_554 = arith.shli %gather3A_551, %shift_left3A_553 : vector<16xi32>
      %bitcast3A_555 = vector.bitcast %shift_left3A_554 : vector<16xi32> to vector<16xf32>
      %and3A_556 = arith.andi %gather3A_551, %broadcast_in_dim3A_21 : vector<16xi32>
      %bitcast3A_557 = vector.bitcast %and3A_556 : vector<16xi32> to vector<16xf32>
      %add3A_558 = arith.addf %add3A_532, %bitcast3A_555 : vector<16xf32>
      %add3A_559 = arith.addf %add3A_533, %bitcast3A_557 : vector<16xf32>
      %add3A_560 = arith.addi %mul3A_549, %add3A_18 : vector<16xi32>
      %gather3A_561 = tpu.vector_load_idx %arg8[%add3A_560] : memref<32000xi32, #tpu.memory_space<vmem>>[vector<16xi32>], vector<16xi32>,
      %shift_left3A_562 = arith.constant 16 : i32
      %shift_left3A_563 = vector.broadcast %shift_left3A_562 : i32 to vector<16xi32>
      %shift_left3A_564 = arith.shli %gather3A_561, %shift_left3A_563 : vector<16xi32>
      %bitcast3A_565 = vector.bitcast %shift_left3A_564 : vector<16xi32> to vector<16xf32>
      %and3A_566 = arith.andi %gather3A_561, %broadcast_in_dim3A_21 : vector<16xi32>
      %bitcast3A_567 = vector.bitcast %and3A_566 : vector<16xi32> to vector<16xf32>
      %add3A_568 = arith.addf %add3A_542, %bitcast3A_565 : vector<16xf32>
      %add3A_569 = arith.addf %add3A_543, %bitcast3A_567 : vector<16xf32>
      %broadcast_in_dim3A_570 = arith.constant 17 : i32
      %broadcast_in_dim3A_571 = vector.broadcast %broadcast_in_dim3A_570 : i32 to vector<16xi32>
      %gather3A_572 = tpu.vector_load_idx %arg9[%broadcast_in_dim3A_571, %broadcast_in_dim3A_135] : memref<20x256xi32, #tpu.memory_space<vmem>>[vector<16xi32>, vector<16xi32>], vector<16xi32>,
      %mul3A_573 = arith.constant 32 : i32
      %mul3A_574 = vector.broadcast %mul3A_573 : i32 to vector<16xi32>
      %mul3A_575 = arith.muli %gather3A_572, %mul3A_574 : vector<16xi32>
      %add3A_576 = arith.addi %mul3A_575, %add3A_15 : vector<16xi32>
      %gather3A_577 = tpu.vector_load_idx %arg8[%add3A_576] : memref<32000xi32, #tpu.memory_space<vmem>>[vector<16xi32>], vector<16xi32>,
      %shift_left3A_578 = arith.constant 16 : i32
      %shift_left3A_579 = vector.broadcast %shift_left3A_578 : i32 to vector<16xi32>
      %shift_left3A_580 = arith.shli %gather3A_577, %shift_left3A_579 : vector<16xi32>
      %bitcast3A_581 = vector.bitcast %shift_left3A_580 : vector<16xi32> to vector<16xf32>
      %and3A_582 = arith.andi %gather3A_577, %broadcast_in_dim3A_21 : vector<16xi32>
      %bitcast3A_583 = vector.bitcast %and3A_582 : vector<16xi32> to vector<16xf32>
      %add3A_584 = arith.addf %add3A_558, %bitcast3A_581 : vector<16xf32>
      %add3A_585 = arith.addf %add3A_559, %bitcast3A_583 : vector<16xf32>
      %add3A_586 = arith.addi %mul3A_575, %add3A_18 : vector<16xi32>
      %gather3A_587 = tpu.vector_load_idx %arg8[%add3A_586] : memref<32000xi32, #tpu.memory_space<vmem>>[vector<16xi32>], vector<16xi32>,
      %shift_left3A_588 = arith.constant 16 : i32
      %shift_left3A_589 = vector.broadcast %shift_left3A_588 : i32 to vector<16xi32>
      %shift_left3A_590 = arith.shli %gather3A_587, %shift_left3A_589 : vector<16xi32>
      %bitcast3A_591 = vector.bitcast %shift_left3A_590 : vector<16xi32> to vector<16xf32>
      %and3A_592 = arith.andi %gather3A_587, %broadcast_in_dim3A_21 : vector<16xi32>
      %bitcast3A_593 = vector.bitcast %and3A_592 : vector<16xi32> to vector<16xf32>
      %add3A_594 = arith.addf %add3A_568, %bitcast3A_591 : vector<16xf32>
      %add3A_595 = arith.addf %add3A_569, %bitcast3A_593 : vector<16xf32>
      %broadcast_in_dim3A_596 = arith.constant 18 : i32
      %broadcast_in_dim3A_597 = vector.broadcast %broadcast_in_dim3A_596 : i32 to vector<16xi32>
      %gather3A_598 = tpu.vector_load_idx %arg9[%broadcast_in_dim3A_597, %broadcast_in_dim3A_135] : memref<20x256xi32, #tpu.memory_space<vmem>>[vector<16xi32>, vector<16xi32>], vector<16xi32>,
      %mul3A_599 = arith.constant 32 : i32
      %mul3A_600 = vector.broadcast %mul3A_599 : i32 to vector<16xi32>
      %mul3A_601 = arith.muli %gather3A_598, %mul3A_600 : vector<16xi32>
      %add3A_602 = arith.addi %mul3A_601, %add3A_15 : vector<16xi32>
      %gather3A_603 = tpu.vector_load_idx %arg8[%add3A_602] : memref<32000xi32, #tpu.memory_space<vmem>>[vector<16xi32>], vector<16xi32>,
      %shift_left3A_604 = arith.constant 16 : i32
      %shift_left3A_605 = vector.broadcast %shift_left3A_604 : i32 to vector<16xi32>
      %shift_left3A_606 = arith.shli %gather3A_603, %shift_left3A_605 : vector<16xi32>
      %bitcast3A_607 = vector.bitcast %shift_left3A_606 : vector<16xi32> to vector<16xf32>
      %and3A_608 = arith.andi %gather3A_603, %broadcast_in_dim3A_21 : vector<16xi32>
      %bitcast3A_609 = vector.bitcast %and3A_608 : vector<16xi32> to vector<16xf32>
      %add3A_610 = arith.addf %add3A_584, %bitcast3A_607 : vector<16xf32>
      %add3A_611 = arith.addf %add3A_585, %bitcast3A_609 : vector<16xf32>
      %add3A_612 = arith.addi %mul3A_601, %add3A_18 : vector<16xi32>
      %gather3A_613 = tpu.vector_load_idx %arg8[%add3A_612] : memref<32000xi32, #tpu.memory_space<vmem>>[vector<16xi32>], vector<16xi32>,
      %shift_left3A_614 = arith.constant 16 : i32
      %shift_left3A_615 = vector.broadcast %shift_left3A_614 : i32 to vector<16xi32>
      %shift_left3A_616 = arith.shli %gather3A_613, %shift_left3A_615 : vector<16xi32>
      %bitcast3A_617 = vector.bitcast %shift_left3A_616 : vector<16xi32> to vector<16xf32>
      %and3A_618 = arith.andi %gather3A_613, %broadcast_in_dim3A_21 : vector<16xi32>
      %bitcast3A_619 = vector.bitcast %and3A_618 : vector<16xi32> to vector<16xf32>
      %add3A_620 = arith.addf %add3A_594, %bitcast3A_617 : vector<16xf32>
      %add3A_621 = arith.addf %add3A_595, %bitcast3A_619 : vector<16xf32>
      %broadcast_in_dim3A_622 = arith.constant 19 : i32
      %broadcast_in_dim3A_623 = vector.broadcast %broadcast_in_dim3A_622 : i32 to vector<16xi32>
      %gather3A_624 = tpu.vector_load_idx %arg9[%broadcast_in_dim3A_623, %broadcast_in_dim3A_135] : memref<20x256xi32, #tpu.memory_space<vmem>>[vector<16xi32>, vector<16xi32>], vector<16xi32>,
      %mul3A_625 = arith.constant 32 : i32
      %mul3A_626 = vector.broadcast %mul3A_625 : i32 to vector<16xi32>
      %mul3A_627 = arith.muli %gather3A_624, %mul3A_626 : vector<16xi32>
      %add3A_628 = arith.addi %mul3A_627, %add3A_15 : vector<16xi32>
      %gather3A_629 = tpu.vector_load_idx %arg8[%add3A_628] : memref<32000xi32, #tpu.memory_space<vmem>>[vector<16xi32>], vector<16xi32>,
      %shift_left3A_630 = arith.constant 16 : i32
      %shift_left3A_631 = vector.broadcast %shift_left3A_630 : i32 to vector<16xi32>
      %shift_left3A_632 = arith.shli %gather3A_629, %shift_left3A_631 : vector<16xi32>
      %bitcast3A_633 = vector.bitcast %shift_left3A_632 : vector<16xi32> to vector<16xf32>
      %and3A_634 = arith.andi %gather3A_629, %broadcast_in_dim3A_21 : vector<16xi32>
      %bitcast3A_635 = vector.bitcast %and3A_634 : vector<16xi32> to vector<16xf32>
      %add3A_636 = arith.addf %add3A_610, %bitcast3A_633 : vector<16xf32>
      %add3A_637 = arith.addf %add3A_611, %bitcast3A_635 : vector<16xf32>
      %add3A_638 = arith.addi %mul3A_627, %add3A_18 : vector<16xi32>
      %gather3A_639 = tpu.vector_load_idx %arg8[%add3A_638] : memref<32000xi32, #tpu.memory_space<vmem>>[vector<16xi32>], vector<16xi32>,
      %shift_left3A_640 = arith.constant 16 : i32
      %shift_left3A_641 = vector.broadcast %shift_left3A_640 : i32 to vector<16xi32>
      %shift_left3A_642 = arith.shli %gather3A_639, %shift_left3A_641 : vector<16xi32>
      %bitcast3A_643 = vector.bitcast %shift_left3A_642 : vector<16xi32> to vector<16xf32>
      %and3A_644 = arith.andi %gather3A_639, %broadcast_in_dim3A_21 : vector<16xi32>
      %bitcast3A_645 = vector.bitcast %and3A_644 : vector<16xi32> to vector<16xf32>
      %add3A_646 = arith.addf %add3A_620, %bitcast3A_643 : vector<16xf32>
      %add3A_647 = arith.addf %add3A_621, %bitcast3A_645 : vector<16xf32>
      %add3A_648 = arith.constant 0 : i32
      %add3A_649 = vector.broadcast %add3A_648 : i32 to vector<16xi32>
      %add3A_650 = arith.addi %mul3A_20, %add3A_649 : vector<16xi32>
      %mul3A_651 = vector.broadcast %scan3A_61 : f32 to vector<16xf32>
      %mul3A_652 = arith.mulf %add3A_636, %mul3A_651 : vector<16xf32>
      tpu.vector_store_idx %arg10[%broadcast_in_dim3A_135, %add3A_650], %mul3A_652 : memref<256x64xf32, #tpu.memory_space<vmem>>[vector<16xi32>, vector<16xi32>], vector<16xf32>,
      %add3A_653 = arith.constant 1 : i32
      %add3A_654 = vector.broadcast %add3A_653 : i32 to vector<16xi32>
      %add3A_655 = arith.addi %mul3A_20, %add3A_654 : vector<16xi32>
      %mul3A_656 = vector.broadcast %scan3A_61 : f32 to vector<16xf32>
      %mul3A_657 = arith.mulf %add3A_637, %mul3A_656 : vector<16xf32>
      tpu.vector_store_idx %arg10[%broadcast_in_dim3A_135, %add3A_655], %mul3A_657 : memref<256x64xf32, #tpu.memory_space<vmem>>[vector<16xi32>, vector<16xi32>], vector<16xf32>,
      %add3A_658 = arith.constant 32 : i32
      %add3A_659 = vector.broadcast %add3A_658 : i32 to vector<16xi32>
      %add3A_660 = arith.addi %mul3A_20, %add3A_659 : vector<16xi32>
      %mul3A_661 = vector.broadcast %scan3A_61 : f32 to vector<16xf32>
      %mul3A_662 = arith.mulf %add3A_646, %mul3A_661 : vector<16xf32>
      tpu.vector_store_idx %arg10[%broadcast_in_dim3A_135, %add3A_660], %mul3A_662 : memref<256x64xf32, #tpu.memory_space<vmem>>[vector<16xi32>, vector<16xi32>], vector<16xf32>,
      %add3A_663 = arith.constant 33 : i32
      %add3A_664 = vector.broadcast %add3A_663 : i32 to vector<16xi32>
      %add3A_665 = arith.addi %mul3A_20, %add3A_664 : vector<16xi32>
      %mul3A_666 = vector.broadcast %scan3A_61 : f32 to vector<16xf32>
      %mul3A_667 = arith.mulf %add3A_647, %mul3A_666 : vector<16xf32>
      tpu.vector_store_idx %arg10[%broadcast_in_dim3A_135, %add3A_665], %mul3A_667 : memref<256x64xf32, #tpu.memory_space<vmem>>[vector<16xi32>, vector<16xi32>], vector<16xf32>,
      %scan3A_668 = arith.constant 0 : i32
      scf.yield %scan3A_668 : i32
    }
    %scan3A_68 = arith.constant 256 : i32
    %convert_element_type3A_69 = arith.extui %eq3A_0 : i1 to i32
    %cond3A_70 = arith.constant 0 : i32
    %cond3A_71 = arith.cmpi ne, %convert_element_type3A_69, %cond3A_70 : i32
    scf.if %cond3A_71 {
      "tpu.region"() ({
        %run_scoped3A = tpu.sem_alloc : memref<!tpu.dma_semaphore, #tpu.memory_space<semaphore_mem>>
        %dma_start3A = arith.constant 0 : i32
        %dma_start3A_133 = tpu.memref_slice %arg6[%add3A_52, %dma_start3A] : memref<16384x64xf32, #tpu.memory_space<hbm>> -> memref<256x64xf32, #tpu.memory_space<hbm>>
        %dma_start3A_134 = arith.constant 0 : i32
        %dma_start3A_135 = tpu.memref_slice %arg6[%add3A_52, %dma_start3A_134] : memref<16384x64xf32, #tpu.memory_space<hbm>> -> memref<256x64xf32, #tpu.memory_space<hbm>>
        tpu.enqueue_dma source(%arg10 : memref<256x64xf32, #tpu.memory_space<vmem>>) target(%dma_start3A_135 : memref<256x64xf32, #tpu.memory_space<hbm>>) target_semaphore(%run_scoped3A : memref<!tpu.dma_semaphore, #tpu.memory_space<semaphore_mem>>)
        %dma_wait3A = arith.constant 0 : i32
        %dma_wait3A_136 = tpu.memref_slice %arg6[%add3A_52, %dma_wait3A] : memref<16384x64xf32, #tpu.memory_space<hbm>> -> memref<256x64xf32, #tpu.memory_space<hbm>>
        %dma_wait3A_137 = arith.constant 0 : i32
        %dma_wait3A_138 = tpu.memref_slice %arg6[%add3A_52, %dma_wait3A_137] : memref<16384x64xf32, #tpu.memory_space<hbm>> -> memref<256x64xf32, #tpu.memory_space<hbm>>
        tpu.wait_dma2 semaphore(%run_scoped3A : memref<!tpu.dma_semaphore, #tpu.memory_space<semaphore_mem>>) src(%arg10 : memref<256x64xf32, #tpu.memory_space<vmem>>) dst(%dma_wait3A_138 : memref<256x64xf32, #tpu.memory_space<hbm>>)
        tpu.yield
      }) : () -> ()
    } else {
    }
    %not3A_72 = arith.constant true
    %not3A_73 = arith.xori %eq3A_0, %not3A_72 : i1
    %convert_element_type3A_74 = arith.extui %not3A_73 : i1 to i32
    %cond3A_75 = arith.constant 0 : i32
    %cond3A_76 = arith.cmpi ne, %convert_element_type3A_74, %cond3A_75 : i32
    scf.if %cond3A_76 {
      "tpu.region"() ({
        %run_scoped3A = tpu.sem_alloc : memref<!tpu.dma_semaphore, #tpu.memory_space<semaphore_mem>>
        %dma_start3A = arith.constant 0 : i32
        %dma_start3A_133 = tpu.memref_slice %arg7[%add3A_52, %dma_start3A] : memref<16384x64xf32, #tpu.memory_space<hbm>> -> memref<256x64xf32, #tpu.memory_space<hbm>>
        %dma_start3A_134 = arith.constant 0 : i32
        %dma_start3A_135 = tpu.memref_slice %arg7[%add3A_52, %dma_start3A_134] : memref<16384x64xf32, #tpu.memory_space<hbm>> -> memref<256x64xf32, #tpu.memory_space<hbm>>
        tpu.enqueue_dma source(%arg10 : memref<256x64xf32, #tpu.memory_space<vmem>>) target(%dma_start3A_135 : memref<256x64xf32, #tpu.memory_space<hbm>>) target_semaphore(%run_scoped3A : memref<!tpu.dma_semaphore, #tpu.memory_space<semaphore_mem>>)
        %dma_wait3A = arith.constant 0 : i32
        %dma_wait3A_136 = tpu.memref_slice %arg7[%add3A_52, %dma_wait3A] : memref<16384x64xf32, #tpu.memory_space<hbm>> -> memref<256x64xf32, #tpu.memory_space<hbm>>
        %dma_wait3A_137 = arith.constant 0 : i32
        %dma_wait3A_138 = tpu.memref_slice %arg7[%add3A_52, %dma_wait3A_137] : memref<16384x64xf32, #tpu.memory_space<hbm>> -> memref<256x64xf32, #tpu.memory_space<hbm>>
        tpu.wait_dma2 semaphore(%run_scoped3A : memref<!tpu.dma_semaphore, #tpu.memory_space<semaphore_mem>>) src(%arg10 : memref<256x64xf32, #tpu.memory_space<vmem>>) dst(%dma_wait3A_138 : memref<256x64xf32, #tpu.memory_space<hbm>>)
        tpu.yield
      }) : () -> ()
    } else {
    }
    %mul3A_77 = arith.constant 1024 : i32
    %mul3A_78 = arith.muli %arg1, %mul3A_77 : i32
    %add3A_79 = arith.constant 512 : i32
    %add3A_80 = arith.addi %mul3A_78, %add3A_79 : i32
    %convert_element_type3A_81 = arith.extui %eq3A_0 : i1 to i32
    %cond3A_82 = arith.constant 0 : i32
    %cond3A_83 = arith.cmpi ne, %convert_element_type3A_81, %cond3A_82 : i32
    scf.if %cond3A_83 {
      "tpu.region"() ({
        %run_scoped3A = tpu.sem_alloc : memref<!tpu.dma_semaphore, #tpu.memory_space<semaphore_mem>>
        %dma_start3A = arith.constant 0 : i32
        %dma_start3A_133 = tpu.memref_slice %arg4[%dma_start3A, %add3A_80] : memref<20x16384xi32, #tpu.memory_space<hbm>> -> memref<20x256xi32, #tpu.memory_space<hbm>>
        %dma_start3A_134 = arith.constant 0 : i32
        %dma_start3A_135 = tpu.memref_slice %arg4[%dma_start3A_134, %add3A_80] : memref<20x16384xi32, #tpu.memory_space<hbm>> -> memref<20x256xi32, #tpu.memory_space<hbm>>
        tpu.enqueue_dma source(%dma_start3A_135 : memref<20x256xi32, #tpu.memory_space<hbm>>) target(%arg9 : memref<20x256xi32, #tpu.memory_space<vmem>>) target_semaphore(%run_scoped3A : memref<!tpu.dma_semaphore, #tpu.memory_space<semaphore_mem>>)
        %dma_wait3A = arith.constant 0 : i32
        %dma_wait3A_136 = tpu.memref_slice %arg4[%dma_wait3A, %add3A_80] : memref<20x16384xi32, #tpu.memory_space<hbm>> -> memref<20x256xi32, #tpu.memory_space<hbm>>
        %dma_wait3A_137 = arith.constant 0 : i32
        %dma_wait3A_138 = tpu.memref_slice %arg4[%dma_wait3A_137, %add3A_80] : memref<20x16384xi32, #tpu.memory_space<hbm>> -> memref<20x256xi32, #tpu.memory_space<hbm>>
        tpu.wait_dma2 semaphore(%run_scoped3A : memref<!tpu.dma_semaphore, #tpu.memory_space<semaphore_mem>>) src(%dma_wait3A_138 : memref<20x256xi32, #tpu.memory_space<hbm>>) dst(%arg9 : memref<20x256xi32, #tpu.memory_space<vmem>>)
        tpu.yield
      }) : () -> ()
    } else {
    }
    %not3A_84 = arith.constant true
    %not3A_85 = arith.xori %eq3A_0, %not3A_84 : i1
    %convert_element_type3A_86 = arith.extui %not3A_85 : i1 to i32
    %cond3A_87 = arith.constant 0 : i32
    %cond3A_88 = arith.cmpi ne, %convert_element_type3A_86, %cond3A_87 : i32
    scf.if %cond3A_88 {
      "tpu.region"() ({
        %run_scoped3A = tpu.sem_alloc : memref<!tpu.dma_semaphore, #tpu.memory_space<semaphore_mem>>
        %dma_start3A = arith.constant 0 : i32
        %dma_start3A_133 = tpu.memref_slice %arg5[%dma_start3A, %add3A_80] : memref<20x16384xi32, #tpu.memory_space<hbm>> -> memref<20x256xi32, #tpu.memory_space<hbm>>
        %dma_start3A_134 = arith.constant 0 : i32
        %dma_start3A_135 = tpu.memref_slice %arg5[%dma_start3A_134, %add3A_80] : memref<20x16384xi32, #tpu.memory_space<hbm>> -> memref<20x256xi32, #tpu.memory_space<hbm>>
        tpu.enqueue_dma source(%dma_start3A_135 : memref<20x256xi32, #tpu.memory_space<hbm>>) target(%arg9 : memref<20x256xi32, #tpu.memory_space<vmem>>) target_semaphore(%run_scoped3A : memref<!tpu.dma_semaphore, #tpu.memory_space<semaphore_mem>>)
        %dma_wait3A = arith.constant 0 : i32
        %dma_wait3A_136 = tpu.memref_slice %arg5[%dma_wait3A, %add3A_80] : memref<20x16384xi32, #tpu.memory_space<hbm>> -> memref<20x256xi32, #tpu.memory_space<hbm>>
        %dma_wait3A_137 = arith.constant 0 : i32
        %dma_wait3A_138 = tpu.memref_slice %arg5[%dma_wait3A_137, %add3A_80] : memref<20x16384xi32, #tpu.memory_space<hbm>> -> memref<20x256xi32, #tpu.memory_space<hbm>>
        tpu.wait_dma2 semaphore(%run_scoped3A : memref<!tpu.dma_semaphore, #tpu.memory_space<semaphore_mem>>) src(%dma_wait3A_138 : memref<20x256xi32, #tpu.memory_space<hbm>>) dst(%arg9 : memref<20x256xi32, #tpu.memory_space<vmem>>)
        tpu.yield
      }) : () -> ()
    } else {
    }
    %scan3A_89 = arith.constant 5.000000e-02 : f32
    %scan3A_90 = arith.constant 0 : i32
    %scan3A_91 = arith.constant 0 : i32
    %scan3A_92 = arith.constant 256 : i32
    %scan3A_93 = arith.addi %scan3A_91, %scan3A_92 : i32
    %scan3A_94 = arith.constant 1 : i32
    %scan3A_95 = scf.for %scan3A_133 = %scan3A_91 to %scan3A_93 step %scan3A_94 iter_args(%scan3A_134 = %scan3A_90) -> (i32)  : i32 {
      %broadcast_in_dim3A_135 = vector.broadcast %scan3A_133 : i32 to vector<16xi32>
      %broadcast_in_dim3A_136 = arith.constant 0 : i32
      %broadcast_in_dim3A_137 = vector.broadcast %broadcast_in_dim3A_136 : i32 to vector<16xi32>
      %gather3A = tpu.vector_load_idx %arg9[%broadcast_in_dim3A_137, %broadcast_in_dim3A_135] : memref<20x256xi32, #tpu.memory_space<vmem>>[vector<16xi32>, vector<16xi32>], vector<16xi32>,
      %mul3A_138 = arith.constant 32 : i32
      %mul3A_139 = vector.broadcast %mul3A_138 : i32 to vector<16xi32>
      %mul3A_140 = arith.muli %gather3A, %mul3A_139 : vector<16xi32>
      %add3A_141 = arith.addi %mul3A_140, %add3A_15 : vector<16xi32>
      %gather3A_142 = tpu.vector_load_idx %arg8[%add3A_141] : memref<32000xi32, #tpu.memory_space<vmem>>[vector<16xi32>], vector<16xi32>,
      %shift_left3A = arith.constant 16 : i32
      %shift_left3A_143 = vector.broadcast %shift_left3A : i32 to vector<16xi32>
      %shift_left3A_144 = arith.shli %gather3A_142, %shift_left3A_143 : vector<16xi32>
      %bitcast3A = vector.bitcast %shift_left3A_144 : vector<16xi32> to vector<16xf32>
      %and3A = arith.andi %gather3A_142, %broadcast_in_dim3A_21 : vector<16xi32>
      %bitcast3A_145 = vector.bitcast %and3A : vector<16xi32> to vector<16xf32>
      %add3A_146 = arith.addi %mul3A_140, %add3A_18 : vector<16xi32>
      %gather3A_147 = tpu.vector_load_idx %arg8[%add3A_146] : memref<32000xi32, #tpu.memory_space<vmem>>[vector<16xi32>], vector<16xi32>,
      %shift_left3A_148 = arith.constant 16 : i32
      %shift_left3A_149 = vector.broadcast %shift_left3A_148 : i32 to vector<16xi32>
      %shift_left3A_150 = arith.shli %gather3A_147, %shift_left3A_149 : vector<16xi32>
      %bitcast3A_151 = vector.bitcast %shift_left3A_150 : vector<16xi32> to vector<16xf32>
      %and3A_152 = arith.andi %gather3A_147, %broadcast_in_dim3A_21 : vector<16xi32>
      %bitcast3A_153 = vector.bitcast %and3A_152 : vector<16xi32> to vector<16xf32>
      %broadcast_in_dim3A_154 = arith.constant 1 : i32
      %broadcast_in_dim3A_155 = vector.broadcast %broadcast_in_dim3A_154 : i32 to vector<16xi32>
      %gather3A_156 = tpu.vector_load_idx %arg9[%broadcast_in_dim3A_155, %broadcast_in_dim3A_135] : memref<20x256xi32, #tpu.memory_space<vmem>>[vector<16xi32>, vector<16xi32>], vector<16xi32>,
      %mul3A_157 = arith.constant 32 : i32
      %mul3A_158 = vector.broadcast %mul3A_157 : i32 to vector<16xi32>
      %mul3A_159 = arith.muli %gather3A_156, %mul3A_158 : vector<16xi32>
      %add3A_160 = arith.addi %mul3A_159, %add3A_15 : vector<16xi32>
      %gather3A_161 = tpu.vector_load_idx %arg8[%add3A_160] : memref<32000xi32, #tpu.memory_space<vmem>>[vector<16xi32>], vector<16xi32>,
      %shift_left3A_162 = arith.constant 16 : i32
      %shift_left3A_163 = vector.broadcast %shift_left3A_162 : i32 to vector<16xi32>
      %shift_left3A_164 = arith.shli %gather3A_161, %shift_left3A_163 : vector<16xi32>
      %bitcast3A_165 = vector.bitcast %shift_left3A_164 : vector<16xi32> to vector<16xf32>
      %and3A_166 = arith.andi %gather3A_161, %broadcast_in_dim3A_21 : vector<16xi32>
      %bitcast3A_167 = vector.bitcast %and3A_166 : vector<16xi32> to vector<16xf32>
      %add3A_168 = arith.addf %bitcast3A, %bitcast3A_165 : vector<16xf32>
      %add3A_169 = arith.addf %bitcast3A_145, %bitcast3A_167 : vector<16xf32>
      %add3A_170 = arith.addi %mul3A_159, %add3A_18 : vector<16xi32>
      %gather3A_171 = tpu.vector_load_idx %arg8[%add3A_170] : memref<32000xi32, #tpu.memory_space<vmem>>[vector<16xi32>], vector<16xi32>,
      %shift_left3A_172 = arith.constant 16 : i32
      %shift_left3A_173 = vector.broadcast %shift_left3A_172 : i32 to vector<16xi32>
      %shift_left3A_174 = arith.shli %gather3A_171, %shift_left3A_173 : vector<16xi32>
      %bitcast3A_175 = vector.bitcast %shift_left3A_174 : vector<16xi32> to vector<16xf32>
      %and3A_176 = arith.andi %gather3A_171, %broadcast_in_dim3A_21 : vector<16xi32>
      %bitcast3A_177 = vector.bitcast %and3A_176 : vector<16xi32> to vector<16xf32>
      %add3A_178 = arith.addf %bitcast3A_151, %bitcast3A_175 : vector<16xf32>
      %add3A_179 = arith.addf %bitcast3A_153, %bitcast3A_177 : vector<16xf32>
      %broadcast_in_dim3A_180 = arith.constant 2 : i32
      %broadcast_in_dim3A_181 = vector.broadcast %broadcast_in_dim3A_180 : i32 to vector<16xi32>
      %gather3A_182 = tpu.vector_load_idx %arg9[%broadcast_in_dim3A_181, %broadcast_in_dim3A_135] : memref<20x256xi32, #tpu.memory_space<vmem>>[vector<16xi32>, vector<16xi32>], vector<16xi32>,
      %mul3A_183 = arith.constant 32 : i32
      %mul3A_184 = vector.broadcast %mul3A_183 : i32 to vector<16xi32>
      %mul3A_185 = arith.muli %gather3A_182, %mul3A_184 : vector<16xi32>
      %add3A_186 = arith.addi %mul3A_185, %add3A_15 : vector<16xi32>
      %gather3A_187 = tpu.vector_load_idx %arg8[%add3A_186] : memref<32000xi32, #tpu.memory_space<vmem>>[vector<16xi32>], vector<16xi32>,
      %shift_left3A_188 = arith.constant 16 : i32
      %shift_left3A_189 = vector.broadcast %shift_left3A_188 : i32 to vector<16xi32>
      %shift_left3A_190 = arith.shli %gather3A_187, %shift_left3A_189 : vector<16xi32>
      %bitcast3A_191 = vector.bitcast %shift_left3A_190 : vector<16xi32> to vector<16xf32>
      %and3A_192 = arith.andi %gather3A_187, %broadcast_in_dim3A_21 : vector<16xi32>
      %bitcast3A_193 = vector.bitcast %and3A_192 : vector<16xi32> to vector<16xf32>
      %add3A_194 = arith.addf %add3A_168, %bitcast3A_191 : vector<16xf32>
      %add3A_195 = arith.addf %add3A_169, %bitcast3A_193 : vector<16xf32>
      %add3A_196 = arith.addi %mul3A_185, %add3A_18 : vector<16xi32>
      %gather3A_197 = tpu.vector_load_idx %arg8[%add3A_196] : memref<32000xi32, #tpu.memory_space<vmem>>[vector<16xi32>], vector<16xi32>,
      %shift_left3A_198 = arith.constant 16 : i32
      %shift_left3A_199 = vector.broadcast %shift_left3A_198 : i32 to vector<16xi32>
      %shift_left3A_200 = arith.shli %gather3A_197, %shift_left3A_199 : vector<16xi32>
      %bitcast3A_201 = vector.bitcast %shift_left3A_200 : vector<16xi32> to vector<16xf32>
      %and3A_202 = arith.andi %gather3A_197, %broadcast_in_dim3A_21 : vector<16xi32>
      %bitcast3A_203 = vector.bitcast %and3A_202 : vector<16xi32> to vector<16xf32>
      %add3A_204 = arith.addf %add3A_178, %bitcast3A_201 : vector<16xf32>
      %add3A_205 = arith.addf %add3A_179, %bitcast3A_203 : vector<16xf32>
      %broadcast_in_dim3A_206 = arith.constant 3 : i32
      %broadcast_in_dim3A_207 = vector.broadcast %broadcast_in_dim3A_206 : i32 to vector<16xi32>
      %gather3A_208 = tpu.vector_load_idx %arg9[%broadcast_in_dim3A_207, %broadcast_in_dim3A_135] : memref<20x256xi32, #tpu.memory_space<vmem>>[vector<16xi32>, vector<16xi32>], vector<16xi32>,
      %mul3A_209 = arith.constant 32 : i32
      %mul3A_210 = vector.broadcast %mul3A_209 : i32 to vector<16xi32>
      %mul3A_211 = arith.muli %gather3A_208, %mul3A_210 : vector<16xi32>
      %add3A_212 = arith.addi %mul3A_211, %add3A_15 : vector<16xi32>
      %gather3A_213 = tpu.vector_load_idx %arg8[%add3A_212] : memref<32000xi32, #tpu.memory_space<vmem>>[vector<16xi32>], vector<16xi32>,
      %shift_left3A_214 = arith.constant 16 : i32
      %shift_left3A_215 = vector.broadcast %shift_left3A_214 : i32 to vector<16xi32>
      %shift_left3A_216 = arith.shli %gather3A_213, %shift_left3A_215 : vector<16xi32>
      %bitcast3A_217 = vector.bitcast %shift_left3A_216 : vector<16xi32> to vector<16xf32>
      %and3A_218 = arith.andi %gather3A_213, %broadcast_in_dim3A_21 : vector<16xi32>
      %bitcast3A_219 = vector.bitcast %and3A_218 : vector<16xi32> to vector<16xf32>
      %add3A_220 = arith.addf %add3A_194, %bitcast3A_217 : vector<16xf32>
      %add3A_221 = arith.addf %add3A_195, %bitcast3A_219 : vector<16xf32>
      %add3A_222 = arith.addi %mul3A_211, %add3A_18 : vector<16xi32>
      %gather3A_223 = tpu.vector_load_idx %arg8[%add3A_222] : memref<32000xi32, #tpu.memory_space<vmem>>[vector<16xi32>], vector<16xi32>,
      %shift_left3A_224 = arith.constant 16 : i32
      %shift_left3A_225 = vector.broadcast %shift_left3A_224 : i32 to vector<16xi32>
      %shift_left3A_226 = arith.shli %gather3A_223, %shift_left3A_225 : vector<16xi32>
      %bitcast3A_227 = vector.bitcast %shift_left3A_226 : vector<16xi32> to vector<16xf32>
      %and3A_228 = arith.andi %gather3A_223, %broadcast_in_dim3A_21 : vector<16xi32>
      %bitcast3A_229 = vector.bitcast %and3A_228 : vector<16xi32> to vector<16xf32>
      %add3A_230 = arith.addf %add3A_204, %bitcast3A_227 : vector<16xf32>
      %add3A_231 = arith.addf %add3A_205, %bitcast3A_229 : vector<16xf32>
      %broadcast_in_dim3A_232 = arith.constant 4 : i32
      %broadcast_in_dim3A_233 = vector.broadcast %broadcast_in_dim3A_232 : i32 to vector<16xi32>
      %gather3A_234 = tpu.vector_load_idx %arg9[%broadcast_in_dim3A_233, %broadcast_in_dim3A_135] : memref<20x256xi32, #tpu.memory_space<vmem>>[vector<16xi32>, vector<16xi32>], vector<16xi32>,
      %mul3A_235 = arith.constant 32 : i32
      %mul3A_236 = vector.broadcast %mul3A_235 : i32 to vector<16xi32>
      %mul3A_237 = arith.muli %gather3A_234, %mul3A_236 : vector<16xi32>
      %add3A_238 = arith.addi %mul3A_237, %add3A_15 : vector<16xi32>
      %gather3A_239 = tpu.vector_load_idx %arg8[%add3A_238] : memref<32000xi32, #tpu.memory_space<vmem>>[vector<16xi32>], vector<16xi32>,
      %shift_left3A_240 = arith.constant 16 : i32
      %shift_left3A_241 = vector.broadcast %shift_left3A_240 : i32 to vector<16xi32>
      %shift_left3A_242 = arith.shli %gather3A_239, %shift_left3A_241 : vector<16xi32>
      %bitcast3A_243 = vector.bitcast %shift_left3A_242 : vector<16xi32> to vector<16xf32>
      %and3A_244 = arith.andi %gather3A_239, %broadcast_in_dim3A_21 : vector<16xi32>
      %bitcast3A_245 = vector.bitcast %and3A_244 : vector<16xi32> to vector<16xf32>
      %add3A_246 = arith.addf %add3A_220, %bitcast3A_243 : vector<16xf32>
      %add3A_247 = arith.addf %add3A_221, %bitcast3A_245 : vector<16xf32>
      %add3A_248 = arith.addi %mul3A_237, %add3A_18 : vector<16xi32>
      %gather3A_249 = tpu.vector_load_idx %arg8[%add3A_248] : memref<32000xi32, #tpu.memory_space<vmem>>[vector<16xi32>], vector<16xi32>,
      %shift_left3A_250 = arith.constant 16 : i32
      %shift_left3A_251 = vector.broadcast %shift_left3A_250 : i32 to vector<16xi32>
      %shift_left3A_252 = arith.shli %gather3A_249, %shift_left3A_251 : vector<16xi32>
      %bitcast3A_253 = vector.bitcast %shift_left3A_252 : vector<16xi32> to vector<16xf32>
      %and3A_254 = arith.andi %gather3A_249, %broadcast_in_dim3A_21 : vector<16xi32>
      %bitcast3A_255 = vector.bitcast %and3A_254 : vector<16xi32> to vector<16xf32>
      %add3A_256 = arith.addf %add3A_230, %bitcast3A_253 : vector<16xf32>
      %add3A_257 = arith.addf %add3A_231, %bitcast3A_255 : vector<16xf32>
      %broadcast_in_dim3A_258 = arith.constant 5 : i32
      %broadcast_in_dim3A_259 = vector.broadcast %broadcast_in_dim3A_258 : i32 to vector<16xi32>
      %gather3A_260 = tpu.vector_load_idx %arg9[%broadcast_in_dim3A_259, %broadcast_in_dim3A_135] : memref<20x256xi32, #tpu.memory_space<vmem>>[vector<16xi32>, vector<16xi32>], vector<16xi32>,
      %mul3A_261 = arith.constant 32 : i32
      %mul3A_262 = vector.broadcast %mul3A_261 : i32 to vector<16xi32>
      %mul3A_263 = arith.muli %gather3A_260, %mul3A_262 : vector<16xi32>
      %add3A_264 = arith.addi %mul3A_263, %add3A_15 : vector<16xi32>
      %gather3A_265 = tpu.vector_load_idx %arg8[%add3A_264] : memref<32000xi32, #tpu.memory_space<vmem>>[vector<16xi32>], vector<16xi32>,
      %shift_left3A_266 = arith.constant 16 : i32
      %shift_left3A_267 = vector.broadcast %shift_left3A_266 : i32 to vector<16xi32>
      %shift_left3A_268 = arith.shli %gather3A_265, %shift_left3A_267 : vector<16xi32>
      %bitcast3A_269 = vector.bitcast %shift_left3A_268 : vector<16xi32> to vector<16xf32>
      %and3A_270 = arith.andi %gather3A_265, %broadcast_in_dim3A_21 : vector<16xi32>
      %bitcast3A_271 = vector.bitcast %and3A_270 : vector<16xi32> to vector<16xf32>
      %add3A_272 = arith.addf %add3A_246, %bitcast3A_269 : vector<16xf32>
      %add3A_273 = arith.addf %add3A_247, %bitcast3A_271 : vector<16xf32>
      %add3A_274 = arith.addi %mul3A_263, %add3A_18 : vector<16xi32>
      %gather3A_275 = tpu.vector_load_idx %arg8[%add3A_274] : memref<32000xi32, #tpu.memory_space<vmem>>[vector<16xi32>], vector<16xi32>,
      %shift_left3A_276 = arith.constant 16 : i32
      %shift_left3A_277 = vector.broadcast %shift_left3A_276 : i32 to vector<16xi32>
      %shift_left3A_278 = arith.shli %gather3A_275, %shift_left3A_277 : vector<16xi32>
      %bitcast3A_279 = vector.bitcast %shift_left3A_278 : vector<16xi32> to vector<16xf32>
      %and3A_280 = arith.andi %gather3A_275, %broadcast_in_dim3A_21 : vector<16xi32>
      %bitcast3A_281 = vector.bitcast %and3A_280 : vector<16xi32> to vector<16xf32>
      %add3A_282 = arith.addf %add3A_256, %bitcast3A_279 : vector<16xf32>
      %add3A_283 = arith.addf %add3A_257, %bitcast3A_281 : vector<16xf32>
      %broadcast_in_dim3A_284 = arith.constant 6 : i32
      %broadcast_in_dim3A_285 = vector.broadcast %broadcast_in_dim3A_284 : i32 to vector<16xi32>
      %gather3A_286 = tpu.vector_load_idx %arg9[%broadcast_in_dim3A_285, %broadcast_in_dim3A_135] : memref<20x256xi32, #tpu.memory_space<vmem>>[vector<16xi32>, vector<16xi32>], vector<16xi32>,
      %mul3A_287 = arith.constant 32 : i32
      %mul3A_288 = vector.broadcast %mul3A_287 : i32 to vector<16xi32>
      %mul3A_289 = arith.muli %gather3A_286, %mul3A_288 : vector<16xi32>
      %add3A_290 = arith.addi %mul3A_289, %add3A_15 : vector<16xi32>
      %gather3A_291 = tpu.vector_load_idx %arg8[%add3A_290] : memref<32000xi32, #tpu.memory_space<vmem>>[vector<16xi32>], vector<16xi32>,
      %shift_left3A_292 = arith.constant 16 : i32
      %shift_left3A_293 = vector.broadcast %shift_left3A_292 : i32 to vector<16xi32>
      %shift_left3A_294 = arith.shli %gather3A_291, %shift_left3A_293 : vector<16xi32>
      %bitcast3A_295 = vector.bitcast %shift_left3A_294 : vector<16xi32> to vector<16xf32>
      %and3A_296 = arith.andi %gather3A_291, %broadcast_in_dim3A_21 : vector<16xi32>
      %bitcast3A_297 = vector.bitcast %and3A_296 : vector<16xi32> to vector<16xf32>
      %add3A_298 = arith.addf %add3A_272, %bitcast3A_295 : vector<16xf32>
      %add3A_299 = arith.addf %add3A_273, %bitcast3A_297 : vector<16xf32>
      %add3A_300 = arith.addi %mul3A_289, %add3A_18 : vector<16xi32>
      %gather3A_301 = tpu.vector_load_idx %arg8[%add3A_300] : memref<32000xi32, #tpu.memory_space<vmem>>[vector<16xi32>], vector<16xi32>,
      %shift_left3A_302 = arith.constant 16 : i32
      %shift_left3A_303 = vector.broadcast %shift_left3A_302 : i32 to vector<16xi32>
      %shift_left3A_304 = arith.shli %gather3A_301, %shift_left3A_303 : vector<16xi32>
      %bitcast3A_305 = vector.bitcast %shift_left3A_304 : vector<16xi32> to vector<16xf32>
      %and3A_306 = arith.andi %gather3A_301, %broadcast_in_dim3A_21 : vector<16xi32>
      %bitcast3A_307 = vector.bitcast %and3A_306 : vector<16xi32> to vector<16xf32>
      %add3A_308 = arith.addf %add3A_282, %bitcast3A_305 : vector<16xf32>
      %add3A_309 = arith.addf %add3A_283, %bitcast3A_307 : vector<16xf32>
      %broadcast_in_dim3A_310 = arith.constant 7 : i32
      %broadcast_in_dim3A_311 = vector.broadcast %broadcast_in_dim3A_310 : i32 to vector<16xi32>
      %gather3A_312 = tpu.vector_load_idx %arg9[%broadcast_in_dim3A_311, %broadcast_in_dim3A_135] : memref<20x256xi32, #tpu.memory_space<vmem>>[vector<16xi32>, vector<16xi32>], vector<16xi32>,
      %mul3A_313 = arith.constant 32 : i32
      %mul3A_314 = vector.broadcast %mul3A_313 : i32 to vector<16xi32>
      %mul3A_315 = arith.muli %gather3A_312, %mul3A_314 : vector<16xi32>
      %add3A_316 = arith.addi %mul3A_315, %add3A_15 : vector<16xi32>
      %gather3A_317 = tpu.vector_load_idx %arg8[%add3A_316] : memref<32000xi32, #tpu.memory_space<vmem>>[vector<16xi32>], vector<16xi32>,
      %shift_left3A_318 = arith.constant 16 : i32
      %shift_left3A_319 = vector.broadcast %shift_left3A_318 : i32 to vector<16xi32>
      %shift_left3A_320 = arith.shli %gather3A_317, %shift_left3A_319 : vector<16xi32>
      %bitcast3A_321 = vector.bitcast %shift_left3A_320 : vector<16xi32> to vector<16xf32>
      %and3A_322 = arith.andi %gather3A_317, %broadcast_in_dim3A_21 : vector<16xi32>
      %bitcast3A_323 = vector.bitcast %and3A_322 : vector<16xi32> to vector<16xf32>
      %add3A_324 = arith.addf %add3A_298, %bitcast3A_321 : vector<16xf32>
      %add3A_325 = arith.addf %add3A_299, %bitcast3A_323 : vector<16xf32>
      %add3A_326 = arith.addi %mul3A_315, %add3A_18 : vector<16xi32>
      %gather3A_327 = tpu.vector_load_idx %arg8[%add3A_326] : memref<32000xi32, #tpu.memory_space<vmem>>[vector<16xi32>], vector<16xi32>,
      %shift_left3A_328 = arith.constant 16 : i32
      %shift_left3A_329 = vector.broadcast %shift_left3A_328 : i32 to vector<16xi32>
      %shift_left3A_330 = arith.shli %gather3A_327, %shift_left3A_329 : vector<16xi32>
      %bitcast3A_331 = vector.bitcast %shift_left3A_330 : vector<16xi32> to vector<16xf32>
      %and3A_332 = arith.andi %gather3A_327, %broadcast_in_dim3A_21 : vector<16xi32>
      %bitcast3A_333 = vector.bitcast %and3A_332 : vector<16xi32> to vector<16xf32>
      %add3A_334 = arith.addf %add3A_308, %bitcast3A_331 : vector<16xf32>
      %add3A_335 = arith.addf %add3A_309, %bitcast3A_333 : vector<16xf32>
      %broadcast_in_dim3A_336 = arith.constant 8 : i32
      %broadcast_in_dim3A_337 = vector.broadcast %broadcast_in_dim3A_336 : i32 to vector<16xi32>
      %gather3A_338 = tpu.vector_load_idx %arg9[%broadcast_in_dim3A_337, %broadcast_in_dim3A_135] : memref<20x256xi32, #tpu.memory_space<vmem>>[vector<16xi32>, vector<16xi32>], vector<16xi32>,
      %mul3A_339 = arith.constant 32 : i32
      %mul3A_340 = vector.broadcast %mul3A_339 : i32 to vector<16xi32>
      %mul3A_341 = arith.muli %gather3A_338, %mul3A_340 : vector<16xi32>
      %add3A_342 = arith.addi %mul3A_341, %add3A_15 : vector<16xi32>
      %gather3A_343 = tpu.vector_load_idx %arg8[%add3A_342] : memref<32000xi32, #tpu.memory_space<vmem>>[vector<16xi32>], vector<16xi32>,
      %shift_left3A_344 = arith.constant 16 : i32
      %shift_left3A_345 = vector.broadcast %shift_left3A_344 : i32 to vector<16xi32>
      %shift_left3A_346 = arith.shli %gather3A_343, %shift_left3A_345 : vector<16xi32>
      %bitcast3A_347 = vector.bitcast %shift_left3A_346 : vector<16xi32> to vector<16xf32>
      %and3A_348 = arith.andi %gather3A_343, %broadcast_in_dim3A_21 : vector<16xi32>
      %bitcast3A_349 = vector.bitcast %and3A_348 : vector<16xi32> to vector<16xf32>
      %add3A_350 = arith.addf %add3A_324, %bitcast3A_347 : vector<16xf32>
      %add3A_351 = arith.addf %add3A_325, %bitcast3A_349 : vector<16xf32>
      %add3A_352 = arith.addi %mul3A_341, %add3A_18 : vector<16xi32>
      %gather3A_353 = tpu.vector_load_idx %arg8[%add3A_352] : memref<32000xi32, #tpu.memory_space<vmem>>[vector<16xi32>], vector<16xi32>,
      %shift_left3A_354 = arith.constant 16 : i32
      %shift_left3A_355 = vector.broadcast %shift_left3A_354 : i32 to vector<16xi32>
      %shift_left3A_356 = arith.shli %gather3A_353, %shift_left3A_355 : vector<16xi32>
      %bitcast3A_357 = vector.bitcast %shift_left3A_356 : vector<16xi32> to vector<16xf32>
      %and3A_358 = arith.andi %gather3A_353, %broadcast_in_dim3A_21 : vector<16xi32>
      %bitcast3A_359 = vector.bitcast %and3A_358 : vector<16xi32> to vector<16xf32>
      %add3A_360 = arith.addf %add3A_334, %bitcast3A_357 : vector<16xf32>
      %add3A_361 = arith.addf %add3A_335, %bitcast3A_359 : vector<16xf32>
      %broadcast_in_dim3A_362 = arith.constant 9 : i32
      %broadcast_in_dim3A_363 = vector.broadcast %broadcast_in_dim3A_362 : i32 to vector<16xi32>
      %gather3A_364 = tpu.vector_load_idx %arg9[%broadcast_in_dim3A_363, %broadcast_in_dim3A_135] : memref<20x256xi32, #tpu.memory_space<vmem>>[vector<16xi32>, vector<16xi32>], vector<16xi32>,
      %mul3A_365 = arith.constant 32 : i32
      %mul3A_366 = vector.broadcast %mul3A_365 : i32 to vector<16xi32>
      %mul3A_367 = arith.muli %gather3A_364, %mul3A_366 : vector<16xi32>
      %add3A_368 = arith.addi %mul3A_367, %add3A_15 : vector<16xi32>
      %gather3A_369 = tpu.vector_load_idx %arg8[%add3A_368] : memref<32000xi32, #tpu.memory_space<vmem>>[vector<16xi32>], vector<16xi32>,
      %shift_left3A_370 = arith.constant 16 : i32
      %shift_left3A_371 = vector.broadcast %shift_left3A_370 : i32 to vector<16xi32>
      %shift_left3A_372 = arith.shli %gather3A_369, %shift_left3A_371 : vector<16xi32>
      %bitcast3A_373 = vector.bitcast %shift_left3A_372 : vector<16xi32> to vector<16xf32>
      %and3A_374 = arith.andi %gather3A_369, %broadcast_in_dim3A_21 : vector<16xi32>
      %bitcast3A_375 = vector.bitcast %and3A_374 : vector<16xi32> to vector<16xf32>
      %add3A_376 = arith.addf %add3A_350, %bitcast3A_373 : vector<16xf32>
      %add3A_377 = arith.addf %add3A_351, %bitcast3A_375 : vector<16xf32>
      %add3A_378 = arith.addi %mul3A_367, %add3A_18 : vector<16xi32>
      %gather3A_379 = tpu.vector_load_idx %arg8[%add3A_378] : memref<32000xi32, #tpu.memory_space<vmem>>[vector<16xi32>], vector<16xi32>,
      %shift_left3A_380 = arith.constant 16 : i32
      %shift_left3A_381 = vector.broadcast %shift_left3A_380 : i32 to vector<16xi32>
      %shift_left3A_382 = arith.shli %gather3A_379, %shift_left3A_381 : vector<16xi32>
      %bitcast3A_383 = vector.bitcast %shift_left3A_382 : vector<16xi32> to vector<16xf32>
      %and3A_384 = arith.andi %gather3A_379, %broadcast_in_dim3A_21 : vector<16xi32>
      %bitcast3A_385 = vector.bitcast %and3A_384 : vector<16xi32> to vector<16xf32>
      %add3A_386 = arith.addf %add3A_360, %bitcast3A_383 : vector<16xf32>
      %add3A_387 = arith.addf %add3A_361, %bitcast3A_385 : vector<16xf32>
      %broadcast_in_dim3A_388 = arith.constant 10 : i32
      %broadcast_in_dim3A_389 = vector.broadcast %broadcast_in_dim3A_388 : i32 to vector<16xi32>
      %gather3A_390 = tpu.vector_load_idx %arg9[%broadcast_in_dim3A_389, %broadcast_in_dim3A_135] : memref<20x256xi32, #tpu.memory_space<vmem>>[vector<16xi32>, vector<16xi32>], vector<16xi32>,
      %mul3A_391 = arith.constant 32 : i32
      %mul3A_392 = vector.broadcast %mul3A_391 : i32 to vector<16xi32>
      %mul3A_393 = arith.muli %gather3A_390, %mul3A_392 : vector<16xi32>
      %add3A_394 = arith.addi %mul3A_393, %add3A_15 : vector<16xi32>
      %gather3A_395 = tpu.vector_load_idx %arg8[%add3A_394] : memref<32000xi32, #tpu.memory_space<vmem>>[vector<16xi32>], vector<16xi32>,
      %shift_left3A_396 = arith.constant 16 : i32
      %shift_left3A_397 = vector.broadcast %shift_left3A_396 : i32 to vector<16xi32>
      %shift_left3A_398 = arith.shli %gather3A_395, %shift_left3A_397 : vector<16xi32>
      %bitcast3A_399 = vector.bitcast %shift_left3A_398 : vector<16xi32> to vector<16xf32>
      %and3A_400 = arith.andi %gather3A_395, %broadcast_in_dim3A_21 : vector<16xi32>
      %bitcast3A_401 = vector.bitcast %and3A_400 : vector<16xi32> to vector<16xf32>
      %add3A_402 = arith.addf %add3A_376, %bitcast3A_399 : vector<16xf32>
      %add3A_403 = arith.addf %add3A_377, %bitcast3A_401 : vector<16xf32>
      %add3A_404 = arith.addi %mul3A_393, %add3A_18 : vector<16xi32>
      %gather3A_405 = tpu.vector_load_idx %arg8[%add3A_404] : memref<32000xi32, #tpu.memory_space<vmem>>[vector<16xi32>], vector<16xi32>,
      %shift_left3A_406 = arith.constant 16 : i32
      %shift_left3A_407 = vector.broadcast %shift_left3A_406 : i32 to vector<16xi32>
      %shift_left3A_408 = arith.shli %gather3A_405, %shift_left3A_407 : vector<16xi32>
      %bitcast3A_409 = vector.bitcast %shift_left3A_408 : vector<16xi32> to vector<16xf32>
      %and3A_410 = arith.andi %gather3A_405, %broadcast_in_dim3A_21 : vector<16xi32>
      %bitcast3A_411 = vector.bitcast %and3A_410 : vector<16xi32> to vector<16xf32>
      %add3A_412 = arith.addf %add3A_386, %bitcast3A_409 : vector<16xf32>
      %add3A_413 = arith.addf %add3A_387, %bitcast3A_411 : vector<16xf32>
      %broadcast_in_dim3A_414 = arith.constant 11 : i32
      %broadcast_in_dim3A_415 = vector.broadcast %broadcast_in_dim3A_414 : i32 to vector<16xi32>
      %gather3A_416 = tpu.vector_load_idx %arg9[%broadcast_in_dim3A_415, %broadcast_in_dim3A_135] : memref<20x256xi32, #tpu.memory_space<vmem>>[vector<16xi32>, vector<16xi32>], vector<16xi32>,
      %mul3A_417 = arith.constant 32 : i32
      %mul3A_418 = vector.broadcast %mul3A_417 : i32 to vector<16xi32>
      %mul3A_419 = arith.muli %gather3A_416, %mul3A_418 : vector<16xi32>
      %add3A_420 = arith.addi %mul3A_419, %add3A_15 : vector<16xi32>
      %gather3A_421 = tpu.vector_load_idx %arg8[%add3A_420] : memref<32000xi32, #tpu.memory_space<vmem>>[vector<16xi32>], vector<16xi32>,
      %shift_left3A_422 = arith.constant 16 : i32
      %shift_left3A_423 = vector.broadcast %shift_left3A_422 : i32 to vector<16xi32>
      %shift_left3A_424 = arith.shli %gather3A_421, %shift_left3A_423 : vector<16xi32>
      %bitcast3A_425 = vector.bitcast %shift_left3A_424 : vector<16xi32> to vector<16xf32>
      %and3A_426 = arith.andi %gather3A_421, %broadcast_in_dim3A_21 : vector<16xi32>
      %bitcast3A_427 = vector.bitcast %and3A_426 : vector<16xi32> to vector<16xf32>
      %add3A_428 = arith.addf %add3A_402, %bitcast3A_425 : vector<16xf32>
      %add3A_429 = arith.addf %add3A_403, %bitcast3A_427 : vector<16xf32>
      %add3A_430 = arith.addi %mul3A_419, %add3A_18 : vector<16xi32>
      %gather3A_431 = tpu.vector_load_idx %arg8[%add3A_430] : memref<32000xi32, #tpu.memory_space<vmem>>[vector<16xi32>], vector<16xi32>,
      %shift_left3A_432 = arith.constant 16 : i32
      %shift_left3A_433 = vector.broadcast %shift_left3A_432 : i32 to vector<16xi32>
      %shift_left3A_434 = arith.shli %gather3A_431, %shift_left3A_433 : vector<16xi32>
      %bitcast3A_435 = vector.bitcast %shift_left3A_434 : vector<16xi32> to vector<16xf32>
      %and3A_436 = arith.andi %gather3A_431, %broadcast_in_dim3A_21 : vector<16xi32>
      %bitcast3A_437 = vector.bitcast %and3A_436 : vector<16xi32> to vector<16xf32>
      %add3A_438 = arith.addf %add3A_412, %bitcast3A_435 : vector<16xf32>
      %add3A_439 = arith.addf %add3A_413, %bitcast3A_437 : vector<16xf32>
      %broadcast_in_dim3A_440 = arith.constant 12 : i32
      %broadcast_in_dim3A_441 = vector.broadcast %broadcast_in_dim3A_440 : i32 to vector<16xi32>
      %gather3A_442 = tpu.vector_load_idx %arg9[%broadcast_in_dim3A_441, %broadcast_in_dim3A_135] : memref<20x256xi32, #tpu.memory_space<vmem>>[vector<16xi32>, vector<16xi32>], vector<16xi32>,
      %mul3A_443 = arith.constant 32 : i32
      %mul3A_444 = vector.broadcast %mul3A_443 : i32 to vector<16xi32>
      %mul3A_445 = arith.muli %gather3A_442, %mul3A_444 : vector<16xi32>
      %add3A_446 = arith.addi %mul3A_445, %add3A_15 : vector<16xi32>
      %gather3A_447 = tpu.vector_load_idx %arg8[%add3A_446] : memref<32000xi32, #tpu.memory_space<vmem>>[vector<16xi32>], vector<16xi32>,
      %shift_left3A_448 = arith.constant 16 : i32
      %shift_left3A_449 = vector.broadcast %shift_left3A_448 : i32 to vector<16xi32>
      %shift_left3A_450 = arith.shli %gather3A_447, %shift_left3A_449 : vector<16xi32>
      %bitcast3A_451 = vector.bitcast %shift_left3A_450 : vector<16xi32> to vector<16xf32>
      %and3A_452 = arith.andi %gather3A_447, %broadcast_in_dim3A_21 : vector<16xi32>
      %bitcast3A_453 = vector.bitcast %and3A_452 : vector<16xi32> to vector<16xf32>
      %add3A_454 = arith.addf %add3A_428, %bitcast3A_451 : vector<16xf32>
      %add3A_455 = arith.addf %add3A_429, %bitcast3A_453 : vector<16xf32>
      %add3A_456 = arith.addi %mul3A_445, %add3A_18 : vector<16xi32>
      %gather3A_457 = tpu.vector_load_idx %arg8[%add3A_456] : memref<32000xi32, #tpu.memory_space<vmem>>[vector<16xi32>], vector<16xi32>,
      %shift_left3A_458 = arith.constant 16 : i32
      %shift_left3A_459 = vector.broadcast %shift_left3A_458 : i32 to vector<16xi32>
      %shift_left3A_460 = arith.shli %gather3A_457, %shift_left3A_459 : vector<16xi32>
      %bitcast3A_461 = vector.bitcast %shift_left3A_460 : vector<16xi32> to vector<16xf32>
      %and3A_462 = arith.andi %gather3A_457, %broadcast_in_dim3A_21 : vector<16xi32>
      %bitcast3A_463 = vector.bitcast %and3A_462 : vector<16xi32> to vector<16xf32>
      %add3A_464 = arith.addf %add3A_438, %bitcast3A_461 : vector<16xf32>
      %add3A_465 = arith.addf %add3A_439, %bitcast3A_463 : vector<16xf32>
      %broadcast_in_dim3A_466 = arith.constant 13 : i32
      %broadcast_in_dim3A_467 = vector.broadcast %broadcast_in_dim3A_466 : i32 to vector<16xi32>
      %gather3A_468 = tpu.vector_load_idx %arg9[%broadcast_in_dim3A_467, %broadcast_in_dim3A_135] : memref<20x256xi32, #tpu.memory_space<vmem>>[vector<16xi32>, vector<16xi32>], vector<16xi32>,
      %mul3A_469 = arith.constant 32 : i32
      %mul3A_470 = vector.broadcast %mul3A_469 : i32 to vector<16xi32>
      %mul3A_471 = arith.muli %gather3A_468, %mul3A_470 : vector<16xi32>
      %add3A_472 = arith.addi %mul3A_471, %add3A_15 : vector<16xi32>
      %gather3A_473 = tpu.vector_load_idx %arg8[%add3A_472] : memref<32000xi32, #tpu.memory_space<vmem>>[vector<16xi32>], vector<16xi32>,
      %shift_left3A_474 = arith.constant 16 : i32
      %shift_left3A_475 = vector.broadcast %shift_left3A_474 : i32 to vector<16xi32>
      %shift_left3A_476 = arith.shli %gather3A_473, %shift_left3A_475 : vector<16xi32>
      %bitcast3A_477 = vector.bitcast %shift_left3A_476 : vector<16xi32> to vector<16xf32>
      %and3A_478 = arith.andi %gather3A_473, %broadcast_in_dim3A_21 : vector<16xi32>
      %bitcast3A_479 = vector.bitcast %and3A_478 : vector<16xi32> to vector<16xf32>
      %add3A_480 = arith.addf %add3A_454, %bitcast3A_477 : vector<16xf32>
      %add3A_481 = arith.addf %add3A_455, %bitcast3A_479 : vector<16xf32>
      %add3A_482 = arith.addi %mul3A_471, %add3A_18 : vector<16xi32>
      %gather3A_483 = tpu.vector_load_idx %arg8[%add3A_482] : memref<32000xi32, #tpu.memory_space<vmem>>[vector<16xi32>], vector<16xi32>,
      %shift_left3A_484 = arith.constant 16 : i32
      %shift_left3A_485 = vector.broadcast %shift_left3A_484 : i32 to vector<16xi32>
      %shift_left3A_486 = arith.shli %gather3A_483, %shift_left3A_485 : vector<16xi32>
      %bitcast3A_487 = vector.bitcast %shift_left3A_486 : vector<16xi32> to vector<16xf32>
      %and3A_488 = arith.andi %gather3A_483, %broadcast_in_dim3A_21 : vector<16xi32>
      %bitcast3A_489 = vector.bitcast %and3A_488 : vector<16xi32> to vector<16xf32>
      %add3A_490 = arith.addf %add3A_464, %bitcast3A_487 : vector<16xf32>
      %add3A_491 = arith.addf %add3A_465, %bitcast3A_489 : vector<16xf32>
      %broadcast_in_dim3A_492 = arith.constant 14 : i32
      %broadcast_in_dim3A_493 = vector.broadcast %broadcast_in_dim3A_492 : i32 to vector<16xi32>
      %gather3A_494 = tpu.vector_load_idx %arg9[%broadcast_in_dim3A_493, %broadcast_in_dim3A_135] : memref<20x256xi32, #tpu.memory_space<vmem>>[vector<16xi32>, vector<16xi32>], vector<16xi32>,
      %mul3A_495 = arith.constant 32 : i32
      %mul3A_496 = vector.broadcast %mul3A_495 : i32 to vector<16xi32>
      %mul3A_497 = arith.muli %gather3A_494, %mul3A_496 : vector<16xi32>
      %add3A_498 = arith.addi %mul3A_497, %add3A_15 : vector<16xi32>
      %gather3A_499 = tpu.vector_load_idx %arg8[%add3A_498] : memref<32000xi32, #tpu.memory_space<vmem>>[vector<16xi32>], vector<16xi32>,
      %shift_left3A_500 = arith.constant 16 : i32
      %shift_left3A_501 = vector.broadcast %shift_left3A_500 : i32 to vector<16xi32>
      %shift_left3A_502 = arith.shli %gather3A_499, %shift_left3A_501 : vector<16xi32>
      %bitcast3A_503 = vector.bitcast %shift_left3A_502 : vector<16xi32> to vector<16xf32>
      %and3A_504 = arith.andi %gather3A_499, %broadcast_in_dim3A_21 : vector<16xi32>
      %bitcast3A_505 = vector.bitcast %and3A_504 : vector<16xi32> to vector<16xf32>
      %add3A_506 = arith.addf %add3A_480, %bitcast3A_503 : vector<16xf32>
      %add3A_507 = arith.addf %add3A_481, %bitcast3A_505 : vector<16xf32>
      %add3A_508 = arith.addi %mul3A_497, %add3A_18 : vector<16xi32>
      %gather3A_509 = tpu.vector_load_idx %arg8[%add3A_508] : memref<32000xi32, #tpu.memory_space<vmem>>[vector<16xi32>], vector<16xi32>,
      %shift_left3A_510 = arith.constant 16 : i32
      %shift_left3A_511 = vector.broadcast %shift_left3A_510 : i32 to vector<16xi32>
      %shift_left3A_512 = arith.shli %gather3A_509, %shift_left3A_511 : vector<16xi32>
      %bitcast3A_513 = vector.bitcast %shift_left3A_512 : vector<16xi32> to vector<16xf32>
      %and3A_514 = arith.andi %gather3A_509, %broadcast_in_dim3A_21 : vector<16xi32>
      %bitcast3A_515 = vector.bitcast %and3A_514 : vector<16xi32> to vector<16xf32>
      %add3A_516 = arith.addf %add3A_490, %bitcast3A_513 : vector<16xf32>
      %add3A_517 = arith.addf %add3A_491, %bitcast3A_515 : vector<16xf32>
      %broadcast_in_dim3A_518 = arith.constant 15 : i32
      %broadcast_in_dim3A_519 = vector.broadcast %broadcast_in_dim3A_518 : i32 to vector<16xi32>
      %gather3A_520 = tpu.vector_load_idx %arg9[%broadcast_in_dim3A_519, %broadcast_in_dim3A_135] : memref<20x256xi32, #tpu.memory_space<vmem>>[vector<16xi32>, vector<16xi32>], vector<16xi32>,
      %mul3A_521 = arith.constant 32 : i32
      %mul3A_522 = vector.broadcast %mul3A_521 : i32 to vector<16xi32>
      %mul3A_523 = arith.muli %gather3A_520, %mul3A_522 : vector<16xi32>
      %add3A_524 = arith.addi %mul3A_523, %add3A_15 : vector<16xi32>
      %gather3A_525 = tpu.vector_load_idx %arg8[%add3A_524] : memref<32000xi32, #tpu.memory_space<vmem>>[vector<16xi32>], vector<16xi32>,
      %shift_left3A_526 = arith.constant 16 : i32
      %shift_left3A_527 = vector.broadcast %shift_left3A_526 : i32 to vector<16xi32>
      %shift_left3A_528 = arith.shli %gather3A_525, %shift_left3A_527 : vector<16xi32>
      %bitcast3A_529 = vector.bitcast %shift_left3A_528 : vector<16xi32> to vector<16xf32>
      %and3A_530 = arith.andi %gather3A_525, %broadcast_in_dim3A_21 : vector<16xi32>
      %bitcast3A_531 = vector.bitcast %and3A_530 : vector<16xi32> to vector<16xf32>
      %add3A_532 = arith.addf %add3A_506, %bitcast3A_529 : vector<16xf32>
      %add3A_533 = arith.addf %add3A_507, %bitcast3A_531 : vector<16xf32>
      %add3A_534 = arith.addi %mul3A_523, %add3A_18 : vector<16xi32>
      %gather3A_535 = tpu.vector_load_idx %arg8[%add3A_534] : memref<32000xi32, #tpu.memory_space<vmem>>[vector<16xi32>], vector<16xi32>,
      %shift_left3A_536 = arith.constant 16 : i32
      %shift_left3A_537 = vector.broadcast %shift_left3A_536 : i32 to vector<16xi32>
      %shift_left3A_538 = arith.shli %gather3A_535, %shift_left3A_537 : vector<16xi32>
      %bitcast3A_539 = vector.bitcast %shift_left3A_538 : vector<16xi32> to vector<16xf32>
      %and3A_540 = arith.andi %gather3A_535, %broadcast_in_dim3A_21 : vector<16xi32>
      %bitcast3A_541 = vector.bitcast %and3A_540 : vector<16xi32> to vector<16xf32>
      %add3A_542 = arith.addf %add3A_516, %bitcast3A_539 : vector<16xf32>
      %add3A_543 = arith.addf %add3A_517, %bitcast3A_541 : vector<16xf32>
      %broadcast_in_dim3A_544 = arith.constant 16 : i32
      %broadcast_in_dim3A_545 = vector.broadcast %broadcast_in_dim3A_544 : i32 to vector<16xi32>
      %gather3A_546 = tpu.vector_load_idx %arg9[%broadcast_in_dim3A_545, %broadcast_in_dim3A_135] : memref<20x256xi32, #tpu.memory_space<vmem>>[vector<16xi32>, vector<16xi32>], vector<16xi32>,
      %mul3A_547 = arith.constant 32 : i32
      %mul3A_548 = vector.broadcast %mul3A_547 : i32 to vector<16xi32>
      %mul3A_549 = arith.muli %gather3A_546, %mul3A_548 : vector<16xi32>
      %add3A_550 = arith.addi %mul3A_549, %add3A_15 : vector<16xi32>
      %gather3A_551 = tpu.vector_load_idx %arg8[%add3A_550] : memref<32000xi32, #tpu.memory_space<vmem>>[vector<16xi32>], vector<16xi32>,
      %shift_left3A_552 = arith.constant 16 : i32
      %shift_left3A_553 = vector.broadcast %shift_left3A_552 : i32 to vector<16xi32>
      %shift_left3A_554 = arith.shli %gather3A_551, %shift_left3A_553 : vector<16xi32>
      %bitcast3A_555 = vector.bitcast %shift_left3A_554 : vector<16xi32> to vector<16xf32>
      %and3A_556 = arith.andi %gather3A_551, %broadcast_in_dim3A_21 : vector<16xi32>
      %bitcast3A_557 = vector.bitcast %and3A_556 : vector<16xi32> to vector<16xf32>
      %add3A_558 = arith.addf %add3A_532, %bitcast3A_555 : vector<16xf32>
      %add3A_559 = arith.addf %add3A_533, %bitcast3A_557 : vector<16xf32>
      %add3A_560 = arith.addi %mul3A_549, %add3A_18 : vector<16xi32>
      %gather3A_561 = tpu.vector_load_idx %arg8[%add3A_560] : memref<32000xi32, #tpu.memory_space<vmem>>[vector<16xi32>], vector<16xi32>,
      %shift_left3A_562 = arith.constant 16 : i32
      %shift_left3A_563 = vector.broadcast %shift_left3A_562 : i32 to vector<16xi32>
      %shift_left3A_564 = arith.shli %gather3A_561, %shift_left3A_563 : vector<16xi32>
      %bitcast3A_565 = vector.bitcast %shift_left3A_564 : vector<16xi32> to vector<16xf32>
      %and3A_566 = arith.andi %gather3A_561, %broadcast_in_dim3A_21 : vector<16xi32>
      %bitcast3A_567 = vector.bitcast %and3A_566 : vector<16xi32> to vector<16xf32>
      %add3A_568 = arith.addf %add3A_542, %bitcast3A_565 : vector<16xf32>
      %add3A_569 = arith.addf %add3A_543, %bitcast3A_567 : vector<16xf32>
      %broadcast_in_dim3A_570 = arith.constant 17 : i32
      %broadcast_in_dim3A_571 = vector.broadcast %broadcast_in_dim3A_570 : i32 to vector<16xi32>
      %gather3A_572 = tpu.vector_load_idx %arg9[%broadcast_in_dim3A_571, %broadcast_in_dim3A_135] : memref<20x256xi32, #tpu.memory_space<vmem>>[vector<16xi32>, vector<16xi32>], vector<16xi32>,
      %mul3A_573 = arith.constant 32 : i32
      %mul3A_574 = vector.broadcast %mul3A_573 : i32 to vector<16xi32>
      %mul3A_575 = arith.muli %gather3A_572, %mul3A_574 : vector<16xi32>
      %add3A_576 = arith.addi %mul3A_575, %add3A_15 : vector<16xi32>
      %gather3A_577 = tpu.vector_load_idx %arg8[%add3A_576] : memref<32000xi32, #tpu.memory_space<vmem>>[vector<16xi32>], vector<16xi32>,
      %shift_left3A_578 = arith.constant 16 : i32
      %shift_left3A_579 = vector.broadcast %shift_left3A_578 : i32 to vector<16xi32>
      %shift_left3A_580 = arith.shli %gather3A_577, %shift_left3A_579 : vector<16xi32>
      %bitcast3A_581 = vector.bitcast %shift_left3A_580 : vector<16xi32> to vector<16xf32>
      %and3A_582 = arith.andi %gather3A_577, %broadcast_in_dim3A_21 : vector<16xi32>
      %bitcast3A_583 = vector.bitcast %and3A_582 : vector<16xi32> to vector<16xf32>
      %add3A_584 = arith.addf %add3A_558, %bitcast3A_581 : vector<16xf32>
      %add3A_585 = arith.addf %add3A_559, %bitcast3A_583 : vector<16xf32>
      %add3A_586 = arith.addi %mul3A_575, %add3A_18 : vector<16xi32>
      %gather3A_587 = tpu.vector_load_idx %arg8[%add3A_586] : memref<32000xi32, #tpu.memory_space<vmem>>[vector<16xi32>], vector<16xi32>,
      %shift_left3A_588 = arith.constant 16 : i32
      %shift_left3A_589 = vector.broadcast %shift_left3A_588 : i32 to vector<16xi32>
      %shift_left3A_590 = arith.shli %gather3A_587, %shift_left3A_589 : vector<16xi32>
      %bitcast3A_591 = vector.bitcast %shift_left3A_590 : vector<16xi32> to vector<16xf32>
      %and3A_592 = arith.andi %gather3A_587, %broadcast_in_dim3A_21 : vector<16xi32>
      %bitcast3A_593 = vector.bitcast %and3A_592 : vector<16xi32> to vector<16xf32>
      %add3A_594 = arith.addf %add3A_568, %bitcast3A_591 : vector<16xf32>
      %add3A_595 = arith.addf %add3A_569, %bitcast3A_593 : vector<16xf32>
      %broadcast_in_dim3A_596 = arith.constant 18 : i32
      %broadcast_in_dim3A_597 = vector.broadcast %broadcast_in_dim3A_596 : i32 to vector<16xi32>
      %gather3A_598 = tpu.vector_load_idx %arg9[%broadcast_in_dim3A_597, %broadcast_in_dim3A_135] : memref<20x256xi32, #tpu.memory_space<vmem>>[vector<16xi32>, vector<16xi32>], vector<16xi32>,
      %mul3A_599 = arith.constant 32 : i32
      %mul3A_600 = vector.broadcast %mul3A_599 : i32 to vector<16xi32>
      %mul3A_601 = arith.muli %gather3A_598, %mul3A_600 : vector<16xi32>
      %add3A_602 = arith.addi %mul3A_601, %add3A_15 : vector<16xi32>
      %gather3A_603 = tpu.vector_load_idx %arg8[%add3A_602] : memref<32000xi32, #tpu.memory_space<vmem>>[vector<16xi32>], vector<16xi32>,
      %shift_left3A_604 = arith.constant 16 : i32
      %shift_left3A_605 = vector.broadcast %shift_left3A_604 : i32 to vector<16xi32>
      %shift_left3A_606 = arith.shli %gather3A_603, %shift_left3A_605 : vector<16xi32>
      %bitcast3A_607 = vector.bitcast %shift_left3A_606 : vector<16xi32> to vector<16xf32>
      %and3A_608 = arith.andi %gather3A_603, %broadcast_in_dim3A_21 : vector<16xi32>
      %bitcast3A_609 = vector.bitcast %and3A_608 : vector<16xi32> to vector<16xf32>
      %add3A_610 = arith.addf %add3A_584, %bitcast3A_607 : vector<16xf32>
      %add3A_611 = arith.addf %add3A_585, %bitcast3A_609 : vector<16xf32>
      %add3A_612 = arith.addi %mul3A_601, %add3A_18 : vector<16xi32>
      %gather3A_613 = tpu.vector_load_idx %arg8[%add3A_612] : memref<32000xi32, #tpu.memory_space<vmem>>[vector<16xi32>], vector<16xi32>,
      %shift_left3A_614 = arith.constant 16 : i32
      %shift_left3A_615 = vector.broadcast %shift_left3A_614 : i32 to vector<16xi32>
      %shift_left3A_616 = arith.shli %gather3A_613, %shift_left3A_615 : vector<16xi32>
      %bitcast3A_617 = vector.bitcast %shift_left3A_616 : vector<16xi32> to vector<16xf32>
      %and3A_618 = arith.andi %gather3A_613, %broadcast_in_dim3A_21 : vector<16xi32>
      %bitcast3A_619 = vector.bitcast %and3A_618 : vector<16xi32> to vector<16xf32>
      %add3A_620 = arith.addf %add3A_594, %bitcast3A_617 : vector<16xf32>
      %add3A_621 = arith.addf %add3A_595, %bitcast3A_619 : vector<16xf32>
      %broadcast_in_dim3A_622 = arith.constant 19 : i32
      %broadcast_in_dim3A_623 = vector.broadcast %broadcast_in_dim3A_622 : i32 to vector<16xi32>
      %gather3A_624 = tpu.vector_load_idx %arg9[%broadcast_in_dim3A_623, %broadcast_in_dim3A_135] : memref<20x256xi32, #tpu.memory_space<vmem>>[vector<16xi32>, vector<16xi32>], vector<16xi32>,
      %mul3A_625 = arith.constant 32 : i32
      %mul3A_626 = vector.broadcast %mul3A_625 : i32 to vector<16xi32>
      %mul3A_627 = arith.muli %gather3A_624, %mul3A_626 : vector<16xi32>
      %add3A_628 = arith.addi %mul3A_627, %add3A_15 : vector<16xi32>
      %gather3A_629 = tpu.vector_load_idx %arg8[%add3A_628] : memref<32000xi32, #tpu.memory_space<vmem>>[vector<16xi32>], vector<16xi32>,
      %shift_left3A_630 = arith.constant 16 : i32
      %shift_left3A_631 = vector.broadcast %shift_left3A_630 : i32 to vector<16xi32>
      %shift_left3A_632 = arith.shli %gather3A_629, %shift_left3A_631 : vector<16xi32>
      %bitcast3A_633 = vector.bitcast %shift_left3A_632 : vector<16xi32> to vector<16xf32>
      %and3A_634 = arith.andi %gather3A_629, %broadcast_in_dim3A_21 : vector<16xi32>
      %bitcast3A_635 = vector.bitcast %and3A_634 : vector<16xi32> to vector<16xf32>
      %add3A_636 = arith.addf %add3A_610, %bitcast3A_633 : vector<16xf32>
      %add3A_637 = arith.addf %add3A_611, %bitcast3A_635 : vector<16xf32>
      %add3A_638 = arith.addi %mul3A_627, %add3A_18 : vector<16xi32>
      %gather3A_639 = tpu.vector_load_idx %arg8[%add3A_638] : memref<32000xi32, #tpu.memory_space<vmem>>[vector<16xi32>], vector<16xi32>,
      %shift_left3A_640 = arith.constant 16 : i32
      %shift_left3A_641 = vector.broadcast %shift_left3A_640 : i32 to vector<16xi32>
      %shift_left3A_642 = arith.shli %gather3A_639, %shift_left3A_641 : vector<16xi32>
      %bitcast3A_643 = vector.bitcast %shift_left3A_642 : vector<16xi32> to vector<16xf32>
      %and3A_644 = arith.andi %gather3A_639, %broadcast_in_dim3A_21 : vector<16xi32>
      %bitcast3A_645 = vector.bitcast %and3A_644 : vector<16xi32> to vector<16xf32>
      %add3A_646 = arith.addf %add3A_620, %bitcast3A_643 : vector<16xf32>
      %add3A_647 = arith.addf %add3A_621, %bitcast3A_645 : vector<16xf32>
      %add3A_648 = arith.constant 0 : i32
      %add3A_649 = vector.broadcast %add3A_648 : i32 to vector<16xi32>
      %add3A_650 = arith.addi %mul3A_20, %add3A_649 : vector<16xi32>
      %mul3A_651 = vector.broadcast %scan3A_89 : f32 to vector<16xf32>
      %mul3A_652 = arith.mulf %add3A_636, %mul3A_651 : vector<16xf32>
      tpu.vector_store_idx %arg10[%broadcast_in_dim3A_135, %add3A_650], %mul3A_652 : memref<256x64xf32, #tpu.memory_space<vmem>>[vector<16xi32>, vector<16xi32>], vector<16xf32>,
      %add3A_653 = arith.constant 1 : i32
      %add3A_654 = vector.broadcast %add3A_653 : i32 to vector<16xi32>
      %add3A_655 = arith.addi %mul3A_20, %add3A_654 : vector<16xi32>
      %mul3A_656 = vector.broadcast %scan3A_89 : f32 to vector<16xf32>
      %mul3A_657 = arith.mulf %add3A_637, %mul3A_656 : vector<16xf32>
      tpu.vector_store_idx %arg10[%broadcast_in_dim3A_135, %add3A_655], %mul3A_657 : memref<256x64xf32, #tpu.memory_space<vmem>>[vector<16xi32>, vector<16xi32>], vector<16xf32>,
      %add3A_658 = arith.constant 32 : i32
      %add3A_659 = vector.broadcast %add3A_658 : i32 to vector<16xi32>
      %add3A_660 = arith.addi %mul3A_20, %add3A_659 : vector<16xi32>
      %mul3A_661 = vector.broadcast %scan3A_89 : f32 to vector<16xf32>
      %mul3A_662 = arith.mulf %add3A_646, %mul3A_661 : vector<16xf32>
      tpu.vector_store_idx %arg10[%broadcast_in_dim3A_135, %add3A_660], %mul3A_662 : memref<256x64xf32, #tpu.memory_space<vmem>>[vector<16xi32>, vector<16xi32>], vector<16xf32>,
      %add3A_663 = arith.constant 33 : i32
      %add3A_664 = vector.broadcast %add3A_663 : i32 to vector<16xi32>
      %add3A_665 = arith.addi %mul3A_20, %add3A_664 : vector<16xi32>
      %mul3A_666 = vector.broadcast %scan3A_89 : f32 to vector<16xf32>
      %mul3A_667 = arith.mulf %add3A_647, %mul3A_666 : vector<16xf32>
      tpu.vector_store_idx %arg10[%broadcast_in_dim3A_135, %add3A_665], %mul3A_667 : memref<256x64xf32, #tpu.memory_space<vmem>>[vector<16xi32>, vector<16xi32>], vector<16xf32>,
      %scan3A_668 = arith.constant 0 : i32
      scf.yield %scan3A_668 : i32
    }
    %scan3A_96 = arith.constant 256 : i32
    %convert_element_type3A_97 = arith.extui %eq3A_0 : i1 to i32
    %cond3A_98 = arith.constant 0 : i32
    %cond3A_99 = arith.cmpi ne, %convert_element_type3A_97, %cond3A_98 : i32
    scf.if %cond3A_99 {
      "tpu.region"() ({
        %run_scoped3A = tpu.sem_alloc : memref<!tpu.dma_semaphore, #tpu.memory_space<semaphore_mem>>
        %dma_start3A = arith.constant 0 : i32
        %dma_start3A_133 = tpu.memref_slice %arg6[%add3A_80, %dma_start3A] : memref<16384x64xf32, #tpu.memory_space<hbm>> -> memref<256x64xf32, #tpu.memory_space<hbm>>
        %dma_start3A_134 = arith.constant 0 : i32
        %dma_start3A_135 = tpu.memref_slice %arg6[%add3A_80, %dma_start3A_134] : memref<16384x64xf32, #tpu.memory_space<hbm>> -> memref<256x64xf32, #tpu.memory_space<hbm>>
        tpu.enqueue_dma source(%arg10 : memref<256x64xf32, #tpu.memory_space<vmem>>) target(%dma_start3A_135 : memref<256x64xf32, #tpu.memory_space<hbm>>) target_semaphore(%run_scoped3A : memref<!tpu.dma_semaphore, #tpu.memory_space<semaphore_mem>>)
        %dma_wait3A = arith.constant 0 : i32
        %dma_wait3A_136 = tpu.memref_slice %arg6[%add3A_80, %dma_wait3A] : memref<16384x64xf32, #tpu.memory_space<hbm>> -> memref<256x64xf32, #tpu.memory_space<hbm>>
        %dma_wait3A_137 = arith.constant 0 : i32
        %dma_wait3A_138 = tpu.memref_slice %arg6[%add3A_80, %dma_wait3A_137] : memref<16384x64xf32, #tpu.memory_space<hbm>> -> memref<256x64xf32, #tpu.memory_space<hbm>>
        tpu.wait_dma2 semaphore(%run_scoped3A : memref<!tpu.dma_semaphore, #tpu.memory_space<semaphore_mem>>) src(%arg10 : memref<256x64xf32, #tpu.memory_space<vmem>>) dst(%dma_wait3A_138 : memref<256x64xf32, #tpu.memory_space<hbm>>)
        tpu.yield
      }) : () -> ()
    } else {
    }
    %not3A_100 = arith.constant true
    %not3A_101 = arith.xori %eq3A_0, %not3A_100 : i1
    %convert_element_type3A_102 = arith.extui %not3A_101 : i1 to i32
    %cond3A_103 = arith.constant 0 : i32
    %cond3A_104 = arith.cmpi ne, %convert_element_type3A_102, %cond3A_103 : i32
    scf.if %cond3A_104 {
      "tpu.region"() ({
        %run_scoped3A = tpu.sem_alloc : memref<!tpu.dma_semaphore, #tpu.memory_space<semaphore_mem>>
        %dma_start3A = arith.constant 0 : i32
        %dma_start3A_133 = tpu.memref_slice %arg7[%add3A_80, %dma_start3A] : memref<16384x64xf32, #tpu.memory_space<hbm>> -> memref<256x64xf32, #tpu.memory_space<hbm>>
        %dma_start3A_134 = arith.constant 0 : i32
        %dma_start3A_135 = tpu.memref_slice %arg7[%add3A_80, %dma_start3A_134] : memref<16384x64xf32, #tpu.memory_space<hbm>> -> memref<256x64xf32, #tpu.memory_space<hbm>>
        tpu.enqueue_dma source(%arg10 : memref<256x64xf32, #tpu.memory_space<vmem>>) target(%dma_start3A_135 : memref<256x64xf32, #tpu.memory_space<hbm>>) target_semaphore(%run_scoped3A : memref<!tpu.dma_semaphore, #tpu.memory_space<semaphore_mem>>)
        %dma_wait3A = arith.constant 0 : i32
        %dma_wait3A_136 = tpu.memref_slice %arg7[%add3A_80, %dma_wait3A] : memref<16384x64xf32, #tpu.memory_space<hbm>> -> memref<256x64xf32, #tpu.memory_space<hbm>>
        %dma_wait3A_137 = arith.constant 0 : i32
        %dma_wait3A_138 = tpu.memref_slice %arg7[%add3A_80, %dma_wait3A_137] : memref<16384x64xf32, #tpu.memory_space<hbm>> -> memref<256x64xf32, #tpu.memory_space<hbm>>
        tpu.wait_dma2 semaphore(%run_scoped3A : memref<!tpu.dma_semaphore, #tpu.memory_space<semaphore_mem>>) src(%arg10 : memref<256x64xf32, #tpu.memory_space<vmem>>) dst(%dma_wait3A_138 : memref<256x64xf32, #tpu.memory_space<hbm>>)
        tpu.yield
      }) : () -> ()
    } else {
    }
    %mul3A_105 = arith.constant 1024 : i32
    %mul3A_106 = arith.muli %arg1, %mul3A_105 : i32
    %add3A_107 = arith.constant 768 : i32
    %add3A_108 = arith.addi %mul3A_106, %add3A_107 : i32
    %convert_element_type3A_109 = arith.extui %eq3A_0 : i1 to i32
    %cond3A_110 = arith.constant 0 : i32
    %cond3A_111 = arith.cmpi ne, %convert_element_type3A_109, %cond3A_110 : i32
    scf.if %cond3A_111 {
      "tpu.region"() ({
        %run_scoped3A = tpu.sem_alloc : memref<!tpu.dma_semaphore, #tpu.memory_space<semaphore_mem>>
        %dma_start3A = arith.constant 0 : i32
        %dma_start3A_133 = tpu.memref_slice %arg4[%dma_start3A, %add3A_108] : memref<20x16384xi32, #tpu.memory_space<hbm>> -> memref<20x256xi32, #tpu.memory_space<hbm>>
        %dma_start3A_134 = arith.constant 0 : i32
        %dma_start3A_135 = tpu.memref_slice %arg4[%dma_start3A_134, %add3A_108] : memref<20x16384xi32, #tpu.memory_space<hbm>> -> memref<20x256xi32, #tpu.memory_space<hbm>>
        tpu.enqueue_dma source(%dma_start3A_135 : memref<20x256xi32, #tpu.memory_space<hbm>>) target(%arg9 : memref<20x256xi32, #tpu.memory_space<vmem>>) target_semaphore(%run_scoped3A : memref<!tpu.dma_semaphore, #tpu.memory_space<semaphore_mem>>)
        %dma_wait3A = arith.constant 0 : i32
        %dma_wait3A_136 = tpu.memref_slice %arg4[%dma_wait3A, %add3A_108] : memref<20x16384xi32, #tpu.memory_space<hbm>> -> memref<20x256xi32, #tpu.memory_space<hbm>>
        %dma_wait3A_137 = arith.constant 0 : i32
        %dma_wait3A_138 = tpu.memref_slice %arg4[%dma_wait3A_137, %add3A_108] : memref<20x16384xi32, #tpu.memory_space<hbm>> -> memref<20x256xi32, #tpu.memory_space<hbm>>
        tpu.wait_dma2 semaphore(%run_scoped3A : memref<!tpu.dma_semaphore, #tpu.memory_space<semaphore_mem>>) src(%dma_wait3A_138 : memref<20x256xi32, #tpu.memory_space<hbm>>) dst(%arg9 : memref<20x256xi32, #tpu.memory_space<vmem>>)
        tpu.yield
      }) : () -> ()
    } else {
    }
    %not3A_112 = arith.constant true
    %not3A_113 = arith.xori %eq3A_0, %not3A_112 : i1
    %convert_element_type3A_114 = arith.extui %not3A_113 : i1 to i32
    %cond3A_115 = arith.constant 0 : i32
    %cond3A_116 = arith.cmpi ne, %convert_element_type3A_114, %cond3A_115 : i32
    scf.if %cond3A_116 {
      "tpu.region"() ({
        %run_scoped3A = tpu.sem_alloc : memref<!tpu.dma_semaphore, #tpu.memory_space<semaphore_mem>>
        %dma_start3A = arith.constant 0 : i32
        %dma_start3A_133 = tpu.memref_slice %arg5[%dma_start3A, %add3A_108] : memref<20x16384xi32, #tpu.memory_space<hbm>> -> memref<20x256xi32, #tpu.memory_space<hbm>>
        %dma_start3A_134 = arith.constant 0 : i32
        %dma_start3A_135 = tpu.memref_slice %arg5[%dma_start3A_134, %add3A_108] : memref<20x16384xi32, #tpu.memory_space<hbm>> -> memref<20x256xi32, #tpu.memory_space<hbm>>
        tpu.enqueue_dma source(%dma_start3A_135 : memref<20x256xi32, #tpu.memory_space<hbm>>) target(%arg9 : memref<20x256xi32, #tpu.memory_space<vmem>>) target_semaphore(%run_scoped3A : memref<!tpu.dma_semaphore, #tpu.memory_space<semaphore_mem>>)
        %dma_wait3A = arith.constant 0 : i32
        %dma_wait3A_136 = tpu.memref_slice %arg5[%dma_wait3A, %add3A_108] : memref<20x16384xi32, #tpu.memory_space<hbm>> -> memref<20x256xi32, #tpu.memory_space<hbm>>
        %dma_wait3A_137 = arith.constant 0 : i32
        %dma_wait3A_138 = tpu.memref_slice %arg5[%dma_wait3A_137, %add3A_108] : memref<20x16384xi32, #tpu.memory_space<hbm>> -> memref<20x256xi32, #tpu.memory_space<hbm>>
        tpu.wait_dma2 semaphore(%run_scoped3A : memref<!tpu.dma_semaphore, #tpu.memory_space<semaphore_mem>>) src(%dma_wait3A_138 : memref<20x256xi32, #tpu.memory_space<hbm>>) dst(%arg9 : memref<20x256xi32, #tpu.memory_space<vmem>>)
        tpu.yield
      }) : () -> ()
    } else {
    }
    %scan3A_117 = arith.constant 5.000000e-02 : f32
    %scan3A_118 = arith.constant 0 : i32
    %scan3A_119 = arith.constant 0 : i32
    %scan3A_120 = arith.constant 256 : i32
    %scan3A_121 = arith.addi %scan3A_119, %scan3A_120 : i32
    %scan3A_122 = arith.constant 1 : i32
    %scan3A_123 = scf.for %scan3A_133 = %scan3A_119 to %scan3A_121 step %scan3A_122 iter_args(%scan3A_134 = %scan3A_118) -> (i32)  : i32 {
      %broadcast_in_dim3A_135 = vector.broadcast %scan3A_133 : i32 to vector<16xi32>
      %broadcast_in_dim3A_136 = arith.constant 0 : i32
      %broadcast_in_dim3A_137 = vector.broadcast %broadcast_in_dim3A_136 : i32 to vector<16xi32>
      %gather3A = tpu.vector_load_idx %arg9[%broadcast_in_dim3A_137, %broadcast_in_dim3A_135] : memref<20x256xi32, #tpu.memory_space<vmem>>[vector<16xi32>, vector<16xi32>], vector<16xi32>,
      %mul3A_138 = arith.constant 32 : i32
      %mul3A_139 = vector.broadcast %mul3A_138 : i32 to vector<16xi32>
      %mul3A_140 = arith.muli %gather3A, %mul3A_139 : vector<16xi32>
      %add3A_141 = arith.addi %mul3A_140, %add3A_15 : vector<16xi32>
      %gather3A_142 = tpu.vector_load_idx %arg8[%add3A_141] : memref<32000xi32, #tpu.memory_space<vmem>>[vector<16xi32>], vector<16xi32>,
      %shift_left3A = arith.constant 16 : i32
      %shift_left3A_143 = vector.broadcast %shift_left3A : i32 to vector<16xi32>
      %shift_left3A_144 = arith.shli %gather3A_142, %shift_left3A_143 : vector<16xi32>
      %bitcast3A = vector.bitcast %shift_left3A_144 : vector<16xi32> to vector<16xf32>
      %and3A = arith.andi %gather3A_142, %broadcast_in_dim3A_21 : vector<16xi32>
      %bitcast3A_145 = vector.bitcast %and3A : vector<16xi32> to vector<16xf32>
      %add3A_146 = arith.addi %mul3A_140, %add3A_18 : vector<16xi32>
      %gather3A_147 = tpu.vector_load_idx %arg8[%add3A_146] : memref<32000xi32, #tpu.memory_space<vmem>>[vector<16xi32>], vector<16xi32>,
      %shift_left3A_148 = arith.constant 16 : i32
      %shift_left3A_149 = vector.broadcast %shift_left3A_148 : i32 to vector<16xi32>
      %shift_left3A_150 = arith.shli %gather3A_147, %shift_left3A_149 : vector<16xi32>
      %bitcast3A_151 = vector.bitcast %shift_left3A_150 : vector<16xi32> to vector<16xf32>
      %and3A_152 = arith.andi %gather3A_147, %broadcast_in_dim3A_21 : vector<16xi32>
      %bitcast3A_153 = vector.bitcast %and3A_152 : vector<16xi32> to vector<16xf32>
      %broadcast_in_dim3A_154 = arith.constant 1 : i32
      %broadcast_in_dim3A_155 = vector.broadcast %broadcast_in_dim3A_154 : i32 to vector<16xi32>
      %gather3A_156 = tpu.vector_load_idx %arg9[%broadcast_in_dim3A_155, %broadcast_in_dim3A_135] : memref<20x256xi32, #tpu.memory_space<vmem>>[vector<16xi32>, vector<16xi32>], vector<16xi32>,
      %mul3A_157 = arith.constant 32 : i32
      %mul3A_158 = vector.broadcast %mul3A_157 : i32 to vector<16xi32>
      %mul3A_159 = arith.muli %gather3A_156, %mul3A_158 : vector<16xi32>
      %add3A_160 = arith.addi %mul3A_159, %add3A_15 : vector<16xi32>
      %gather3A_161 = tpu.vector_load_idx %arg8[%add3A_160] : memref<32000xi32, #tpu.memory_space<vmem>>[vector<16xi32>], vector<16xi32>,
      %shift_left3A_162 = arith.constant 16 : i32
      %shift_left3A_163 = vector.broadcast %shift_left3A_162 : i32 to vector<16xi32>
      %shift_left3A_164 = arith.shli %gather3A_161, %shift_left3A_163 : vector<16xi32>
      %bitcast3A_165 = vector.bitcast %shift_left3A_164 : vector<16xi32> to vector<16xf32>
      %and3A_166 = arith.andi %gather3A_161, %broadcast_in_dim3A_21 : vector<16xi32>
      %bitcast3A_167 = vector.bitcast %and3A_166 : vector<16xi32> to vector<16xf32>
      %add3A_168 = arith.addf %bitcast3A, %bitcast3A_165 : vector<16xf32>
      %add3A_169 = arith.addf %bitcast3A_145, %bitcast3A_167 : vector<16xf32>
      %add3A_170 = arith.addi %mul3A_159, %add3A_18 : vector<16xi32>
      %gather3A_171 = tpu.vector_load_idx %arg8[%add3A_170] : memref<32000xi32, #tpu.memory_space<vmem>>[vector<16xi32>], vector<16xi32>,
      %shift_left3A_172 = arith.constant 16 : i32
      %shift_left3A_173 = vector.broadcast %shift_left3A_172 : i32 to vector<16xi32>
      %shift_left3A_174 = arith.shli %gather3A_171, %shift_left3A_173 : vector<16xi32>
      %bitcast3A_175 = vector.bitcast %shift_left3A_174 : vector<16xi32> to vector<16xf32>
      %and3A_176 = arith.andi %gather3A_171, %broadcast_in_dim3A_21 : vector<16xi32>
      %bitcast3A_177 = vector.bitcast %and3A_176 : vector<16xi32> to vector<16xf32>
      %add3A_178 = arith.addf %bitcast3A_151, %bitcast3A_175 : vector<16xf32>
      %add3A_179 = arith.addf %bitcast3A_153, %bitcast3A_177 : vector<16xf32>
      %broadcast_in_dim3A_180 = arith.constant 2 : i32
      %broadcast_in_dim3A_181 = vector.broadcast %broadcast_in_dim3A_180 : i32 to vector<16xi32>
      %gather3A_182 = tpu.vector_load_idx %arg9[%broadcast_in_dim3A_181, %broadcast_in_dim3A_135] : memref<20x256xi32, #tpu.memory_space<vmem>>[vector<16xi32>, vector<16xi32>], vector<16xi32>,
      %mul3A_183 = arith.constant 32 : i32
      %mul3A_184 = vector.broadcast %mul3A_183 : i32 to vector<16xi32>
      %mul3A_185 = arith.muli %gather3A_182, %mul3A_184 : vector<16xi32>
      %add3A_186 = arith.addi %mul3A_185, %add3A_15 : vector<16xi32>
      %gather3A_187 = tpu.vector_load_idx %arg8[%add3A_186] : memref<32000xi32, #tpu.memory_space<vmem>>[vector<16xi32>], vector<16xi32>,
      %shift_left3A_188 = arith.constant 16 : i32
      %shift_left3A_189 = vector.broadcast %shift_left3A_188 : i32 to vector<16xi32>
      %shift_left3A_190 = arith.shli %gather3A_187, %shift_left3A_189 : vector<16xi32>
      %bitcast3A_191 = vector.bitcast %shift_left3A_190 : vector<16xi32> to vector<16xf32>
      %and3A_192 = arith.andi %gather3A_187, %broadcast_in_dim3A_21 : vector<16xi32>
      %bitcast3A_193 = vector.bitcast %and3A_192 : vector<16xi32> to vector<16xf32>
      %add3A_194 = arith.addf %add3A_168, %bitcast3A_191 : vector<16xf32>
      %add3A_195 = arith.addf %add3A_169, %bitcast3A_193 : vector<16xf32>
      %add3A_196 = arith.addi %mul3A_185, %add3A_18 : vector<16xi32>
      %gather3A_197 = tpu.vector_load_idx %arg8[%add3A_196] : memref<32000xi32, #tpu.memory_space<vmem>>[vector<16xi32>], vector<16xi32>,
      %shift_left3A_198 = arith.constant 16 : i32
      %shift_left3A_199 = vector.broadcast %shift_left3A_198 : i32 to vector<16xi32>
      %shift_left3A_200 = arith.shli %gather3A_197, %shift_left3A_199 : vector<16xi32>
      %bitcast3A_201 = vector.bitcast %shift_left3A_200 : vector<16xi32> to vector<16xf32>
      %and3A_202 = arith.andi %gather3A_197, %broadcast_in_dim3A_21 : vector<16xi32>
      %bitcast3A_203 = vector.bitcast %and3A_202 : vector<16xi32> to vector<16xf32>
      %add3A_204 = arith.addf %add3A_178, %bitcast3A_201 : vector<16xf32>
      %add3A_205 = arith.addf %add3A_179, %bitcast3A_203 : vector<16xf32>
      %broadcast_in_dim3A_206 = arith.constant 3 : i32
      %broadcast_in_dim3A_207 = vector.broadcast %broadcast_in_dim3A_206 : i32 to vector<16xi32>
      %gather3A_208 = tpu.vector_load_idx %arg9[%broadcast_in_dim3A_207, %broadcast_in_dim3A_135] : memref<20x256xi32, #tpu.memory_space<vmem>>[vector<16xi32>, vector<16xi32>], vector<16xi32>,
      %mul3A_209 = arith.constant 32 : i32
      %mul3A_210 = vector.broadcast %mul3A_209 : i32 to vector<16xi32>
      %mul3A_211 = arith.muli %gather3A_208, %mul3A_210 : vector<16xi32>
      %add3A_212 = arith.addi %mul3A_211, %add3A_15 : vector<16xi32>
      %gather3A_213 = tpu.vector_load_idx %arg8[%add3A_212] : memref<32000xi32, #tpu.memory_space<vmem>>[vector<16xi32>], vector<16xi32>,
      %shift_left3A_214 = arith.constant 16 : i32
      %shift_left3A_215 = vector.broadcast %shift_left3A_214 : i32 to vector<16xi32>
      %shift_left3A_216 = arith.shli %gather3A_213, %shift_left3A_215 : vector<16xi32>
      %bitcast3A_217 = vector.bitcast %shift_left3A_216 : vector<16xi32> to vector<16xf32>
      %and3A_218 = arith.andi %gather3A_213, %broadcast_in_dim3A_21 : vector<16xi32>
      %bitcast3A_219 = vector.bitcast %and3A_218 : vector<16xi32> to vector<16xf32>
      %add3A_220 = arith.addf %add3A_194, %bitcast3A_217 : vector<16xf32>
      %add3A_221 = arith.addf %add3A_195, %bitcast3A_219 : vector<16xf32>
      %add3A_222 = arith.addi %mul3A_211, %add3A_18 : vector<16xi32>
      %gather3A_223 = tpu.vector_load_idx %arg8[%add3A_222] : memref<32000xi32, #tpu.memory_space<vmem>>[vector<16xi32>], vector<16xi32>,
      %shift_left3A_224 = arith.constant 16 : i32
      %shift_left3A_225 = vector.broadcast %shift_left3A_224 : i32 to vector<16xi32>
      %shift_left3A_226 = arith.shli %gather3A_223, %shift_left3A_225 : vector<16xi32>
      %bitcast3A_227 = vector.bitcast %shift_left3A_226 : vector<16xi32> to vector<16xf32>
      %and3A_228 = arith.andi %gather3A_223, %broadcast_in_dim3A_21 : vector<16xi32>
      %bitcast3A_229 = vector.bitcast %and3A_228 : vector<16xi32> to vector<16xf32>
      %add3A_230 = arith.addf %add3A_204, %bitcast3A_227 : vector<16xf32>
      %add3A_231 = arith.addf %add3A_205, %bitcast3A_229 : vector<16xf32>
      %broadcast_in_dim3A_232 = arith.constant 4 : i32
      %broadcast_in_dim3A_233 = vector.broadcast %broadcast_in_dim3A_232 : i32 to vector<16xi32>
      %gather3A_234 = tpu.vector_load_idx %arg9[%broadcast_in_dim3A_233, %broadcast_in_dim3A_135] : memref<20x256xi32, #tpu.memory_space<vmem>>[vector<16xi32>, vector<16xi32>], vector<16xi32>,
      %mul3A_235 = arith.constant 32 : i32
      %mul3A_236 = vector.broadcast %mul3A_235 : i32 to vector<16xi32>
      %mul3A_237 = arith.muli %gather3A_234, %mul3A_236 : vector<16xi32>
      %add3A_238 = arith.addi %mul3A_237, %add3A_15 : vector<16xi32>
      %gather3A_239 = tpu.vector_load_idx %arg8[%add3A_238] : memref<32000xi32, #tpu.memory_space<vmem>>[vector<16xi32>], vector<16xi32>,
      %shift_left3A_240 = arith.constant 16 : i32
      %shift_left3A_241 = vector.broadcast %shift_left3A_240 : i32 to vector<16xi32>
      %shift_left3A_242 = arith.shli %gather3A_239, %shift_left3A_241 : vector<16xi32>
      %bitcast3A_243 = vector.bitcast %shift_left3A_242 : vector<16xi32> to vector<16xf32>
      %and3A_244 = arith.andi %gather3A_239, %broadcast_in_dim3A_21 : vector<16xi32>
      %bitcast3A_245 = vector.bitcast %and3A_244 : vector<16xi32> to vector<16xf32>
      %add3A_246 = arith.addf %add3A_220, %bitcast3A_243 : vector<16xf32>
      %add3A_247 = arith.addf %add3A_221, %bitcast3A_245 : vector<16xf32>
      %add3A_248 = arith.addi %mul3A_237, %add3A_18 : vector<16xi32>
      %gather3A_249 = tpu.vector_load_idx %arg8[%add3A_248] : memref<32000xi32, #tpu.memory_space<vmem>>[vector<16xi32>], vector<16xi32>,
      %shift_left3A_250 = arith.constant 16 : i32
      %shift_left3A_251 = vector.broadcast %shift_left3A_250 : i32 to vector<16xi32>
      %shift_left3A_252 = arith.shli %gather3A_249, %shift_left3A_251 : vector<16xi32>
      %bitcast3A_253 = vector.bitcast %shift_left3A_252 : vector<16xi32> to vector<16xf32>
      %and3A_254 = arith.andi %gather3A_249, %broadcast_in_dim3A_21 : vector<16xi32>
      %bitcast3A_255 = vector.bitcast %and3A_254 : vector<16xi32> to vector<16xf32>
      %add3A_256 = arith.addf %add3A_230, %bitcast3A_253 : vector<16xf32>
      %add3A_257 = arith.addf %add3A_231, %bitcast3A_255 : vector<16xf32>
      %broadcast_in_dim3A_258 = arith.constant 5 : i32
      %broadcast_in_dim3A_259 = vector.broadcast %broadcast_in_dim3A_258 : i32 to vector<16xi32>
      %gather3A_260 = tpu.vector_load_idx %arg9[%broadcast_in_dim3A_259, %broadcast_in_dim3A_135] : memref<20x256xi32, #tpu.memory_space<vmem>>[vector<16xi32>, vector<16xi32>], vector<16xi32>,
      %mul3A_261 = arith.constant 32 : i32
      %mul3A_262 = vector.broadcast %mul3A_261 : i32 to vector<16xi32>
      %mul3A_263 = arith.muli %gather3A_260, %mul3A_262 : vector<16xi32>
      %add3A_264 = arith.addi %mul3A_263, %add3A_15 : vector<16xi32>
      %gather3A_265 = tpu.vector_load_idx %arg8[%add3A_264] : memref<32000xi32, #tpu.memory_space<vmem>>[vector<16xi32>], vector<16xi32>,
      %shift_left3A_266 = arith.constant 16 : i32
      %shift_left3A_267 = vector.broadcast %shift_left3A_266 : i32 to vector<16xi32>
      %shift_left3A_268 = arith.shli %gather3A_265, %shift_left3A_267 : vector<16xi32>
      %bitcast3A_269 = vector.bitcast %shift_left3A_268 : vector<16xi32> to vector<16xf32>
      %and3A_270 = arith.andi %gather3A_265, %broadcast_in_dim3A_21 : vector<16xi32>
      %bitcast3A_271 = vector.bitcast %and3A_270 : vector<16xi32> to vector<16xf32>
      %add3A_272 = arith.addf %add3A_246, %bitcast3A_269 : vector<16xf32>
      %add3A_273 = arith.addf %add3A_247, %bitcast3A_271 : vector<16xf32>
      %add3A_274 = arith.addi %mul3A_263, %add3A_18 : vector<16xi32>
      %gather3A_275 = tpu.vector_load_idx %arg8[%add3A_274] : memref<32000xi32, #tpu.memory_space<vmem>>[vector<16xi32>], vector<16xi32>,
      %shift_left3A_276 = arith.constant 16 : i32
      %shift_left3A_277 = vector.broadcast %shift_left3A_276 : i32 to vector<16xi32>
      %shift_left3A_278 = arith.shli %gather3A_275, %shift_left3A_277 : vector<16xi32>
      %bitcast3A_279 = vector.bitcast %shift_left3A_278 : vector<16xi32> to vector<16xf32>
      %and3A_280 = arith.andi %gather3A_275, %broadcast_in_dim3A_21 : vector<16xi32>
      %bitcast3A_281 = vector.bitcast %and3A_280 : vector<16xi32> to vector<16xf32>
      %add3A_282 = arith.addf %add3A_256, %bitcast3A_279 : vector<16xf32>
      %add3A_283 = arith.addf %add3A_257, %bitcast3A_281 : vector<16xf32>
      %broadcast_in_dim3A_284 = arith.constant 6 : i32
      %broadcast_in_dim3A_285 = vector.broadcast %broadcast_in_dim3A_284 : i32 to vector<16xi32>
      %gather3A_286 = tpu.vector_load_idx %arg9[%broadcast_in_dim3A_285, %broadcast_in_dim3A_135] : memref<20x256xi32, #tpu.memory_space<vmem>>[vector<16xi32>, vector<16xi32>], vector<16xi32>,
      %mul3A_287 = arith.constant 32 : i32
      %mul3A_288 = vector.broadcast %mul3A_287 : i32 to vector<16xi32>
      %mul3A_289 = arith.muli %gather3A_286, %mul3A_288 : vector<16xi32>
      %add3A_290 = arith.addi %mul3A_289, %add3A_15 : vector<16xi32>
      %gather3A_291 = tpu.vector_load_idx %arg8[%add3A_290] : memref<32000xi32, #tpu.memory_space<vmem>>[vector<16xi32>], vector<16xi32>,
      %shift_left3A_292 = arith.constant 16 : i32
      %shift_left3A_293 = vector.broadcast %shift_left3A_292 : i32 to vector<16xi32>
      %shift_left3A_294 = arith.shli %gather3A_291, %shift_left3A_293 : vector<16xi32>
      %bitcast3A_295 = vector.bitcast %shift_left3A_294 : vector<16xi32> to vector<16xf32>
      %and3A_296 = arith.andi %gather3A_291, %broadcast_in_dim3A_21 : vector<16xi32>
      %bitcast3A_297 = vector.bitcast %and3A_296 : vector<16xi32> to vector<16xf32>
      %add3A_298 = arith.addf %add3A_272, %bitcast3A_295 : vector<16xf32>
      %add3A_299 = arith.addf %add3A_273, %bitcast3A_297 : vector<16xf32>
      %add3A_300 = arith.addi %mul3A_289, %add3A_18 : vector<16xi32>
      %gather3A_301 = tpu.vector_load_idx %arg8[%add3A_300] : memref<32000xi32, #tpu.memory_space<vmem>>[vector<16xi32>], vector<16xi32>,
      %shift_left3A_302 = arith.constant 16 : i32
      %shift_left3A_303 = vector.broadcast %shift_left3A_302 : i32 to vector<16xi32>
      %shift_left3A_304 = arith.shli %gather3A_301, %shift_left3A_303 : vector<16xi32>
      %bitcast3A_305 = vector.bitcast %shift_left3A_304 : vector<16xi32> to vector<16xf32>
      %and3A_306 = arith.andi %gather3A_301, %broadcast_in_dim3A_21 : vector<16xi32>
      %bitcast3A_307 = vector.bitcast %and3A_306 : vector<16xi32> to vector<16xf32>
      %add3A_308 = arith.addf %add3A_282, %bitcast3A_305 : vector<16xf32>
      %add3A_309 = arith.addf %add3A_283, %bitcast3A_307 : vector<16xf32>
      %broadcast_in_dim3A_310 = arith.constant 7 : i32
      %broadcast_in_dim3A_311 = vector.broadcast %broadcast_in_dim3A_310 : i32 to vector<16xi32>
      %gather3A_312 = tpu.vector_load_idx %arg9[%broadcast_in_dim3A_311, %broadcast_in_dim3A_135] : memref<20x256xi32, #tpu.memory_space<vmem>>[vector<16xi32>, vector<16xi32>], vector<16xi32>,
      %mul3A_313 = arith.constant 32 : i32
      %mul3A_314 = vector.broadcast %mul3A_313 : i32 to vector<16xi32>
      %mul3A_315 = arith.muli %gather3A_312, %mul3A_314 : vector<16xi32>
      %add3A_316 = arith.addi %mul3A_315, %add3A_15 : vector<16xi32>
      %gather3A_317 = tpu.vector_load_idx %arg8[%add3A_316] : memref<32000xi32, #tpu.memory_space<vmem>>[vector<16xi32>], vector<16xi32>,
      %shift_left3A_318 = arith.constant 16 : i32
      %shift_left3A_319 = vector.broadcast %shift_left3A_318 : i32 to vector<16xi32>
      %shift_left3A_320 = arith.shli %gather3A_317, %shift_left3A_319 : vector<16xi32>
      %bitcast3A_321 = vector.bitcast %shift_left3A_320 : vector<16xi32> to vector<16xf32>
      %and3A_322 = arith.andi %gather3A_317, %broadcast_in_dim3A_21 : vector<16xi32>
      %bitcast3A_323 = vector.bitcast %and3A_322 : vector<16xi32> to vector<16xf32>
      %add3A_324 = arith.addf %add3A_298, %bitcast3A_321 : vector<16xf32>
      %add3A_325 = arith.addf %add3A_299, %bitcast3A_323 : vector<16xf32>
      %add3A_326 = arith.addi %mul3A_315, %add3A_18 : vector<16xi32>
      %gather3A_327 = tpu.vector_load_idx %arg8[%add3A_326] : memref<32000xi32, #tpu.memory_space<vmem>>[vector<16xi32>], vector<16xi32>,
      %shift_left3A_328 = arith.constant 16 : i32
      %shift_left3A_329 = vector.broadcast %shift_left3A_328 : i32 to vector<16xi32>
      %shift_left3A_330 = arith.shli %gather3A_327, %shift_left3A_329 : vector<16xi32>
      %bitcast3A_331 = vector.bitcast %shift_left3A_330 : vector<16xi32> to vector<16xf32>
      %and3A_332 = arith.andi %gather3A_327, %broadcast_in_dim3A_21 : vector<16xi32>
      %bitcast3A_333 = vector.bitcast %and3A_332 : vector<16xi32> to vector<16xf32>
      %add3A_334 = arith.addf %add3A_308, %bitcast3A_331 : vector<16xf32>
      %add3A_335 = arith.addf %add3A_309, %bitcast3A_333 : vector<16xf32>
      %broadcast_in_dim3A_336 = arith.constant 8 : i32
      %broadcast_in_dim3A_337 = vector.broadcast %broadcast_in_dim3A_336 : i32 to vector<16xi32>
      %gather3A_338 = tpu.vector_load_idx %arg9[%broadcast_in_dim3A_337, %broadcast_in_dim3A_135] : memref<20x256xi32, #tpu.memory_space<vmem>>[vector<16xi32>, vector<16xi32>], vector<16xi32>,
      %mul3A_339 = arith.constant 32 : i32
      %mul3A_340 = vector.broadcast %mul3A_339 : i32 to vector<16xi32>
      %mul3A_341 = arith.muli %gather3A_338, %mul3A_340 : vector<16xi32>
      %add3A_342 = arith.addi %mul3A_341, %add3A_15 : vector<16xi32>
      %gather3A_343 = tpu.vector_load_idx %arg8[%add3A_342] : memref<32000xi32, #tpu.memory_space<vmem>>[vector<16xi32>], vector<16xi32>,
      %shift_left3A_344 = arith.constant 16 : i32
      %shift_left3A_345 = vector.broadcast %shift_left3A_344 : i32 to vector<16xi32>
      %shift_left3A_346 = arith.shli %gather3A_343, %shift_left3A_345 : vector<16xi32>
      %bitcast3A_347 = vector.bitcast %shift_left3A_346 : vector<16xi32> to vector<16xf32>
      %and3A_348 = arith.andi %gather3A_343, %broadcast_in_dim3A_21 : vector<16xi32>
      %bitcast3A_349 = vector.bitcast %and3A_348 : vector<16xi32> to vector<16xf32>
      %add3A_350 = arith.addf %add3A_324, %bitcast3A_347 : vector<16xf32>
      %add3A_351 = arith.addf %add3A_325, %bitcast3A_349 : vector<16xf32>
      %add3A_352 = arith.addi %mul3A_341, %add3A_18 : vector<16xi32>
      %gather3A_353 = tpu.vector_load_idx %arg8[%add3A_352] : memref<32000xi32, #tpu.memory_space<vmem>>[vector<16xi32>], vector<16xi32>,
      %shift_left3A_354 = arith.constant 16 : i32
      %shift_left3A_355 = vector.broadcast %shift_left3A_354 : i32 to vector<16xi32>
      %shift_left3A_356 = arith.shli %gather3A_353, %shift_left3A_355 : vector<16xi32>
      %bitcast3A_357 = vector.bitcast %shift_left3A_356 : vector<16xi32> to vector<16xf32>
      %and3A_358 = arith.andi %gather3A_353, %broadcast_in_dim3A_21 : vector<16xi32>
      %bitcast3A_359 = vector.bitcast %and3A_358 : vector<16xi32> to vector<16xf32>
      %add3A_360 = arith.addf %add3A_334, %bitcast3A_357 : vector<16xf32>
      %add3A_361 = arith.addf %add3A_335, %bitcast3A_359 : vector<16xf32>
      %broadcast_in_dim3A_362 = arith.constant 9 : i32
      %broadcast_in_dim3A_363 = vector.broadcast %broadcast_in_dim3A_362 : i32 to vector<16xi32>
      %gather3A_364 = tpu.vector_load_idx %arg9[%broadcast_in_dim3A_363, %broadcast_in_dim3A_135] : memref<20x256xi32, #tpu.memory_space<vmem>>[vector<16xi32>, vector<16xi32>], vector<16xi32>,
      %mul3A_365 = arith.constant 32 : i32
      %mul3A_366 = vector.broadcast %mul3A_365 : i32 to vector<16xi32>
      %mul3A_367 = arith.muli %gather3A_364, %mul3A_366 : vector<16xi32>
      %add3A_368 = arith.addi %mul3A_367, %add3A_15 : vector<16xi32>
      %gather3A_369 = tpu.vector_load_idx %arg8[%add3A_368] : memref<32000xi32, #tpu.memory_space<vmem>>[vector<16xi32>], vector<16xi32>,
      %shift_left3A_370 = arith.constant 16 : i32
      %shift_left3A_371 = vector.broadcast %shift_left3A_370 : i32 to vector<16xi32>
      %shift_left3A_372 = arith.shli %gather3A_369, %shift_left3A_371 : vector<16xi32>
      %bitcast3A_373 = vector.bitcast %shift_left3A_372 : vector<16xi32> to vector<16xf32>
      %and3A_374 = arith.andi %gather3A_369, %broadcast_in_dim3A_21 : vector<16xi32>
      %bitcast3A_375 = vector.bitcast %and3A_374 : vector<16xi32> to vector<16xf32>
      %add3A_376 = arith.addf %add3A_350, %bitcast3A_373 : vector<16xf32>
      %add3A_377 = arith.addf %add3A_351, %bitcast3A_375 : vector<16xf32>
      %add3A_378 = arith.addi %mul3A_367, %add3A_18 : vector<16xi32>
      %gather3A_379 = tpu.vector_load_idx %arg8[%add3A_378] : memref<32000xi32, #tpu.memory_space<vmem>>[vector<16xi32>], vector<16xi32>,
      %shift_left3A_380 = arith.constant 16 : i32
      %shift_left3A_381 = vector.broadcast %shift_left3A_380 : i32 to vector<16xi32>
      %shift_left3A_382 = arith.shli %gather3A_379, %shift_left3A_381 : vector<16xi32>
      %bitcast3A_383 = vector.bitcast %shift_left3A_382 : vector<16xi32> to vector<16xf32>
      %and3A_384 = arith.andi %gather3A_379, %broadcast_in_dim3A_21 : vector<16xi32>
      %bitcast3A_385 = vector.bitcast %and3A_384 : vector<16xi32> to vector<16xf32>
      %add3A_386 = arith.addf %add3A_360, %bitcast3A_383 : vector<16xf32>
      %add3A_387 = arith.addf %add3A_361, %bitcast3A_385 : vector<16xf32>
      %broadcast_in_dim3A_388 = arith.constant 10 : i32
      %broadcast_in_dim3A_389 = vector.broadcast %broadcast_in_dim3A_388 : i32 to vector<16xi32>
      %gather3A_390 = tpu.vector_load_idx %arg9[%broadcast_in_dim3A_389, %broadcast_in_dim3A_135] : memref<20x256xi32, #tpu.memory_space<vmem>>[vector<16xi32>, vector<16xi32>], vector<16xi32>,
      %mul3A_391 = arith.constant 32 : i32
      %mul3A_392 = vector.broadcast %mul3A_391 : i32 to vector<16xi32>
      %mul3A_393 = arith.muli %gather3A_390, %mul3A_392 : vector<16xi32>
      %add3A_394 = arith.addi %mul3A_393, %add3A_15 : vector<16xi32>
      %gather3A_395 = tpu.vector_load_idx %arg8[%add3A_394] : memref<32000xi32, #tpu.memory_space<vmem>>[vector<16xi32>], vector<16xi32>,
      %shift_left3A_396 = arith.constant 16 : i32
      %shift_left3A_397 = vector.broadcast %shift_left3A_396 : i32 to vector<16xi32>
      %shift_left3A_398 = arith.shli %gather3A_395, %shift_left3A_397 : vector<16xi32>
      %bitcast3A_399 = vector.bitcast %shift_left3A_398 : vector<16xi32> to vector<16xf32>
      %and3A_400 = arith.andi %gather3A_395, %broadcast_in_dim3A_21 : vector<16xi32>
      %bitcast3A_401 = vector.bitcast %and3A_400 : vector<16xi32> to vector<16xf32>
      %add3A_402 = arith.addf %add3A_376, %bitcast3A_399 : vector<16xf32>
      %add3A_403 = arith.addf %add3A_377, %bitcast3A_401 : vector<16xf32>
      %add3A_404 = arith.addi %mul3A_393, %add3A_18 : vector<16xi32>
      %gather3A_405 = tpu.vector_load_idx %arg8[%add3A_404] : memref<32000xi32, #tpu.memory_space<vmem>>[vector<16xi32>], vector<16xi32>,
      %shift_left3A_406 = arith.constant 16 : i32
      %shift_left3A_407 = vector.broadcast %shift_left3A_406 : i32 to vector<16xi32>
      %shift_left3A_408 = arith.shli %gather3A_405, %shift_left3A_407 : vector<16xi32>
      %bitcast3A_409 = vector.bitcast %shift_left3A_408 : vector<16xi32> to vector<16xf32>
      %and3A_410 = arith.andi %gather3A_405, %broadcast_in_dim3A_21 : vector<16xi32>
      %bitcast3A_411 = vector.bitcast %and3A_410 : vector<16xi32> to vector<16xf32>
      %add3A_412 = arith.addf %add3A_386, %bitcast3A_409 : vector<16xf32>
      %add3A_413 = arith.addf %add3A_387, %bitcast3A_411 : vector<16xf32>
      %broadcast_in_dim3A_414 = arith.constant 11 : i32
      %broadcast_in_dim3A_415 = vector.broadcast %broadcast_in_dim3A_414 : i32 to vector<16xi32>
      %gather3A_416 = tpu.vector_load_idx %arg9[%broadcast_in_dim3A_415, %broadcast_in_dim3A_135] : memref<20x256xi32, #tpu.memory_space<vmem>>[vector<16xi32>, vector<16xi32>], vector<16xi32>,
      %mul3A_417 = arith.constant 32 : i32
      %mul3A_418 = vector.broadcast %mul3A_417 : i32 to vector<16xi32>
      %mul3A_419 = arith.muli %gather3A_416, %mul3A_418 : vector<16xi32>
      %add3A_420 = arith.addi %mul3A_419, %add3A_15 : vector<16xi32>
      %gather3A_421 = tpu.vector_load_idx %arg8[%add3A_420] : memref<32000xi32, #tpu.memory_space<vmem>>[vector<16xi32>], vector<16xi32>,
      %shift_left3A_422 = arith.constant 16 : i32
      %shift_left3A_423 = vector.broadcast %shift_left3A_422 : i32 to vector<16xi32>
      %shift_left3A_424 = arith.shli %gather3A_421, %shift_left3A_423 : vector<16xi32>
      %bitcast3A_425 = vector.bitcast %shift_left3A_424 : vector<16xi32> to vector<16xf32>
      %and3A_426 = arith.andi %gather3A_421, %broadcast_in_dim3A_21 : vector<16xi32>
      %bitcast3A_427 = vector.bitcast %and3A_426 : vector<16xi32> to vector<16xf32>
      %add3A_428 = arith.addf %add3A_402, %bitcast3A_425 : vector<16xf32>
      %add3A_429 = arith.addf %add3A_403, %bitcast3A_427 : vector<16xf32>
      %add3A_430 = arith.addi %mul3A_419, %add3A_18 : vector<16xi32>
      %gather3A_431 = tpu.vector_load_idx %arg8[%add3A_430] : memref<32000xi32, #tpu.memory_space<vmem>>[vector<16xi32>], vector<16xi32>,
      %shift_left3A_432 = arith.constant 16 : i32
      %shift_left3A_433 = vector.broadcast %shift_left3A_432 : i32 to vector<16xi32>
      %shift_left3A_434 = arith.shli %gather3A_431, %shift_left3A_433 : vector<16xi32>
      %bitcast3A_435 = vector.bitcast %shift_left3A_434 : vector<16xi32> to vector<16xf32>
      %and3A_436 = arith.andi %gather3A_431, %broadcast_in_dim3A_21 : vector<16xi32>
      %bitcast3A_437 = vector.bitcast %and3A_436 : vector<16xi32> to vector<16xf32>
      %add3A_438 = arith.addf %add3A_412, %bitcast3A_435 : vector<16xf32>
      %add3A_439 = arith.addf %add3A_413, %bitcast3A_437 : vector<16xf32>
      %broadcast_in_dim3A_440 = arith.constant 12 : i32
      %broadcast_in_dim3A_441 = vector.broadcast %broadcast_in_dim3A_440 : i32 to vector<16xi32>
      %gather3A_442 = tpu.vector_load_idx %arg9[%broadcast_in_dim3A_441, %broadcast_in_dim3A_135] : memref<20x256xi32, #tpu.memory_space<vmem>>[vector<16xi32>, vector<16xi32>], vector<16xi32>,
      %mul3A_443 = arith.constant 32 : i32
      %mul3A_444 = vector.broadcast %mul3A_443 : i32 to vector<16xi32>
      %mul3A_445 = arith.muli %gather3A_442, %mul3A_444 : vector<16xi32>
      %add3A_446 = arith.addi %mul3A_445, %add3A_15 : vector<16xi32>
      %gather3A_447 = tpu.vector_load_idx %arg8[%add3A_446] : memref<32000xi32, #tpu.memory_space<vmem>>[vector<16xi32>], vector<16xi32>,
      %shift_left3A_448 = arith.constant 16 : i32
      %shift_left3A_449 = vector.broadcast %shift_left3A_448 : i32 to vector<16xi32>
      %shift_left3A_450 = arith.shli %gather3A_447, %shift_left3A_449 : vector<16xi32>
      %bitcast3A_451 = vector.bitcast %shift_left3A_450 : vector<16xi32> to vector<16xf32>
      %and3A_452 = arith.andi %gather3A_447, %broadcast_in_dim3A_21 : vector<16xi32>
      %bitcast3A_453 = vector.bitcast %and3A_452 : vector<16xi32> to vector<16xf32>
      %add3A_454 = arith.addf %add3A_428, %bitcast3A_451 : vector<16xf32>
      %add3A_455 = arith.addf %add3A_429, %bitcast3A_453 : vector<16xf32>
      %add3A_456 = arith.addi %mul3A_445, %add3A_18 : vector<16xi32>
      %gather3A_457 = tpu.vector_load_idx %arg8[%add3A_456] : memref<32000xi32, #tpu.memory_space<vmem>>[vector<16xi32>], vector<16xi32>,
      %shift_left3A_458 = arith.constant 16 : i32
      %shift_left3A_459 = vector.broadcast %shift_left3A_458 : i32 to vector<16xi32>
      %shift_left3A_460 = arith.shli %gather3A_457, %shift_left3A_459 : vector<16xi32>
      %bitcast3A_461 = vector.bitcast %shift_left3A_460 : vector<16xi32> to vector<16xf32>
      %and3A_462 = arith.andi %gather3A_457, %broadcast_in_dim3A_21 : vector<16xi32>
      %bitcast3A_463 = vector.bitcast %and3A_462 : vector<16xi32> to vector<16xf32>
      %add3A_464 = arith.addf %add3A_438, %bitcast3A_461 : vector<16xf32>
      %add3A_465 = arith.addf %add3A_439, %bitcast3A_463 : vector<16xf32>
      %broadcast_in_dim3A_466 = arith.constant 13 : i32
      %broadcast_in_dim3A_467 = vector.broadcast %broadcast_in_dim3A_466 : i32 to vector<16xi32>
      %gather3A_468 = tpu.vector_load_idx %arg9[%broadcast_in_dim3A_467, %broadcast_in_dim3A_135] : memref<20x256xi32, #tpu.memory_space<vmem>>[vector<16xi32>, vector<16xi32>], vector<16xi32>,
      %mul3A_469 = arith.constant 32 : i32
      %mul3A_470 = vector.broadcast %mul3A_469 : i32 to vector<16xi32>
      %mul3A_471 = arith.muli %gather3A_468, %mul3A_470 : vector<16xi32>
      %add3A_472 = arith.addi %mul3A_471, %add3A_15 : vector<16xi32>
      %gather3A_473 = tpu.vector_load_idx %arg8[%add3A_472] : memref<32000xi32, #tpu.memory_space<vmem>>[vector<16xi32>], vector<16xi32>,
      %shift_left3A_474 = arith.constant 16 : i32
      %shift_left3A_475 = vector.broadcast %shift_left3A_474 : i32 to vector<16xi32>
      %shift_left3A_476 = arith.shli %gather3A_473, %shift_left3A_475 : vector<16xi32>
      %bitcast3A_477 = vector.bitcast %shift_left3A_476 : vector<16xi32> to vector<16xf32>
      %and3A_478 = arith.andi %gather3A_473, %broadcast_in_dim3A_21 : vector<16xi32>
      %bitcast3A_479 = vector.bitcast %and3A_478 : vector<16xi32> to vector<16xf32>
      %add3A_480 = arith.addf %add3A_454, %bitcast3A_477 : vector<16xf32>
      %add3A_481 = arith.addf %add3A_455, %bitcast3A_479 : vector<16xf32>
      %add3A_482 = arith.addi %mul3A_471, %add3A_18 : vector<16xi32>
      %gather3A_483 = tpu.vector_load_idx %arg8[%add3A_482] : memref<32000xi32, #tpu.memory_space<vmem>>[vector<16xi32>], vector<16xi32>,
      %shift_left3A_484 = arith.constant 16 : i32
      %shift_left3A_485 = vector.broadcast %shift_left3A_484 : i32 to vector<16xi32>
      %shift_left3A_486 = arith.shli %gather3A_483, %shift_left3A_485 : vector<16xi32>
      %bitcast3A_487 = vector.bitcast %shift_left3A_486 : vector<16xi32> to vector<16xf32>
      %and3A_488 = arith.andi %gather3A_483, %broadcast_in_dim3A_21 : vector<16xi32>
      %bitcast3A_489 = vector.bitcast %and3A_488 : vector<16xi32> to vector<16xf32>
      %add3A_490 = arith.addf %add3A_464, %bitcast3A_487 : vector<16xf32>
      %add3A_491 = arith.addf %add3A_465, %bitcast3A_489 : vector<16xf32>
      %broadcast_in_dim3A_492 = arith.constant 14 : i32
      %broadcast_in_dim3A_493 = vector.broadcast %broadcast_in_dim3A_492 : i32 to vector<16xi32>
      %gather3A_494 = tpu.vector_load_idx %arg9[%broadcast_in_dim3A_493, %broadcast_in_dim3A_135] : memref<20x256xi32, #tpu.memory_space<vmem>>[vector<16xi32>, vector<16xi32>], vector<16xi32>,
      %mul3A_495 = arith.constant 32 : i32
      %mul3A_496 = vector.broadcast %mul3A_495 : i32 to vector<16xi32>
      %mul3A_497 = arith.muli %gather3A_494, %mul3A_496 : vector<16xi32>
      %add3A_498 = arith.addi %mul3A_497, %add3A_15 : vector<16xi32>
      %gather3A_499 = tpu.vector_load_idx %arg8[%add3A_498] : memref<32000xi32, #tpu.memory_space<vmem>>[vector<16xi32>], vector<16xi32>,
      %shift_left3A_500 = arith.constant 16 : i32
      %shift_left3A_501 = vector.broadcast %shift_left3A_500 : i32 to vector<16xi32>
      %shift_left3A_502 = arith.shli %gather3A_499, %shift_left3A_501 : vector<16xi32>
      %bitcast3A_503 = vector.bitcast %shift_left3A_502 : vector<16xi32> to vector<16xf32>
      %and3A_504 = arith.andi %gather3A_499, %broadcast_in_dim3A_21 : vector<16xi32>
      %bitcast3A_505 = vector.bitcast %and3A_504 : vector<16xi32> to vector<16xf32>
      %add3A_506 = arith.addf %add3A_480, %bitcast3A_503 : vector<16xf32>
      %add3A_507 = arith.addf %add3A_481, %bitcast3A_505 : vector<16xf32>
      %add3A_508 = arith.addi %mul3A_497, %add3A_18 : vector<16xi32>
      %gather3A_509 = tpu.vector_load_idx %arg8[%add3A_508] : memref<32000xi32, #tpu.memory_space<vmem>>[vector<16xi32>], vector<16xi32>,
      %shift_left3A_510 = arith.constant 16 : i32
      %shift_left3A_511 = vector.broadcast %shift_left3A_510 : i32 to vector<16xi32>
      %shift_left3A_512 = arith.shli %gather3A_509, %shift_left3A_511 : vector<16xi32>
      %bitcast3A_513 = vector.bitcast %shift_left3A_512 : vector<16xi32> to vector<16xf32>
      %and3A_514 = arith.andi %gather3A_509, %broadcast_in_dim3A_21 : vector<16xi32>
      %bitcast3A_515 = vector.bitcast %and3A_514 : vector<16xi32> to vector<16xf32>
      %add3A_516 = arith.addf %add3A_490, %bitcast3A_513 : vector<16xf32>
      %add3A_517 = arith.addf %add3A_491, %bitcast3A_515 : vector<16xf32>
      %broadcast_in_dim3A_518 = arith.constant 15 : i32
      %broadcast_in_dim3A_519 = vector.broadcast %broadcast_in_dim3A_518 : i32 to vector<16xi32>
      %gather3A_520 = tpu.vector_load_idx %arg9[%broadcast_in_dim3A_519, %broadcast_in_dim3A_135] : memref<20x256xi32, #tpu.memory_space<vmem>>[vector<16xi32>, vector<16xi32>], vector<16xi32>,
      %mul3A_521 = arith.constant 32 : i32
      %mul3A_522 = vector.broadcast %mul3A_521 : i32 to vector<16xi32>
      %mul3A_523 = arith.muli %gather3A_520, %mul3A_522 : vector<16xi32>
      %add3A_524 = arith.addi %mul3A_523, %add3A_15 : vector<16xi32>
      %gather3A_525 = tpu.vector_load_idx %arg8[%add3A_524] : memref<32000xi32, #tpu.memory_space<vmem>>[vector<16xi32>], vector<16xi32>,
      %shift_left3A_526 = arith.constant 16 : i32
      %shift_left3A_527 = vector.broadcast %shift_left3A_526 : i32 to vector<16xi32>
      %shift_left3A_528 = arith.shli %gather3A_525, %shift_left3A_527 : vector<16xi32>
      %bitcast3A_529 = vector.bitcast %shift_left3A_528 : vector<16xi32> to vector<16xf32>
      %and3A_530 = arith.andi %gather3A_525, %broadcast_in_dim3A_21 : vector<16xi32>
      %bitcast3A_531 = vector.bitcast %and3A_530 : vector<16xi32> to vector<16xf32>
      %add3A_532 = arith.addf %add3A_506, %bitcast3A_529 : vector<16xf32>
      %add3A_533 = arith.addf %add3A_507, %bitcast3A_531 : vector<16xf32>
      %add3A_534 = arith.addi %mul3A_523, %add3A_18 : vector<16xi32>
      %gather3A_535 = tpu.vector_load_idx %arg8[%add3A_534] : memref<32000xi32, #tpu.memory_space<vmem>>[vector<16xi32>], vector<16xi32>,
      %shift_left3A_536 = arith.constant 16 : i32
      %shift_left3A_537 = vector.broadcast %shift_left3A_536 : i32 to vector<16xi32>
      %shift_left3A_538 = arith.shli %gather3A_535, %shift_left3A_537 : vector<16xi32>
      %bitcast3A_539 = vector.bitcast %shift_left3A_538 : vector<16xi32> to vector<16xf32>
      %and3A_540 = arith.andi %gather3A_535, %broadcast_in_dim3A_21 : vector<16xi32>
      %bitcast3A_541 = vector.bitcast %and3A_540 : vector<16xi32> to vector<16xf32>
      %add3A_542 = arith.addf %add3A_516, %bitcast3A_539 : vector<16xf32>
      %add3A_543 = arith.addf %add3A_517, %bitcast3A_541 : vector<16xf32>
      %broadcast_in_dim3A_544 = arith.constant 16 : i32
      %broadcast_in_dim3A_545 = vector.broadcast %broadcast_in_dim3A_544 : i32 to vector<16xi32>
      %gather3A_546 = tpu.vector_load_idx %arg9[%broadcast_in_dim3A_545, %broadcast_in_dim3A_135] : memref<20x256xi32, #tpu.memory_space<vmem>>[vector<16xi32>, vector<16xi32>], vector<16xi32>,
      %mul3A_547 = arith.constant 32 : i32
      %mul3A_548 = vector.broadcast %mul3A_547 : i32 to vector<16xi32>
      %mul3A_549 = arith.muli %gather3A_546, %mul3A_548 : vector<16xi32>
      %add3A_550 = arith.addi %mul3A_549, %add3A_15 : vector<16xi32>
      %gather3A_551 = tpu.vector_load_idx %arg8[%add3A_550] : memref<32000xi32, #tpu.memory_space<vmem>>[vector<16xi32>], vector<16xi32>,
      %shift_left3A_552 = arith.constant 16 : i32
      %shift_left3A_553 = vector.broadcast %shift_left3A_552 : i32 to vector<16xi32>
      %shift_left3A_554 = arith.shli %gather3A_551, %shift_left3A_553 : vector<16xi32>
      %bitcast3A_555 = vector.bitcast %shift_left3A_554 : vector<16xi32> to vector<16xf32>
      %and3A_556 = arith.andi %gather3A_551, %broadcast_in_dim3A_21 : vector<16xi32>
      %bitcast3A_557 = vector.bitcast %and3A_556 : vector<16xi32> to vector<16xf32>
      %add3A_558 = arith.addf %add3A_532, %bitcast3A_555 : vector<16xf32>
      %add3A_559 = arith.addf %add3A_533, %bitcast3A_557 : vector<16xf32>
      %add3A_560 = arith.addi %mul3A_549, %add3A_18 : vector<16xi32>
      %gather3A_561 = tpu.vector_load_idx %arg8[%add3A_560] : memref<32000xi32, #tpu.memory_space<vmem>>[vector<16xi32>], vector<16xi32>,
      %shift_left3A_562 = arith.constant 16 : i32
      %shift_left3A_563 = vector.broadcast %shift_left3A_562 : i32 to vector<16xi32>
      %shift_left3A_564 = arith.shli %gather3A_561, %shift_left3A_563 : vector<16xi32>
      %bitcast3A_565 = vector.bitcast %shift_left3A_564 : vector<16xi32> to vector<16xf32>
      %and3A_566 = arith.andi %gather3A_561, %broadcast_in_dim3A_21 : vector<16xi32>
      %bitcast3A_567 = vector.bitcast %and3A_566 : vector<16xi32> to vector<16xf32>
      %add3A_568 = arith.addf %add3A_542, %bitcast3A_565 : vector<16xf32>
      %add3A_569 = arith.addf %add3A_543, %bitcast3A_567 : vector<16xf32>
      %broadcast_in_dim3A_570 = arith.constant 17 : i32
      %broadcast_in_dim3A_571 = vector.broadcast %broadcast_in_dim3A_570 : i32 to vector<16xi32>
      %gather3A_572 = tpu.vector_load_idx %arg9[%broadcast_in_dim3A_571, %broadcast_in_dim3A_135] : memref<20x256xi32, #tpu.memory_space<vmem>>[vector<16xi32>, vector<16xi32>], vector<16xi32>,
      %mul3A_573 = arith.constant 32 : i32
      %mul3A_574 = vector.broadcast %mul3A_573 : i32 to vector<16xi32>
      %mul3A_575 = arith.muli %gather3A_572, %mul3A_574 : vector<16xi32>
      %add3A_576 = arith.addi %mul3A_575, %add3A_15 : vector<16xi32>
      %gather3A_577 = tpu.vector_load_idx %arg8[%add3A_576] : memref<32000xi32, #tpu.memory_space<vmem>>[vector<16xi32>], vector<16xi32>,
      %shift_left3A_578 = arith.constant 16 : i32
      %shift_left3A_579 = vector.broadcast %shift_left3A_578 : i32 to vector<16xi32>
      %shift_left3A_580 = arith.shli %gather3A_577, %shift_left3A_579 : vector<16xi32>
      %bitcast3A_581 = vector.bitcast %shift_left3A_580 : vector<16xi32> to vector<16xf32>
      %and3A_582 = arith.andi %gather3A_577, %broadcast_in_dim3A_21 : vector<16xi32>
      %bitcast3A_583 = vector.bitcast %and3A_582 : vector<16xi32> to vector<16xf32>
      %add3A_584 = arith.addf %add3A_558, %bitcast3A_581 : vector<16xf32>
      %add3A_585 = arith.addf %add3A_559, %bitcast3A_583 : vector<16xf32>
      %add3A_586 = arith.addi %mul3A_575, %add3A_18 : vector<16xi32>
      %gather3A_587 = tpu.vector_load_idx %arg8[%add3A_586] : memref<32000xi32, #tpu.memory_space<vmem>>[vector<16xi32>], vector<16xi32>,
      %shift_left3A_588 = arith.constant 16 : i32
      %shift_left3A_589 = vector.broadcast %shift_left3A_588 : i32 to vector<16xi32>
      %shift_left3A_590 = arith.shli %gather3A_587, %shift_left3A_589 : vector<16xi32>
      %bitcast3A_591 = vector.bitcast %shift_left3A_590 : vector<16xi32> to vector<16xf32>
      %and3A_592 = arith.andi %gather3A_587, %broadcast_in_dim3A_21 : vector<16xi32>
      %bitcast3A_593 = vector.bitcast %and3A_592 : vector<16xi32> to vector<16xf32>
      %add3A_594 = arith.addf %add3A_568, %bitcast3A_591 : vector<16xf32>
      %add3A_595 = arith.addf %add3A_569, %bitcast3A_593 : vector<16xf32>
      %broadcast_in_dim3A_596 = arith.constant 18 : i32
      %broadcast_in_dim3A_597 = vector.broadcast %broadcast_in_dim3A_596 : i32 to vector<16xi32>
      %gather3A_598 = tpu.vector_load_idx %arg9[%broadcast_in_dim3A_597, %broadcast_in_dim3A_135] : memref<20x256xi32, #tpu.memory_space<vmem>>[vector<16xi32>, vector<16xi32>], vector<16xi32>,
      %mul3A_599 = arith.constant 32 : i32
      %mul3A_600 = vector.broadcast %mul3A_599 : i32 to vector<16xi32>
      %mul3A_601 = arith.muli %gather3A_598, %mul3A_600 : vector<16xi32>
      %add3A_602 = arith.addi %mul3A_601, %add3A_15 : vector<16xi32>
      %gather3A_603 = tpu.vector_load_idx %arg8[%add3A_602] : memref<32000xi32, #tpu.memory_space<vmem>>[vector<16xi32>], vector<16xi32>,
      %shift_left3A_604 = arith.constant 16 : i32
      %shift_left3A_605 = vector.broadcast %shift_left3A_604 : i32 to vector<16xi32>
      %shift_left3A_606 = arith.shli %gather3A_603, %shift_left3A_605 : vector<16xi32>
      %bitcast3A_607 = vector.bitcast %shift_left3A_606 : vector<16xi32> to vector<16xf32>
      %and3A_608 = arith.andi %gather3A_603, %broadcast_in_dim3A_21 : vector<16xi32>
      %bitcast3A_609 = vector.bitcast %and3A_608 : vector<16xi32> to vector<16xf32>
      %add3A_610 = arith.addf %add3A_584, %bitcast3A_607 : vector<16xf32>
      %add3A_611 = arith.addf %add3A_585, %bitcast3A_609 : vector<16xf32>
      %add3A_612 = arith.addi %mul3A_601, %add3A_18 : vector<16xi32>
      %gather3A_613 = tpu.vector_load_idx %arg8[%add3A_612] : memref<32000xi32, #tpu.memory_space<vmem>>[vector<16xi32>], vector<16xi32>,
      %shift_left3A_614 = arith.constant 16 : i32
      %shift_left3A_615 = vector.broadcast %shift_left3A_614 : i32 to vector<16xi32>
      %shift_left3A_616 = arith.shli %gather3A_613, %shift_left3A_615 : vector<16xi32>
      %bitcast3A_617 = vector.bitcast %shift_left3A_616 : vector<16xi32> to vector<16xf32>
      %and3A_618 = arith.andi %gather3A_613, %broadcast_in_dim3A_21 : vector<16xi32>
      %bitcast3A_619 = vector.bitcast %and3A_618 : vector<16xi32> to vector<16xf32>
      %add3A_620 = arith.addf %add3A_594, %bitcast3A_617 : vector<16xf32>
      %add3A_621 = arith.addf %add3A_595, %bitcast3A_619 : vector<16xf32>
      %broadcast_in_dim3A_622 = arith.constant 19 : i32
      %broadcast_in_dim3A_623 = vector.broadcast %broadcast_in_dim3A_622 : i32 to vector<16xi32>
      %gather3A_624 = tpu.vector_load_idx %arg9[%broadcast_in_dim3A_623, %broadcast_in_dim3A_135] : memref<20x256xi32, #tpu.memory_space<vmem>>[vector<16xi32>, vector<16xi32>], vector<16xi32>,
      %mul3A_625 = arith.constant 32 : i32
      %mul3A_626 = vector.broadcast %mul3A_625 : i32 to vector<16xi32>
      %mul3A_627 = arith.muli %gather3A_624, %mul3A_626 : vector<16xi32>
      %add3A_628 = arith.addi %mul3A_627, %add3A_15 : vector<16xi32>
      %gather3A_629 = tpu.vector_load_idx %arg8[%add3A_628] : memref<32000xi32, #tpu.memory_space<vmem>>[vector<16xi32>], vector<16xi32>,
      %shift_left3A_630 = arith.constant 16 : i32
      %shift_left3A_631 = vector.broadcast %shift_left3A_630 : i32 to vector<16xi32>
      %shift_left3A_632 = arith.shli %gather3A_629, %shift_left3A_631 : vector<16xi32>
      %bitcast3A_633 = vector.bitcast %shift_left3A_632 : vector<16xi32> to vector<16xf32>
      %and3A_634 = arith.andi %gather3A_629, %broadcast_in_dim3A_21 : vector<16xi32>
      %bitcast3A_635 = vector.bitcast %and3A_634 : vector<16xi32> to vector<16xf32>
      %add3A_636 = arith.addf %add3A_610, %bitcast3A_633 : vector<16xf32>
      %add3A_637 = arith.addf %add3A_611, %bitcast3A_635 : vector<16xf32>
      %add3A_638 = arith.addi %mul3A_627, %add3A_18 : vector<16xi32>
      %gather3A_639 = tpu.vector_load_idx %arg8[%add3A_638] : memref<32000xi32, #tpu.memory_space<vmem>>[vector<16xi32>], vector<16xi32>,
      %shift_left3A_640 = arith.constant 16 : i32
      %shift_left3A_641 = vector.broadcast %shift_left3A_640 : i32 to vector<16xi32>
      %shift_left3A_642 = arith.shli %gather3A_639, %shift_left3A_641 : vector<16xi32>
      %bitcast3A_643 = vector.bitcast %shift_left3A_642 : vector<16xi32> to vector<16xf32>
      %and3A_644 = arith.andi %gather3A_639, %broadcast_in_dim3A_21 : vector<16xi32>
      %bitcast3A_645 = vector.bitcast %and3A_644 : vector<16xi32> to vector<16xf32>
      %add3A_646 = arith.addf %add3A_620, %bitcast3A_643 : vector<16xf32>
      %add3A_647 = arith.addf %add3A_621, %bitcast3A_645 : vector<16xf32>
      %add3A_648 = arith.constant 0 : i32
      %add3A_649 = vector.broadcast %add3A_648 : i32 to vector<16xi32>
      %add3A_650 = arith.addi %mul3A_20, %add3A_649 : vector<16xi32>
      %mul3A_651 = vector.broadcast %scan3A_117 : f32 to vector<16xf32>
      %mul3A_652 = arith.mulf %add3A_636, %mul3A_651 : vector<16xf32>
      tpu.vector_store_idx %arg10[%broadcast_in_dim3A_135, %add3A_650], %mul3A_652 : memref<256x64xf32, #tpu.memory_space<vmem>>[vector<16xi32>, vector<16xi32>], vector<16xf32>,
      %add3A_653 = arith.constant 1 : i32
      %add3A_654 = vector.broadcast %add3A_653 : i32 to vector<16xi32>
      %add3A_655 = arith.addi %mul3A_20, %add3A_654 : vector<16xi32>
      %mul3A_656 = vector.broadcast %scan3A_117 : f32 to vector<16xf32>
      %mul3A_657 = arith.mulf %add3A_637, %mul3A_656 : vector<16xf32>
      tpu.vector_store_idx %arg10[%broadcast_in_dim3A_135, %add3A_655], %mul3A_657 : memref<256x64xf32, #tpu.memory_space<vmem>>[vector<16xi32>, vector<16xi32>], vector<16xf32>,
      %add3A_658 = arith.constant 32 : i32
      %add3A_659 = vector.broadcast %add3A_658 : i32 to vector<16xi32>
      %add3A_660 = arith.addi %mul3A_20, %add3A_659 : vector<16xi32>
      %mul3A_661 = vector.broadcast %scan3A_117 : f32 to vector<16xf32>
      %mul3A_662 = arith.mulf %add3A_646, %mul3A_661 : vector<16xf32>
      tpu.vector_store_idx %arg10[%broadcast_in_dim3A_135, %add3A_660], %mul3A_662 : memref<256x64xf32, #tpu.memory_space<vmem>>[vector<16xi32>, vector<16xi32>], vector<16xf32>,
      %add3A_663 = arith.constant 33 : i32
      %add3A_664 = vector.broadcast %add3A_663 : i32 to vector<16xi32>
      %add3A_665 = arith.addi %mul3A_20, %add3A_664 : vector<16xi32>
      %mul3A_666 = vector.broadcast %scan3A_117 : f32 to vector<16xf32>
      %mul3A_667 = arith.mulf %add3A_647, %mul3A_666 : vector<16xf32>
      tpu.vector_store_idx %arg10[%broadcast_in_dim3A_135, %add3A_665], %mul3A_667 : memref<256x64xf32, #tpu.memory_space<vmem>>[vector<16xi32>, vector<16xi32>], vector<16xf32>,
      %scan3A_668 = arith.constant 0 : i32
      scf.yield %scan3A_668 : i32
    }
    %scan3A_124 = arith.constant 256 : i32
    %convert_element_type3A_125 = arith.extui %eq3A_0 : i1 to i32
    %cond3A_126 = arith.constant 0 : i32
    %cond3A_127 = arith.cmpi ne, %convert_element_type3A_125, %cond3A_126 : i32
    scf.if %cond3A_127 {
      "tpu.region"() ({
        %run_scoped3A = tpu.sem_alloc : memref<!tpu.dma_semaphore, #tpu.memory_space<semaphore_mem>>
        %dma_start3A = arith.constant 0 : i32
        %dma_start3A_133 = tpu.memref_slice %arg6[%add3A_108, %dma_start3A] : memref<16384x64xf32, #tpu.memory_space<hbm>> -> memref<256x64xf32, #tpu.memory_space<hbm>>
        %dma_start3A_134 = arith.constant 0 : i32
        %dma_start3A_135 = tpu.memref_slice %arg6[%add3A_108, %dma_start3A_134] : memref<16384x64xf32, #tpu.memory_space<hbm>> -> memref<256x64xf32, #tpu.memory_space<hbm>>
        tpu.enqueue_dma source(%arg10 : memref<256x64xf32, #tpu.memory_space<vmem>>) target(%dma_start3A_135 : memref<256x64xf32, #tpu.memory_space<hbm>>) target_semaphore(%run_scoped3A : memref<!tpu.dma_semaphore, #tpu.memory_space<semaphore_mem>>)
        %dma_wait3A = arith.constant 0 : i32
        %dma_wait3A_136 = tpu.memref_slice %arg6[%add3A_108, %dma_wait3A] : memref<16384x64xf32, #tpu.memory_space<hbm>> -> memref<256x64xf32, #tpu.memory_space<hbm>>
        %dma_wait3A_137 = arith.constant 0 : i32
        %dma_wait3A_138 = tpu.memref_slice %arg6[%add3A_108, %dma_wait3A_137] : memref<16384x64xf32, #tpu.memory_space<hbm>> -> memref<256x64xf32, #tpu.memory_space<hbm>>
        tpu.wait_dma2 semaphore(%run_scoped3A : memref<!tpu.dma_semaphore, #tpu.memory_space<semaphore_mem>>) src(%arg10 : memref<256x64xf32, #tpu.memory_space<vmem>>) dst(%dma_wait3A_138 : memref<256x64xf32, #tpu.memory_space<hbm>>)
        tpu.yield
      }) : () -> ()
    } else {
    }
    %not3A_128 = arith.constant true
    %not3A_129 = arith.xori %eq3A_0, %not3A_128 : i1
    %convert_element_type3A_130 = arith.extui %not3A_129 : i1 to i32
    %cond3A_131 = arith.constant 0 : i32
    %cond3A_132 = arith.cmpi ne, %convert_element_type3A_130, %cond3A_131 : i32
    scf.if %cond3A_132 {
      "tpu.region"() ({
        %run_scoped3A = tpu.sem_alloc : memref<!tpu.dma_semaphore, #tpu.memory_space<semaphore_mem>>
        %dma_start3A = arith.constant 0 : i32
        %dma_start3A_133 = tpu.memref_slice %arg7[%add3A_108, %dma_start3A] : memref<16384x64xf32, #tpu.memory_space<hbm>> -> memref<256x64xf32, #tpu.memory_space<hbm>>
        %dma_start3A_134 = arith.constant 0 : i32
        %dma_start3A_135 = tpu.memref_slice %arg7[%add3A_108, %dma_start3A_134] : memref<16384x64xf32, #tpu.memory_space<hbm>> -> memref<256x64xf32, #tpu.memory_space<hbm>>
        tpu.enqueue_dma source(%arg10 : memref<256x64xf32, #tpu.memory_space<vmem>>) target(%dma_start3A_135 : memref<256x64xf32, #tpu.memory_space<hbm>>) target_semaphore(%run_scoped3A : memref<!tpu.dma_semaphore, #tpu.memory_space<semaphore_mem>>)
        %dma_wait3A = arith.constant 0 : i32
        %dma_wait3A_136 = tpu.memref_slice %arg7[%add3A_108, %dma_wait3A] : memref<16384x64xf32, #tpu.memory_space<hbm>> -> memref<256x64xf32, #tpu.memory_space<hbm>>
        %dma_wait3A_137 = arith.constant 0 : i32
        %dma_wait3A_138 = tpu.memref_slice %arg7[%add3A_108, %dma_wait3A_137] : memref<16384x64xf32, #tpu.memory_space<hbm>> -> memref<256x64xf32, #tpu.memory_space<hbm>>
        tpu.wait_dma2 semaphore(%run_scoped3A : memref<!tpu.dma_semaphore, #tpu.memory_space<semaphore_mem>>) src(%arg10 : memref<256x64xf32, #tpu.memory_space<vmem>>) dst(%dma_wait3A_138 : memref<256x64xf32, #tpu.memory_space<hbm>>)
        tpu.yield
      }) : () -> ()
    } else {
    }
    return
  }
}

#map = affine_map<(d0, d1) -> (0, 0)>
#map1 = affine_map<(d0, d1) -> (0)>
module attributes {stable_mosaic.version = 14 : i64} {
  func.func @k(%arg0: i32, %arg1: i32, %arg2: memref<100000x64xf32, #tpu.memory_space<hbm>>, %arg3: memref<16384xi32, #tpu.memory_space<hbm>>, %arg4: memref<16384x64xf32, #tpu.memory_space<hbm>>, %arg5: memref<512xi32, #tpu.memory_space<vmem>>, %arg6: memref<512x64xf32, #tpu.memory_space<vmem>>, %arg7: memref<!tpu.dma_semaphore, #tpu.memory_space<semaphore_mem>>) attributes {dimension_semantics = [#tpu.dimension_semantics<core_parallel>, #tpu.dimension_semantics<subcore_parallel>], iteration_bounds = array<i64: 2, 16>, scalar_prefetch = 0 : i64, scratch_operands = 3 : i64, tpu.core_type = #tpu.core_type<sc_vector_subcore>, window_params = [{transform_indices = #map}, {transform_indices = #map1}, {transform_indices = #map}]} {
    %mul3A = arith.constant 2 : i32
    %mul3A_0 = arith.muli %arg1, %mul3A : i32
    %add3A = arith.addi %mul3A_0, %arg0 : i32
    %mul3A_1 = arith.constant 512 : i32
    %mul3A_2 = arith.muli %add3A, %mul3A_1 : i32
    "tpu.region"() ({
      %run_scoped3A = tpu.sem_alloc : memref<!tpu.dma_semaphore, #tpu.memory_space<semaphore_mem>>
      %dma_start3A_67 = tpu.memref_slice %arg3[%mul3A_2] : memref<16384xi32, #tpu.memory_space<hbm>> -> memref<512xi32, #tpu.memory_space<hbm>>
      %dma_start3A_68 = tpu.memref_slice %arg3[%mul3A_2] : memref<16384xi32, #tpu.memory_space<hbm>> -> memref<512xi32, #tpu.memory_space<hbm>>
      tpu.enqueue_dma source(%dma_start3A_68 : memref<512xi32, #tpu.memory_space<hbm>>) target(%arg5 : memref<512xi32, #tpu.memory_space<vmem>>) target_semaphore(%run_scoped3A : memref<!tpu.dma_semaphore, #tpu.memory_space<semaphore_mem>>)
      %dma_wait3A_69 = tpu.memref_slice %arg3[%mul3A_2] : memref<16384xi32, #tpu.memory_space<hbm>> -> memref<512xi32, #tpu.memory_space<hbm>>
      %dma_wait3A_70 = tpu.memref_slice %arg3[%mul3A_2] : memref<16384xi32, #tpu.memory_space<hbm>> -> memref<512xi32, #tpu.memory_space<hbm>>
      tpu.wait_dma2 semaphore(%run_scoped3A : memref<!tpu.dma_semaphore, #tpu.memory_space<semaphore_mem>>) src(%dma_wait3A_70 : memref<512xi32, #tpu.memory_space<hbm>>) dst(%arg5 : memref<512xi32, #tpu.memory_space<vmem>>)
      tpu.yield
    }) : () -> ()
    %dma_start3A = arith.constant 0 : i32
    %dma_start3A_3 = arith.constant 0 : i32
    %dma_start3A_4 = tpu.memref_slice %arg6[%dma_start3A, %dma_start3A_3] : memref<512x64xf32, #tpu.memory_space<vmem>> -> memref<128x64xf32, #tpu.memory_space<vmem>>
    %dma_start3A_5 = arith.constant 0 : i32
    %dma_start3A_6 = tpu.memref_slice %arg5[%dma_start3A_5] : memref<512xi32, #tpu.memory_space<vmem>> -> memref<128xi32, #tpu.memory_space<vmem>>
    %dma_start3A_7 = arith.constant 0 : i32
    %dma_start3A_8 = arith.constant 0 : i32
    %dma_start3A_9 = tpu.memref_slice %arg2[%dma_start3A_7, %dma_start3A_8] : memref<100000x64xf32, #tpu.memory_space<hbm>> -> memref<100000x64xf32, #tpu.memory_space<hbm>>
    tpu.enqueue_indirect_dma source(%dma_start3A_9 : memref<100000x64xf32, #tpu.memory_space<hbm>>) target(%dma_start3A_4 : memref<128x64xf32, #tpu.memory_space<vmem>>) offsets(%dma_start3A_6 : memref<128xi32, #tpu.memory_space<vmem>>) semaphore(%arg7 : memref<!tpu.dma_semaphore, #tpu.memory_space<semaphore_mem>>)
    %dma_start3A_10 = arith.constant 128 : i32
    %dma_start3A_11 = arith.constant 0 : i32
    %dma_start3A_12 = tpu.memref_slice %arg6[%dma_start3A_10, %dma_start3A_11] : memref<512x64xf32, #tpu.memory_space<vmem>> -> memref<128x64xf32, #tpu.memory_space<vmem>>
    %dma_start3A_13 = arith.constant 128 : i32
    %dma_start3A_14 = tpu.memref_slice %arg5[%dma_start3A_13] : memref<512xi32, #tpu.memory_space<vmem>> -> memref<128xi32, #tpu.memory_space<vmem>>
    %dma_start3A_15 = arith.constant 0 : i32
    %dma_start3A_16 = arith.constant 0 : i32
    %dma_start3A_17 = tpu.memref_slice %arg2[%dma_start3A_15, %dma_start3A_16] : memref<100000x64xf32, #tpu.memory_space<hbm>> -> memref<100000x64xf32, #tpu.memory_space<hbm>>
    tpu.enqueue_indirect_dma source(%dma_start3A_17 : memref<100000x64xf32, #tpu.memory_space<hbm>>) target(%dma_start3A_12 : memref<128x64xf32, #tpu.memory_space<vmem>>) offsets(%dma_start3A_14 : memref<128xi32, #tpu.memory_space<vmem>>) semaphore(%arg7 : memref<!tpu.dma_semaphore, #tpu.memory_space<semaphore_mem>>)
    %dma_start3A_18 = arith.constant 256 : i32
    %dma_start3A_19 = arith.constant 0 : i32
    %dma_start3A_20 = tpu.memref_slice %arg6[%dma_start3A_18, %dma_start3A_19] : memref<512x64xf32, #tpu.memory_space<vmem>> -> memref<128x64xf32, #tpu.memory_space<vmem>>
    %dma_start3A_21 = arith.constant 256 : i32
    %dma_start3A_22 = tpu.memref_slice %arg5[%dma_start3A_21] : memref<512xi32, #tpu.memory_space<vmem>> -> memref<128xi32, #tpu.memory_space<vmem>>
    %dma_start3A_23 = arith.constant 0 : i32
    %dma_start3A_24 = arith.constant 0 : i32
    %dma_start3A_25 = tpu.memref_slice %arg2[%dma_start3A_23, %dma_start3A_24] : memref<100000x64xf32, #tpu.memory_space<hbm>> -> memref<100000x64xf32, #tpu.memory_space<hbm>>
    tpu.enqueue_indirect_dma source(%dma_start3A_25 : memref<100000x64xf32, #tpu.memory_space<hbm>>) target(%dma_start3A_20 : memref<128x64xf32, #tpu.memory_space<vmem>>) offsets(%dma_start3A_22 : memref<128xi32, #tpu.memory_space<vmem>>) semaphore(%arg7 : memref<!tpu.dma_semaphore, #tpu.memory_space<semaphore_mem>>)
    %dma_start3A_26 = arith.constant 384 : i32
    %dma_start3A_27 = arith.constant 0 : i32
    %dma_start3A_28 = tpu.memref_slice %arg6[%dma_start3A_26, %dma_start3A_27] : memref<512x64xf32, #tpu.memory_space<vmem>> -> memref<128x64xf32, #tpu.memory_space<vmem>>
    %dma_start3A_29 = arith.constant 384 : i32
    %dma_start3A_30 = tpu.memref_slice %arg5[%dma_start3A_29] : memref<512xi32, #tpu.memory_space<vmem>> -> memref<128xi32, #tpu.memory_space<vmem>>
    %dma_start3A_31 = arith.constant 0 : i32
    %dma_start3A_32 = arith.constant 0 : i32
    %dma_start3A_33 = tpu.memref_slice %arg2[%dma_start3A_31, %dma_start3A_32] : memref<100000x64xf32, #tpu.memory_space<hbm>> -> memref<100000x64xf32, #tpu.memory_space<hbm>>
    tpu.enqueue_indirect_dma source(%dma_start3A_33 : memref<100000x64xf32, #tpu.memory_space<hbm>>) target(%dma_start3A_28 : memref<128x64xf32, #tpu.memory_space<vmem>>) offsets(%dma_start3A_30 : memref<128xi32, #tpu.memory_space<vmem>>) semaphore(%arg7 : memref<!tpu.dma_semaphore, #tpu.memory_space<semaphore_mem>>)
    %dma_wait3A = arith.constant 0 : i32
    %dma_wait3A_34 = arith.constant 0 : i32
    %dma_wait3A_35 = tpu.memref_slice %arg6[%dma_wait3A, %dma_wait3A_34] : memref<512x64xf32, #tpu.memory_space<vmem>> -> memref<128x64xf32, #tpu.memory_space<vmem>>
    %dma_wait3A_36 = arith.constant 0 : i32
    %dma_wait3A_37 = tpu.memref_slice %arg5[%dma_wait3A_36] : memref<512xi32, #tpu.memory_space<vmem>> -> memref<128xi32, #tpu.memory_space<vmem>>
    %dma_wait3A_38 = arith.constant 0 : i32
    %dma_wait3A_39 = arith.constant 0 : i32
    %dma_wait3A_40 = tpu.memref_slice %arg2[%dma_wait3A_38, %dma_wait3A_39] : memref<100000x64xf32, #tpu.memory_space<hbm>> -> memref<100000x64xf32, #tpu.memory_space<hbm>>
    tpu.wait_indirect_dma semaphore(%arg7 : memref<!tpu.dma_semaphore, #tpu.memory_space<semaphore_mem>>) src(%dma_wait3A_40 : memref<100000x64xf32, #tpu.memory_space<hbm>>) dst(%dma_wait3A_35 : memref<128x64xf32, #tpu.memory_space<vmem>>)
    %dma_wait3A_41 = arith.constant 128 : i32
    %dma_wait3A_42 = arith.constant 0 : i32
    %dma_wait3A_43 = tpu.memref_slice %arg6[%dma_wait3A_41, %dma_wait3A_42] : memref<512x64xf32, #tpu.memory_space<vmem>> -> memref<128x64xf32, #tpu.memory_space<vmem>>
    %dma_wait3A_44 = arith.constant 128 : i32
    %dma_wait3A_45 = tpu.memref_slice %arg5[%dma_wait3A_44] : memref<512xi32, #tpu.memory_space<vmem>> -> memref<128xi32, #tpu.memory_space<vmem>>
    %dma_wait3A_46 = arith.constant 0 : i32
    %dma_wait3A_47 = arith.constant 0 : i32
    %dma_wait3A_48 = tpu.memref_slice %arg2[%dma_wait3A_46, %dma_wait3A_47] : memref<100000x64xf32, #tpu.memory_space<hbm>> -> memref<100000x64xf32, #tpu.memory_space<hbm>>
    tpu.wait_indirect_dma semaphore(%arg7 : memref<!tpu.dma_semaphore, #tpu.memory_space<semaphore_mem>>) src(%dma_wait3A_48 : memref<100000x64xf32, #tpu.memory_space<hbm>>) dst(%dma_wait3A_43 : memref<128x64xf32, #tpu.memory_space<vmem>>)
    %dma_wait3A_49 = arith.constant 256 : i32
    %dma_wait3A_50 = arith.constant 0 : i32
    %dma_wait3A_51 = tpu.memref_slice %arg6[%dma_wait3A_49, %dma_wait3A_50] : memref<512x64xf32, #tpu.memory_space<vmem>> -> memref<128x64xf32, #tpu.memory_space<vmem>>
    %dma_wait3A_52 = arith.constant 256 : i32
    %dma_wait3A_53 = tpu.memref_slice %arg5[%dma_wait3A_52] : memref<512xi32, #tpu.memory_space<vmem>> -> memref<128xi32, #tpu.memory_space<vmem>>
    %dma_wait3A_54 = arith.constant 0 : i32
    %dma_wait3A_55 = arith.constant 0 : i32
    %dma_wait3A_56 = tpu.memref_slice %arg2[%dma_wait3A_54, %dma_wait3A_55] : memref<100000x64xf32, #tpu.memory_space<hbm>> -> memref<100000x64xf32, #tpu.memory_space<hbm>>
    tpu.wait_indirect_dma semaphore(%arg7 : memref<!tpu.dma_semaphore, #tpu.memory_space<semaphore_mem>>) src(%dma_wait3A_56 : memref<100000x64xf32, #tpu.memory_space<hbm>>) dst(%dma_wait3A_51 : memref<128x64xf32, #tpu.memory_space<vmem>>)
    %dma_wait3A_57 = arith.constant 384 : i32
    %dma_wait3A_58 = arith.constant 0 : i32
    %dma_wait3A_59 = tpu.memref_slice %arg6[%dma_wait3A_57, %dma_wait3A_58] : memref<512x64xf32, #tpu.memory_space<vmem>> -> memref<128x64xf32, #tpu.memory_space<vmem>>
    %dma_wait3A_60 = arith.constant 384 : i32
    %dma_wait3A_61 = tpu.memref_slice %arg5[%dma_wait3A_60] : memref<512xi32, #tpu.memory_space<vmem>> -> memref<128xi32, #tpu.memory_space<vmem>>
    %dma_wait3A_62 = arith.constant 0 : i32
    %dma_wait3A_63 = arith.constant 0 : i32
    %dma_wait3A_64 = tpu.memref_slice %arg2[%dma_wait3A_62, %dma_wait3A_63] : memref<100000x64xf32, #tpu.memory_space<hbm>> -> memref<100000x64xf32, #tpu.memory_space<hbm>>
    tpu.wait_indirect_dma semaphore(%arg7 : memref<!tpu.dma_semaphore, #tpu.memory_space<semaphore_mem>>) src(%dma_wait3A_64 : memref<100000x64xf32, #tpu.memory_space<hbm>>) dst(%dma_wait3A_59 : memref<128x64xf32, #tpu.memory_space<vmem>>)
    %mul3A_65 = arith.constant 512 : i32
    %mul3A_66 = arith.muli %add3A, %mul3A_65 : i32
    "tpu.region"() ({
      %run_scoped3A = tpu.sem_alloc : memref<!tpu.dma_semaphore, #tpu.memory_space<semaphore_mem>>
      %dma_start3A_67 = arith.constant 0 : i32
      %dma_start3A_68 = tpu.memref_slice %arg4[%mul3A_66, %dma_start3A_67] : memref<16384x64xf32, #tpu.memory_space<hbm>> -> memref<512x64xf32, #tpu.memory_space<hbm>>
      %dma_start3A_69 = arith.constant 0 : i32
      %dma_start3A_70 = tpu.memref_slice %arg4[%mul3A_66, %dma_start3A_69] : memref<16384x64xf32, #tpu.memory_space<hbm>> -> memref<512x64xf32, #tpu.memory_space<hbm>>
      tpu.enqueue_dma source(%arg6 : memref<512x64xf32, #tpu.memory_space<vmem>>) target(%dma_start3A_70 : memref<512x64xf32, #tpu.memory_space<hbm>>) target_semaphore(%run_scoped3A : memref<!tpu.dma_semaphore, #tpu.memory_space<semaphore_mem>>)
      %dma_wait3A_71 = arith.constant 0 : i32
      %dma_wait3A_72 = tpu.memref_slice %arg4[%mul3A_66, %dma_wait3A_71] : memref<16384x64xf32, #tpu.memory_space<hbm>> -> memref<512x64xf32, #tpu.memory_space<hbm>>
      %dma_wait3A_73 = arith.constant 0 : i32
      %dma_wait3A_74 = tpu.memref_slice %arg4[%mul3A_66, %dma_wait3A_73] : memref<16384x64xf32, #tpu.memory_space<hbm>> -> memref<512x64xf32, #tpu.memory_space<hbm>>
      tpu.wait_dma2 semaphore(%run_scoped3A : memref<!tpu.dma_semaphore, #tpu.memory_space<semaphore_mem>>) src(%arg6 : memref<512x64xf32, #tpu.memory_space<vmem>>) dst(%dma_wait3A_74 : memref<512x64xf32, #tpu.memory_space<hbm>>)
      tpu.yield
    }) : () -> ()
    return
  }
}

module attributes {stable_mosaic.version = 14 : i64} {
  func.func @_tc_body(%arg0: i32, %arg1: memref<512x26xf32, #tpu.memory_space<vmem>>, %arg2: memref<1x26xf32, #tpu.memory_space<vmem>>, %arg3: memref<1x26xf32, #tpu.memory_space<vmem>>, %arg4: memref<512x64xf32, #tpu.memory_space<vmem>>, %arg5: memref<512x64xf32, #tpu.memory_space<vmem>>, %arg6: memref<512x64xf32, #tpu.memory_space<vmem>>, %arg7: memref<3x64xf32, #tpu.memory_space<vmem>>, %arg8: memref<4x64xf32, #tpu.memory_space<vmem>>, %arg9: memref<3x64xf32, #tpu.memory_space<vmem>>, %arg10: memref<3x64xf32, #tpu.memory_space<vmem>>, %arg11: memref<2x64xf32, #tpu.memory_space<vmem>>, %arg12: memref<3x64xf32, #tpu.memory_space<vmem>>, %arg13: memref<3x64xf32, #tpu.memory_space<vmem>>, %arg14: memref<3x64xf32, #tpu.memory_space<vmem>>, %arg15: memref<1x64xf32, #tpu.memory_space<vmem>>, %arg16: memref<1x64xf32, #tpu.memory_space<vmem>>, %arg17: memref<768x128xf32, #tpu.memory_space<vmem>>, %arg18: memref<1x128xf32, #tpu.memory_space<vmem>>, %arg19: memref<128x64xf32, #tpu.memory_space<vmem>>, %arg20: memref<1x64xf32, #tpu.memory_space<vmem>>, %arg21: memref<512x64xf32, #tpu.memory_space<vmem>>, %arg22: memref<26x128xf32, #tpu.memory_space<vmem>>) attributes {dimension_semantics = [#tpu.dimension_semantics<arbitrary>], iteration_bounds = array<i64: 32>, scalar_prefetch = 0 : i64, scratch_operands = 1 : i64, tpu.core_type = #tpu.core_type<tc>, window_params = [{transform_indices = @transform_0, window_bounds = array<i64: 512, 26>}, {pipeline_mode = #tpu.pipeline_mode<synchronous>, transform_indices = @transform_1, window_bounds = array<i64: 1, 26>}, {pipeline_mode = #tpu.pipeline_mode<synchronous>, transform_indices = @transform_2, window_bounds = array<i64: 1, 26>}, {transform_indices = @transform_3, window_bounds = array<i64: 512, 64>}, {transform_indices = @transform_4, window_bounds = array<i64: 512, 64>}, {transform_indices = @transform_5, window_bounds = array<i64: 512, 64>}, {pipeline_mode = #tpu.pipeline_mode<synchronous>, transform_indices = @transform_6, window_bounds = array<i64: 3, 64>}, {pipeline_mode = #tpu.pipeline_mode<synchronous>, transform_indices = @transform_7, window_bounds = array<i64: 4, 64>}, {pipeline_mode = #tpu.pipeline_mode<synchronous>, transform_indices = @transform_8, window_bounds = array<i64: 3, 64>}, {pipeline_mode = #tpu.pipeline_mode<synchronous>, transform_indices = @transform_9, window_bounds = array<i64: 3, 64>}, {pipeline_mode = #tpu.pipeline_mode<synchronous>, transform_indices = @transform_10, window_bounds = array<i64: 2, 64>}, {pipeline_mode = #tpu.pipeline_mode<synchronous>, transform_indices = @transform_11, window_bounds = array<i64: 3, 64>}, {pipeline_mode = #tpu.pipeline_mode<synchronous>, transform_indices = @transform_12, window_bounds = array<i64: 3, 64>}, {pipeline_mode = #tpu.pipeline_mode<synchronous>, transform_indices = @transform_13, window_bounds = array<i64: 3, 64>}, {pipeline_mode = #tpu.pipeline_mode<synchronous>, transform_indices = @transform_14, window_bounds = array<i64: 1, 64>}, {pipeline_mode = #tpu.pipeline_mode<synchronous>, transform_indices = @transform_15, window_bounds = array<i64: 1, 64>}, {pipeline_mode = #tpu.pipeline_mode<synchronous>, transform_indices = @transform_16, window_bounds = array<i64: 768, 128>}, {pipeline_mode = #tpu.pipeline_mode<synchronous>, transform_indices = @transform_17, window_bounds = array<i64: 1, 128>}, {pipeline_mode = #tpu.pipeline_mode<synchronous>, transform_indices = @transform_18, window_bounds = array<i64: 128, 64>}, {pipeline_mode = #tpu.pipeline_mode<synchronous>, transform_indices = @transform_19, window_bounds = array<i64: 1, 64>}, {transform_indices = @transform_20, window_bounds = array<i64: 512, 64>}]} {
    %eq3A = arith.constant 0 : i32
    %eq3A_0 = arith.cmpi eq, %arg0, %eq3A : i32
    %convert_element_type3A = arith.extui %eq3A_0 : i1 to i32
    %cond3A = arith.constant 0 : i32
    %cond3A_1 = arith.cmpi ne, %convert_element_type3A, %cond3A : i32
    scf.if %cond3A_1 {
      %get3A_60 = arith.constant 0 : index
      %get3A_61 = arith.constant 0 : index
      %get3A_62 = vector.load %arg17[%get3A_60, %get3A_61] : memref<768x128xf32, #tpu.memory_space<vmem>>, vector<768x128xf32>
      %get3A_63 = arith.constant 0 : index
      %get3A_64 = arith.constant 0 : index
      %get3A_65 = vector.load %arg7[%get3A_63, %get3A_64] : memref<3x64xf32, #tpu.memory_space<vmem>>, vector<3x64xf32>
      %slice3A_66 = vector.extract_strided_slice %get3A_62 {offsets = [0, 0], sizes = [64, 128], strides = [1, 1]} : vector<768x128xf32> to vector<64x128xf32>
      %dot_general3A_67 = arith.constant dense<0.000000e+00> : vector<3x128xf32>
      %dot_general3A_68 = tpu.matmul %get3A_65, %slice3A_66, %dot_general3A_67 {dimension_numbers = #tpu.dot_dimension_numbers<[1], [0], [0], [1], [0, 0, 1, 1], [], []>, transpose_lhs_hint = false} : vector<3x64xf32>, vector<64x128xf32>, vector<3x128xf32> -> vector<3x128xf32>
      %get3A_69 = arith.constant 0 : index
      %get3A_70 = arith.constant 0 : index
      %get3A_71 = vector.load %arg8[%get3A_69, %get3A_70] : memref<4x64xf32, #tpu.memory_space<vmem>>, vector<4x64xf32>
      %slice3A_72 = vector.extract_strided_slice %get3A_62 {offsets = [64, 0], sizes = [64, 128], strides = [1, 1]} : vector<768x128xf32> to vector<64x128xf32>
      %dot_general3A_73 = arith.constant dense<0.000000e+00> : vector<4x128xf32>
      %dot_general3A_74 = tpu.matmul %get3A_71, %slice3A_72, %dot_general3A_73 {dimension_numbers = #tpu.dot_dimension_numbers<[1], [0], [0], [1], [0, 0, 1, 1], [], []>, transpose_lhs_hint = false} : vector<4x64xf32>, vector<64x128xf32>, vector<4x128xf32> -> vector<4x128xf32>
      %get3A_75 = arith.constant 0 : index
      %get3A_76 = arith.constant 0 : index
      %get3A_77 = vector.load %arg9[%get3A_75, %get3A_76] : memref<3x64xf32, #tpu.memory_space<vmem>>, vector<3x64xf32>
      %slice3A_78 = vector.extract_strided_slice %get3A_62 {offsets = [128, 0], sizes = [64, 128], strides = [1, 1]} : vector<768x128xf32> to vector<64x128xf32>
      %dot_general3A_79 = arith.constant dense<0.000000e+00> : vector<3x128xf32>
      %dot_general3A_80 = tpu.matmul %get3A_77, %slice3A_78, %dot_general3A_79 {dimension_numbers = #tpu.dot_dimension_numbers<[1], [0], [0], [1], [0, 0, 1, 1], [], []>, transpose_lhs_hint = false} : vector<3x64xf32>, vector<64x128xf32>, vector<3x128xf32> -> vector<3x128xf32>
      %get3A_81 = arith.constant 0 : index
      %get3A_82 = arith.constant 0 : index
      %get3A_83 = vector.load %arg10[%get3A_81, %get3A_82] : memref<3x64xf32, #tpu.memory_space<vmem>>, vector<3x64xf32>
      %slice3A_84 = vector.extract_strided_slice %get3A_62 {offsets = [192, 0], sizes = [64, 128], strides = [1, 1]} : vector<768x128xf32> to vector<64x128xf32>
      %dot_general3A_85 = arith.constant dense<0.000000e+00> : vector<3x128xf32>
      %dot_general3A_86 = tpu.matmul %get3A_83, %slice3A_84, %dot_general3A_85 {dimension_numbers = #tpu.dot_dimension_numbers<[1], [0], [0], [1], [0, 0, 1, 1], [], []>, transpose_lhs_hint = false} : vector<3x64xf32>, vector<64x128xf32>, vector<3x128xf32> -> vector<3x128xf32>
      %get3A_87 = arith.constant 0 : index
      %get3A_88 = arith.constant 0 : index
      %get3A_89 = vector.load %arg11[%get3A_87, %get3A_88] : memref<2x64xf32, #tpu.memory_space<vmem>>, vector<2x64xf32>
      %slice3A_90 = vector.extract_strided_slice %get3A_62 {offsets = [320, 0], sizes = [64, 128], strides = [1, 1]} : vector<768x128xf32> to vector<64x128xf32>
      %dot_general3A_91 = arith.constant dense<0.000000e+00> : vector<2x128xf32>
      %dot_general3A_92 = tpu.matmul %get3A_89, %slice3A_90, %dot_general3A_91 {dimension_numbers = #tpu.dot_dimension_numbers<[1], [0], [0], [1], [0, 0, 1, 1], [], []>, transpose_lhs_hint = false} : vector<2x64xf32>, vector<64x128xf32>, vector<2x128xf32> -> vector<2x128xf32>
      %get3A_93 = arith.constant 0 : index
      %get3A_94 = arith.constant 0 : index
      %get3A_95 = vector.load %arg12[%get3A_93, %get3A_94] : memref<3x64xf32, #tpu.memory_space<vmem>>, vector<3x64xf32>
      %slice3A_96 = vector.extract_strided_slice %get3A_62 {offsets = [384, 0], sizes = [64, 128], strides = [1, 1]} : vector<768x128xf32> to vector<64x128xf32>
      %dot_general3A_97 = arith.constant dense<0.000000e+00> : vector<3x128xf32>
      %dot_general3A_98 = tpu.matmul %get3A_95, %slice3A_96, %dot_general3A_97 {dimension_numbers = #tpu.dot_dimension_numbers<[1], [0], [0], [1], [0, 0, 1, 1], [], []>, transpose_lhs_hint = false} : vector<3x64xf32>, vector<64x128xf32>, vector<3x128xf32> -> vector<3x128xf32>
      %get3A_99 = arith.constant 0 : index
      %get3A_100 = arith.constant 0 : index
      %get3A_101 = vector.load %arg13[%get3A_99, %get3A_100] : memref<3x64xf32, #tpu.memory_space<vmem>>, vector<3x64xf32>
      %slice3A_102 = vector.extract_strided_slice %get3A_62 {offsets = [448, 0], sizes = [64, 128], strides = [1, 1]} : vector<768x128xf32> to vector<64x128xf32>
      %dot_general3A_103 = arith.constant dense<0.000000e+00> : vector<3x128xf32>
      %dot_general3A_104 = tpu.matmul %get3A_101, %slice3A_102, %dot_general3A_103 {dimension_numbers = #tpu.dot_dimension_numbers<[1], [0], [0], [1], [0, 0, 1, 1], [], []>, transpose_lhs_hint = false} : vector<3x64xf32>, vector<64x128xf32>, vector<3x128xf32> -> vector<3x128xf32>
      %get3A_105 = arith.constant 0 : index
      %get3A_106 = arith.constant 0 : index
      %get3A_107 = vector.load %arg14[%get3A_105, %get3A_106] : memref<3x64xf32, #tpu.memory_space<vmem>>, vector<3x64xf32>
      %slice3A_108 = vector.extract_strided_slice %get3A_62 {offsets = [512, 0], sizes = [64, 128], strides = [1, 1]} : vector<768x128xf32> to vector<64x128xf32>
      %dot_general3A_109 = arith.constant dense<0.000000e+00> : vector<3x128xf32>
      %dot_general3A_110 = tpu.matmul %get3A_107, %slice3A_108, %dot_general3A_109 {dimension_numbers = #tpu.dot_dimension_numbers<[1], [0], [0], [1], [0, 0, 1, 1], [], []>, transpose_lhs_hint = false} : vector<3x64xf32>, vector<64x128xf32>, vector<3x128xf32> -> vector<3x128xf32>
      %get3A_111 = arith.constant 0 : index
      %get3A_112 = arith.constant 0 : index
      %get3A_113 = vector.load %arg15[%get3A_111, %get3A_112] : memref<1x64xf32, #tpu.memory_space<vmem>>, vector<1x64xf32>
      %slice3A_114 = vector.extract_strided_slice %get3A_62 {offsets = [576, 0], sizes = [64, 128], strides = [1, 1]} : vector<768x128xf32> to vector<64x128xf32>
      %dot_general3A_115 = arith.constant dense<0.000000e+00> : vector<1x128xf32>
      %dot_general3A_116 = tpu.matmul %get3A_113, %slice3A_114, %dot_general3A_115 {dimension_numbers = #tpu.dot_dimension_numbers<[1], [0], [0], [1], [0, 0, 1, 1], [], []>, transpose_lhs_hint = false} : vector<1x64xf32>, vector<64x128xf32>, vector<1x128xf32> -> vector<1x128xf32>
      %get3A_117 = arith.constant 0 : index
      %get3A_118 = arith.constant 0 : index
      %get3A_119 = vector.load %arg16[%get3A_117, %get3A_118] : memref<1x64xf32, #tpu.memory_space<vmem>>, vector<1x64xf32>
      %slice3A_120 = vector.extract_strided_slice %get3A_62 {offsets = [576, 0], sizes = [64, 128], strides = [1, 1]} : vector<768x128xf32> to vector<64x128xf32>
      %dot_general3A_121 = arith.constant dense<0.000000e+00> : vector<1x128xf32>
      %dot_general3A_122 = tpu.matmul %get3A_119, %slice3A_120, %dot_general3A_121 {dimension_numbers = #tpu.dot_dimension_numbers<[1], [0], [0], [1], [0, 0, 1, 1], [], []>, transpose_lhs_hint = false} : vector<1x64xf32>, vector<64x128xf32>, vector<1x128xf32> -> vector<1x128xf32>
      %get3A_123 = arith.constant 0 : index
      %get3A_124 = arith.constant 0 : index
      %get3A_125 = vector.load %arg18[%get3A_123, %get3A_124] : memref<1x128xf32, #tpu.memory_space<vmem>>, vector<1x128xf32>
      %add3A_126 = arith.addf %dot_general3A_122, %get3A_125 : vector<1x128xf32>
      %concatenate3A = tpu.concatenate %dot_general3A_68, %dot_general3A_74, %dot_general3A_80, %dot_general3A_86, %dot_general3A_92, %dot_general3A_98, %dot_general3A_104, %dot_general3A_110, %dot_general3A_116, %add3A_126 in 0 : vector<3x128xf32>, vector<4x128xf32>, vector<3x128xf32>, vector<3x128xf32>, vector<2x128xf32>, vector<3x128xf32>, vector<3x128xf32>, vector<3x128xf32>, vector<1x128xf32>, vector<1x128xf32> -> vector<26x128xf32>
      %swap3A_127 = arith.constant 0 : index
      %swap3A_128 = arith.constant 0 : index
      %swap3A_129 = vector.load %arg22[%swap3A_127, %swap3A_128] : memref<26x128xf32, #tpu.memory_space<vmem>>, vector<26x128xf32>
      tpu.vector_store %arg22[%swap3A_127, %swap3A_128], %concatenate3A {strides = array<i32>} : memref<26x128xf32, #tpu.memory_space<vmem>>, vector<26x128xf32>,
    } else {
    }
    %get3A = arith.constant 0 : index
    %get3A_2 = arith.constant 0 : index
    %get3A_3 = vector.load %arg2[%get3A, %get3A_2] : memref<1x26xf32, #tpu.memory_space<vmem>>, vector<1x26xf32>
    %get3A_4 = arith.constant 0 : index
    %get3A_5 = arith.constant 0 : index
    %get3A_6 = vector.load %arg3[%get3A_4, %get3A_5] : memref<1x26xf32, #tpu.memory_space<vmem>>, vector<1x26xf32>
    %get3A_7 = arith.constant 0 : index
    %get3A_8 = arith.constant 0 : index
    %get3A_9 = vector.load %arg1[%get3A_7, %get3A_8] : memref<512x26xf32, #tpu.memory_space<vmem>>, vector<512x26xf32>
    %eq3A_10 = vector.broadcast %get3A_3 : vector<1x26xf32> to vector<512x26xf32>
    %eq3A_11 = arith.cmpf oeq, %get3A_9, %eq3A_10 : vector<512x26xf32>
    %convert_element_type3A_12 = arith.extui %eq3A_11 : vector<512x26xi1> to vector<512x26xi32>
    %convert_element_type3A_13 = arith.sitofp %convert_element_type3A_12 : vector<512x26xi32> to vector<512x26xf32>
    %mul3A = vector.broadcast %get3A_6 : vector<1x26xf32> to vector<512x26xf32>
    %mul3A_14 = arith.mulf %convert_element_type3A_13, %mul3A : vector<512x26xf32>
    %sub3A = arith.constant 1.000000e+00 : f32
    %sub3A_15 = vector.broadcast %sub3A : f32 to vector<1x26xf32>
    %sub3A_16 = arith.subf %sub3A_15, %get3A_6 : vector<1x26xf32>
    %mul3A_17 = vector.broadcast %sub3A_16 : vector<1x26xf32> to vector<512x26xf32>
    %mul3A_18 = arith.mulf %get3A_9, %mul3A_17 : vector<512x26xf32>
    %add3A = arith.addf %mul3A_14, %mul3A_18 : vector<512x26xf32>
    %get3A_19 = arith.constant 0 : index
    %get3A_20 = arith.constant 0 : index
    %get3A_21 = vector.load %arg17[%get3A_19, %get3A_20] : memref<768x128xf32, #tpu.memory_space<vmem>>, vector<768x128xf32>
    %get3A_22 = arith.constant 0 : index
    %get3A_23 = arith.constant 0 : index
    %get3A_24 = vector.load %arg22[%get3A_22, %get3A_23] : memref<26x128xf32, #tpu.memory_space<vmem>>, vector<26x128xf32>
    %dot_general3A = arith.constant dense<0.000000e+00> : vector<512x128xf32>
    %dot_general3A_25 = tpu.matmul %add3A, %get3A_24, %dot_general3A {dimension_numbers = #tpu.dot_dimension_numbers<[1], [0], [0], [1], [0, 0, 1, 1], [], []>, transpose_lhs_hint = false} : vector<512x26xf32>, vector<26x128xf32>, vector<512x128xf32> -> vector<512x128xf32>
    %get3A_26 = arith.constant 0 : index
    %get3A_27 = arith.constant 0 : index
    %get3A_28 = vector.load %arg4[%get3A_26, %get3A_27] : memref<512x64xf32, #tpu.memory_space<vmem>>, vector<512x64xf32>
    %slice3A = vector.extract_strided_slice %get3A_21 {offsets = [256, 0], sizes = [64, 128], strides = [1, 1]} : vector<768x128xf32> to vector<64x128xf32>
    %dot_general3A_29 = arith.constant dense<0.000000e+00> : vector<512x128xf32>
    %dot_general3A_30 = tpu.matmul %get3A_28, %slice3A, %dot_general3A_29 {dimension_numbers = #tpu.dot_dimension_numbers<[1], [0], [0], [1], [0, 0, 1, 1], [], []>, transpose_lhs_hint = false} : vector<512x64xf32>, vector<64x128xf32>, vector<512x128xf32> -> vector<512x128xf32>
    %add3A_31 = arith.addf %dot_general3A_25, %dot_general3A_30 : vector<512x128xf32>
    %get3A_32 = arith.constant 0 : index
    %get3A_33 = arith.constant 0 : index
    %get3A_34 = vector.load %arg5[%get3A_32, %get3A_33] : memref<512x64xf32, #tpu.memory_space<vmem>>, vector<512x64xf32>
    %slice3A_35 = vector.extract_strided_slice %get3A_21 {offsets = [640, 0], sizes = [64, 128], strides = [1, 1]} : vector<768x128xf32> to vector<64x128xf32>
    %dot_general3A_36 = arith.constant dense<0.000000e+00> : vector<512x128xf32>
    %dot_general3A_37 = tpu.matmul %get3A_34, %slice3A_35, %dot_general3A_36 {dimension_numbers = #tpu.dot_dimension_numbers<[1], [0], [0], [1], [0, 0, 1, 1], [], []>, transpose_lhs_hint = false} : vector<512x64xf32>, vector<64x128xf32>, vector<512x128xf32> -> vector<512x128xf32>
    %add3A_38 = arith.addf %add3A_31, %dot_general3A_37 : vector<512x128xf32>
    %get3A_39 = arith.constant 0 : index
    %get3A_40 = arith.constant 0 : index
    %get3A_41 = vector.load %arg6[%get3A_39, %get3A_40] : memref<512x64xf32, #tpu.memory_space<vmem>>, vector<512x64xf32>
    %slice3A_42 = vector.extract_strided_slice %get3A_21 {offsets = [704, 0], sizes = [64, 128], strides = [1, 1]} : vector<768x128xf32> to vector<64x128xf32>
    %dot_general3A_43 = arith.constant dense<0.000000e+00> : vector<512x128xf32>
    %dot_general3A_44 = tpu.matmul %get3A_41, %slice3A_42, %dot_general3A_43 {dimension_numbers = #tpu.dot_dimension_numbers<[1], [0], [0], [1], [0, 0, 1, 1], [], []>, transpose_lhs_hint = false} : vector<512x64xf32>, vector<64x128xf32>, vector<512x128xf32> -> vector<512x128xf32>
    %add3A_45 = arith.addf %add3A_38, %dot_general3A_44 : vector<512x128xf32>
    %max3A = arith.constant 0.000000e+00 : f32
    %max3A_46 = vector.broadcast %max3A : f32 to vector<512x128xf32>
    %max3A_47 = arith.maximumf %add3A_45, %max3A_46 : vector<512x128xf32>
    %get3A_48 = arith.constant 0 : index
    %get3A_49 = arith.constant 0 : index
    %get3A_50 = vector.load %arg19[%get3A_48, %get3A_49] : memref<128x64xf32, #tpu.memory_space<vmem>>, vector<128x64xf32>
    %dot_general3A_51 = arith.constant dense<0.000000e+00> : vector<512x64xf32>
    %dot_general3A_52 = tpu.matmul %max3A_47, %get3A_50, %dot_general3A_51 {dimension_numbers = #tpu.dot_dimension_numbers<[1], [0], [0], [1], [0, 0, 1, 1], [], []>, transpose_lhs_hint = false} : vector<512x128xf32>, vector<128x64xf32>, vector<512x64xf32> -> vector<512x64xf32>
    %get3A_53 = arith.constant 0 : index
    %get3A_54 = arith.constant 0 : index
    %get3A_55 = vector.load %arg20[%get3A_53, %get3A_54] : memref<1x64xf32, #tpu.memory_space<vmem>>, vector<1x64xf32>
    %add3A_56 = vector.broadcast %get3A_55 : vector<1x64xf32> to vector<512x64xf32>
    %add3A_57 = arith.addf %dot_general3A_52, %add3A_56 : vector<512x64xf32>
    %swap3A = arith.constant 0 : index
    %swap3A_58 = arith.constant 0 : index
    %swap3A_59 = vector.load %arg21[%swap3A, %swap3A_58] : memref<512x64xf32, #tpu.memory_space<vmem>>, vector<512x64xf32>
    tpu.vector_store %arg21[%swap3A, %swap3A_58], %add3A_57 {strides = array<i32>} : memref<512x64xf32, #tpu.memory_space<vmem>>, vector<512x64xf32>,
    return
  }
  func.func @transform_0(%arg0: i32) -> (i32, i32) {
    %c0_i32 = arith.constant 0 : i32
    %c0_i32_0 = arith.constant 0 : i32
    return %arg0, %c0_i32 : i32, i32
  }
  func.func @transform_1(%arg0: i32) -> (i32, i32) {
    %c0_i32 = arith.constant 0 : i32
    %c0_i32_0 = arith.constant 0 : i32
    %c0_i32_1 = arith.constant 0 : i32
    return %c0_i32, %c0_i32_0 : i32, i32
  }
  func.func @transform_2(%arg0: i32) -> (i32, i32) {
    %c0_i32 = arith.constant 0 : i32
    %c0_i32_0 = arith.constant 0 : i32
    %c0_i32_1 = arith.constant 0 : i32
    return %c0_i32, %c0_i32_0 : i32, i32
  }
  func.func @transform_3(%arg0: i32) -> (i32, i32) {
    %c0_i32 = arith.constant 0 : i32
    %c0_i32_0 = arith.constant 0 : i32
    return %arg0, %c0_i32 : i32, i32
  }
  func.func @transform_4(%arg0: i32) -> (i32, i32) {
    %c0_i32 = arith.constant 0 : i32
    %c0_i32_0 = arith.constant 0 : i32
    return %arg0, %c0_i32 : i32, i32
  }
  func.func @transform_5(%arg0: i32) -> (i32, i32) {
    %c0_i32 = arith.constant 0 : i32
    %c0_i32_0 = arith.constant 0 : i32
    return %arg0, %c0_i32 : i32, i32
  }
  func.func @transform_6(%arg0: i32) -> (i32, i32) {
    %c0_i32 = arith.constant 0 : i32
    %c0_i32_0 = arith.constant 0 : i32
    %c0_i32_1 = arith.constant 0 : i32
    return %c0_i32, %c0_i32_0 : i32, i32
  }
  func.func @transform_7(%arg0: i32) -> (i32, i32) {
    %c0_i32 = arith.constant 0 : i32
    %c0_i32_0 = arith.constant 0 : i32
    %c0_i32_1 = arith.constant 0 : i32
    return %c0_i32, %c0_i32_0 : i32, i32
  }
  func.func @transform_8(%arg0: i32) -> (i32, i32) {
    %c0_i32 = arith.constant 0 : i32
    %c0_i32_0 = arith.constant 0 : i32
    %c0_i32_1 = arith.constant 0 : i32
    return %c0_i32, %c0_i32_0 : i32, i32
  }
  func.func @transform_9(%arg0: i32) -> (i32, i32) {
    %c0_i32 = arith.constant 0 : i32
    %c0_i32_0 = arith.constant 0 : i32
    %c0_i32_1 = arith.constant 0 : i32
    return %c0_i32, %c0_i32_0 : i32, i32
  }
  func.func @transform_10(%arg0: i32) -> (i32, i32) {
    %c0_i32 = arith.constant 0 : i32
    %c0_i32_0 = arith.constant 0 : i32
    %c0_i32_1 = arith.constant 0 : i32
    return %c0_i32, %c0_i32_0 : i32, i32
  }
  func.func @transform_11(%arg0: i32) -> (i32, i32) {
    %c0_i32 = arith.constant 0 : i32
    %c0_i32_0 = arith.constant 0 : i32
    %c0_i32_1 = arith.constant 0 : i32
    return %c0_i32, %c0_i32_0 : i32, i32
  }
  func.func @transform_12(%arg0: i32) -> (i32, i32) {
    %c0_i32 = arith.constant 0 : i32
    %c0_i32_0 = arith.constant 0 : i32
    %c0_i32_1 = arith.constant 0 : i32
    return %c0_i32, %c0_i32_0 : i32, i32
  }
  func.func @transform_13(%arg0: i32) -> (i32, i32) {
    %c0_i32 = arith.constant 0 : i32
    %c0_i32_0 = arith.constant 0 : i32
    %c0_i32_1 = arith.constant 0 : i32
    return %c0_i32, %c0_i32_0 : i32, i32
  }
  func.func @transform_14(%arg0: i32) -> (i32, i32) {
    %c0_i32 = arith.constant 0 : i32
    %c0_i32_0 = arith.constant 0 : i32
    %c0_i32_1 = arith.constant 0 : i32
    return %c0_i32, %c0_i32_0 : i32, i32
  }
  func.func @transform_15(%arg0: i32) -> (i32, i32) {
    %c0_i32 = arith.constant 0 : i32
    %c0_i32_0 = arith.constant 0 : i32
    %c0_i32_1 = arith.constant 0 : i32
    return %c0_i32, %c0_i32_0 : i32, i32
  }
  func.func @transform_16(%arg0: i32) -> (i32, i32) {
    %c0_i32 = arith.constant 0 : i32
    %c0_i32_0 = arith.constant 0 : i32
    %c0_i32_1 = arith.constant 0 : i32
    return %c0_i32, %c0_i32_0 : i32, i32
  }
  func.func @transform_17(%arg0: i32) -> (i32, i32) {
    %c0_i32 = arith.constant 0 : i32
    %c0_i32_0 = arith.constant 0 : i32
    %c0_i32_1 = arith.constant 0 : i32
    return %c0_i32, %c0_i32_0 : i32, i32
  }
  func.func @transform_18(%arg0: i32) -> (i32, i32) {
    %c0_i32 = arith.constant 0 : i32
    %c0_i32_0 = arith.constant 0 : i32
    %c0_i32_1 = arith.constant 0 : i32
    return %c0_i32, %c0_i32_0 : i32, i32
  }
  func.func @transform_19(%arg0: i32) -> (i32, i32) {
    %c0_i32 = arith.constant 0 : i32
    %c0_i32_0 = arith.constant 0 : i32
    %c0_i32_1 = arith.constant 0 : i32
    return %c0_i32, %c0_i32_0 : i32, i32
  }
  func.func @transform_20(%arg0: i32) -> (i32, i32) {
    %c0_i32 = arith.constant 0 : i32
    %c0_i32_0 = arith.constant 0 : i32
    return %arg0, %c0_i32 : i32, i32
  }
}

</mosaic_0001>

<sc_bundles>
// kernel: kernel.5.cloned.1.call-start
scs
__scs_entry_jumppad:
0x0: {  	(pc) =	sbr.rel $0x88, $3  }
0x1: {  	(tag) =	ssettag $0x0;
	lr =	simm.s32 $0x1  }
0x2: {  	[smem:$0x3F84] =	sst lr;
	_ =	strace $0xD0000000  }
0x3: {  	_ = 	snop  }
0x4: {  	_ = 	snop  }
0x5: {  	_ = 	snop  }
0x6: {  	_ = 	snop  }
0x7: {  	_ = 	snop  }
__scs_overlays_trampoline_lowered:
0x8: {  	[smem:$0x3F93] =	sst s0  }
0x9: {  	[smem:$0x3F94] =	sst s1  }
0xa: {  	[smem:$0x3F95] =	sst s2  }
0xb: {  	[smem:$0x3F96] =	sst s3  }
0xc: {  	[smem:$0x3F97] =	sst s4  }
0xd: {  	[smem:$0x3F98] =	sst s5  }
0xe: {  	[smem:$0x3F99] =	sst s6  }
0xf: {  	[smem:$0x3F9A] =	sst s7  }
0x10: {  	[smem:$0x3F9B] =	sst s8  }
0x11: {  	[smem:$0x3F9C] =	sst s9;
	s0 =	simm.s32 @!p0 $0x0  }
0x12: {  	s1 =	sld [smem:$0x3F82];
	s0 =	simm.s32 @p0 $0x1  }
0x13: {  	[smem:$0x3F9D] =	sst s0;
	s0 =	simm.s32 @!p1 $0x0  }
0x14: {  	s2 =	sld [smem:$0x3F81];
	s0 =	simm.s32 @p1 $0x1  }
0x15: {  	[smem:$0x3F9E] =	sst s0;
	s0 =	simm.s32 @!p2 $0x0  }
0x16: {  	s3 =	sld [smem:$0x3FDB];
	s0 =	simm.s32 @p2 $0x1  }
0x17: {  	s4 =	simm.s32 $0x1BF5;
	[smem:$0x3FA0] =	sst s0  }
0x18: {  	s0 =	sld [smem:$0x3F83];
	_ =	swait.ge [sflag:s4], $0x0  }
0x19: {  	s7 =	sld [smem:$0x3F84]  }
0x1a: {  	s8 =	sadd.s32 $0xFFFFE003, lr  }
0x1b: {  	s9 =	sadd.s32 $0xFFFFFEF7, lr;
	s5 =	simm.s32 $0xFFFFFFFF;
	p2 =	slt.u32 s8, $0xFFFFF086  }
0x1c: {  	p1 =	slt.u32 s9, $0xF7A;
	s5 =	simm.s32 @!p2 $0x0  }
0x1d: {  	s5 =	simm.s32 @p1 $0x1;
	p0 =	seq.s32 s7, s2  }
0x1e: {  	s7 =	smul.u32 @!p0 $0xF7A, s2;
	p2 =	seq.s32 @!p0 s5, $0x0  }
0x1f: {  	s9 =	smul.u32 $0xF7A, s1;
	s8 =	simm.s32 @!p0 $0x1BF5;
	p2 =	por !p2, p0  }
0x20: {  	[sflag:s8] =	ssyncset.s32 @!p0 $0xFFFFF086;
	s6 =	sadd.s32 @!p0 s3, s7;
	s7 =	simm.s32 @!p0 $0x108  }
0x21: {  	s3 =	sadd.s32 s3, s9;
	s6 =	sadd.s32 @!p0 $0x88, s6;
	s7 =	simm.s32 @p2 $0x1082  }
0x22: {  	[simem:s7], [sflag:s8] =	dma.local @!p0 [hbm:s6], $0xF7A  }
0x23: {  	s9 =	sor.u32 $0xD0000000, s2;
	s6 =	simm.s32 $0x108;
	_ =	swait.ge @!p0 [sflag:s8], $0x0  }
0x24: {  	s3 =	sadd.s32 $0x88, s3;
	s6 =	simm.s32 @!p1 $0x1082;
	[sflag:s4] =	ssyncset.s32 $0xFFFFF086  }
0x25: {  	[simem:s6], [sflag:s4] =	dma.local [hbm:s3], $0xF7A  }
0x26: {  	[smem:$0x3F84] =	sst s1;
	(tag) =	ssettag s2;
	_ =	strace s9  }
0x27: {  	s1 =	sld [smem:$0x3F94]  }
0x28: {  	s2 =	sld [smem:$0x3F95]  }
0x29: {  	s4 =	sld [smem:$0x3F97]  }
0x2a: {  	p0 =	seq.s32 s5, $0x0;
	s5 =	sld [smem:$0x3F98]  }
0x2b: {  	s6 =	sld [smem:$0x3F99]  }
0x2c: {  	s7 =	sld [smem:$0x3F9A]  }
0x2d: {  	s3 =	simm.s32 $0x108;
	s8 =	sld [smem:$0x3F9B]  }
0x2e: {  	s3 =	simm.s32 @!p0 $0x1082;
	s9 =	sld [smem:$0x3F9C]  }
0x2f: {  	lr =	sadd.s32 s0, s3;
	s0 =	sld [smem:$0x3F93]  }
0x30: {  	s3 =	sld [smem:$0x3F96]  }
0x31: {  	[smem:$0x3F9F] =	sst s10  }
0x32: {  	s10 =	sld [smem:$0x3F9D];
	_ =	sdelay $0x3  }
0x33: {  	p0 =	seq.s32 s10, $0x1;
	s10 =	sld [smem:$0x3F9F];
	_ =	sdelay $0x3  }
0x34: {  	[smem:$0x3F9F] =	sst s10  }
0x35: {  	s10 =	sld [smem:$0x3F9E];
	_ =	sdelay $0x3  }
0x36: {  	p1 =	seq.s32 s10, $0x1;
	s10 =	sld [smem:$0x3F9F];
	_ =	sdelay $0x3  }
0x37: {  	[smem:$0x3F9F] =	sst s10  }
0x38: {  	s10 =	sld [smem:$0x3FA0]  }
0x39: {  	_ = 	snop;
	(pc) =	sbr.ind lr, $3  }
0x3a: {  	_ = 	snop  }
0x3b: {  	_ = 	snop  }
0x3c: {  	p2 =	seq.s32 s10, $0x1;
	s10 =	sld [smem:$0x3F9F]  }
0x3d: {  	_ =	shalt  }
0x3e: {  	_ =	shalt  }
0x3f: {  	_ =	shalt  }
0x40: {  	_ =	shalt  }
0x41: {  	_ =	shalt  }
0x42: {  	_ =	shalt  }
0x43: {  	_ =	shalt  }
0x44: {  	_ =	shalt  }
0x45: {  	_ =	shalt  }
0x46: {  	_ =	shalt  }
0x47: {  	_ =	shalt  }
0x48: {  	_ =	shalt  }
0x49: {  	_ =	shalt  }
0x4a: {  	_ =	shalt  }
0x4b: {  	_ =	shalt  }
0x4c: {  	_ =	shalt  }
0x4d: {  	_ =	shalt  }
0x4e: {  	_ =	shalt  }
0x4f: {  	_ =	shalt  }
0x50: {  	_ =	shalt  }
0x51: {  	_ =	shalt  }
0x52: {  	_ =	shalt  }
0x53: {  	_ =	shalt  }
0x54: {  	_ =	shalt  }
0x55: {  	_ =	shalt  }
0x56: {  	_ =	shalt  }
0x57: {  	_ =	shalt  }
0x58: {  	_ =	shalt  }
0x59: {  	_ =	shalt  }
0x5a: {  	_ =	shalt  }
0x5b: {  	_ =	shalt  }
0x5c: {  	_ =	shalt  }
0x5d: {  	_ =	shalt  }
0x5e: {  	_ =	shalt  }
0x5f: {  	_ =	shalt  }
0x60: {  	_ =	shalt  }
0x61: {  	_ =	shalt  }
0x62: {  	_ =	shalt  }
0x63: {  	_ =	shalt  }
0x64: {  	_ =	shalt  }
0x65: {  	_ =	shalt  }
0x66: {  	_ =	shalt  }
0x67: {  	_ =	shalt  }
0x68: {  	_ =	shalt  }
0x69: {  	_ =	shalt  }
0x6a: {  	_ =	shalt  }
0x6b: {  	_ =	shalt  }
0x6c: {  	_ =	shalt  }
0x6d: {  	_ =	shalt  }
0x6e: {  	_ =	shalt  }
0x6f: {  	_ =	shalt  }
0x70: {  	_ =	shalt  }
0x71: {  	_ =	shalt  }
0x72: {  	_ =	shalt  }
0x73: {  	_ =	shalt  }
0x74: {  	_ =	shalt  }
0x75: {  	_ =	shalt  }
0x76: {  	_ =	shalt  }
0x77: {  	_ =	shalt  }
0x78: {  	_ =	shalt  }
0x79: {  	_ =	shalt  }
0x7a: {  	_ =	shalt  }
0x7b: {  	_ =	shalt  }
0x7c: {  	_ =	shalt  }
0x7d: {  	_ =	shalt  }
0x7e: {  	_ =	shalt  }
0x7f: {  	_ =	shalt  }
0x80: {  	_ =	shalt  }
0x81: {  	_ =	shalt  }
0x82: {  	_ =	shalt  }
0x83: {  	_ =	shalt  }
0x84: {  	_ =	shalt  }
0x85: {  	_ =	shalt  }
0x86: {  	_ =	shalt  }
0x87: {  	_ =	shalt  }
.Lfunc_end0:
.L_simem_size_0:
called_computation_lowered:
.L_overlay_start_0:
0x88: {  	s2 =	sld [smem:$0x3FD9]  }
0x89: {  	s3 =	sld [smem:$0x3FFE];
	_ =	sdelay $0x1  }
0x8a: {  	s1 =	srdreg.scid  }
0x8b: {  	s0 =	sand.u32 $0x1, s1  }
0x8c: {  	s17 =	sshll.u32 s0, $0xA;
	s2 =	sadd.s32 s3, s2  }
0x8d: {  	s2 =	sadd.s32 s2, s17  }
0x8e: {  	[smem:$0x3FAB] =	sst s2  }
0x8f: {  	_ = 	snop  }
0x90: {  	s18 =	sld [smem:$0x3FD0];
	(tm) =	ssettm $0x1  }
0x91: {  	s19 =	sld [smem:$0x3FFB];
	_ =	sdelay $0x3  }
0x92: {  	_ =	strace s19  }
0x93: {  	s2 =	sld [smem:$0x3FFC];
	_ =	sdelay $0x3  }
0x94: {  	_ =	strace s2  }
0x95: {  	s2 =	sld [smem:$0x3FFD];
	_ =	sdelay $0x3  }
0x96: {  	_ =	strace s2  }
0x97: {  	_ =	strace $0x8FFFFFFF  }
0x98: {  	s20 =	sld [smem:$0x3FDB];
	_ =	sdelay $0x1  }
0x99: {  	s4 =	simm.s32 $_scs_section_size  }
0x9a: {  	s5 =	simm.s32 $_size__tile_overlayer_lowered;
	s6 =	simm.s32 $_tile_overlayer_lowered  }
0x9b: {  	s7 =	simm.s32 $0x1BFF;
	s21 =	sshll.u32 s6, $0x1;
	s4 =	sadd.s32 s4, s20  }
0x9c: {  	s22 =	simm.s32 $0x0;
	s5 =	sshll.u32 s5, $0x1;
	s6 =	sadd.s32 s21, s4  }
0x9d: {  	[timem:s22], [sflag:s7] =	dma.local [hbm:s6], s5  }
0x9e: {  	_ =	swait.ge [sflag:s7], s5  }
0x9f: {  	s5 =	ssub.s32 $0x0, s5;
	[sflag:s7] =	ssyncset.done $0x0  }
0xa0: {  	[sflag:s7] =	ssyncadd.s32 s5;
	_ =	sdelay $0x1  }
0xa1: {  	s23 =	simm.s32 $0x1B8B  }
0xa2: {  	_ =	swait.ge [sflag:s23], $0x1  }
0xa3: {  	[sflag:s23] =	ssyncset.done $0x0  }
0xa4: {  	[sflag:s23] =	ssyncadd.s32 $0xFFFFFFFF  }
0xa5: {  	s5 =	sld [smem:$0x0]  }
0xa6: {  	s6 =	sand.u32 $0xFFFFFFFE, s1  }
0xa7: {  	p0 =	sne.s32 s1, s6  }
0xa8: {  	s6 =	sshll.u32 @p0 s6, $0xE  }
0xa9: {  	s6 =	sadd.s32 @p0 $0x11B8D, s6;
	s7 =	sshll.u32 @p0 s5, $0x11  }
0xaa: {  	s6 =	sor.u32 @p0 s7, s6  }
0xab: {  	[sflag:s6] =	ssyncadd.remote.s32 @p0 $0x1;
	_ =	sdelay $0x1  }
0xac: {  	s6 =	simm.s32 @p0 $0x1B8D  }
0xad: {  	_ =	swait.eq @p0 [sflag:s6], $0x1  }
0xae: {  	[sflag:s6] =	ssyncadd.s32 @p0 $0xFFFFFFFF  }
0xaf: {  	s7 =	sshll.u32 @!p0 s1, $0xE  }
0xb0: {  	s7 =	sor.u32 @!p0 $0x4000, s7;
	s6 =	simm.s32 @!p0 $0x1B8D  }
0xb1: {  	s5 =	sshll.u32 @!p0 s5, $0x11;
	s7 =	sadd.s32 @!p0 $0x11B8D, s7;
	_ =	swait.eq @!p0 [sflag:s6], $0x1  }
0xb2: {  	s5 =	sor.u32 @!p0 s5, s7;
	[sflag:s6] =	ssyncadd.s32 @!p0 $0xFFFFFFFF  }
0xb3: {  	s25 =	simm.s32 $0x1B8E;
	s24 =	sld [smem:$0x3FFE];
	[sflag:s5] =	ssyncadd.remote.s32 @!p0 $0x1  }
0xb4: {  	s26 =	simm.s32 $execute0_lowered;
	[smem:$0x3FD2] =	sst s25  }
0xb5: {  	s6 =	sshll.u32 s26, $0x1;
	_ =	strace $0x80000049;
	[dreg:$0x1] =	wrdreg $0xFFFFFFFF  }
0xb6: {  	s28 =	simm.s32 $_size_execute0_lowered;
	s4 =	sadd.s32 s4, s6;
	[dreg:$0x0] =	wrdreg $0x0  }
0xb7: {  	s6 =	sshll.u32 s28, $0x1;
	[dreg:$0x2] =	wrdreg s4  }
0xb8: {  	[dreg:$0x3] =	wrdreg s6  }
0xb9: {  	[dreg:$0x4] =	wrdreg $0xC0  }
0xba: {  	_ =	task [dreg:s22], $0x5FFFF  }
0xbb: {  	[dreg:$0x1] =	wrdreg $0xFFFFFFFF  }
0xbc: {  	[dreg:$0x0] =	wrdreg $0x60  }
0xbd: {  	[dreg:$0x2] =	wrdreg s24  }
0xbe: {  	[dreg:$0x3] =	wrdreg s18  }
0xbf: {  	[dreg:$0x4] =	wrdreg $0x9  }
0xc0: {  	_ =	task.clear_ibuf [dreg:s22], $0x5FFFF;
	_ =	strace $0x90000049  }
0xc1: {  	s29 =	simm.s32 $0x9;
	_ =	strace $0x8000004B  }
0xc2: {  	_ =	swait.ge [sflag:s29], $0x1  }
0xc3: {  	[sflag:s29] =	ssyncadd.s32 $0xFFFFFFFF  }
0xc4: {  	_ =	strace $0x9000004B  }
0xc5: {  	_ =	sfence  }
0xc6: {  	s30 =	sld [smem:$0x0];
	_ =	sdelay $0x2  }
0xc7: {  	s31 =	sshll.u32 s1, $0xD;
	s1 =	sshrl.u32 s1, $0x2  }
0xc8: {  	s4 =	sand.u32 $0x4000, s31;
	s1 =	sadd.s32 s1, s30  }
0xc9: {  	s0 =	sor.u32 s4, s0;
	s1 =	sshll.u32 s1, $0x11  }
0xca: {  	s0 =	sor.u32 s1, s0  }
0xcb: {  	s0 =	sadd.s32 $0x8F2B, s0  }
0xcc: {  	[sflag:s0] =	ssyncadd.remote.s32 $0x1  }
0xcd: {  	_ =	sfence.sel $0xFFFF  }
0xce: {  	[dreg:$0x0] =	wrdreg $0xFFFFFFFF;
	(pc) =	sbr.abs _section_cstart, $3  }
0xcf: {  	[dreg:$0x1] =	wrdreg $0xFFFFFFFF  }
0xd0: {  	_ =	task.clear_ibuf [dreg:s22], $0x2FFFF;
	_ =	strace $0x9FFFFFFF  }
0xd1: {  	(tm) =	ssettm $0x7FFFFFFF  }
tec
execute0_lowered:
.L_overlay_start_1:
0x0: {  	(tag) =	ssettag $0x1  }
0x1: {  	s3 =	rddreg [dreg:$0x0]  }
0x2: {  	s5 =	rddreg [dreg:$0x1]  }
0x3: {  	s0 =	rddreg [dreg:$0x2];
	s1 =	simm.s32 $0x0  }
0x4: {  	s4 =	srdreg.scid;
	s19 =	simm.s32 $0x0;
	[smem:$0x7FF] =	sst s1  }
0x5: {  	s6 =	sadd.s32 $0x23C00, s3;
	s2 =	sadd.s32 $0x24C00, s3;
	s4 =	sand.u32 $0x1, s4  }
0x6: {  	s7 =	sadd.s32 $0x25C00, s3;
	s11 =	sadd.s32 $0x2FC00, s3;
	s12 =	sadd.s32 $0x39C00, s3  }
0x7: {  	s3 =	stileid.u32;
	_ =	strace $0x8000004A;
	s8 =	ssub.s32 $0x2, s4  }
0x8: {  	p0 =	seq.s32 s4, $0x0;
	s26 =	sshll.u32 s3, $0xA;
	s28 =	sshll.u32 s3, $0x7  }
0x9: {  	s10 =	sshll.u32 s3, $0xD;
	s9 =	sshrl.u32 s8, $0x1;
	s13 =	sor.u32 $0x100, s26  }
0xa: {  	s15 =	sor.u32 $0x200, s26;
	s16 =	sor.u32 $0x300, s26;
	s2 =	smov.u32 @p0 s6  }
0xb: {  	s11 =	smov.u32 @p0 s7;
	s12 =	smov.u32 @p0 s5;
	s8 =	ssub.s32 s8, s9  }
0xc: {  	s14 =	sshrl.u32 s13, $0x3;
	s17 =	sshrl.u32 s15, $0x3;
	s18 =	sshrl.u32 s16, $0x3  }
0xd: {  	s29 =	sshll.u32 s13, $0x3;
	s30 =	sshll.u32 s15, $0x3;
	s31 =	sshll.u32 s16, $0x3  }
0xe: {  	s5 =	sadd.s32 s11, s28;
	s6 =	sadd.s32 s12, s10;
	s13 =	simm.s32 $0x1  }
0xf: {  	v0 =	vlaneseq.u32;
	s15 =	simm.s32 $0x4000;
	s16 =	simm.s32 $0x7D00;
	s4 =	smax.u32 s8, $0x1  }
0x10: {  	v1 =	vmul.u32 $0x2, v0;
	s7 =	sadd.s32 s11, s14;
	s8 =	sadd.s32 s12, s29;
	s9 =	sadd.s32 s11, s17  }
0x11: {  	v2 =	vor.u32 $0x10, v0;
	s10 =	sadd.s32 s12, s30;
	s11 =	sadd.s32 s11, s18;
	s12 =	sadd.s32 s12, s31  }
0x12: {  	v3 =	vor.u32 $0x1, v1;
	v4 =	vor.u32 $0x20, v1;
	v5 =	vor.u32 $0x21, v1;
	s14 =	simm.s32 $0x100;
	s17 =	simm.s32 $0x2;
	s18 =	simm.s32 $0x9100  }
.LBB2_1:
0x13: {  	[tilespmem:s1], [sflag:$0x1] =	stream.linear.gather [hbm4b:s2+s1], $0x7D00, $0x38;
	[tilespmem:$0xD100] =	vst v63  }
0x14: {  	_ =	swait.ge [sflag:s13], $0x7D00  }
0x15: {  	v6 =	vmov s1;
	[sflag:s13] =	ssyncset.done $0x0  }
0x16: {  	v7 =	vand.u32 $0xFF, v6;
	[sflag:s13] =	ssyncadd.s32 $0xFFFF8300  }
0x17: {  	v8 =	vor.u32 $0x100, v7;
	[tilespmem:s16], [sflag:$0x2] =	stream.strided.gather [hbm4b:s5+s14], $0x1400, s15, s14, $0x38;
	[tilespmem:$0xD100] =	vst v63  }
0x18: {  	v9 =	vor.u32 $0x200, v7;
	_ =	swait.ge [sflag:s17], $0x1400  }
0x19: {  	v10 =	vor.u32 $0x300, v7;
	[sflag:s17] =	ssyncset.done $0x0  }
0x1a: {  	v12 =	vor.u32 $0x1300, v7;
	[sflag:s17] =	ssyncadd.s32 $0xFFFFEC00  }
0x1b: {  	v13 =	vor.u32 $0x700, v7;
	v11 =	vld.idx.msk [tilespmem:v6+s16+$0x0], $0xffff  }
0x1c: {  	v14 =	vor.u32 $0x400, v7;
	v8 =	vld.idx.msk [tilespmem:v8+s16+$0x0], $0xffff  }
0x1d: {  	v15 =	vor.u32 $0x600, v7;
	v9 =	vld.idx.msk [tilespmem:v9+s16+$0x0], $0xffff  }
0x1e: {  	v16 =	vor.u32 $0x500, v7;
	v10 =	vld.idx.msk [tilespmem:v10+s16+$0x0], $0xffff  }
0x1f: {  	v17 =	vor.u32 $0x800, v7;
	v21 =	vld.idx.msk [tilespmem:v12+s16+$0x0], $0xffff  }
0x20: {  	v19 =	vor.u32 $0x900, v7;
	v13 =	vld.idx.msk [tilespmem:v13+s16+$0x0], $0xffff  }
0x21: {  	v22 =	vor.u32 $0xA00, v7;
	v14 =	vld.idx.msk [tilespmem:v14+s16+$0x0], $0xffff;
	v18 =	vshll.u32 v11, $0x5  }
0x22: {  	v15 =	vld.idx.msk [tilespmem:v15+s16+$0x0], $0xffff;
	v8 =	vshll.u32 v8, $0x5;
	v20 =	vor.u32 v0, v18  }
0x23: {  	v23 =	vor.u32 $0xB00, v7;
	v25 =	vor.u32 $0xC00, v7;
	v16 =	vld.idx.msk [tilespmem:v16+s16+$0x0], $0xffff;
	v24 =	vor.u32 v2, v8  }
0x24: {  	v26 =	vor.u32 $0xD00, v7;
	v17 =	vld.idx.msk [tilespmem:v17+s16+$0x0], $0xffff;
	v9 =	vshll.u32 v9, $0x5;
	v8 =	vor.u32 v0, v8  }
0x25: {  	v27 =	vor.u32 $0xE00, v7;
	v6 =	vshll.u32 v6, $0x6;
	v19 =	vld.idx.msk [tilespmem:v19+s16+$0x0], $0xffff;
	v28 =	vor.u32 v2, v9  }
0x26: {  	v12 =	vor.u32 $0xF00, v7;
	v22 =	vld.idx.msk [tilespmem:v22+s16+$0x0], $0xffff;
	v30 =	vshll.u32 v10, $0x5;
	v29 =	vor.u32 v0, v9  }
0x27: {  	v11 =	vor.u32 $0x1000, v7;
	v10 =	vor.u32 $0x1100, v7;
	v31 =	vor.u32 v0, v30;
	v20 =	vld.idx.msk [tilespmem:v20+s1+$0x0], $0xffff  }
0x28: {  	v13 =	vshll.u32 v13, $0x5;
	v14 =	vshll.u32 v14, $0x5;
	v18 =	vor.u32 v2, v18;
	v24 =	vld.idx.msk [tilespmem:v24+s1+$0x0], $0xffff  }
0x29: {  	v9 =	vor.u32 $0x1200, v7;
	v7 =	vshll.u32 v21, $0x5;
	v21 =	vor.u32 v2, v30;
	v61 =	vld.idx.msk [tilespmem:v8+s1+$0x0], $0xffff  }
0x2a: {  	v15 =	vshll.u32 v15, $0x5;
	v16 =	vshll.u32 v16, $0x5;
	v33 =	vor.u32 v0, v14;
	v28 =	vld.idx.msk [tilespmem:v28+s1+$0x0], $0xffff  }
0x2b: {  	v17 =	vshll.u32 v17, $0x5;
	v19 =	vshll.u32 v19, $0x5;
	v36 =	vor.u32 v0, v16;
	v29 =	vld.idx.msk [tilespmem:v29+s1+$0x0], $0xffff  }
0x2c: {  	v22 =	vshll.u32 v22, $0x5;
	v32 =	vor.u32 v0, v13;
	v14 =	vor.u32 v2, v14;
	v31 =	vld.idx.msk [tilespmem:v31+s1+$0x0], $0xffff  }
0x2d: {  	v13 =	vor.u32 v2, v13;
	v34 =	vor.u32 v0, v15;
	v16 =	vor.u32 v2, v16;
	v18 =	vld.idx.msk [tilespmem:v18+s1+$0x0], $0xffff  }
0x2e: {  	v15 =	vor.u32 v2, v15;
	v46 =	vor.u32 v2, v19;
	v19 =	vor.u32 v0, v19;
	v21 =	vld.idx.msk [tilespmem:v21+s1+$0x0], $0xffff  }
0x2f: {  	v48 =	vor.u32 v2, v17;
	v17 =	vor.u32 v0, v17;
	v56 =	vor.u32 v2, v22;
	v33 =	vld.idx.msk [tilespmem:v33+s1+$0x0], $0xffff  }
0x30: {  	v36 =	vld.idx.msk [tilespmem:v36+s1+$0x0], $0xffff;
	v35 =	vand.u32 $0xFFFF0000, v20;
	v20 =	vshll.u32 v20, $0x10;
	v37 =	vand.u32 $0xFFFF0000, v61  }
0x31: {  	v14 =	vld.idx.msk [tilespmem:v14+s1+$0x0], $0xffff;
	v38 =	vshll.u32 v24, $0x10;
	v30 =	vshll.u32 v61, $0x10;
	v62 =	vshll.u32 v29, $0x10  }
0x32: {  	v16 =	vld.idx.msk [tilespmem:v16+s1+$0x0], $0xffff;
	v63 =	vshll.u32 v28, $0x10;
	v24 =	vand.u32 $0xFFFF0000, v24;
	v28 =	vand.u32 $0xFFFF0000, v28  }
0x33: {  	v34 =	vld.idx.msk [tilespmem:v34+s1+$0x0], $0xffff;
	v39 =	vshll.u32 v31, $0x10;
	v40 =	vshll.u32 v18, $0x10;
	v29 =	vand.u32 $0xFFFF0000, v29  }
0x34: {  	v15 =	vld.idx.msk [tilespmem:v15+s1+$0x0], $0xffff;
	v18 =	vand.u32 $0xFFFF0000, v18;
	v43 =	vshll.u32 v21, $0x10;
	v31 =	vand.u32 $0xFFFF0000, v31  }
0x35: {  	v32 =	vld.idx.msk [tilespmem:v32+s1+$0x0], $0xffff;
	v21 =	vand.u32 $0xFFFF0000, v21;
	v44 =	vshll.u32 v33, $0x10;
	v33 =	vand.u32 $0xFFFF0000, v33  }
0x36: {  	v45 =	vand.u32 $0xFFFF0000, v36;
	v47 =	vshll.u32 v14, $0x10;
	v36 =	vshll.u32 v36, $0x10  }
0x37: {  	v14 =	vand.u32 $0xFFFF0000, v14;
	v49 =	vshll.u32 v16, $0x10;
	v42 =	vadd.f32 v38, v40  }
0x38: {  	v13 =	vld.idx.msk [tilespmem:v13+s1+$0x0], $0xffff;
	v16 =	vand.u32 $0xFFFF0000, v16;
	v50 =	vshll.u32 v34, $0x10;
	v20 =	vadd.f32 v30, v20  }
0x39: {  	v51 =	vshll.u32 v15, $0x10;
	v35 =	vadd.f32 v37, v35;
	v30 =	vadd.f32 v63, v42  }
0x3a: {  	v52 =	vshll.u32 v32, $0x10;
	v18 =	vadd.f32 v24, v18;
	v20 =	vadd.f32 v62, v20  }
0x3b: {  	v15 =	vand.u32 $0xFFFF0000, v15;
	v29 =	vadd.f32 v29, v35;
	v30 =	vadd.f32 v43, v30  }
0x3c: {  	v53 =	vld.idx.msk [tilespmem:v46+s1+$0x0], $0xffff;
	v54 =	vand.u32 $0xFFFF0000, v32;
	v18 =	vadd.f32 v28, v18;
	v20 =	vadd.f32 v39, v20  }
0x3d: {  	v23 =	vld.idx.msk [tilespmem:v23+s16+$0x0], $0xffff;
	v55 =	vand.u32 $0xFFFF0000, v13;
	v29 =	vadd.f32 v31, v29;
	v30 =	vadd.f32 v47, v30  }
0x3e: {  	v57 =	vand.u32 $0xFFFF0000, v34;
	v18 =	vadd.f32 v21, v18;
	v20 =	vadd.f32 v44, v20  }
0x3f: {  	v19 =	vld.idx.msk [tilespmem:v19+s1+$0x0], $0xffff;
	v21 =	vor.u32 v0, v22;
	v29 =	vadd.f32 v33, v29;
	v24 =	vadd.f32 v49, v30  }
0x40: {  	v25 =	vld.idx.msk [tilespmem:v25+s16+$0x0], $0xffff;
	v13 =	vshll.u32 v13, $0x10;
	v14 =	vadd.f32 v14, v18;
	v20 =	vadd.f32 v36, v20  }
0x41: {  	v17 =	vld.idx.msk [tilespmem:v17+s1+$0x0], $0xffff;
	v59 =	vshll.u32 v53, $0x10;
	v29 =	vadd.f32 v45, v29;
	v24 =	vadd.f32 v51, v24  }
0x42: {  	v58 =	vld.idx.msk [tilespmem:v48+s1+$0x0], $0xffff;
	v22 =	vshll.u32 v23, $0x5;
	v14 =	vadd.f32 v16, v14;
	v20 =	vadd.f32 v50, v20  }
0x43: {  	v23 =	vadd.f32 v57, v29;
	v13 =	vadd.f32 v13, v24;
	v24 =	vor.u32 v2, v22  }
0x44: {  	v60 =	vshll.u32 v19, $0x10;
	v19 =	vand.u32 $0xFFFF0000, v19;
	v21 =	vld.idx.msk [tilespmem:v21+s1+$0x0], $0xffff;
	v14 =	vadd.f32 v15, v14  }
0x45: {  	v32 =	vld.idx.msk [tilespmem:v56+s1+$0x0], $0xffff;
	v18 =	vor.u32 v0, v22;
	v20 =	vadd.f32 v52, v20;
	v23 =	vadd.f32 v54, v23  }
0x46: {  	v22 =	vshll.u32 v25, $0x5;
	v25 =	vld.idx.msk [tilespmem:v26+s16+$0x0], $0xffff;
	v26 =	vshll.u32 v17, $0x10;
	v17 =	vand.u32 $0xFFFF0000, v17  }
0x47: {  	v14 =	vadd.f32 v55, v14;
	v17 =	vadd.f32 v17, v23;
	v23 =	vshll.u32 v58, $0x10  }
0x48: {  	v61 =	vor.u32 v2, v22;
	v22 =	vor.u32 v0, v22;
	v13 =	vadd.f32 v23, v13;
	v24 =	vld.idx.msk [tilespmem:v24+s1+$0x0], $0xffff  }
0x49: {  	v27 =	vld.idx.msk [tilespmem:v27+s16+$0x0], $0xffff;
	v16 =	vand.u32 $0xFFFF0000, v58;
	v20 =	vadd.f32 v26, v20;
	v26 =	vshll.u32 v21, $0x10  }
0x4a: {  	v12 =	vld.idx.msk [tilespmem:v12+s16+$0x0], $0xffff;
	v21 =	vand.u32 $0xFFFF0000, v21;
	v14 =	vadd.f32 v16, v14;
	v13 =	vadd.f32 v59, v13  }
0x4b: {  	v18 =	vld.idx.msk [tilespmem:v18+s1+$0x0], $0xffff;
	v17 =	vadd.f32 v19, v17;
	v19 =	vshll.u32 v25, $0x5;
	v25 =	vshll.u32 v32, $0x10  }
0x4c: {  	v20 =	vadd.f32 v60, v20;
	v23 =	vor.u32 v0, v19;
	v13 =	vadd.f32 v25, v13  }
0x4d: {  	v19 =	vor.u32 v2, v19;
	v22 =	vld.idx.msk [tilespmem:v22+s1+$0x0], $0xffff;
	v16 =	vadd.f32 v21, v17;
	v17 =	vshll.u32 v24, $0x10  }
0x4e: {  	v27 =	vshll.u32 v27, $0x5;
	v8 =	vor.u32 v0, v7;
	v25 =	vadd.f32 v17, v13;
	v17 =	vld.idx.msk [tilespmem:v61+s1+$0x0], $0xffff  }
0x4f: {  	v7 =	vor.u32 v2, v7;
	v62 =	vshll.u32 v12, $0x5;
	v21 =	vld.idx.msk [tilespmem:v11+s16+$0x0], $0xffff;
	v11 =	vadd.f32 v26, v20  }
0x50: {  	v15 =	vand.u32 $0xFFFF0000, v53;
	v12 =	vand.u32 $0xFFFF0000, v18;
	v20 =	vshll.u32 v18, $0x10  }
0x51: {  	v26 =	vand.u32 $0xFFFF0000, v32;
	v18 =	vadd.f32 v20, v11;
	v12 =	vadd.f32 v12, v16;
	v63 =	vld.idx.msk [tilespmem:v23+s1+$0x0], $0xffff  }
0x52: {  	v20 =	vor.u32 v0, v27;
	v16 =	vand.u32 $0xFFFF0000, v24;
	v23 =	vadd.f32 v15, v14;
	v11 =	vld.idx.msk [tilespmem:v19+s1+$0x0], $0xffff  }
0x53: {  	v19 =	vshll.u32 v22, $0x10;
	v14 =	vand.u32 $0xFFFF0000, v22;
	v22 =	vshll.u32 v17, $0x10  }
0x54: {  	v13 =	vor.u32 v2, v62;
	v24 =	vadd.f32 v26, v23;
	v26 =	vadd.f32 v22, v25;
	v22 =	vld.idx.msk [tilespmem:v10+s16+$0x0], $0xffff  }
0x55: {  	v15 =	vor.u32 v2, v27;
	v27 =	vshll.u32 v21, $0x5;
	v12 =	vadd.f32 v14, v12  }
0x56: {  	v14 =	vor.u32 v0, v62;
	v17 =	vand.u32 $0xFFFF0000, v17;
	v23 =	vshll.u32 v63, $0x10  }
0x57: {  	v21 =	vld.idx.msk [tilespmem:v9+s16+$0x0], $0xffff;
	v25 =	vadd.f32 v19, v18;
	v18 =	vshll.u32 v11, $0x10;
	v19 =	vor.u32 v0, v27  }
0x58: {  	s20 =	simm.s32 $0x1;
	v10 =	vand.u32 $0xFFFF0000, v63;
	v9 =	vadd.f32 v18, v26;
	v18 =	vor.u32 v2, v27  }
.LBB2_2:
0x59: {  	p0 =	sne.s32 s20, $0xFF;
	v16 =	vadd.f32 v16, v24;
	v20 =	vld.idx.msk [tilespmem:v20+s1+$0x0], $0xffff;
	v22 =	vshll.u32 v22, $0x5;
	s21 =	smov.u32 s20;
	s20 =	sadd.s32 $0x1, s20  }
0x5a: {  	v23 =	vadd.f32 v23, v25;
	v15 =	vld.idx.msk [tilespmem:v15+s1+$0x0], $0xffff;
	v24 =	vor.u32 v0, v22;
	v22 =	vor.u32 v2, v22  }
0x5b: {  	v16 =	vadd.f32 v17, v16;
	v14 =	vld.idx.msk [tilespmem:v14+s1+$0x0], $0xffff  }
0x5c: {  	v17 =	vshll.u32 v21, $0x5;
	v13 =	vld.idx.msk [tilespmem:v13+s1+$0x0], $0xffff  }
0x5d: {  	v25 =	vor.u32 v4, v6;
	v21 =	vor.u32 v0, v17;
	v17 =	vor.u32 v2, v17;
	v19 =	vld.idx.msk [tilespmem:v19+s1+$0x0], $0xffff  }
0x5e: {  	v11 =	vand.u32 $0xFFFF0000, v11;
	v26 =	vor.u32 v1, v6;
	v27 =	vor.u32 v3, v6;
	v18 =	vld.idx.msk [tilespmem:v18+s1+$0x0], $0xffff  }
0x5f: {  	v10 =	vadd.f32 v10, v12;
	v11 =	vadd.f32 v11, v16;
	v12 =	vshll.u32 v20, $0x10;
	v16 =	vld.idx.msk [tilespmem:v24+s1+$0x0], $0xffff  }
0x60: {  	v20 =	vand.u32 $0xFFFF0000, v20;
	v12 =	vadd.f32 v12, v23;
	v23 =	vshll.u32 v15, $0x10  }
0x61: {  	v10 =	vadd.f32 v20, v10;
	v9 =	vadd.f32 v23, v9;
	v20 =	vshll.u32 v14, $0x10;
	v22 =	vld.idx.msk [tilespmem:v22+s1+$0x0], $0xffff  }
0x62: {  	v15 =	vand.u32 $0xFFFF0000, v15;
	v14 =	vand.u32 $0xFFFF0000, v14;
	v12 =	vadd.f32 v20, v12;
	v20 =	vld.idx.msk [tilespmem:v21+s1+$0x0], $0xffff  }
0x63: {  	v10 =	vadd.f32 v14, v10;
	v14 =	vshll.u32 v13, $0x10;
	v21 =	vshll.u32 v19, $0x10  }
0x64: {  	v9 =	vadd.f32 v14, v9;
	v14 =	vand.u32 $0xFFFF0000, v19;
	v12 =	vadd.f32 v21, v12;
	v17 =	vld.idx.msk [tilespmem:v17+s1+$0x0], $0xffff  }
0x65: {  	v13 =	vand.u32 $0xFFFF0000, v13;
	v10 =	vadd.f32 v14, v10;
	v14 =	vand.u32 $0xFFFF0000, v16;
	v8 =	vld.idx.msk [tilespmem:v8+s1+$0x0], $0xffff  }
0x66: {  	v11 =	vadd.f32 v15, v11;
	v15 =	vshll.u32 v18, $0x10;
	v16 =	vshll.u32 v16, $0x10  }
0x67: {  	v18 =	vand.u32 $0xFFFF0000, v18;
	v12 =	vadd.f32 v16, v12;
	v10 =	vadd.f32 v14, v10;
	v7 =	vld.idx.msk [tilespmem:v7+s1+$0x0], $0xffff  }
0x68: {  	v11 =	vadd.f32 v13, v11;
	v9 =	vadd.f32 v15, v9;
	v13 =	vshll.u32 v22, $0x10  }
0x69: {  	v14 =	vand.u32 $0xFFFF0000, v22;
	v15 =	vshll.u32 v20, $0x10;
	v16 =	vand.u32 $0xFFFF0000, v20  }
0x6a: {  	v11 =	vadd.f32 v18, v11;
	v12 =	vadd.f32 v15, v12;
	v15 =	vshll.u32 v17, $0x10  }
0x6b: {  	v9 =	vadd.f32 v13, v9;
	v10 =	vadd.f32 v16, v10;
	v13 =	vand.u32 $0xFFFF0000, v17  }
0x6c: {  	v11 =	vadd.f32 v14, v11;
	v14 =	vshll.u32 v8, $0x10;
	v8 =	vand.u32 $0xFFFF0000, v8  }
0x6d: {  	v9 =	vadd.f32 v15, v9;
	v8 =	vadd.f32 v8, v10;
	v10 =	vand.u32 $0xFFFF0000, v7  }
0x6e: {  	v11 =	vadd.f32 v13, v11;
	v12 =	vadd.f32 v14, v12;
	v7 =	vshll.u32 v7, $0x10  }
0x6f: {  	v7 =	vadd.f32 v7, v9;
	v8 =	vmul.f32 $5.000000070e-02, v8;
	v9 =	vor.u32 v5, v6  }
0x70: {  	v6 =	vadd.f32 v10, v11;
	v10 =	vmul.f32 $5.000000070e-02, v12  }
0x71: {  	v7 =	vmul.f32 $5.000000070e-02, v7  }
0x72: {  	[tilespmem:v26+s18+$0x0] =	vst.idx.msk $0xffff, v10;
	v10 =	vmul.f32 $5.000000070e-02, v6  }
0x73: {  	v11 =	vmov s21;
	[tilespmem:v27+s18+$0x0] =	vst.idx.msk $0xffff, v8  }
0x74: {  	v6 =	vshll.u32 v11, $0x6;
	v8 =	vand.u32 $0xFF, v11;
	[tilespmem:v25+s18+$0x0] =	vst.idx.msk $0xffff, v7  }
0x75: {  	v7 =	vor.u32 $0x100, v8;
	v18 =	vor.u32 $0x200, v8;
	v19 =	vor.u32 $0x300, v8;
	[tilespmem:v9+s18+$0x0] =	vst.idx.msk $0xffff, v10  }
0x76: {  	v20 =	vor.u32 $0x400, v8;
	v21 =	vor.u32 $0x500, v8;
	v22 =	vor.u32 $0x600, v8  }
0x77: {  	v23 =	vor.u32 $0x700, v8;
	v24 =	vor.u32 $0x800, v8;
	v25 =	vor.u32 $0x900, v8  }
0x78: {  	v17 =	vor.u32 $0xA00, v8;
	v16 =	vor.u32 $0xB00, v8;
	v15 =	vor.u32 $0xC00, v8  }
0x79: {  	v14 =	vor.u32 $0xD00, v8;
	v13 =	vor.u32 $0xE00, v8;
	v12 =	vor.u32 $0xF00, v8;
	v26 =	vld.idx.msk [tilespmem:v11+s16+$0x0], $0xffff  }
0x7a: {  	v10 =	vor.u32 $0x1100, v8;
	v9 =	vor.u32 $0x1200, v8;
	v11 =	vor.u32 $0x1000, v8;
	v7 =	vld.idx.msk [tilespmem:v7+s16+$0x0], $0xffff  }
0x7b: {  	v8 =	vor.u32 $0x1300, v8  }
0x7c: {  	v18 =	vld.idx.msk [tilespmem:v18+s16+$0x0], $0xffff;
	_ =	sdelay $0x1  }
0x7d: {  	v19 =	vld.idx.msk [tilespmem:v19+s16+$0x0], $0xffff  }
0x7e: {  	v26 =	vshll.u32 v26, $0x5  }
0x7f: {  	v27 =	vor.u32 v0, v26;
	v26 =	vor.u32 v2, v26;
	v7 =	vshll.u32 v7, $0x5;
	v8 =	vld.idx.msk [tilespmem:v8+s16+$0x0], $0xffff  }
0x80: {  	v28 =	vor.u32 v0, v7;
	v7 =	vor.u32 v2, v7;
	v23 =	vld.idx.msk [tilespmem:v23+s16+$0x0], $0xffff  }
0x81: {  	v18 =	vshll.u32 v18, $0x5;
	v20 =	vld.idx.msk [tilespmem:v20+s16+$0x0], $0xffff  }
0x82: {  	v29 =	vor.u32 v0, v18;
	v18 =	vor.u32 v2, v18;
	v22 =	vld.idx.msk [tilespmem:v22+s16+$0x0], $0xffff  }
0x83: {  	v19 =	vshll.u32 v19, $0x5;
	v21 =	vld.idx.msk [tilespmem:v21+s16+$0x0], $0xffff  }
0x84: {  	v30 =	vor.u32 v0, v19;
	v19 =	vor.u32 v2, v19;
	v27 =	vld.idx.msk [tilespmem:v27+s1+$0x0], $0xffff  }
0x85: {  	v31 =	vld.idx.msk [tilespmem:v7+s1+$0x0], $0xffff;
	v7 =	vshll.u32 v8, $0x5  }
0x86: {  	v23 =	vshll.u32 v23, $0x5;
	v28 =	vld.idx.msk [tilespmem:v28+s1+$0x0], $0xffff;
	v8 =	vor.u32 v0, v7;
	v7 =	vor.u32 v2, v7  }
0x87: {  	v20 =	vshll.u32 v20, $0x5;
	v32 =	vor.u32 v0, v23;
	v23 =	vor.u32 v2, v23;
	v18 =	vld.idx.msk [tilespmem:v18+s1+$0x0], $0xffff  }
0x88: {  	v33 =	vor.u32 v0, v20;
	v20 =	vor.u32 v2, v20;
	v22 =	vshll.u32 v22, $0x5;
	v29 =	vld.idx.msk [tilespmem:v29+s1+$0x0], $0xffff  }
0x89: {  	v21 =	vshll.u32 v21, $0x5;
	v34 =	vor.u32 v0, v22;
	v22 =	vor.u32 v2, v22;
	v30 =	vld.idx.msk [tilespmem:v30+s1+$0x0], $0xffff  }
0x8a: {  	v35 =	vand.u32 $0xFFFF0000, v27;
	v36 =	vor.u32 v0, v21;
	v21 =	vor.u32 v2, v21;
	v26 =	vld.idx.msk [tilespmem:v26+s1+$0x0], $0xffff  }
0x8b: {  	v27 =	vshll.u32 v27, $0x10;
	v37 =	vshll.u32 v31, $0x10;
	v24 =	vld.idx.msk [tilespmem:v24+s16+$0x0], $0xffff  }
0x8c: {  	v38 =	vshll.u32 v28, $0x10;
	v28 =	vand.u32 $0xFFFF0000, v28;
	v19 =	vld.idx.msk [tilespmem:v19+s1+$0x0], $0xffff  }
0x8d: {  	v28 =	vadd.f32 v28, v35;
	v33 =	vld.idx.msk [tilespmem:v33+s1+$0x0], $0xffff  }
0x8e: {  	v27 =	vadd.f32 v38, v27;
	v38 =	vshll.u32 v18, $0x10;
	v35 =	vshll.u32 v29, $0x10;
	v25 =	vld.idx.msk [tilespmem:v25+s16+$0x0], $0xffff  }
0x8f: {  	v31 =	vand.u32 $0xFFFF0000, v31;
	v18 =	vand.u32 $0xFFFF0000, v18;
	v39 =	vshll.u32 v30, $0x10;
	v36 =	vld.idx.msk [tilespmem:v36+s1+$0x0], $0xffff  }
0x90: {  	v29 =	vand.u32 $0xFFFF0000, v29;
	v27 =	vadd.f32 v35, v27;
	v40 =	vshll.u32 v26, $0x10;
	v20 =	vld.idx.msk [tilespmem:v20+s1+$0x0], $0xffff  }
0x91: {  	v28 =	vadd.f32 v29, v28;
	v26 =	vand.u32 $0xFFFF0000, v26;
	v35 =	vadd.f32 v37, v40  }
0x92: {  	v27 =	vadd.f32 v39, v27;
	v24 =	vshll.u32 v24, $0x5;
	v29 =	vshll.u32 v19, $0x10;
	v21 =	vld.idx.msk [tilespmem:v21+s1+$0x0], $0xffff  }
0x93: {  	v30 =	vand.u32 $0xFFFF0000, v30;
	v19 =	vand.u32 $0xFFFF0000, v19;
	v35 =	vadd.f32 v38, v35;
	v34 =	vld.idx.msk [tilespmem:v34+s1+$0x0], $0xffff  }
0x94: {  	v37 =	vshll.u32 v33, $0x10;
	v33 =	vand.u32 $0xFFFF0000, v33;
	v25 =	vshll.u32 v25, $0x5;
	v22 =	vld.idx.msk [tilespmem:v22+s1+$0x0], $0xffff  }
0x95: {  	v29 =	vadd.f32 v29, v35;
	v35 =	vand.u32 $0xFFFF0000, v36;
	v38 =	vor.u32 v2, v25;
	v32 =	vld.idx.msk [tilespmem:v32+s1+$0x0], $0xffff  }
0x96: {  	v36 =	vshll.u32 v36, $0x10;
	v25 =	vor.u32 v0, v25;
	v39 =	vshll.u32 v20, $0x10  }
0x97: {  	v20 =	vand.u32 $0xFFFF0000, v20;
	v29 =	vadd.f32 v39, v29;
	v39 =	vor.u32 v2, v24;
	v17 =	vld.idx.msk [tilespmem:v17+s16+$0x0], $0xffff  }
0x98: {  	v27 =	vadd.f32 v37, v27;
	v24 =	vor.u32 v0, v24;
	v37 =	vshll.u32 v21, $0x10;
	v23 =	vld.idx.msk [tilespmem:v23+s1+$0x0], $0xffff  }
0x99: {  	v26 =	vadd.f32 v31, v26;
	v21 =	vand.u32 $0xFFFF0000, v21;
	v29 =	vadd.f32 v37, v29  }
0x9a: {  	v28 =	vadd.f32 v30, v28;
	v27 =	vadd.f32 v36, v27;
	v30 =	vshll.u32 v34, $0x10;
	v16 =	vld.idx.msk [tilespmem:v16+s16+$0x0], $0xffff  }
0x9b: {  	v18 =	vadd.f32 v18, v26;
	v26 =	vshll.u32 v22, $0x10;
	v31 =	vshll.u32 v32, $0x10;
	v15 =	vld.idx.msk [tilespmem:v15+s16+$0x0], $0xffff  }
0x9c: {  	v28 =	vadd.f32 v33, v28;
	v27 =	vadd.f32 v30, v27;
	v22 =	vand.u32 $0xFFFF0000, v22;
	v30 =	vld.idx.msk [tilespmem:v38+s1+$0x0], $0xffff  }
0x9d: {  	v26 =	vadd.f32 v26, v29;
	v29 =	vand.u32 $0xFFFF0000, v32;
	v17 =	vshll.u32 v17, $0x5;
	v24 =	vld.idx.msk [tilespmem:v24+s1+$0x0], $0xffff  }
0x9e: {  	v27 =	vadd.f32 v31, v27;
	v31 =	vand.u32 $0xFFFF0000, v23;
	v32 =	vor.u32 v2, v17;
	v25 =	vld.idx.msk [tilespmem:v25+s1+$0x0], $0xffff  }
0x9f: {  	v28 =	vadd.f32 v35, v28;
	v33 =	vand.u32 $0xFFFF0000, v34;
	v23 =	vshll.u32 v23, $0x10;
	v34 =	vld.idx.msk [tilespmem:v39+s1+$0x0], $0xffff  }
0xa0: {  	v18 =	vadd.f32 v19, v18;
	v17 =	vor.u32 v0, v17;
	v16 =	vshll.u32 v16, $0x5  }
0xa1: {  	v19 =	vadd.f32 v33, v28;
	v23 =	vadd.f32 v23, v26;
	v26 =	vor.u32 v2, v16;
	v14 =	vld.idx.msk [tilespmem:v14+s16+$0x0], $0xffff  }
0xa2: {  	v18 =	vadd.f32 v20, v18;
	v16 =	vor.u32 v0, v16;
	v15 =	vshll.u32 v15, $0x5  }
0xa3: {  	v28 =	vshll.u32 v30, $0x10;
	v20 =	vshll.u32 v24, $0x10;
	v24 =	vand.u32 $0xFFFF0000, v24;
	v13 =	vld.idx.msk [tilespmem:v13+s16+$0x0], $0xffff  }
0xa4: {  	v19 =	vadd.f32 v29, v19;
	v33 =	vor.u32 v2, v15;
	v29 =	vshll.u32 v25, $0x10;
	v32 =	vld.idx.msk [tilespmem:v32+s1+$0x0], $0xffff  }
0xa5: {  	v18 =	vadd.f32 v21, v18;
	v25 =	vand.u32 $0xFFFF0000, v25;
	v21 =	vand.u32 $0xFFFF0000, v34;
	v17 =	vld.idx.msk [tilespmem:v17+s1+$0x0], $0xffff  }
0xa6: {  	v15 =	vor.u32 v0, v15;
	v19 =	vadd.f32 v24, v19;
	v24 =	vshll.u32 v34, $0x10;
	v26 =	vld.idx.msk [tilespmem:v26+s1+$0x0], $0xffff  }
0xa7: {  	v18 =	vadd.f32 v22, v18;
	v22 =	vadd.f32 v24, v23;
	v23 =	vand.u32 $0xFFFF0000, v30;
	v16 =	vld.idx.msk [tilespmem:v16+s1+$0x0], $0xffff  }
0xa8: {  	v20 =	vadd.f32 v20, v27;
	v19 =	vadd.f32 v25, v19;
	v14 =	vshll.u32 v14, $0x5;
	v12 =	vld.idx.msk [tilespmem:v12+s16+$0x0], $0xffff  }
0xa9: {  	v22 =	vadd.f32 v28, v22;
	v24 =	vor.u32 v0, v14;
	v14 =	vor.u32 v2, v14  }
0xaa: {  	v18 =	vadd.f32 v31, v18;
	v20 =	vadd.f32 v29, v20;
	v25 =	vshll.u32 v32, $0x10  }
0xab: {  	v27 =	vshll.u32 v17, $0x10;
	v17 =	vand.u32 $0xFFFF0000, v17;
	v22 =	vadd.f32 v25, v22;
	v15 =	vld.idx.msk [tilespmem:v15+s1+$0x0], $0xffff  }
0xac: {  	v18 =	vadd.f32 v21, v18;
	v17 =	vadd.f32 v17, v19;
	v19 =	vshll.u32 v26, $0x10;
	v21 =	vld.idx.msk [tilespmem:v11+s16+$0x0], $0xffff  }
0xad: {  	v11 =	vadd.f32 v27, v20;
	v20 =	vshll.u32 v16, $0x10;
	v19 =	vadd.f32 v19, v22;
	v25 =	vld.idx.msk [tilespmem:v33+s1+$0x0], $0xffff  }
0xae: {  	v27 =	vand.u32 $0xFFFF0000, v32;
	v29 =	vshll.u32 v12, $0x5;
	v28 =	vld.idx.msk [tilespmem:v24+s1+$0x0], $0xffff;
	v24 =	vshll.u32 v13, $0x5  }
0xaf: {  	v18 =	vadd.f32 v23, v18;
	v12 =	vand.u32 $0xFFFF0000, v16;
	v30 =	vadd.f32 v20, v11;
	v11 =	vld.idx.msk [tilespmem:v14+s1+$0x0], $0xffff  }
0xb0: {  	v16 =	vand.u32 $0xFFFF0000, v26;
	v12 =	vadd.f32 v12, v17;
	v13 =	vor.u32 v2, v29  }
0xb1: {  	v26 =	vshll.u32 v15, $0x10;
	v14 =	vand.u32 $0xFFFF0000, v15;
	v15 =	vor.u32 v2, v24;
	v22 =	vld.idx.msk [tilespmem:v10+s16+$0x0], $0xffff  }
.Ltmp0:
0xb2: {  	v20 =	vor.u32 v0, v24;
	v12 =	vadd.f32 v14, v12;
	v14 =	vor.u32 v0, v29;
	(pc) =	sbr.rel @p0 .LBB2_2-.Ltmp0, $4  }
0xb3: {  	v29 =	vshll.u32 v21, $0x5;
	v10 =	vshll.u32 v25, $0x10;
	v17 =	vand.u32 $0xFFFF0000, v25  }
0xb4: {  	v24 =	vadd.f32 v27, v18;
	v18 =	vadd.f32 v10, v19;
	v23 =	vshll.u32 v28, $0x10;
	v21 =	vld.idx.msk [tilespmem:v9+s16+$0x0], $0xffff  }
0xb5: {  	v25 =	vadd.f32 v26, v30;
	v19 =	vor.u32 v0, v29;
	v9 =	vshll.u32 v11, $0x10  }
0xb6: {  	v10 =	vand.u32 $0xFFFF0000, v28;
	v9 =	vadd.f32 v9, v18;
	v18 =	vor.u32 v2, v29  }
0xb7: {  	_ =	sdelay $0x3  }
0xb8: {  	v20 =	vld.idx.msk [tilespmem:v20+s1+$0x0], $0xffff  }
0xb9: {  	v16 =	vadd.f32 v16, v24;
	v15 =	vld.idx.msk [tilespmem:v15+s1+$0x0], $0xffff  }
0xba: {  	v22 =	vshll.u32 v22, $0x5;
	v23 =	vadd.f32 v23, v25;
	v25 =	vor.u32 v4, v6  }
0xbb: {  	v14 =	vld.idx.msk [tilespmem:v14+s1+$0x0], $0xffff;
	v11 =	vand.u32 $0xFFFF0000, v11;
	v24 =	vor.u32 v0, v22;
	v16 =	vadd.f32 v17, v16  }
0xbc: {  	v19 =	vld.idx.msk [tilespmem:v19+s1+$0x0], $0xffff;
	v10 =	vadd.f32 v10, v12;
	v22 =	vor.u32 v2, v22;
	v17 =	vshll.u32 v21, $0x5  }
0xbd: {  	v13 =	vld.idx.msk [tilespmem:v13+s1+$0x0], $0xffff;
	v21 =	vor.u32 v0, v17;
	v17 =	vor.u32 v2, v17;
	v11 =	vadd.f32 v11, v16  }
0xbe: {  	v16 =	vld.idx.msk [tilespmem:v18+s1+$0x0], $0xffff;
	v12 =	vshll.u32 v20, $0x10;
	v18 =	vand.u32 $0xFFFF0000, v20;
	v20 =	vshll.u32 v15, $0x10  }
0xbf: {  	v15 =	vand.u32 $0xFFFF0000, v15;
	v12 =	vadd.f32 v12, v23;
	v10 =	vadd.f32 v18, v10  }
0xc0: {  	v23 =	vld.idx.msk [tilespmem:v24+s1+$0x0], $0xffff;
	v9 =	vadd.f32 v20, v9;
	v18 =	vshll.u32 v14, $0x10;
	v14 =	vand.u32 $0xFFFF0000, v14  }
0xc1: {  	v20 =	vshll.u32 v19, $0x10;
	v11 =	vadd.f32 v15, v11;
	v12 =	vadd.f32 v18, v12  }
0xc2: {  	v18 =	vld.idx.msk [tilespmem:v22+s1+$0x0], $0xffff;
	v10 =	vadd.f32 v14, v10;
	v14 =	vshll.u32 v13, $0x10;
	v13 =	vand.u32 $0xFFFF0000, v13  }
0xc3: {  	v21 =	vld.idx.msk [tilespmem:v21+s1+$0x0], $0xffff;
	v9 =	vadd.f32 v14, v9;
	v14 =	vand.u32 $0xFFFF0000, v19;
	v11 =	vadd.f32 v13, v11  }
0xc4: {  	v26 =	vor.u32 v1, v6;
	v12 =	vadd.f32 v20, v12;
	v10 =	vadd.f32 v14, v10  }
0xc5: {  	v14 =	vld.idx.msk [tilespmem:v17+s1+$0x0], $0xffff;
	v17 =	vshll.u32 v16, $0x10;
	v16 =	vand.u32 $0xFFFF0000, v16;
	v15 =	vand.u32 $0xFFFF0000, v23  }
0xc6: {  	v8 =	vld.idx.msk [tilespmem:v8+s1+$0x0], $0xffff;
	v19 =	vshll.u32 v23, $0x10;
	v9 =	vadd.f32 v17, v9;
	v11 =	vadd.f32 v16, v11  }
0xc7: {  	v27 =	vor.u32 v3, v6;
	v12 =	vadd.f32 v19, v12;
	v10 =	vadd.f32 v15, v10  }
0xc8: {  	v7 =	vld.idx.msk [tilespmem:v7+s1+$0x0], $0xffff;
	v13 =	vshll.u32 v18, $0x10;
	v15 =	vand.u32 $0xFFFF0000, v18;
	v17 =	vshll.u32 v21, $0x10  }
0xc9: {  	v16 =	vand.u32 $0xFFFF0000, v21;
	v12 =	vadd.f32 v17, v12;
	v9 =	vadd.f32 v13, v9  }
0xca: {  	v10 =	vadd.f32 v16, v10;
	v11 =	vadd.f32 v15, v11;
	v13 =	vshll.u32 v14, $0x10  }
0xcb: {  	v15 =	vshll.u32 v8, $0x10;
	v8 =	vand.u32 $0xFFFF0000, v8;
	v9 =	vadd.f32 v13, v9  }
0xcc: {  	v13 =	vand.u32 $0xFFFF0000, v14;
	v8 =	vadd.f32 v8, v10;
	v10 =	vadd.f32 v15, v12  }
0xcd: {  	v12 =	vand.u32 $0xFFFF0000, v7;
	v7 =	vshll.u32 v7, $0x10;
	v11 =	vadd.f32 v13, v11  }
0xce: {  	v6 =	vor.u32 v5, v6;
	v7 =	vadd.f32 v7, v9;
	v9 =	vmul.f32 $5.000000070e-02, v10  }
0xcf: {  	v8 =	vmul.f32 $5.000000070e-02, v8;
	v10 =	vadd.f32 v12, v11  }
0xd0: {  	v7 =	vmul.f32 $5.000000070e-02, v7;
	[tilespmem:v26+s18+$0x0] =	vst.idx.msk $0xffff, v9  }
0xd1: {  	v9 =	vmul.f32 $5.000000070e-02, v10;
	[tilespmem:v27+s18+$0x0] =	vst.idx.msk $0xffff, v8  }
0xd2: {  	[tilespmem:v25+s18+$0x0] =	vst.idx.msk $0xffff, v7  }
0xd3: {  	s20 =	simm.s32 $0x0;
	[tilespmem:v6+s18+$0x0] =	vst.idx.msk $0xffff, v9  }
0xd4: {  	[hbm4b:s6+s20] =	stream.linear.scatter [tilespmem:s18], [sflag:$0x2], $0x4000, $0x38;
	[tilespmem:$0xD100] =	vst v63  }
0xd5: {  	_ =	swait.ge [sflag:s17], $0x4000  }
0xd6: {  	v6 =	vmov s20;
	[sflag:s17] =	ssyncset.done $0x0  }
0xd7: {  	v7 =	vand.u32 $0xFF, v6;
	[sflag:s17] =	ssyncadd.s32 $0xFFFFC000  }
0xd8: {  	v8 =	vor.u32 $0x100, v7;
	[tilespmem:s16], [sflag:$0x2] =	stream.strided.gather [hbm4b:s7+s14], $0x1400, s15, s14, $0x38;
	[tilespmem:$0xD100] =	vst v63  }
0xd9: {  	v9 =	vor.u32 $0x200, v7;
	_ =	swait.ge [sflag:s17], $0x1400  }
0xda: {  	v10 =	vor.u32 $0x300, v7;
	[sflag:s17] =	ssyncset.done $0x0  }
0xdb: {  	v12 =	vor.u32 $0x1300, v7;
	[sflag:s17] =	ssyncadd.s32 $0xFFFFEC00  }
0xdc: {  	v13 =	vor.u32 $0x700, v7;
	v11 =	vld.idx.msk [tilespmem:v6+s16+$0x0], $0xffff  }
0xdd: {  	v14 =	vor.u32 $0x400, v7;
	v8 =	vld.idx.msk [tilespmem:v8+s16+$0x0], $0xffff  }
0xde: {  	v15 =	vor.u32 $0x600, v7;
	v9 =	vld.idx.msk [tilespmem:v9+s16+$0x0], $0xffff  }
0xdf: {  	v16 =	vor.u32 $0x500, v7;
	v10 =	vld.idx.msk [tilespmem:v10+s16+$0x0], $0xffff  }
0xe0: {  	v17 =	vor.u32 $0x800, v7;
	v21 =	vld.idx.msk [tilespmem:v12+s16+$0x0], $0xffff  }
0xe1: {  	v19 =	vor.u32 $0x900, v7;
	v13 =	vld.idx.msk [tilespmem:v13+s16+$0x0], $0xffff  }
0xe2: {  	v22 =	vor.u32 $0xA00, v7;
	v14 =	vld.idx.msk [tilespmem:v14+s16+$0x0], $0xffff;
	v18 =	vshll.u32 v11, $0x5  }
0xe3: {  	v15 =	vld.idx.msk [tilespmem:v15+s16+$0x0], $0xffff;
	v8 =	vshll.u32 v8, $0x5;
	v20 =	vor.u32 v0, v18  }
0xe4: {  	v23 =	vor.u32 $0xB00, v7;
	v25 =	vor.u32 $0xC00, v7;
	v16 =	vld.idx.msk [tilespmem:v16+s16+$0x0], $0xffff;
	v24 =	vor.u32 v2, v8  }
0xe5: {  	v26 =	vor.u32 $0xD00, v7;
	v17 =	vld.idx.msk [tilespmem:v17+s16+$0x0], $0xffff;
	v9 =	vshll.u32 v9, $0x5;
	v8 =	vor.u32 v0, v8  }
0xe6: {  	v27 =	vor.u32 $0xE00, v7;
	v6 =	vshll.u32 v6, $0x6;
	v19 =	vld.idx.msk [tilespmem:v19+s16+$0x0], $0xffff;
	v28 =	vor.u32 v2, v9  }
0xe7: {  	v12 =	vor.u32 $0xF00, v7;
	v22 =	vld.idx.msk [tilespmem:v22+s16+$0x0], $0xffff;
	v30 =	vshll.u32 v10, $0x5;
	v29 =	vor.u32 v0, v9  }
0xe8: {  	v11 =	vor.u32 $0x1000, v7;
	v10 =	vor.u32 $0x1100, v7;
	v31 =	vor.u32 v0, v30;
	v20 =	vld.idx.msk [tilespmem:v20+s1+$0x0], $0xffff  }
0xe9: {  	v13 =	vshll.u32 v13, $0x5;
	v14 =	vshll.u32 v14, $0x5;
	v18 =	vor.u32 v2, v18;
	v24 =	vld.idx.msk [tilespmem:v24+s1+$0x0], $0xffff  }
0xea: {  	v9 =	vor.u32 $0x1200, v7;
	v7 =	vshll.u32 v21, $0x5;
	v21 =	vor.u32 v2, v30;
	v61 =	vld.idx.msk [tilespmem:v8+s1+$0x0], $0xffff  }
0xeb: {  	v15 =	vshll.u32 v15, $0x5;
	v16 =	vshll.u32 v16, $0x5;
	v33 =	vor.u32 v0, v14;
	v28 =	vld.idx.msk [tilespmem:v28+s1+$0x0], $0xffff  }
0xec: {  	v17 =	vshll.u32 v17, $0x5;
	v19 =	vshll.u32 v19, $0x5;
	v36 =	vor.u32 v0, v16;
	v29 =	vld.idx.msk [tilespmem:v29+s1+$0x0], $0xffff  }
0xed: {  	v22 =	vshll.u32 v22, $0x5;
	v32 =	vor.u32 v0, v13;
	v14 =	vor.u32 v2, v14;
	v31 =	vld.idx.msk [tilespmem:v31+s1+$0x0], $0xffff  }
0xee: {  	v13 =	vor.u32 v2, v13;
	v34 =	vor.u32 v0, v15;
	v16 =	vor.u32 v2, v16;
	v18 =	vld.idx.msk [tilespmem:v18+s1+$0x0], $0xffff  }
0xef: {  	v15 =	vor.u32 v2, v15;
	v46 =	vor.u32 v2, v19;
	v19 =	vor.u32 v0, v19;
	v21 =	vld.idx.msk [tilespmem:v21+s1+$0x0], $0xffff  }
0xf0: {  	v48 =	vor.u32 v2, v17;
	v17 =	vor.u32 v0, v17;
	v56 =	vor.u32 v2, v22;
	v33 =	vld.idx.msk [tilespmem:v33+s1+$0x0], $0xffff  }
0xf1: {  	v36 =	vld.idx.msk [tilespmem:v36+s1+$0x0], $0xffff;
	v35 =	vand.u32 $0xFFFF0000, v20;
	v20 =	vshll.u32 v20, $0x10;
	v37 =	vand.u32 $0xFFFF0000, v61  }
0xf2: {  	v14 =	vld.idx.msk [tilespmem:v14+s1+$0x0], $0xffff;
	v38 =	vshll.u32 v24, $0x10;
	v30 =	vshll.u32 v61, $0x10;
	v62 =	vshll.u32 v29, $0x10  }
0xf3: {  	v16 =	vld.idx.msk [tilespmem:v16+s1+$0x0], $0xffff;
	v63 =	vshll.u32 v28, $0x10;
	v24 =	vand.u32 $0xFFFF0000, v24;
	v28 =	vand.u32 $0xFFFF0000, v28  }
0xf4: {  	v34 =	vld.idx.msk [tilespmem:v34+s1+$0x0], $0xffff;
	v39 =	vshll.u32 v31, $0x10;
	v40 =	vshll.u32 v18, $0x10;
	v29 =	vand.u32 $0xFFFF0000, v29  }
0xf5: {  	v15 =	vld.idx.msk [tilespmem:v15+s1+$0x0], $0xffff;
	v18 =	vand.u32 $0xFFFF0000, v18;
	v43 =	vshll.u32 v21, $0x10;
	v31 =	vand.u32 $0xFFFF0000, v31  }
0xf6: {  	v32 =	vld.idx.msk [tilespmem:v32+s1+$0x0], $0xffff;
	v21 =	vand.u32 $0xFFFF0000, v21;
	v44 =	vshll.u32 v33, $0x10;
	v33 =	vand.u32 $0xFFFF0000, v33  }
0xf7: {  	v45 =	vand.u32 $0xFFFF0000, v36;
	v47 =	vshll.u32 v14, $0x10;
	v36 =	vshll.u32 v36, $0x10  }
0xf8: {  	v14 =	vand.u32 $0xFFFF0000, v14;
	v49 =	vshll.u32 v16, $0x10;
	v42 =	vadd.f32 v38, v40  }
0xf9: {  	v13 =	vld.idx.msk [tilespmem:v13+s1+$0x0], $0xffff;
	v16 =	vand.u32 $0xFFFF0000, v16;
	v50 =	vshll.u32 v34, $0x10;
	v20 =	vadd.f32 v30, v20  }
0xfa: {  	v51 =	vshll.u32 v15, $0x10;
	v35 =	vadd.f32 v37, v35;
	v30 =	vadd.f32 v63, v42  }
0xfb: {  	v52 =	vshll.u32 v32, $0x10;
	v18 =	vadd.f32 v24, v18;
	v20 =	vadd.f32 v62, v20  }
0xfc: {  	v15 =	vand.u32 $0xFFFF0000, v15;
	v29 =	vadd.f32 v29, v35;
	v30 =	vadd.f32 v43, v30  }
0xfd: {  	v53 =	vld.idx.msk [tilespmem:v46+s1+$0x0], $0xffff;
	v54 =	vand.u32 $0xFFFF0000, v32;
	v18 =	vadd.f32 v28, v18;
	v20 =	vadd.f32 v39, v20  }
0xfe: {  	v23 =	vld.idx.msk [tilespmem:v23+s16+$0x0], $0xffff;
	v55 =	vand.u32 $0xFFFF0000, v13;
	v29 =	vadd.f32 v31, v29;
	v30 =	vadd.f32 v47, v30  }
0xff: {  	v57 =	vand.u32 $0xFFFF0000, v34;
	v18 =	vadd.f32 v21, v18;
	v20 =	vadd.f32 v44, v20  }
0x100: {  	v19 =	vld.idx.msk [tilespmem:v19+s1+$0x0], $0xffff;
	v21 =	vor.u32 v0, v22;
	v29 =	vadd.f32 v33, v29;
	v24 =	vadd.f32 v49, v30  }
0x101: {  	v25 =	vld.idx.msk [tilespmem:v25+s16+$0x0], $0xffff;
	v13 =	vshll.u32 v13, $0x10;
	v14 =	vadd.f32 v14, v18;
	v20 =	vadd.f32 v36, v20  }
0x102: {  	v17 =	vld.idx.msk [tilespmem:v17+s1+$0x0], $0xffff;
	v59 =	vshll.u32 v53, $0x10;
	v29 =	vadd.f32 v45, v29;
	v24 =	vadd.f32 v51, v24  }
0x103: {  	v58 =	vld.idx.msk [tilespmem:v48+s1+$0x0], $0xffff;
	v22 =	vshll.u32 v23, $0x5;
	v14 =	vadd.f32 v16, v14;
	v20 =	vadd.f32 v50, v20  }
0x104: {  	v23 =	vadd.f32 v57, v29;
	v13 =	vadd.f32 v13, v24;
	v24 =	vor.u32 v2, v22  }
0x105: {  	v60 =	vshll.u32 v19, $0x10;
	v19 =	vand.u32 $0xFFFF0000, v19;
	v21 =	vld.idx.msk [tilespmem:v21+s1+$0x0], $0xffff;
	v14 =	vadd.f32 v15, v14  }
0x106: {  	v32 =	vld.idx.msk [tilespmem:v56+s1+$0x0], $0xffff;
	v18 =	vor.u32 v0, v22;
	v20 =	vadd.f32 v52, v20;
	v23 =	vadd.f32 v54, v23  }
0x107: {  	v22 =	vshll.u32 v25, $0x5;
	v25 =	vld.idx.msk [tilespmem:v26+s16+$0x0], $0xffff;
	v26 =	vshll.u32 v17, $0x10;
	v17 =	vand.u32 $0xFFFF0000, v17  }
0x108: {  	v14 =	vadd.f32 v55, v14;
	v17 =	vadd.f32 v17, v23;
	v23 =	vshll.u32 v58, $0x10  }
0x109: {  	v61 =	vor.u32 v2, v22;
	v22 =	vor.u32 v0, v22;
	v13 =	vadd.f32 v23, v13;
	v24 =	vld.idx.msk [tilespmem:v24+s1+$0x0], $0xffff  }
0x10a: {  	v27 =	vld.idx.msk [tilespmem:v27+s16+$0x0], $0xffff;
	v16 =	vand.u32 $0xFFFF0000, v58;
	v20 =	vadd.f32 v26, v20;
	v26 =	vshll.u32 v21, $0x10  }
0x10b: {  	v12 =	vld.idx.msk [tilespmem:v12+s16+$0x0], $0xffff;
	v21 =	vand.u32 $0xFFFF0000, v21;
	v14 =	vadd.f32 v16, v14;
	v13 =	vadd.f32 v59, v13  }
0x10c: {  	v18 =	vld.idx.msk [tilespmem:v18+s1+$0x0], $0xffff;
	v17 =	vadd.f32 v19, v17;
	v19 =	vshll.u32 v25, $0x5;
	v25 =	vshll.u32 v32, $0x10  }
0x10d: {  	v20 =	vadd.f32 v60, v20;
	v23 =	vor.u32 v0, v19;
	v13 =	vadd.f32 v25, v13  }
0x10e: {  	v19 =	vor.u32 v2, v19;
	v22 =	vld.idx.msk [tilespmem:v22+s1+$0x0], $0xffff;
	v16 =	vadd.f32 v21, v17;
	v17 =	vshll.u32 v24, $0x10  }
0x10f: {  	v27 =	vshll.u32 v27, $0x5;
	v8 =	vor.u32 v0, v7;
	v25 =	vadd.f32 v17, v13;
	v17 =	vld.idx.msk [tilespmem:v61+s1+$0x0], $0xffff  }
0x110: {  	v7 =	vor.u32 v2, v7;
	v62 =	vshll.u32 v12, $0x5;
	v21 =	vld.idx.msk [tilespmem:v11+s16+$0x0], $0xffff;
	v11 =	vadd.f32 v26, v20  }
0x111: {  	v15 =	vand.u32 $0xFFFF0000, v53;
	v12 =	vand.u32 $0xFFFF0000, v18;
	v20 =	vshll.u32 v18, $0x10  }
0x112: {  	v26 =	vand.u32 $0xFFFF0000, v32;
	v18 =	vadd.f32 v20, v11;
	v12 =	vadd.f32 v12, v16;
	v63 =	vld.idx.msk [tilespmem:v23+s1+$0x0], $0xffff  }
0x113: {  	v20 =	vor.u32 v0, v27;
	v16 =	vand.u32 $0xFFFF0000, v24;
	v23 =	vadd.f32 v15, v14;
	v11 =	vld.idx.msk [tilespmem:v19+s1+$0x0], $0xffff  }
0x114: {  	v19 =	vshll.u32 v22, $0x10;
	v14 =	vand.u32 $0xFFFF0000, v22;
	v22 =	vshll.u32 v17, $0x10  }
0x115: {  	v13 =	vor.u32 v2, v62;
	v24 =	vadd.f32 v26, v23;
	v26 =	vadd.f32 v22, v25;
	v22 =	vld.idx.msk [tilespmem:v10+s16+$0x0], $0xffff  }
0x116: {  	v15 =	vor.u32 v2, v27;
	v27 =	vshll.u32 v21, $0x5;
	v12 =	vadd.f32 v14, v12  }
0x117: {  	v14 =	vor.u32 v0, v62;
	v17 =	vand.u32 $0xFFFF0000, v17;
	v23 =	vshll.u32 v63, $0x10  }
0x118: {  	v21 =	vld.idx.msk [tilespmem:v9+s16+$0x0], $0xffff;
	v25 =	vadd.f32 v19, v18;
	v18 =	vshll.u32 v11, $0x10;
	v19 =	vor.u32 v0, v27  }
0x119: {  	s20 =	simm.s32 $0x1;
	v10 =	vand.u32 $0xFFFF0000, v63;
	v9 =	vadd.f32 v18, v26;
	v18 =	vor.u32 v2, v27  }
.LBB2_4:
0x11a: {  	p0 =	sne.s32 s20, $0xFF;
	v16 =	vadd.f32 v16, v24;
	v20 =	vld.idx.msk [tilespmem:v20+s1+$0x0], $0xffff;
	v22 =	vshll.u32 v22, $0x5;
	s21 =	smov.u32 s20;
	s20 =	sadd.s32 $0x1, s20  }
0x11b: {  	v23 =	vadd.f32 v23, v25;
	v15 =	vld.idx.msk [tilespmem:v15+s1+$0x0], $0xffff;
	v24 =	vor.u32 v0, v22;
	v22 =	vor.u32 v2, v22  }
0x11c: {  	v16 =	vadd.f32 v17, v16;
	v14 =	vld.idx.msk [tilespmem:v14+s1+$0x0], $0xffff  }
0x11d: {  	v17 =	vshll.u32 v21, $0x5;
	v13 =	vld.idx.msk [tilespmem:v13+s1+$0x0], $0xffff  }
0x11e: {  	v25 =	vor.u32 v4, v6;
	v21 =	vor.u32 v0, v17;
	v17 =	vor.u32 v2, v17;
	v19 =	vld.idx.msk [tilespmem:v19+s1+$0x0], $0xffff  }
0x11f: {  	v11 =	vand.u32 $0xFFFF0000, v11;
	v26 =	vor.u32 v1, v6;
	v27 =	vor.u32 v3, v6;
	v18 =	vld.idx.msk [tilespmem:v18+s1+$0x0], $0xffff  }
0x120: {  	v10 =	vadd.f32 v10, v12;
	v11 =	vadd.f32 v11, v16;
	v12 =	vshll.u32 v20, $0x10;
	v16 =	vld.idx.msk [tilespmem:v24+s1+$0x0], $0xffff  }
0x121: {  	v20 =	vand.u32 $0xFFFF0000, v20;
	v12 =	vadd.f32 v12, v23;
	v23 =	vshll.u32 v15, $0x10  }
0x122: {  	v10 =	vadd.f32 v20, v10;
	v9 =	vadd.f32 v23, v9;
	v20 =	vshll.u32 v14, $0x10;
	v22 =	vld.idx.msk [tilespmem:v22+s1+$0x0], $0xffff  }
0x123: {  	v15 =	vand.u32 $0xFFFF0000, v15;
	v14 =	vand.u32 $0xFFFF0000, v14;
	v12 =	vadd.f32 v20, v12;
	v20 =	vld.idx.msk [tilespmem:v21+s1+$0x0], $0xffff  }
0x124: {  	v10 =	vadd.f32 v14, v10;
	v14 =	vshll.u32 v13, $0x10;
	v21 =	vshll.u32 v19, $0x10  }
0x125: {  	v9 =	vadd.f32 v14, v9;
	v14 =	vand.u32 $0xFFFF0000, v19;
	v12 =	vadd.f32 v21, v12;
	v17 =	vld.idx.msk [tilespmem:v17+s1+$0x0], $0xffff  }
0x126: {  	v13 =	vand.u32 $0xFFFF0000, v13;
	v10 =	vadd.f32 v14, v10;
	v14 =	vand.u32 $0xFFFF0000, v16;
	v8 =	vld.idx.msk [tilespmem:v8+s1+$0x0], $0xffff  }
0x127: {  	v11 =	vadd.f32 v15, v11;
	v15 =	vshll.u32 v18, $0x10;
	v16 =	vshll.u32 v16, $0x10  }
0x128: {  	v18 =	vand.u32 $0xFFFF0000, v18;
	v12 =	vadd.f32 v16, v12;
	v10 =	vadd.f32 v14, v10;
	v7 =	vld.idx.msk [tilespmem:v7+s1+$0x0], $0xffff  }
0x129: {  	v11 =	vadd.f32 v13, v11;
	v9 =	vadd.f32 v15, v9;
	v13 =	vshll.u32 v22, $0x10  }
0x12a: {  	v14 =	vand.u32 $0xFFFF0000, v22;
	v15 =	vshll.u32 v20, $0x10;
	v16 =	vand.u32 $0xFFFF0000, v20  }
0x12b: {  	v11 =	vadd.f32 v18, v11;
	v12 =	vadd.f32 v15, v12;
	v15 =	vshll.u32 v17, $0x10  }
0x12c: {  	v9 =	vadd.f32 v13, v9;
	v10 =	vadd.f32 v16, v10;
	v13 =	vand.u32 $0xFFFF0000, v17  }
0x12d: {  	v11 =	vadd.f32 v14, v11;
	v14 =	vshll.u32 v8, $0x10;
	v8 =	vand.u32 $0xFFFF0000, v8  }
0x12e: {  	v9 =	vadd.f32 v15, v9;
	v8 =	vadd.f32 v8, v10;
	v10 =	vand.u32 $0xFFFF0000, v7  }
0x12f: {  	v11 =	vadd.f32 v13, v11;
	v12 =	vadd.f32 v14, v12;
	v7 =	vshll.u32 v7, $0x10  }
0x130: {  	v7 =	vadd.f32 v7, v9;
	v8 =	vmul.f32 $5.000000070e-02, v8;
	v9 =	vor.u32 v5, v6  }
0x131: {  	v6 =	vadd.f32 v10, v11;
	v10 =	vmul.f32 $5.000000070e-02, v12  }
0x132: {  	v7 =	vmul.f32 $5.000000070e-02, v7  }
0x133: {  	[tilespmem:v26+s18+$0x0] =	vst.idx.msk $0xffff, v10;
	v10 =	vmul.f32 $5.000000070e-02, v6  }
0x134: {  	v11 =	vmov s21;
	[tilespmem:v27+s18+$0x0] =	vst.idx.msk $0xffff, v8  }
0x135: {  	v6 =	vshll.u32 v11, $0x6;
	v8 =	vand.u32 $0xFF, v11;
	[tilespmem:v25+s18+$0x0] =	vst.idx.msk $0xffff, v7  }
0x136: {  	v7 =	vor.u32 $0x100, v8;
	v18 =	vor.u32 $0x200, v8;
	v19 =	vor.u32 $0x300, v8;
	[tilespmem:v9+s18+$0x0] =	vst.idx.msk $0xffff, v10  }
0x137: {  	v20 =	vor.u32 $0x400, v8;
	v21 =	vor.u32 $0x500, v8;
	v22 =	vor.u32 $0x600, v8  }
0x138: {  	v23 =	vor.u32 $0x700, v8;
	v24 =	vor.u32 $0x800, v8;
	v25 =	vor.u32 $0x900, v8  }
0x139: {  	v17 =	vor.u32 $0xA00, v8;
	v16 =	vor.u32 $0xB00, v8;
	v15 =	vor.u32 $0xC00, v8  }
0x13a: {  	v14 =	vor.u32 $0xD00, v8;
	v13 =	vor.u32 $0xE00, v8;
	v12 =	vor.u32 $0xF00, v8;
	v26 =	vld.idx.msk [tilespmem:v11+s16+$0x0], $0xffff  }
0x13b: {  	v10 =	vor.u32 $0x1100, v8;
	v9 =	vor.u32 $0x1200, v8;
	v11 =	vor.u32 $0x1000, v8;
	v7 =	vld.idx.msk [tilespmem:v7+s16+$0x0], $0xffff  }
0x13c: {  	v8 =	vor.u32 $0x1300, v8  }
0x13d: {  	v18 =	vld.idx.msk [tilespmem:v18+s16+$0x0], $0xffff;
	_ =	sdelay $0x1  }
0x13e: {  	v19 =	vld.idx.msk [tilespmem:v19+s16+$0x0], $0xffff  }
0x13f: {  	v26 =	vshll.u32 v26, $0x5  }
0x140: {  	v27 =	vor.u32 v0, v26;
	v26 =	vor.u32 v2, v26;
	v7 =	vshll.u32 v7, $0x5;
	v8 =	vld.idx.msk [tilespmem:v8+s16+$0x0], $0xffff  }
0x141: {  	v28 =	vor.u32 v0, v7;
	v7 =	vor.u32 v2, v7;
	v23 =	vld.idx.msk [tilespmem:v23+s16+$0x0], $0xffff  }
0x142: {  	v18 =	vshll.u32 v18, $0x5;
	v20 =	vld.idx.msk [tilespmem:v20+s16+$0x0], $0xffff  }
0x143: {  	v29 =	vor.u32 v0, v18;
	v18 =	vor.u32 v2, v18;
	v22 =	vld.idx.msk [tilespmem:v22+s16+$0x0], $0xffff  }
0x144: {  	v19 =	vshll.u32 v19, $0x5;
	v21 =	vld.idx.msk [tilespmem:v21+s16+$0x0], $0xffff  }
0x145: {  	v30 =	vor.u32 v0, v19;
	v19 =	vor.u32 v2, v19;
	v27 =	vld.idx.msk [tilespmem:v27+s1+$0x0], $0xffff  }
0x146: {  	v31 =	vld.idx.msk [tilespmem:v7+s1+$0x0], $0xffff;
	v7 =	vshll.u32 v8, $0x5  }
0x147: {  	v23 =	vshll.u32 v23, $0x5;
	v28 =	vld.idx.msk [tilespmem:v28+s1+$0x0], $0xffff;
	v8 =	vor.u32 v0, v7;
	v7 =	vor.u32 v2, v7  }
0x148: {  	v20 =	vshll.u32 v20, $0x5;
	v32 =	vor.u32 v0, v23;
	v23 =	vor.u32 v2, v23;
	v18 =	vld.idx.msk [tilespmem:v18+s1+$0x0], $0xffff  }
0x149: {  	v33 =	vor.u32 v0, v20;
	v20 =	vor.u32 v2, v20;
	v22 =	vshll.u32 v22, $0x5;
	v29 =	vld.idx.msk [tilespmem:v29+s1+$0x0], $0xffff  }
0x14a: {  	v21 =	vshll.u32 v21, $0x5;
	v34 =	vor.u32 v0, v22;
	v22 =	vor.u32 v2, v22;
	v30 =	vld.idx.msk [tilespmem:v30+s1+$0x0], $0xffff  }
0x14b: {  	v35 =	vand.u32 $0xFFFF0000, v27;
	v36 =	vor.u32 v0, v21;
	v21 =	vor.u32 v2, v21;
	v26 =	vld.idx.msk [tilespmem:v26+s1+$0x0], $0xffff  }
0x14c: {  	v27 =	vshll.u32 v27, $0x10;
	v37 =	vshll.u32 v31, $0x10;
	v24 =	vld.idx.msk [tilespmem:v24+s16+$0x0], $0xffff  }
0x14d: {  	v38 =	vshll.u32 v28, $0x10;
	v28 =	vand.u32 $0xFFFF0000, v28;
	v19 =	vld.idx.msk [tilespmem:v19+s1+$0x0], $0xffff  }
0x14e: {  	v28 =	vadd.f32 v28, v35;
	v33 =	vld.idx.msk [tilespmem:v33+s1+$0x0], $0xffff  }
0x14f: {  	v27 =	vadd.f32 v38, v27;
	v38 =	vshll.u32 v18, $0x10;
	v35 =	vshll.u32 v29, $0x10;
	v25 =	vld.idx.msk [tilespmem:v25+s16+$0x0], $0xffff  }
0x150: {  	v31 =	vand.u32 $0xFFFF0000, v31;
	v18 =	vand.u32 $0xFFFF0000, v18;
	v39 =	vshll.u32 v30, $0x10;
	v36 =	vld.idx.msk [tilespmem:v36+s1+$0x0], $0xffff  }
0x151: {  	v29 =	vand.u32 $0xFFFF0000, v29;
	v27 =	vadd.f32 v35, v27;
	v40 =	vshll.u32 v26, $0x10;
	v20 =	vld.idx.msk [tilespmem:v20+s1+$0x0], $0xffff  }
0x152: {  	v28 =	vadd.f32 v29, v28;
	v26 =	vand.u32 $0xFFFF0000, v26;
	v35 =	vadd.f32 v37, v40  }
0x153: {  	v27 =	vadd.f32 v39, v27;
	v24 =	vshll.u32 v24, $0x5;
	v29 =	vshll.u32 v19, $0x10;
	v21 =	vld.idx.msk [tilespmem:v21+s1+$0x0], $0xffff  }
0x154: {  	v30 =	vand.u32 $0xFFFF0000, v30;
	v19 =	vand.u32 $0xFFFF0000, v19;
	v35 =	vadd.f32 v38, v35;
	v34 =	vld.idx.msk [tilespmem:v34+s1+$0x0], $0xffff  }
0x155: {  	v37 =	vshll.u32 v33, $0x10;
	v33 =	vand.u32 $0xFFFF0000, v33;
	v25 =	vshll.u32 v25, $0x5;
	v22 =	vld.idx.msk [tilespmem:v22+s1+$0x0], $0xffff  }
0x156: {  	v29 =	vadd.f32 v29, v35;
	v35 =	vand.u32 $0xFFFF0000, v36;
	v38 =	vor.u32 v2, v25;
	v32 =	vld.idx.msk [tilespmem:v32+s1+$0x0], $0xffff  }
0x157: {  	v36 =	vshll.u32 v36, $0x10;
	v25 =	vor.u32 v0, v25;
	v39 =	vshll.u32 v20, $0x10  }
0x158: {  	v20 =	vand.u32 $0xFFFF0000, v20;
	v29 =	vadd.f32 v39, v29;
	v39 =	vor.u32 v2, v24;
	v17 =	vld.idx.msk [tilespmem:v17+s16+$0x0], $0xffff  }
0x159: {  	v27 =	vadd.f32 v37, v27;
	v24 =	vor.u32 v0, v24;
	v37 =	vshll.u32 v21, $0x10;
	v23 =	vld.idx.msk [tilespmem:v23+s1+$0x0], $0xffff  }
0x15a: {  	v26 =	vadd.f32 v31, v26;
	v21 =	vand.u32 $0xFFFF0000, v21;
	v29 =	vadd.f32 v37, v29  }
0x15b: {  	v28 =	vadd.f32 v30, v28;
	v27 =	vadd.f32 v36, v27;
	v30 =	vshll.u32 v34, $0x10;
	v16 =	vld.idx.msk [tilespmem:v16+s16+$0x0], $0xffff  }
0x15c: {  	v18 =	vadd.f32 v18, v26;
	v26 =	vshll.u32 v22, $0x10;
	v31 =	vshll.u32 v32, $0x10;
	v15 =	vld.idx.msk [tilespmem:v15+s16+$0x0], $0xffff  }
0x15d: {  	v28 =	vadd.f32 v33, v28;
	v27 =	vadd.f32 v30, v27;
	v22 =	vand.u32 $0xFFFF0000, v22;
	v30 =	vld.idx.msk [tilespmem:v38+s1+$0x0], $0xffff  }
0x15e: {  	v26 =	vadd.f32 v26, v29;
	v29 =	vand.u32 $0xFFFF0000, v32;
	v17 =	vshll.u32 v17, $0x5;
	v24 =	vld.idx.msk [tilespmem:v24+s1+$0x0], $0xffff  }
0x15f: {  	v27 =	vadd.f32 v31, v27;
	v31 =	vand.u32 $0xFFFF0000, v23;
	v32 =	vor.u32 v2, v17;
	v25 =	vld.idx.msk [tilespmem:v25+s1+$0x0], $0xffff  }
0x160: {  	v28 =	vadd.f32 v35, v28;
	v33 =	vand.u32 $0xFFFF0000, v34;
	v23 =	vshll.u32 v23, $0x10;
	v34 =	vld.idx.msk [tilespmem:v39+s1+$0x0], $0xffff  }
0x161: {  	v18 =	vadd.f32 v19, v18;
	v17 =	vor.u32 v0, v17;
	v16 =	vshll.u32 v16, $0x5  }
0x162: {  	v19 =	vadd.f32 v33, v28;
	v23 =	vadd.f32 v23, v26;
	v26 =	vor.u32 v2, v16;
	v14 =	vld.idx.msk [tilespmem:v14+s16+$0x0], $0xffff  }
0x163: {  	v18 =	vadd.f32 v20, v18;
	v16 =	vor.u32 v0, v16;
	v15 =	vshll.u32 v15, $0x5  }
0x164: {  	v28 =	vshll.u32 v30, $0x10;
	v20 =	vshll.u32 v24, $0x10;
	v24 =	vand.u32 $0xFFFF0000, v24;
	v13 =	vld.idx.msk [tilespmem:v13+s16+$0x0], $0xffff  }
0x165: {  	v19 =	vadd.f32 v29, v19;
	v33 =	vor.u32 v2, v15;
	v29 =	vshll.u32 v25, $0x10;
	v32 =	vld.idx.msk [tilespmem:v32+s1+$0x0], $0xffff  }
0x166: {  	v18 =	vadd.f32 v21, v18;
	v25 =	vand.u32 $0xFFFF0000, v25;
	v21 =	vand.u32 $0xFFFF0000, v34;
	v17 =	vld.idx.msk [tilespmem:v17+s1+$0x0], $0xffff  }
0x167: {  	v15 =	vor.u32 v0, v15;
	v19 =	vadd.f32 v24, v19;
	v24 =	vshll.u32 v34, $0x10;
	v26 =	vld.idx.msk [tilespmem:v26+s1+$0x0], $0xffff  }
0x168: {  	v18 =	vadd.f32 v22, v18;
	v22 =	vadd.f32 v24, v23;
	v23 =	vand.u32 $0xFFFF0000, v30;
	v16 =	vld.idx.msk [tilespmem:v16+s1+$0x0], $0xffff  }
0x169: {  	v20 =	vadd.f32 v20, v27;
	v19 =	vadd.f32 v25, v19;
	v14 =	vshll.u32 v14, $0x5;
	v12 =	vld.idx.msk [tilespmem:v12+s16+$0x0], $0xffff  }
0x16a: {  	v22 =	vadd.f32 v28, v22;
	v24 =	vor.u32 v0, v14;
	v14 =	vor.u32 v2, v14  }
0x16b: {  	v18 =	vadd.f32 v31, v18;
	v20 =	vadd.f32 v29, v20;
	v25 =	vshll.u32 v32, $0x10  }
0x16c: {  	v27 =	vshll.u32 v17, $0x10;
	v17 =	vand.u32 $0xFFFF0000, v17;
	v22 =	vadd.f32 v25, v22;
	v15 =	vld.idx.msk [tilespmem:v15+s1+$0x0], $0xffff  }
0x16d: {  	v18 =	vadd.f32 v21, v18;
	v17 =	vadd.f32 v17, v19;
	v19 =	vshll.u32 v26, $0x10;
	v21 =	vld.idx.msk [tilespmem:v11+s16+$0x0], $0xffff  }
0x16e: {  	v11 =	vadd.f32 v27, v20;
	v20 =	vshll.u32 v16, $0x10;
	v19 =	vadd.f32 v19, v22;
	v25 =	vld.idx.msk [tilespmem:v33+s1+$0x0], $0xffff  }
0x16f: {  	v27 =	vand.u32 $0xFFFF0000, v32;
	v29 =	vshll.u32 v12, $0x5;
	v28 =	vld.idx.msk [tilespmem:v24+s1+$0x0], $0xffff;
	v24 =	vshll.u32 v13, $0x5  }
0x170: {  	v18 =	vadd.f32 v23, v18;
	v12 =	vand.u32 $0xFFFF0000, v16;
	v30 =	vadd.f32 v20, v11;
	v11 =	vld.idx.msk [tilespmem:v14+s1+$0x0], $0xffff  }
0x171: {  	v16 =	vand.u32 $0xFFFF0000, v26;
	v12 =	vadd.f32 v12, v17;
	v13 =	vor.u32 v2, v29  }
0x172: {  	v26 =	vshll.u32 v15, $0x10;
	v14 =	vand.u32 $0xFFFF0000, v15;
	v15 =	vor.u32 v2, v24;
	v22 =	vld.idx.msk [tilespmem:v10+s16+$0x0], $0xffff  }
.Ltmp1:
0x173: {  	v20 =	vor.u32 v0, v24;
	v12 =	vadd.f32 v14, v12;
	v14 =	vor.u32 v0, v29;
	(pc) =	sbr.rel @p0 .LBB2_4-.Ltmp1, $4  }
0x174: {  	v29 =	vshll.u32 v21, $0x5;
	v10 =	vshll.u32 v25, $0x10;
	v17 =	vand.u32 $0xFFFF0000, v25  }
0x175: {  	v24 =	vadd.f32 v27, v18;
	v18 =	vadd.f32 v10, v19;
	v23 =	vshll.u32 v28, $0x10;
	v21 =	vld.idx.msk [tilespmem:v9+s16+$0x0], $0xffff  }
0x176: {  	v25 =	vadd.f32 v26, v30;
	v19 =	vor.u32 v0, v29;
	v9 =	vshll.u32 v11, $0x10  }
0x177: {  	v10 =	vand.u32 $0xFFFF0000, v28;
	v9 =	vadd.f32 v9, v18;
	v18 =	vor.u32 v2, v29  }
0x178: {  	_ =	sdelay $0x3  }
0x179: {  	v20 =	vld.idx.msk [tilespmem:v20+s1+$0x0], $0xffff  }
0x17a: {  	v16 =	vadd.f32 v16, v24;
	v15 =	vld.idx.msk [tilespmem:v15+s1+$0x0], $0xffff  }
0x17b: {  	v22 =	vshll.u32 v22, $0x5;
	v23 =	vadd.f32 v23, v25;
	v25 =	vor.u32 v4, v6  }
0x17c: {  	v14 =	vld.idx.msk [tilespmem:v14+s1+$0x0], $0xffff;
	v11 =	vand.u32 $0xFFFF0000, v11;
	v24 =	vor.u32 v0, v22;
	v16 =	vadd.f32 v17, v16  }
0x17d: {  	v19 =	vld.idx.msk [tilespmem:v19+s1+$0x0], $0xffff;
	v10 =	vadd.f32 v10, v12;
	v22 =	vor.u32 v2, v22;
	v17 =	vshll.u32 v21, $0x5  }
0x17e: {  	v13 =	vld.idx.msk [tilespmem:v13+s1+$0x0], $0xffff;
	v21 =	vor.u32 v0, v17;
	v17 =	vor.u32 v2, v17;
	v11 =	vadd.f32 v11, v16  }
0x17f: {  	v16 =	vld.idx.msk [tilespmem:v18+s1+$0x0], $0xffff;
	v12 =	vshll.u32 v20, $0x10;
	v18 =	vand.u32 $0xFFFF0000, v20;
	v20 =	vshll.u32 v15, $0x10  }
0x180: {  	v15 =	vand.u32 $0xFFFF0000, v15;
	v12 =	vadd.f32 v12, v23;
	v10 =	vadd.f32 v18, v10  }
0x181: {  	v23 =	vld.idx.msk [tilespmem:v24+s1+$0x0], $0xffff;
	v9 =	vadd.f32 v20, v9;
	v18 =	vshll.u32 v14, $0x10;
	v14 =	vand.u32 $0xFFFF0000, v14  }
0x182: {  	v20 =	vshll.u32 v19, $0x10;
	v11 =	vadd.f32 v15, v11;
	v12 =	vadd.f32 v18, v12  }
0x183: {  	v18 =	vld.idx.msk [tilespmem:v22+s1+$0x0], $0xffff;
	v10 =	vadd.f32 v14, v10;
	v14 =	vshll.u32 v13, $0x10;
	v13 =	vand.u32 $0xFFFF0000, v13  }
0x184: {  	v21 =	vld.idx.msk [tilespmem:v21+s1+$0x0], $0xffff;
	v9 =	vadd.f32 v14, v9;
	v14 =	vand.u32 $0xFFFF0000, v19;
	v11 =	vadd.f32 v13, v11  }
0x185: {  	v26 =	vor.u32 v1, v6;
	v12 =	vadd.f32 v20, v12;
	v10 =	vadd.f32 v14, v10  }
0x186: {  	v14 =	vld.idx.msk [tilespmem:v17+s1+$0x0], $0xffff;
	v17 =	vshll.u32 v16, $0x10;
	v16 =	vand.u32 $0xFFFF0000, v16;
	v15 =	vand.u32 $0xFFFF0000, v23  }
0x187: {  	v8 =	vld.idx.msk [tilespmem:v8+s1+$0x0], $0xffff;
	v19 =	vshll.u32 v23, $0x10;
	v9 =	vadd.f32 v17, v9;
	v11 =	vadd.f32 v16, v11  }
0x188: {  	v27 =	vor.u32 v3, v6;
	v12 =	vadd.f32 v19, v12;
	v10 =	vadd.f32 v15, v10  }
0x189: {  	v7 =	vld.idx.msk [tilespmem:v7+s1+$0x0], $0xffff;
	v13 =	vshll.u32 v18, $0x10;
	v15 =	vand.u32 $0xFFFF0000, v18;
	v17 =	vshll.u32 v21, $0x10  }
0x18a: {  	v16 =	vand.u32 $0xFFFF0000, v21;
	v12 =	vadd.f32 v17, v12;
	v9 =	vadd.f32 v13, v9  }
0x18b: {  	v10 =	vadd.f32 v16, v10;
	v11 =	vadd.f32 v15, v11;
	v13 =	vshll.u32 v14, $0x10  }
0x18c: {  	v15 =	vshll.u32 v8, $0x10;
	v8 =	vand.u32 $0xFFFF0000, v8;
	v9 =	vadd.f32 v13, v9  }
0x18d: {  	v13 =	vand.u32 $0xFFFF0000, v14;
	v8 =	vadd.f32 v8, v10;
	v10 =	vadd.f32 v15, v12  }
0x18e: {  	v12 =	vand.u32 $0xFFFF0000, v7;
	v7 =	vshll.u32 v7, $0x10;
	v11 =	vadd.f32 v13, v11  }
0x18f: {  	v6 =	vor.u32 v5, v6;
	v7 =	vadd.f32 v7, v9;
	v9 =	vmul.f32 $5.000000070e-02, v10  }
0x190: {  	v8 =	vmul.f32 $5.000000070e-02, v8;
	v10 =	vadd.f32 v12, v11  }
0x191: {  	v7 =	vmul.f32 $5.000000070e-02, v7;
	[tilespmem:v26+s18+$0x0] =	vst.idx.msk $0xffff, v9  }
0x192: {  	v9 =	vmul.f32 $5.000000070e-02, v10;
	[tilespmem:v27+s18+$0x0] =	vst.idx.msk $0xffff, v8  }
0x193: {  	[tilespmem:v25+s18+$0x0] =	vst.idx.msk $0xffff, v7  }
0x194: {  	s20 =	simm.s32 $0x0;
	[tilespmem:v6+s18+$0x0] =	vst.idx.msk $0xffff, v9  }
0x195: {  	[hbm4b:s8+s20] =	stream.linear.scatter [tilespmem:s18], [sflag:$0x2], $0x4000, $0x38;
	[tilespmem:$0xD100] =	vst v63  }
0x196: {  	_ =	swait.ge [sflag:s17], $0x4000  }
0x197: {  	v6 =	vmov s20;
	[sflag:s17] =	ssyncset.done $0x0  }
0x198: {  	v7 =	vand.u32 $0xFF, v6;
	[sflag:s17] =	ssyncadd.s32 $0xFFFFC000  }
0x199: {  	v8 =	vor.u32 $0x100, v7;
	[tilespmem:s16], [sflag:$0x2] =	stream.strided.gather [hbm4b:s9+s14], $0x1400, s15, s14, $0x38;
	[tilespmem:$0xD100] =	vst v63  }
0x19a: {  	v9 =	vor.u32 $0x200, v7;
	_ =	swait.ge [sflag:s17], $0x1400  }
0x19b: {  	v10 =	vor.u32 $0x300, v7;
	[sflag:s17] =	ssyncset.done $0x0  }
0x19c: {  	v12 =	vor.u32 $0x1300, v7;
	[sflag:s17] =	ssyncadd.s32 $0xFFFFEC00  }
0x19d: {  	v13 =	vor.u32 $0x700, v7;
	v11 =	vld.idx.msk [tilespmem:v6+s16+$0x0], $0xffff  }
0x19e: {  	v14 =	vor.u32 $0x400, v7;
	v8 =	vld.idx.msk [tilespmem:v8+s16+$0x0], $0xffff  }
0x19f: {  	v15 =	vor.u32 $0x600, v7;
	v9 =	vld.idx.msk [tilespmem:v9+s16+$0x0], $0xffff  }
0x1a0: {  	v16 =	vor.u32 $0x500, v7;
	v10 =	vld.idx.msk [tilespmem:v10+s16+$0x0], $0xffff  }
0x1a1: {  	v17 =	vor.u32 $0x800, v7;
	v21 =	vld.idx.msk [tilespmem:v12+s16+$0x0], $0xffff  }
0x1a2: {  	v19 =	vor.u32 $0x900, v7;
	v13 =	vld.idx.msk [tilespmem:v13+s16+$0x0], $0xffff  }
0x1a3: {  	v22 =	vor.u32 $0xA00, v7;
	v14 =	vld.idx.msk [tilespmem:v14+s16+$0x0], $0xffff;
	v18 =	vshll.u32 v11, $0x5  }
0x1a4: {  	v15 =	vld.idx.msk [tilespmem:v15+s16+$0x0], $0xffff;
	v8 =	vshll.u32 v8, $0x5;
	v20 =	vor.u32 v0, v18  }
0x1a5: {  	v23 =	vor.u32 $0xB00, v7;
	v25 =	vor.u32 $0xC00, v7;
	v16 =	vld.idx.msk [tilespmem:v16+s16+$0x0], $0xffff;
	v24 =	vor.u32 v2, v8  }
0x1a6: {  	v26 =	vor.u32 $0xD00, v7;
	v17 =	vld.idx.msk [tilespmem:v17+s16+$0x0], $0xffff;
	v9 =	vshll.u32 v9, $0x5;
	v8 =	vor.u32 v0, v8  }
0x1a7: {  	v27 =	vor.u32 $0xE00, v7;
	v6 =	vshll.u32 v6, $0x6;
	v19 =	vld.idx.msk [tilespmem:v19+s16+$0x0], $0xffff;
	v28 =	vor.u32 v2, v9  }
0x1a8: {  	v12 =	vor.u32 $0xF00, v7;
	v22 =	vld.idx.msk [tilespmem:v22+s16+$0x0], $0xffff;
	v30 =	vshll.u32 v10, $0x5;
	v29 =	vor.u32 v0, v9  }
0x1a9: {  	v11 =	vor.u32 $0x1000, v7;
	v10 =	vor.u32 $0x1100, v7;
	v31 =	vor.u32 v0, v30;
	v20 =	vld.idx.msk [tilespmem:v20+s1+$0x0], $0xffff  }
0x1aa: {  	v13 =	vshll.u32 v13, $0x5;
	v14 =	vshll.u32 v14, $0x5;
	v18 =	vor.u32 v2, v18;
	v24 =	vld.idx.msk [tilespmem:v24+s1+$0x0], $0xffff  }
0x1ab: {  	v9 =	vor.u32 $0x1200, v7;
	v7 =	vshll.u32 v21, $0x5;
	v21 =	vor.u32 v2, v30;
	v61 =	vld.idx.msk [tilespmem:v8+s1+$0x0], $0xffff  }
0x1ac: {  	v15 =	vshll.u32 v15, $0x5;
	v16 =	vshll.u32 v16, $0x5;
	v33 =	vor.u32 v0, v14;
	v28 =	vld.idx.msk [tilespmem:v28+s1+$0x0], $0xffff  }
0x1ad: {  	v17 =	vshll.u32 v17, $0x5;
	v19 =	vshll.u32 v19, $0x5;
	v36 =	vor.u32 v0, v16;
	v29 =	vld.idx.msk [tilespmem:v29+s1+$0x0], $0xffff  }
0x1ae: {  	v22 =	vshll.u32 v22, $0x5;
	v32 =	vor.u32 v0, v13;
	v14 =	vor.u32 v2, v14;
	v31 =	vld.idx.msk [tilespmem:v31+s1+$0x0], $0xffff  }
0x1af: {  	v13 =	vor.u32 v2, v13;
	v34 =	vor.u32 v0, v15;
	v16 =	vor.u32 v2, v16;
	v18 =	vld.idx.msk [tilespmem:v18+s1+$0x0], $0xffff  }
0x1b0: {  	v15 =	vor.u32 v2, v15;
	v46 =	vor.u32 v2, v19;
	v19 =	vor.u32 v0, v19;
	v21 =	vld.idx.msk [tilespmem:v21+s1+$0x0], $0xffff  }
0x1b1: {  	v48 =	vor.u32 v2, v17;
	v17 =	vor.u32 v0, v17;
	v56 =	vor.u32 v2, v22;
	v33 =	vld.idx.msk [tilespmem:v33+s1+$0x0], $0xffff  }
0x1b2: {  	v36 =	vld.idx.msk [tilespmem:v36+s1+$0x0], $0xffff;
	v35 =	vand.u32 $0xFFFF0000, v20;
	v20 =	vshll.u32 v20, $0x10;
	v37 =	vand.u32 $0xFFFF0000, v61  }
0x1b3: {  	v14 =	vld.idx.msk [tilespmem:v14+s1+$0x0], $0xffff;
	v38 =	vshll.u32 v24, $0x10;
	v30 =	vshll.u32 v61, $0x10;
	v62 =	vshll.u32 v29, $0x10  }
0x1b4: {  	v16 =	vld.idx.msk [tilespmem:v16+s1+$0x0], $0xffff;
	v63 =	vshll.u32 v28, $0x10;
	v24 =	vand.u32 $0xFFFF0000, v24;
	v28 =	vand.u32 $0xFFFF0000, v28  }
0x1b5: {  	v34 =	vld.idx.msk [tilespmem:v34+s1+$0x0], $0xffff;
	v39 =	vshll.u32 v31, $0x10;
	v40 =	vshll.u32 v18, $0x10;
	v29 =	vand.u32 $0xFFFF0000, v29  }
0x1b6: {  	v15 =	vld.idx.msk [tilespmem:v15+s1+$0x0], $0xffff;
	v18 =	vand.u32 $0xFFFF0000, v18;
	v43 =	vshll.u32 v21, $0x10;
	v31 =	vand.u32 $0xFFFF0000, v31  }
0x1b7: {  	v32 =	vld.idx.msk [tilespmem:v32+s1+$0x0], $0xffff;
	v21 =	vand.u32 $0xFFFF0000, v21;
	v44 =	vshll.u32 v33, $0x10;
	v33 =	vand.u32 $0xFFFF0000, v33  }
0x1b8: {  	v45 =	vand.u32 $0xFFFF0000, v36;
	v47 =	vshll.u32 v14, $0x10;
	v36 =	vshll.u32 v36, $0x10  }
0x1b9: {  	v14 =	vand.u32 $0xFFFF0000, v14;
	v49 =	vshll.u32 v16, $0x10;
	v42 =	vadd.f32 v38, v40  }
0x1ba: {  	v13 =	vld.idx.msk [tilespmem:v13+s1+$0x0], $0xffff;
	v16 =	vand.u32 $0xFFFF0000, v16;
	v50 =	vshll.u32 v34, $0x10;
	v20 =	vadd.f32 v30, v20  }
0x1bb: {  	v51 =	vshll.u32 v15, $0x10;
	v35 =	vadd.f32 v37, v35;
	v30 =	vadd.f32 v63, v42  }
0x1bc: {  	v52 =	vshll.u32 v32, $0x10;
	v18 =	vadd.f32 v24, v18;
	v20 =	vadd.f32 v62, v20  }
0x1bd: {  	v15 =	vand.u32 $0xFFFF0000, v15;
	v29 =	vadd.f32 v29, v35;
	v30 =	vadd.f32 v43, v30  }
0x1be: {  	v53 =	vld.idx.msk [tilespmem:v46+s1+$0x0], $0xffff;
	v54 =	vand.u32 $0xFFFF0000, v32;
	v18 =	vadd.f32 v28, v18;
	v20 =	vadd.f32 v39, v20  }
0x1bf: {  	v23 =	vld.idx.msk [tilespmem:v23+s16+$0x0], $0xffff;
	v55 =	vand.u32 $0xFFFF0000, v13;
	v29 =	vadd.f32 v31, v29;
	v30 =	vadd.f32 v47, v30  }
0x1c0: {  	v57 =	vand.u32 $0xFFFF0000, v34;
	v18 =	vadd.f32 v21, v18;
	v20 =	vadd.f32 v44, v20  }
0x1c1: {  	v19 =	vld.idx.msk [tilespmem:v19+s1+$0x0], $0xffff;
	v21 =	vor.u32 v0, v22;
	v29 =	vadd.f32 v33, v29;
	v24 =	vadd.f32 v49, v30  }
0x1c2: {  	v25 =	vld.idx.msk [tilespmem:v25+s16+$0x0], $0xffff;
	v13 =	vshll.u32 v13, $0x10;
	v14 =	vadd.f32 v14, v18;
	v20 =	vadd.f32 v36, v20  }
0x1c3: {  	v17 =	vld.idx.msk [tilespmem:v17+s1+$0x0], $0xffff;
	v59 =	vshll.u32 v53, $0x10;
	v29 =	vadd.f32 v45, v29;
	v24 =	vadd.f32 v51, v24  }
0x1c4: {  	v58 =	vld.idx.msk [tilespmem:v48+s1+$0x0], $0xffff;
	v22 =	vshll.u32 v23, $0x5;
	v14 =	vadd.f32 v16, v14;
	v20 =	vadd.f32 v50, v20  }
0x1c5: {  	v23 =	vadd.f32 v57, v29;
	v13 =	vadd.f32 v13, v24;
	v24 =	vor.u32 v2, v22  }
0x1c6: {  	v60 =	vshll.u32 v19, $0x10;
	v19 =	vand.u32 $0xFFFF0000, v19;
	v21 =	vld.idx.msk [tilespmem:v21+s1+$0x0], $0xffff;
	v14 =	vadd.f32 v15, v14  }
0x1c7: {  	v32 =	vld.idx.msk [tilespmem:v56+s1+$0x0], $0xffff;
	v18 =	vor.u32 v0, v22;
	v20 =	vadd.f32 v52, v20;
	v23 =	vadd.f32 v54, v23  }
0x1c8: {  	v22 =	vshll.u32 v25, $0x5;
	v25 =	vld.idx.msk [tilespmem:v26+s16+$0x0], $0xffff;
	v26 =	vshll.u32 v17, $0x10;
	v17 =	vand.u32 $0xFFFF0000, v17  }
0x1c9: {  	v14 =	vadd.f32 v55, v14;
	v17 =	vadd.f32 v17, v23;
	v23 =	vshll.u32 v58, $0x10  }
0x1ca: {  	v61 =	vor.u32 v2, v22;
	v22 =	vor.u32 v0, v22;
	v13 =	vadd.f32 v23, v13;
	v24 =	vld.idx.msk [tilespmem:v24+s1+$0x0], $0xffff  }
0x1cb: {  	v27 =	vld.idx.msk [tilespmem:v27+s16+$0x0], $0xffff;
	v16 =	vand.u32 $0xFFFF0000, v58;
	v20 =	vadd.f32 v26, v20;
	v26 =	vshll.u32 v21, $0x10  }
0x1cc: {  	v12 =	vld.idx.msk [tilespmem:v12+s16+$0x0], $0xffff;
	v21 =	vand.u32 $0xFFFF0000, v21;
	v14 =	vadd.f32 v16, v14;
	v13 =	vadd.f32 v59, v13  }
0x1cd: {  	v18 =	vld.idx.msk [tilespmem:v18+s1+$0x0], $0xffff;
	v17 =	vadd.f32 v19, v17;
	v19 =	vshll.u32 v25, $0x5;
	v25 =	vshll.u32 v32, $0x10  }
0x1ce: {  	v20 =	vadd.f32 v60, v20;
	v23 =	vor.u32 v0, v19;
	v13 =	vadd.f32 v25, v13  }
0x1cf: {  	v19 =	vor.u32 v2, v19;
	v22 =	vld.idx.msk [tilespmem:v22+s1+$0x0], $0xffff;
	v16 =	vadd.f32 v21, v17;
	v17 =	vshll.u32 v24, $0x10  }
0x1d0: {  	v27 =	vshll.u32 v27, $0x5;
	v8 =	vor.u32 v0, v7;
	v25 =	vadd.f32 v17, v13;
	v17 =	vld.idx.msk [tilespmem:v61+s1+$0x0], $0xffff  }
0x1d1: {  	v7 =	vor.u32 v2, v7;
	v62 =	vshll.u32 v12, $0x5;
	v21 =	vld.idx.msk [tilespmem:v11+s16+$0x0], $0xffff;
	v11 =	vadd.f32 v26, v20  }
0x1d2: {  	v15 =	vand.u32 $0xFFFF0000, v53;
	v12 =	vand.u32 $0xFFFF0000, v18;
	v20 =	vshll.u32 v18, $0x10  }
0x1d3: {  	v26 =	vand.u32 $0xFFFF0000, v32;
	v18 =	vadd.f32 v20, v11;
	v12 =	vadd.f32 v12, v16;
	v63 =	vld.idx.msk [tilespmem:v23+s1+$0x0], $0xffff  }
0x1d4: {  	v20 =	vor.u32 v0, v27;
	v16 =	vand.u32 $0xFFFF0000, v24;
	v23 =	vadd.f32 v15, v14;
	v11 =	vld.idx.msk [tilespmem:v19+s1+$0x0], $0xffff  }
0x1d5: {  	v19 =	vshll.u32 v22, $0x10;
	v14 =	vand.u32 $0xFFFF0000, v22;
	v22 =	vshll.u32 v17, $0x10  }
0x1d6: {  	v13 =	vor.u32 v2, v62;
	v24 =	vadd.f32 v26, v23;
	v26 =	vadd.f32 v22, v25;
	v22 =	vld.idx.msk [tilespmem:v10+s16+$0x0], $0xffff  }
0x1d7: {  	v15 =	vor.u32 v2, v27;
	v27 =	vshll.u32 v21, $0x5;
	v12 =	vadd.f32 v14, v12  }
0x1d8: {  	v14 =	vor.u32 v0, v62;
	v17 =	vand.u32 $0xFFFF0000, v17;
	v23 =	vshll.u32 v63, $0x10  }
0x1d9: {  	v21 =	vld.idx.msk [tilespmem:v9+s16+$0x0], $0xffff;
	v25 =	vadd.f32 v19, v18;
	v18 =	vshll.u32 v11, $0x10;
	v19 =	vor.u32 v0, v27  }
0x1da: {  	s20 =	simm.s32 $0x1;
	v10 =	vand.u32 $0xFFFF0000, v63;
	v9 =	vadd.f32 v18, v26;
	v18 =	vor.u32 v2, v27  }
.LBB2_6:
0x1db: {  	p0 =	sne.s32 s20, $0xFF;
	v16 =	vadd.f32 v16, v24;
	v20 =	vld.idx.msk [tilespmem:v20+s1+$0x0], $0xffff;
	v22 =	vshll.u32 v22, $0x5;
	s21 =	smov.u32 s20;
	s20 =	sadd.s32 $0x1, s20  }
0x1dc: {  	v23 =	vadd.f32 v23, v25;
	v15 =	vld.idx.msk [tilespmem:v15+s1+$0x0], $0xffff;
	v24 =	vor.u32 v0, v22;
	v22 =	vor.u32 v2, v22  }
0x1dd: {  	v16 =	vadd.f32 v17, v16;
	v14 =	vld.idx.msk [tilespmem:v14+s1+$0x0], $0xffff  }
0x1de: {  	v17 =	vshll.u32 v21, $0x5;
	v13 =	vld.idx.msk [tilespmem:v13+s1+$0x0], $0xffff  }
0x1df: {  	v25 =	vor.u32 v4, v6;
	v21 =	vor.u32 v0, v17;
	v17 =	vor.u32 v2, v17;
	v19 =	vld.idx.msk [tilespmem:v19+s1+$0x0], $0xffff  }
0x1e0: {  	v11 =	vand.u32 $0xFFFF0000, v11;
	v26 =	vor.u32 v1, v6;
	v27 =	vor.u32 v3, v6;
	v18 =	vld.idx.msk [tilespmem:v18+s1+$0x0], $0xffff  }
0x1e1: {  	v10 =	vadd.f32 v10, v12;
	v11 =	vadd.f32 v11, v16;
	v12 =	vshll.u32 v20, $0x10;
	v16 =	vld.idx.msk [tilespmem:v24+s1+$0x0], $0xffff  }
0x1e2: {  	v20 =	vand.u32 $0xFFFF0000, v20;
	v12 =	vadd.f32 v12, v23;
	v23 =	vshll.u32 v15, $0x10  }
0x1e3: {  	v10 =	vadd.f32 v20, v10;
	v9 =	vadd.f32 v23, v9;
	v20 =	vshll.u32 v14, $0x10;
	v22 =	vld.idx.msk [tilespmem:v22+s1+$0x0], $0xffff  }
0x1e4: {  	v15 =	vand.u32 $0xFFFF0000, v15;
	v14 =	vand.u32 $0xFFFF0000, v14;
	v12 =	vadd.f32 v20, v12;
	v20 =	vld.idx.msk [tilespmem:v21+s1+$0x0], $0xffff  }
0x1e5: {  	v10 =	vadd.f32 v14, v10;
	v14 =	vshll.u32 v13, $0x10;
	v21 =	vshll.u32 v19, $0x10  }
0x1e6: {  	v9 =	vadd.f32 v14, v9;
	v14 =	vand.u32 $0xFFFF0000, v19;
	v12 =	vadd.f32 v21, v12;
	v17 =	vld.idx.msk [tilespmem:v17+s1+$0x0], $0xffff  }
0x1e7: {  	v13 =	vand.u32 $0xFFFF0000, v13;
	v10 =	vadd.f32 v14, v10;
	v14 =	vand.u32 $0xFFFF0000, v16;
	v8 =	vld.idx.msk [tilespmem:v8+s1+$0x0], $0xffff  }
0x1e8: {  	v11 =	vadd.f32 v15, v11;
	v15 =	vshll.u32 v18, $0x10;
	v16 =	vshll.u32 v16, $0x10  }
0x1e9: {  	v18 =	vand.u32 $0xFFFF0000, v18;
	v12 =	vadd.f32 v16, v12;
	v10 =	vadd.f32 v14, v10;
	v7 =	vld.idx.msk [tilespmem:v7+s1+$0x0], $0xffff  }
0x1ea: {  	v11 =	vadd.f32 v13, v11;
	v9 =	vadd.f32 v15, v9;
	v13 =	vshll.u32 v22, $0x10  }
0x1eb: {  	v14 =	vand.u32 $0xFFFF0000, v22;
	v15 =	vshll.u32 v20, $0x10;
	v16 =	vand.u32 $0xFFFF0000, v20  }
0x1ec: {  	v11 =	vadd.f32 v18, v11;
	v12 =	vadd.f32 v15, v12;
	v15 =	vshll.u32 v17, $0x10  }
0x1ed: {  	v9 =	vadd.f32 v13, v9;
	v10 =	vadd.f32 v16, v10;
	v13 =	vand.u32 $0xFFFF0000, v17  }
0x1ee: {  	v11 =	vadd.f32 v14, v11;
	v14 =	vshll.u32 v8, $0x10;
	v8 =	vand.u32 $0xFFFF0000, v8  }
0x1ef: {  	v9 =	vadd.f32 v15, v9;
	v8 =	vadd.f32 v8, v10;
	v10 =	vand.u32 $0xFFFF0000, v7  }
0x1f0: {  	v11 =	vadd.f32 v13, v11;
	v12 =	vadd.f32 v14, v12;
	v7 =	vshll.u32 v7, $0x10  }
0x1f1: {  	v7 =	vadd.f32 v7, v9;
	v8 =	vmul.f32 $5.000000070e-02, v8;
	v9 =	vor.u32 v5, v6  }
0x1f2: {  	v6 =	vadd.f32 v10, v11;
	v10 =	vmul.f32 $5.000000070e-02, v12  }
0x1f3: {  	v7 =	vmul.f32 $5.000000070e-02, v7  }
0x1f4: {  	[tilespmem:v26+s18+$0x0] =	vst.idx.msk $0xffff, v10;
	v10 =	vmul.f32 $5.000000070e-02, v6  }
0x1f5: {  	v11 =	vmov s21;
	[tilespmem:v27+s18+$0x0] =	vst.idx.msk $0xffff, v8  }
0x1f6: {  	v6 =	vshll.u32 v11, $0x6;
	v8 =	vand.u32 $0xFF, v11;
	[tilespmem:v25+s18+$0x0] =	vst.idx.msk $0xffff, v7  }
0x1f7: {  	v7 =	vor.u32 $0x100, v8;
	v18 =	vor.u32 $0x200, v8;
	v19 =	vor.u32 $0x300, v8;
	[tilespmem:v9+s18+$0x0] =	vst.idx.msk $0xffff, v10  }
0x1f8: {  	v20 =	vor.u32 $0x400, v8;
	v21 =	vor.u32 $0x500, v8;
	v22 =	vor.u32 $0x600, v8  }
0x1f9: {  	v23 =	vor.u32 $0x700, v8;
	v24 =	vor.u32 $0x800, v8;
	v25 =	vor.u32 $0x900, v8  }
0x1fa: {  	v17 =	vor.u32 $0xA00, v8;
	v16 =	vor.u32 $0xB00, v8;
	v15 =	vor.u32 $0xC00, v8  }
0x1fb: {  	v14 =	vor.u32 $0xD00, v8;
	v13 =	vor.u32 $0xE00, v8;
	v12 =	vor.u32 $0xF00, v8;
	v26 =	vld.idx.msk [tilespmem:v11+s16+$0x0], $0xffff  }
0x1fc: {  	v10 =	vor.u32 $0x1100, v8;
	v9 =	vor.u32 $0x1200, v8;
	v11 =	vor.u32 $0x1000, v8;
	v7 =	vld.idx.msk [tilespmem:v7+s16+$0x0], $0xffff  }
0x1fd: {  	v8 =	vor.u32 $0x1300, v8  }
0x1fe: {  	v18 =	vld.idx.msk [tilespmem:v18+s16+$0x0], $0xffff;
	_ =	sdelay $0x1  }
0x1ff: {  	v19 =	vld.idx.msk [tilespmem:v19+s16+$0x0], $0xffff  }
0x200: {  	v26 =	vshll.u32 v26, $0x5  }
0x201: {  	v27 =	vor.u32 v0, v26;
	v26 =	vor.u32 v2, v26;
	v7 =	vshll.u32 v7, $0x5;
	v8 =	vld.idx.msk [tilespmem:v8+s16+$0x0], $0xffff  }
0x202: {  	v28 =	vor.u32 v0, v7;
	v7 =	vor.u32 v2, v7;
	v23 =	vld.idx.msk [tilespmem:v23+s16+$0x0], $0xffff  }
0x203: {  	v18 =	vshll.u32 v18, $0x5;
	v20 =	vld.idx.msk [tilespmem:v20+s16+$0x0], $0xffff  }
0x204: {  	v29 =	vor.u32 v0, v18;
	v18 =	vor.u32 v2, v18;
	v22 =	vld.idx.msk [tilespmem:v22+s16+$0x0], $0xffff  }
0x205: {  	v19 =	vshll.u32 v19, $0x5;
	v21 =	vld.idx.msk [tilespmem:v21+s16+$0x0], $0xffff  }
0x206: {  	v30 =	vor.u32 v0, v19;
	v19 =	vor.u32 v2, v19;
	v27 =	vld.idx.msk [tilespmem:v27+s1+$0x0], $0xffff  }
0x207: {  	v31 =	vld.idx.msk [tilespmem:v7+s1+$0x0], $0xffff;
	v7 =	vshll.u32 v8, $0x5  }
0x208: {  	v23 =	vshll.u32 v23, $0x5;
	v28 =	vld.idx.msk [tilespmem:v28+s1+$0x0], $0xffff;
	v8 =	vor.u32 v0, v7;
	v7 =	vor.u32 v2, v7  }
0x209: {  	v20 =	vshll.u32 v20, $0x5;
	v32 =	vor.u32 v0, v23;
	v23 =	vor.u32 v2, v23;
	v18 =	vld.idx.msk [tilespmem:v18+s1+$0x0], $0xffff  }
0x20a: {  	v33 =	vor.u32 v0, v20;
	v20 =	vor.u32 v2, v20;
	v22 =	vshll.u32 v22, $0x5;
	v29 =	vld.idx.msk [tilespmem:v29+s1+$0x0], $0xffff  }
0x20b: {  	v21 =	vshll.u32 v21, $0x5;
	v34 =	vor.u32 v0, v22;
	v22 =	vor.u32 v2, v22;
	v30 =	vld.idx.msk [tilespmem:v30+s1+$0x0], $0xffff  }
0x20c: {  	v35 =	vand.u32 $0xFFFF0000, v27;
	v36 =	vor.u32 v0, v21;
	v21 =	vor.u32 v2, v21;
	v26 =	vld.idx.msk [tilespmem:v26+s1+$0x0], $0xffff  }
0x20d: {  	v27 =	vshll.u32 v27, $0x10;
	v37 =	vshll.u32 v31, $0x10;
	v24 =	vld.idx.msk [tilespmem:v24+s16+$0x0], $0xffff  }
0x20e: {  	v38 =	vshll.u32 v28, $0x10;
	v28 =	vand.u32 $0xFFFF0000, v28;
	v19 =	vld.idx.msk [tilespmem:v19+s1+$0x0], $0xffff  }
0x20f: {  	v28 =	vadd.f32 v28, v35;
	v33 =	vld.idx.msk [tilespmem:v33+s1+$0x0], $0xffff  }
0x210: {  	v27 =	vadd.f32 v38, v27;
	v38 =	vshll.u32 v18, $0x10;
	v35 =	vshll.u32 v29, $0x10;
	v25 =	vld.idx.msk [tilespmem:v25+s16+$0x0], $0xffff  }
0x211: {  	v31 =	vand.u32 $0xFFFF0000, v31;
	v18 =	vand.u32 $0xFFFF0000, v18;
	v39 =	vshll.u32 v30, $0x10;
	v36 =	vld.idx.msk [tilespmem:v36+s1+$0x0], $0xffff  }
0x212: {  	v29 =	vand.u32 $0xFFFF0000, v29;
	v27 =	vadd.f32 v35, v27;
	v40 =	vshll.u32 v26, $0x10;
	v20 =	vld.idx.msk [tilespmem:v20+s1+$0x0], $0xffff  }
0x213: {  	v28 =	vadd.f32 v29, v28;
	v26 =	vand.u32 $0xFFFF0000, v26;
	v35 =	vadd.f32 v37, v40  }
0x214: {  	v27 =	vadd.f32 v39, v27;
	v24 =	vshll.u32 v24, $0x5;
	v29 =	vshll.u32 v19, $0x10;
	v21 =	vld.idx.msk [tilespmem:v21+s1+$0x0], $0xffff  }
0x215: {  	v30 =	vand.u32 $0xFFFF0000, v30;
	v19 =	vand.u32 $0xFFFF0000, v19;
	v35 =	vadd.f32 v38, v35;
	v34 =	vld.idx.msk [tilespmem:v34+s1+$0x0], $0xffff  }
0x216: {  	v37 =	vshll.u32 v33, $0x10;
	v33 =	vand.u32 $0xFFFF0000, v33;
	v25 =	vshll.u32 v25, $0x5;
	v22 =	vld.idx.msk [tilespmem:v22+s1+$0x0], $0xffff  }
0x217: {  	v29 =	vadd.f32 v29, v35;
	v35 =	vand.u32 $0xFFFF0000, v36;
	v38 =	vor.u32 v2, v25;
	v32 =	vld.idx.msk [tilespmem:v32+s1+$0x0], $0xffff  }
0x218: {  	v36 =	vshll.u32 v36, $0x10;
	v25 =	vor.u32 v0, v25;
	v39 =	vshll.u32 v20, $0x10  }
0x219: {  	v20 =	vand.u32 $0xFFFF0000, v20;
	v29 =	vadd.f32 v39, v29;
	v39 =	vor.u32 v2, v24;
	v17 =	vld.idx.msk [tilespmem:v17+s16+$0x0], $0xffff  }
0x21a: {  	v27 =	vadd.f32 v37, v27;
	v24 =	vor.u32 v0, v24;
	v37 =	vshll.u32 v21, $0x10;
	v23 =	vld.idx.msk [tilespmem:v23+s1+$0x0], $0xffff  }
0x21b: {  	v26 =	vadd.f32 v31, v26;
	v21 =	vand.u32 $0xFFFF0000, v21;
	v29 =	vadd.f32 v37, v29  }
0x21c: {  	v28 =	vadd.f32 v30, v28;
	v27 =	vadd.f32 v36, v27;
	v30 =	vshll.u32 v34, $0x10;
	v16 =	vld.idx.msk [tilespmem:v16+s16+$0x0], $0xffff  }
0x21d: {  	v18 =	vadd.f32 v18, v26;
	v26 =	vshll.u32 v22, $0x10;
	v31 =	vshll.u32 v32, $0x10;
	v15 =	vld.idx.msk [tilespmem:v15+s16+$0x0], $0xffff  }
0x21e: {  	v28 =	vadd.f32 v33, v28;
	v27 =	vadd.f32 v30, v27;
	v22 =	vand.u32 $0xFFFF0000, v22;
	v30 =	vld.idx.msk [tilespmem:v38+s1+$0x0], $0xffff  }
0x21f: {  	v26 =	vadd.f32 v26, v29;
	v29 =	vand.u32 $0xFFFF0000, v32;
	v17 =	vshll.u32 v17, $0x5;
	v24 =	vld.idx.msk [tilespmem:v24+s1+$0x0], $0xffff  }
0x220: {  	v27 =	vadd.f32 v31, v27;
	v31 =	vand.u32 $0xFFFF0000, v23;
	v32 =	vor.u32 v2, v17;
	v25 =	vld.idx.msk [tilespmem:v25+s1+$0x0], $0xffff  }
0x221: {  	v28 =	vadd.f32 v35, v28;
	v33 =	vand.u32 $0xFFFF0000, v34;
	v23 =	vshll.u32 v23, $0x10;
	v34 =	vld.idx.msk [tilespmem:v39+s1+$0x0], $0xffff  }
0x222: {  	v18 =	vadd.f32 v19, v18;
	v17 =	vor.u32 v0, v17;
	v16 =	vshll.u32 v16, $0x5  }
0x223: {  	v19 =	vadd.f32 v33, v28;
	v23 =	vadd.f32 v23, v26;
	v26 =	vor.u32 v2, v16;
	v14 =	vld.idx.msk [tilespmem:v14+s16+$0x0], $0xffff  }
0x224: {  	v18 =	vadd.f32 v20, v18;
	v16 =	vor.u32 v0, v16;
	v15 =	vshll.u32 v15, $0x5  }
0x225: {  	v28 =	vshll.u32 v30, $0x10;
	v20 =	vshll.u32 v24, $0x10;
	v24 =	vand.u32 $0xFFFF0000, v24;
	v13 =	vld.idx.msk [tilespmem:v13+s16+$0x0], $0xffff  }
0x226: {  	v19 =	vadd.f32 v29, v19;
	v33 =	vor.u32 v2, v15;
	v29 =	vshll.u32 v25, $0x10;
	v32 =	vld.idx.msk [tilespmem:v32+s1+$0x0], $0xffff  }
0x227: {  	v18 =	vadd.f32 v21, v18;
	v25 =	vand.u32 $0xFFFF0000, v25;
	v21 =	vand.u32 $0xFFFF0000, v34;
	v17 =	vld.idx.msk [tilespmem:v17+s1+$0x0], $0xffff  }
0x228: {  	v15 =	vor.u32 v0, v15;
	v19 =	vadd.f32 v24, v19;
	v24 =	vshll.u32 v34, $0x10;
	v26 =	vld.idx.msk [tilespmem:v26+s1+$0x0], $0xffff  }
0x229: {  	v18 =	vadd.f32 v22, v18;
	v22 =	vadd.f32 v24, v23;
	v23 =	vand.u32 $0xFFFF0000, v30;
	v16 =	vld.idx.msk [tilespmem:v16+s1+$0x0], $0xffff  }
0x22a: {  	v20 =	vadd.f32 v20, v27;
	v19 =	vadd.f32 v25, v19;
	v14 =	vshll.u32 v14, $0x5;
	v12 =	vld.idx.msk [tilespmem:v12+s16+$0x0], $0xffff  }
0x22b: {  	v22 =	vadd.f32 v28, v22;
	v24 =	vor.u32 v0, v14;
	v14 =	vor.u32 v2, v14  }
0x22c: {  	v18 =	vadd.f32 v31, v18;
	v20 =	vadd.f32 v29, v20;
	v25 =	vshll.u32 v32, $0x10  }
0x22d: {  	v27 =	vshll.u32 v17, $0x10;
	v17 =	vand.u32 $0xFFFF0000, v17;
	v22 =	vadd.f32 v25, v22;
	v15 =	vld.idx.msk [tilespmem:v15+s1+$0x0], $0xffff  }
0x22e: {  	v18 =	vadd.f32 v21, v18;
	v17 =	vadd.f32 v17, v19;
	v19 =	vshll.u32 v26, $0x10;
	v21 =	vld.idx.msk [tilespmem:v11+s16+$0x0], $0xffff  }
0x22f: {  	v11 =	vadd.f32 v27, v20;
	v20 =	vshll.u32 v16, $0x10;
	v19 =	vadd.f32 v19, v22;
	v25 =	vld.idx.msk [tilespmem:v33+s1+$0x0], $0xffff  }
0x230: {  	v27 =	vand.u32 $0xFFFF0000, v32;
	v29 =	vshll.u32 v12, $0x5;
	v28 =	vld.idx.msk [tilespmem:v24+s1+$0x0], $0xffff;
	v24 =	vshll.u32 v13, $0x5  }
0x231: {  	v18 =	vadd.f32 v23, v18;
	v12 =	vand.u32 $0xFFFF0000, v16;
	v30 =	vadd.f32 v20, v11;
	v11 =	vld.idx.msk [tilespmem:v14+s1+$0x0], $0xffff  }
0x232: {  	v16 =	vand.u32 $0xFFFF0000, v26;
	v12 =	vadd.f32 v12, v17;
	v13 =	vor.u32 v2, v29  }
0x233: {  	v26 =	vshll.u32 v15, $0x10;
	v14 =	vand.u32 $0xFFFF0000, v15;
	v15 =	vor.u32 v2, v24;
	v22 =	vld.idx.msk [tilespmem:v10+s16+$0x0], $0xffff  }
.Ltmp2:
0x234: {  	v20 =	vor.u32 v0, v24;
	v12 =	vadd.f32 v14, v12;
	v14 =	vor.u32 v0, v29;
	(pc) =	sbr.rel @p0 .LBB2_6-.Ltmp2, $4  }
0x235: {  	v29 =	vshll.u32 v21, $0x5;
	v10 =	vshll.u32 v25, $0x10;
	v17 =	vand.u32 $0xFFFF0000, v25  }
0x236: {  	v24 =	vadd.f32 v27, v18;
	v18 =	vadd.f32 v10, v19;
	v23 =	vshll.u32 v28, $0x10;
	v21 =	vld.idx.msk [tilespmem:v9+s16+$0x0], $0xffff  }
0x237: {  	v25 =	vadd.f32 v26, v30;
	v19 =	vor.u32 v0, v29;
	v9 =	vshll.u32 v11, $0x10  }
0x238: {  	v10 =	vand.u32 $0xFFFF0000, v28;
	v9 =	vadd.f32 v9, v18;
	v18 =	vor.u32 v2, v29  }
0x239: {  	_ =	sdelay $0x3  }
0x23a: {  	v20 =	vld.idx.msk [tilespmem:v20+s1+$0x0], $0xffff  }
0x23b: {  	v16 =	vadd.f32 v16, v24;
	v15 =	vld.idx.msk [tilespmem:v15+s1+$0x0], $0xffff  }
0x23c: {  	v22 =	vshll.u32 v22, $0x5;
	v23 =	vadd.f32 v23, v25;
	v25 =	vor.u32 v4, v6  }
0x23d: {  	v14 =	vld.idx.msk [tilespmem:v14+s1+$0x0], $0xffff;
	v11 =	vand.u32 $0xFFFF0000, v11;
	v24 =	vor.u32 v0, v22;
	v16 =	vadd.f32 v17, v16  }
0x23e: {  	v19 =	vld.idx.msk [tilespmem:v19+s1+$0x0], $0xffff;
	v10 =	vadd.f32 v10, v12;
	v22 =	vor.u32 v2, v22;
	v17 =	vshll.u32 v21, $0x5  }
0x23f: {  	v13 =	vld.idx.msk [tilespmem:v13+s1+$0x0], $0xffff;
	v21 =	vor.u32 v0, v17;
	v17 =	vor.u32 v2, v17;
	v11 =	vadd.f32 v11, v16  }
0x240: {  	v16 =	vld.idx.msk [tilespmem:v18+s1+$0x0], $0xffff;
	v12 =	vshll.u32 v20, $0x10;
	v18 =	vand.u32 $0xFFFF0000, v20;
	v20 =	vshll.u32 v15, $0x10  }
0x241: {  	v15 =	vand.u32 $0xFFFF0000, v15;
	v12 =	vadd.f32 v12, v23;
	v10 =	vadd.f32 v18, v10  }
0x242: {  	v23 =	vld.idx.msk [tilespmem:v24+s1+$0x0], $0xffff;
	v9 =	vadd.f32 v20, v9;
	v18 =	vshll.u32 v14, $0x10;
	v14 =	vand.u32 $0xFFFF0000, v14  }
0x243: {  	v20 =	vshll.u32 v19, $0x10;
	v11 =	vadd.f32 v15, v11;
	v12 =	vadd.f32 v18, v12  }
0x244: {  	v18 =	vld.idx.msk [tilespmem:v22+s1+$0x0], $0xffff;
	v10 =	vadd.f32 v14, v10;
	v14 =	vshll.u32 v13, $0x10;
	v13 =	vand.u32 $0xFFFF0000, v13  }
0x245: {  	v21 =	vld.idx.msk [tilespmem:v21+s1+$0x0], $0xffff;
	v9 =	vadd.f32 v14, v9;
	v14 =	vand.u32 $0xFFFF0000, v19;
	v11 =	vadd.f32 v13, v11  }
0x246: {  	v26 =	vor.u32 v1, v6;
	v12 =	vadd.f32 v20, v12;
	v10 =	vadd.f32 v14, v10  }
0x247: {  	v14 =	vld.idx.msk [tilespmem:v17+s1+$0x0], $0xffff;
	v17 =	vshll.u32 v16, $0x10;
	v16 =	vand.u32 $0xFFFF0000, v16;
	v15 =	vand.u32 $0xFFFF0000, v23  }
0x248: {  	v8 =	vld.idx.msk [tilespmem:v8+s1+$0x0], $0xffff;
	v19 =	vshll.u32 v23, $0x10;
	v9 =	vadd.f32 v17, v9;
	v11 =	vadd.f32 v16, v11  }
0x249: {  	v27 =	vor.u32 v3, v6;
	v12 =	vadd.f32 v19, v12;
	v10 =	vadd.f32 v15, v10  }
0x24a: {  	v7 =	vld.idx.msk [tilespmem:v7+s1+$0x0], $0xffff;
	v13 =	vshll.u32 v18, $0x10;
	v15 =	vand.u32 $0xFFFF0000, v18;
	v17 =	vshll.u32 v21, $0x10  }
0x24b: {  	v16 =	vand.u32 $0xFFFF0000, v21;
	v12 =	vadd.f32 v17, v12;
	v9 =	vadd.f32 v13, v9  }
0x24c: {  	v10 =	vadd.f32 v16, v10;
	v11 =	vadd.f32 v15, v11;
	v13 =	vshll.u32 v14, $0x10  }
0x24d: {  	v15 =	vshll.u32 v8, $0x10;
	v8 =	vand.u32 $0xFFFF0000, v8;
	v9 =	vadd.f32 v13, v9  }
0x24e: {  	v13 =	vand.u32 $0xFFFF0000, v14;
	v8 =	vadd.f32 v8, v10;
	v10 =	vadd.f32 v15, v12  }
0x24f: {  	v12 =	vand.u32 $0xFFFF0000, v7;
	v7 =	vshll.u32 v7, $0x10;
	v11 =	vadd.f32 v13, v11  }
0x250: {  	v6 =	vor.u32 v5, v6;
	v7 =	vadd.f32 v7, v9;
	v9 =	vmul.f32 $5.000000070e-02, v10  }
0x251: {  	v8 =	vmul.f32 $5.000000070e-02, v8;
	v10 =	vadd.f32 v12, v11  }
0x252: {  	v7 =	vmul.f32 $5.000000070e-02, v7;
	[tilespmem:v26+s18+$0x0] =	vst.idx.msk $0xffff, v9  }
0x253: {  	v9 =	vmul.f32 $5.000000070e-02, v10;
	[tilespmem:v27+s18+$0x0] =	vst.idx.msk $0xffff, v8  }
0x254: {  	[tilespmem:v25+s18+$0x0] =	vst.idx.msk $0xffff, v7  }
0x255: {  	s20 =	simm.s32 $0x0;
	[tilespmem:v6+s18+$0x0] =	vst.idx.msk $0xffff, v9  }
0x256: {  	[hbm4b:s10+s20] =	stream.linear.scatter [tilespmem:s18], [sflag:$0x2], $0x4000, $0x38;
	[tilespmem:$0xD100] =	vst v63  }
0x257: {  	_ =	swait.ge [sflag:s17], $0x4000  }
0x258: {  	v6 =	vmov s20;
	[sflag:s17] =	ssyncset.done $0x0  }
0x259: {  	v7 =	vand.u32 $0xFF, v6;
	[sflag:s17] =	ssyncadd.s32 $0xFFFFC000  }
0x25a: {  	v8 =	vor.u32 $0x100, v7;
	[tilespmem:s16], [sflag:$0x2] =	stream.strided.gather [hbm4b:s11+s14], $0x1400, s15, s14, $0x38;
	[tilespmem:$0xD100] =	vst v63  }
0x25b: {  	v9 =	vor.u32 $0x200, v7;
	_ =	swait.ge [sflag:s17], $0x1400  }
0x25c: {  	v10 =	vor.u32 $0x300, v7;
	[sflag:s17] =	ssyncset.done $0x0  }
0x25d: {  	v12 =	vor.u32 $0x1300, v7;
	[sflag:s17] =	ssyncadd.s32 $0xFFFFEC00  }
0x25e: {  	v13 =	vor.u32 $0x700, v7;
	v11 =	vld.idx.msk [tilespmem:v6+s16+$0x0], $0xffff  }
0x25f: {  	v14 =	vor.u32 $0x400, v7;
	v8 =	vld.idx.msk [tilespmem:v8+s16+$0x0], $0xffff  }
0x260: {  	v15 =	vor.u32 $0x600, v7;
	v9 =	vld.idx.msk [tilespmem:v9+s16+$0x0], $0xffff  }
0x261: {  	v16 =	vor.u32 $0x500, v7;
	v10 =	vld.idx.msk [tilespmem:v10+s16+$0x0], $0xffff  }
0x262: {  	v17 =	vor.u32 $0x800, v7;
	v21 =	vld.idx.msk [tilespmem:v12+s16+$0x0], $0xffff  }
0x263: {  	v19 =	vor.u32 $0x900, v7;
	v13 =	vld.idx.msk [tilespmem:v13+s16+$0x0], $0xffff  }
0x264: {  	v22 =	vor.u32 $0xA00, v7;
	v14 =	vld.idx.msk [tilespmem:v14+s16+$0x0], $0xffff;
	v18 =	vshll.u32 v11, $0x5  }
0x265: {  	v15 =	vld.idx.msk [tilespmem:v15+s16+$0x0], $0xffff;
	v8 =	vshll.u32 v8, $0x5;
	v20 =	vor.u32 v0, v18  }
0x266: {  	v23 =	vor.u32 $0xB00, v7;
	v25 =	vor.u32 $0xC00, v7;
	v16 =	vld.idx.msk [tilespmem:v16+s16+$0x0], $0xffff;
	v24 =	vor.u32 v2, v8  }
0x267: {  	v26 =	vor.u32 $0xD00, v7;
	v17 =	vld.idx.msk [tilespmem:v17+s16+$0x0], $0xffff;
	v9 =	vshll.u32 v9, $0x5;
	v8 =	vor.u32 v0, v8  }
0x268: {  	v27 =	vor.u32 $0xE00, v7;
	v6 =	vshll.u32 v6, $0x6;
	v19 =	vld.idx.msk [tilespmem:v19+s16+$0x0], $0xffff;
	v28 =	vor.u32 v2, v9  }
0x269: {  	v12 =	vor.u32 $0xF00, v7;
	v22 =	vld.idx.msk [tilespmem:v22+s16+$0x0], $0xffff;
	v30 =	vshll.u32 v10, $0x5;
	v29 =	vor.u32 v0, v9  }
0x26a: {  	v11 =	vor.u32 $0x1000, v7;
	v10 =	vor.u32 $0x1100, v7;
	v31 =	vor.u32 v0, v30;
	v20 =	vld.idx.msk [tilespmem:v20+s1+$0x0], $0xffff  }
0x26b: {  	v13 =	vshll.u32 v13, $0x5;
	v14 =	vshll.u32 v14, $0x5;
	v18 =	vor.u32 v2, v18;
	v24 =	vld.idx.msk [tilespmem:v24+s1+$0x0], $0xffff  }
0x26c: {  	v9 =	vor.u32 $0x1200, v7;
	v7 =	vshll.u32 v21, $0x5;
	v21 =	vor.u32 v2, v30;
	v61 =	vld.idx.msk [tilespmem:v8+s1+$0x0], $0xffff  }
0x26d: {  	v15 =	vshll.u32 v15, $0x5;
	v16 =	vshll.u32 v16, $0x5;
	v33 =	vor.u32 v0, v14;
	v28 =	vld.idx.msk [tilespmem:v28+s1+$0x0], $0xffff  }
0x26e: {  	v17 =	vshll.u32 v17, $0x5;
	v19 =	vshll.u32 v19, $0x5;
	v36 =	vor.u32 v0, v16;
	v29 =	vld.idx.msk [tilespmem:v29+s1+$0x0], $0xffff  }
0x26f: {  	v22 =	vshll.u32 v22, $0x5;
	v32 =	vor.u32 v0, v13;
	v14 =	vor.u32 v2, v14;
	v31 =	vld.idx.msk [tilespmem:v31+s1+$0x0], $0xffff  }
0x270: {  	v13 =	vor.u32 v2, v13;
	v34 =	vor.u32 v0, v15;
	v16 =	vor.u32 v2, v16;
	v18 =	vld.idx.msk [tilespmem:v18+s1+$0x0], $0xffff  }
0x271: {  	v15 =	vor.u32 v2, v15;
	v46 =	vor.u32 v2, v19;
	v19 =	vor.u32 v0, v19;
	v21 =	vld.idx.msk [tilespmem:v21+s1+$0x0], $0xffff  }
0x272: {  	v48 =	vor.u32 v2, v17;
	v17 =	vor.u32 v0, v17;
	v56 =	vor.u32 v2, v22;
	v33 =	vld.idx.msk [tilespmem:v33+s1+$0x0], $0xffff  }
0x273: {  	v36 =	vld.idx.msk [tilespmem:v36+s1+$0x0], $0xffff;
	v35 =	vand.u32 $0xFFFF0000, v20;
	v20 =	vshll.u32 v20, $0x10;
	v37 =	vand.u32 $0xFFFF0000, v61  }
0x274: {  	v14 =	vld.idx.msk [tilespmem:v14+s1+$0x0], $0xffff;
	v38 =	vshll.u32 v24, $0x10;
	v30 =	vshll.u32 v61, $0x10;
	v62 =	vshll.u32 v29, $0x10  }
0x275: {  	v16 =	vld.idx.msk [tilespmem:v16+s1+$0x0], $0xffff;
	v63 =	vshll.u32 v28, $0x10;
	v24 =	vand.u32 $0xFFFF0000, v24;
	v28 =	vand.u32 $0xFFFF0000, v28  }
0x276: {  	v34 =	vld.idx.msk [tilespmem:v34+s1+$0x0], $0xffff;
	v39 =	vshll.u32 v31, $0x10;
	v40 =	vshll.u32 v18, $0x10;
	v29 =	vand.u32 $0xFFFF0000, v29  }
0x277: {  	v15 =	vld.idx.msk [tilespmem:v15+s1+$0x0], $0xffff;
	v18 =	vand.u32 $0xFFFF0000, v18;
	v43 =	vshll.u32 v21, $0x10;
	v31 =	vand.u32 $0xFFFF0000, v31  }
0x278: {  	v32 =	vld.idx.msk [tilespmem:v32+s1+$0x0], $0xffff;
	v21 =	vand.u32 $0xFFFF0000, v21;
	v44 =	vshll.u32 v33, $0x10;
	v33 =	vand.u32 $0xFFFF0000, v33  }
0x279: {  	v45 =	vand.u32 $0xFFFF0000, v36;
	v47 =	vshll.u32 v14, $0x10;
	v36 =	vshll.u32 v36, $0x10  }
0x27a: {  	v14 =	vand.u32 $0xFFFF0000, v14;
	v49 =	vshll.u32 v16, $0x10;
	v42 =	vadd.f32 v38, v40  }
0x27b: {  	v13 =	vld.idx.msk [tilespmem:v13+s1+$0x0], $0xffff;
	v16 =	vand.u32 $0xFFFF0000, v16;
	v50 =	vshll.u32 v34, $0x10;
	v20 =	vadd.f32 v30, v20  }
0x27c: {  	v51 =	vshll.u32 v15, $0x10;
	v35 =	vadd.f32 v37, v35;
	v30 =	vadd.f32 v63, v42  }
0x27d: {  	v52 =	vshll.u32 v32, $0x10;
	v18 =	vadd.f32 v24, v18;
	v20 =	vadd.f32 v62, v20  }
0x27e: {  	v15 =	vand.u32 $0xFFFF0000, v15;
	v29 =	vadd.f32 v29, v35;
	v30 =	vadd.f32 v43, v30  }
0x27f: {  	v53 =	vld.idx.msk [tilespmem:v46+s1+$0x0], $0xffff;
	v54 =	vand.u32 $0xFFFF0000, v32;
	v18 =	vadd.f32 v28, v18;
	v20 =	vadd.f32 v39, v20  }
0x280: {  	v23 =	vld.idx.msk [tilespmem:v23+s16+$0x0], $0xffff;
	v55 =	vand.u32 $0xFFFF0000, v13;
	v29 =	vadd.f32 v31, v29;
	v30 =	vadd.f32 v47, v30  }
0x281: {  	v57 =	vand.u32 $0xFFFF0000, v34;
	v18 =	vadd.f32 v21, v18;
	v20 =	vadd.f32 v44, v20  }
0x282: {  	v19 =	vld.idx.msk [tilespmem:v19+s1+$0x0], $0xffff;
	v21 =	vor.u32 v0, v22;
	v29 =	vadd.f32 v33, v29;
	v24 =	vadd.f32 v49, v30  }
0x283: {  	v25 =	vld.idx.msk [tilespmem:v25+s16+$0x0], $0xffff;
	v13 =	vshll.u32 v13, $0x10;
	v14 =	vadd.f32 v14, v18;
	v20 =	vadd.f32 v36, v20  }
0x284: {  	v17 =	vld.idx.msk [tilespmem:v17+s1+$0x0], $0xffff;
	v59 =	vshll.u32 v53, $0x10;
	v29 =	vadd.f32 v45, v29;
	v24 =	vadd.f32 v51, v24  }
0x285: {  	v58 =	vld.idx.msk [tilespmem:v48+s1+$0x0], $0xffff;
	v22 =	vshll.u32 v23, $0x5;
	v14 =	vadd.f32 v16, v14;
	v20 =	vadd.f32 v50, v20  }
0x286: {  	v23 =	vadd.f32 v57, v29;
	v13 =	vadd.f32 v13, v24;
	v24 =	vor.u32 v2, v22  }
0x287: {  	v60 =	vshll.u32 v19, $0x10;
	v19 =	vand.u32 $0xFFFF0000, v19;
	v21 =	vld.idx.msk [tilespmem:v21+s1+$0x0], $0xffff;
	v14 =	vadd.f32 v15, v14  }
0x288: {  	v32 =	vld.idx.msk [tilespmem:v56+s1+$0x0], $0xffff;
	v18 =	vor.u32 v0, v22;
	v20 =	vadd.f32 v52, v20;
	v23 =	vadd.f32 v54, v23  }
0x289: {  	v22 =	vshll.u32 v25, $0x5;
	v25 =	vld.idx.msk [tilespmem:v26+s16+$0x0], $0xffff;
	v26 =	vshll.u32 v17, $0x10;
	v17 =	vand.u32 $0xFFFF0000, v17  }
0x28a: {  	v14 =	vadd.f32 v55, v14;
	v17 =	vadd.f32 v17, v23;
	v23 =	vshll.u32 v58, $0x10  }
0x28b: {  	v61 =	vor.u32 v2, v22;
	v22 =	vor.u32 v0, v22;
	v13 =	vadd.f32 v23, v13;
	v24 =	vld.idx.msk [tilespmem:v24+s1+$0x0], $0xffff  }
0x28c: {  	v27 =	vld.idx.msk [tilespmem:v27+s16+$0x0], $0xffff;
	v16 =	vand.u32 $0xFFFF0000, v58;
	v20 =	vadd.f32 v26, v20;
	v26 =	vshll.u32 v21, $0x10  }
0x28d: {  	v12 =	vld.idx.msk [tilespmem:v12+s16+$0x0], $0xffff;
	v21 =	vand.u32 $0xFFFF0000, v21;
	v14 =	vadd.f32 v16, v14;
	v13 =	vadd.f32 v59, v13  }
0x28e: {  	v18 =	vld.idx.msk [tilespmem:v18+s1+$0x0], $0xffff;
	v17 =	vadd.f32 v19, v17;
	v19 =	vshll.u32 v25, $0x5;
	v25 =	vshll.u32 v32, $0x10  }
0x28f: {  	v20 =	vadd.f32 v60, v20;
	v23 =	vor.u32 v0, v19;
	v13 =	vadd.f32 v25, v13  }
0x290: {  	v19 =	vor.u32 v2, v19;
	v22 =	vld.idx.msk [tilespmem:v22+s1+$0x0], $0xffff;
	v16 =	vadd.f32 v21, v17;
	v17 =	vshll.u32 v24, $0x10  }
0x291: {  	v27 =	vshll.u32 v27, $0x5;
	v8 =	vor.u32 v0, v7;
	v25 =	vadd.f32 v17, v13;
	v17 =	vld.idx.msk [tilespmem:v61+s1+$0x0], $0xffff  }
0x292: {  	v7 =	vor.u32 v2, v7;
	v62 =	vshll.u32 v12, $0x5;
	v21 =	vld.idx.msk [tilespmem:v11+s16+$0x0], $0xffff;
	v11 =	vadd.f32 v26, v20  }
0x293: {  	v15 =	vand.u32 $0xFFFF0000, v53;
	v12 =	vand.u32 $0xFFFF0000, v18;
	v20 =	vshll.u32 v18, $0x10  }
0x294: {  	v26 =	vand.u32 $0xFFFF0000, v32;
	v18 =	vadd.f32 v20, v11;
	v12 =	vadd.f32 v12, v16;
	v63 =	vld.idx.msk [tilespmem:v23+s1+$0x0], $0xffff  }
0x295: {  	v20 =	vor.u32 v0, v27;
	v16 =	vand.u32 $0xFFFF0000, v24;
	v23 =	vadd.f32 v15, v14;
	v11 =	vld.idx.msk [tilespmem:v19+s1+$0x0], $0xffff  }
0x296: {  	v19 =	vshll.u32 v22, $0x10;
	v14 =	vand.u32 $0xFFFF0000, v22;
	v22 =	vshll.u32 v17, $0x10  }
0x297: {  	v13 =	vor.u32 v2, v62;
	v24 =	vadd.f32 v26, v23;
	v26 =	vadd.f32 v22, v25;
	v22 =	vld.idx.msk [tilespmem:v10+s16+$0x0], $0xffff  }
0x298: {  	v15 =	vor.u32 v2, v27;
	v27 =	vshll.u32 v21, $0x5;
	v12 =	vadd.f32 v14, v12  }
0x299: {  	v14 =	vor.u32 v0, v62;
	v17 =	vand.u32 $0xFFFF0000, v17;
	v23 =	vshll.u32 v63, $0x10  }
0x29a: {  	v21 =	vld.idx.msk [tilespmem:v9+s16+$0x0], $0xffff;
	v25 =	vadd.f32 v19, v18;
	v18 =	vshll.u32 v11, $0x10;
	v19 =	vor.u32 v0, v27  }
0x29b: {  	s20 =	simm.s32 $0x1;
	v10 =	vand.u32 $0xFFFF0000, v63;
	v9 =	vadd.f32 v18, v26;
	v18 =	vor.u32 v2, v27  }
.LBB2_8:
0x29c: {  	p0 =	sne.s32 s20, $0xFF;
	v16 =	vadd.f32 v16, v24;
	v20 =	vld.idx.msk [tilespmem:v20+s1+$0x0], $0xffff;
	v22 =	vshll.u32 v22, $0x5;
	s21 =	smov.u32 s20;
	s20 =	sadd.s32 $0x1, s20  }
0x29d: {  	v23 =	vadd.f32 v23, v25;
	v15 =	vld.idx.msk [tilespmem:v15+s1+$0x0], $0xffff;
	v24 =	vor.u32 v0, v22;
	v22 =	vor.u32 v2, v22  }
0x29e: {  	v16 =	vadd.f32 v17, v16;
	v14 =	vld.idx.msk [tilespmem:v14+s1+$0x0], $0xffff  }
0x29f: {  	v17 =	vshll.u32 v21, $0x5;
	v13 =	vld.idx.msk [tilespmem:v13+s1+$0x0], $0xffff  }
0x2a0: {  	v25 =	vor.u32 v4, v6;
	v21 =	vor.u32 v0, v17;
	v17 =	vor.u32 v2, v17;
	v19 =	vld.idx.msk [tilespmem:v19+s1+$0x0], $0xffff  }
0x2a1: {  	v11 =	vand.u32 $0xFFFF0000, v11;
	v26 =	vor.u32 v1, v6;
	v27 =	vor.u32 v3, v6;
	v18 =	vld.idx.msk [tilespmem:v18+s1+$0x0], $0xffff  }
0x2a2: {  	v10 =	vadd.f32 v10, v12;
	v11 =	vadd.f32 v11, v16;
	v12 =	vshll.u32 v20, $0x10;
	v16 =	vld.idx.msk [tilespmem:v24+s1+$0x0], $0xffff  }
0x2a3: {  	v20 =	vand.u32 $0xFFFF0000, v20;
	v12 =	vadd.f32 v12, v23;
	v23 =	vshll.u32 v15, $0x10  }
0x2a4: {  	v10 =	vadd.f32 v20, v10;
	v9 =	vadd.f32 v23, v9;
	v20 =	vshll.u32 v14, $0x10;
	v22 =	vld.idx.msk [tilespmem:v22+s1+$0x0], $0xffff  }
0x2a5: {  	v15 =	vand.u32 $0xFFFF0000, v15;
	v14 =	vand.u32 $0xFFFF0000, v14;
	v12 =	vadd.f32 v20, v12;
	v20 =	vld.idx.msk [tilespmem:v21+s1+$0x0], $0xffff  }
0x2a6: {  	v10 =	vadd.f32 v14, v10;
	v14 =	vshll.u32 v13, $0x10;
	v21 =	vshll.u32 v19, $0x10  }
0x2a7: {  	v9 =	vadd.f32 v14, v9;
	v14 =	vand.u32 $0xFFFF0000, v19;
	v12 =	vadd.f32 v21, v12;
	v17 =	vld.idx.msk [tilespmem:v17+s1+$0x0], $0xffff  }
0x2a8: {  	v13 =	vand.u32 $0xFFFF0000, v13;
	v10 =	vadd.f32 v14, v10;
	v14 =	vand.u32 $0xFFFF0000, v16;
	v8 =	vld.idx.msk [tilespmem:v8+s1+$0x0], $0xffff  }
0x2a9: {  	v11 =	vadd.f32 v15, v11;
	v15 =	vshll.u32 v18, $0x10;
	v16 =	vshll.u32 v16, $0x10  }
0x2aa: {  	v18 =	vand.u32 $0xFFFF0000, v18;
	v12 =	vadd.f32 v16, v12;
	v10 =	vadd.f32 v14, v10;
	v7 =	vld.idx.msk [tilespmem:v7+s1+$0x0], $0xffff  }
0x2ab: {  	v11 =	vadd.f32 v13, v11;
	v9 =	vadd.f32 v15, v9;
	v13 =	vshll.u32 v22, $0x10  }
0x2ac: {  	v14 =	vand.u32 $0xFFFF0000, v22;
	v15 =	vshll.u32 v20, $0x10;
	v16 =	vand.u32 $0xFFFF0000, v20  }
0x2ad: {  	v11 =	vadd.f32 v18, v11;
	v12 =	vadd.f32 v15, v12;
	v15 =	vshll.u32 v17, $0x10  }
0x2ae: {  	v9 =	vadd.f32 v13, v9;
	v10 =	vadd.f32 v16, v10;
	v13 =	vand.u32 $0xFFFF0000, v17  }
0x2af: {  	v11 =	vadd.f32 v14, v11;
	v14 =	vshll.u32 v8, $0x10;
	v8 =	vand.u32 $0xFFFF0000, v8  }
0x2b0: {  	v9 =	vadd.f32 v15, v9;
	v8 =	vadd.f32 v8, v10;
	v10 =	vand.u32 $0xFFFF0000, v7  }
0x2b1: {  	v11 =	vadd.f32 v13, v11;
	v12 =	vadd.f32 v14, v12;
	v7 =	vshll.u32 v7, $0x10  }
0x2b2: {  	v7 =	vadd.f32 v7, v9;
	v8 =	vmul.f32 $5.000000070e-02, v8;
	v9 =	vor.u32 v5, v6  }
0x2b3: {  	v6 =	vadd.f32 v10, v11;
	v10 =	vmul.f32 $5.000000070e-02, v12  }
0x2b4: {  	v7 =	vmul.f32 $5.000000070e-02, v7  }
0x2b5: {  	[tilespmem:v26+s18+$0x0] =	vst.idx.msk $0xffff, v10;
	v10 =	vmul.f32 $5.000000070e-02, v6  }
0x2b6: {  	v11 =	vmov s21;
	[tilespmem:v27+s18+$0x0] =	vst.idx.msk $0xffff, v8  }
0x2b7: {  	v6 =	vshll.u32 v11, $0x6;
	v8 =	vand.u32 $0xFF, v11;
	[tilespmem:v25+s18+$0x0] =	vst.idx.msk $0xffff, v7  }
0x2b8: {  	v7 =	vor.u32 $0x100, v8;
	v18 =	vor.u32 $0x200, v8;
	v19 =	vor.u32 $0x300, v8;
	[tilespmem:v9+s18+$0x0] =	vst.idx.msk $0xffff, v10  }
0x2b9: {  	v20 =	vor.u32 $0x400, v8;
	v21 =	vor.u32 $0x500, v8;
	v22 =	vor.u32 $0x600, v8  }
0x2ba: {  	v23 =	vor.u32 $0x700, v8;
	v24 =	vor.u32 $0x800, v8;
	v25 =	vor.u32 $0x900, v8  }
0x2bb: {  	v17 =	vor.u32 $0xA00, v8;
	v16 =	vor.u32 $0xB00, v8;
	v15 =	vor.u32 $0xC00, v8  }
0x2bc: {  	v14 =	vor.u32 $0xD00, v8;
	v13 =	vor.u32 $0xE00, v8;
	v12 =	vor.u32 $0xF00, v8;
	v26 =	vld.idx.msk [tilespmem:v11+s16+$0x0], $0xffff  }
0x2bd: {  	v10 =	vor.u32 $0x1100, v8;
	v9 =	vor.u32 $0x1200, v8;
	v11 =	vor.u32 $0x1000, v8;
	v7 =	vld.idx.msk [tilespmem:v7+s16+$0x0], $0xffff  }
0x2be: {  	v8 =	vor.u32 $0x1300, v8  }
0x2bf: {  	v18 =	vld.idx.msk [tilespmem:v18+s16+$0x0], $0xffff;
	_ =	sdelay $0x1  }
0x2c0: {  	v19 =	vld.idx.msk [tilespmem:v19+s16+$0x0], $0xffff  }
0x2c1: {  	v26 =	vshll.u32 v26, $0x5  }
0x2c2: {  	v27 =	vor.u32 v0, v26;
	v26 =	vor.u32 v2, v26;
	v7 =	vshll.u32 v7, $0x5;
	v8 =	vld.idx.msk [tilespmem:v8+s16+$0x0], $0xffff  }
0x2c3: {  	v28 =	vor.u32 v0, v7;
	v7 =	vor.u32 v2, v7;
	v23 =	vld.idx.msk [tilespmem:v23+s16+$0x0], $0xffff  }
0x2c4: {  	v18 =	vshll.u32 v18, $0x5;
	v20 =	vld.idx.msk [tilespmem:v20+s16+$0x0], $0xffff  }
0x2c5: {  	v29 =	vor.u32 v0, v18;
	v18 =	vor.u32 v2, v18;
	v22 =	vld.idx.msk [tilespmem:v22+s16+$0x0], $0xffff  }
0x2c6: {  	v19 =	vshll.u32 v19, $0x5;
	v21 =	vld.idx.msk [tilespmem:v21+s16+$0x0], $0xffff  }
0x2c7: {  	v30 =	vor.u32 v0, v19;
	v19 =	vor.u32 v2, v19;
	v27 =	vld.idx.msk [tilespmem:v27+s1+$0x0], $0xffff  }
0x2c8: {  	v31 =	vld.idx.msk [tilespmem:v7+s1+$0x0], $0xffff;
	v7 =	vshll.u32 v8, $0x5  }
0x2c9: {  	v23 =	vshll.u32 v23, $0x5;
	v28 =	vld.idx.msk [tilespmem:v28+s1+$0x0], $0xffff;
	v8 =	vor.u32 v0, v7;
	v7 =	vor.u32 v2, v7  }
0x2ca: {  	v20 =	vshll.u32 v20, $0x5;
	v32 =	vor.u32 v0, v23;
	v23 =	vor.u32 v2, v23;
	v18 =	vld.idx.msk [tilespmem:v18+s1+$0x0], $0xffff  }
0x2cb: {  	v33 =	vor.u32 v0, v20;
	v20 =	vor.u32 v2, v20;
	v22 =	vshll.u32 v22, $0x5;
	v29 =	vld.idx.msk [tilespmem:v29+s1+$0x0], $0xffff  }
0x2cc: {  	v21 =	vshll.u32 v21, $0x5;
	v34 =	vor.u32 v0, v22;
	v22 =	vor.u32 v2, v22;
	v30 =	vld.idx.msk [tilespmem:v30+s1+$0x0], $0xffff  }
0x2cd: {  	v35 =	vand.u32 $0xFFFF0000, v27;
	v36 =	vor.u32 v0, v21;
	v21 =	vor.u32 v2, v21;
	v26 =	vld.idx.msk [tilespmem:v26+s1+$0x0], $0xffff  }
0x2ce: {  	v27 =	vshll.u32 v27, $0x10;
	v37 =	vshll.u32 v31, $0x10;
	v24 =	vld.idx.msk [tilespmem:v24+s16+$0x0], $0xffff  }
0x2cf: {  	v38 =	vshll.u32 v28, $0x10;
	v28 =	vand.u32 $0xFFFF0000, v28;
	v19 =	vld.idx.msk [tilespmem:v19+s1+$0x0], $0xffff  }
0x2d0: {  	v28 =	vadd.f32 v28, v35;
	v33 =	vld.idx.msk [tilespmem:v33+s1+$0x0], $0xffff  }
0x2d1: {  	v27 =	vadd.f32 v38, v27;
	v38 =	vshll.u32 v18, $0x10;
	v35 =	vshll.u32 v29, $0x10;
	v25 =	vld.idx.msk [tilespmem:v25+s16+$0x0], $0xffff  }
0x2d2: {  	v31 =	vand.u32 $0xFFFF0000, v31;
	v18 =	vand.u32 $0xFFFF0000, v18;
	v39 =	vshll.u32 v30, $0x10;
	v36 =	vld.idx.msk [tilespmem:v36+s1+$0x0], $0xffff  }
0x2d3: {  	v29 =	vand.u32 $0xFFFF0000, v29;
	v27 =	vadd.f32 v35, v27;
	v40 =	vshll.u32 v26, $0x10;
	v20 =	vld.idx.msk [tilespmem:v20+s1+$0x0], $0xffff  }
0x2d4: {  	v28 =	vadd.f32 v29, v28;
	v26 =	vand.u32 $0xFFFF0000, v26;
	v35 =	vadd.f32 v37, v40  }
0x2d5: {  	v27 =	vadd.f32 v39, v27;
	v24 =	vshll.u32 v24, $0x5;
	v29 =	vshll.u32 v19, $0x10;
	v21 =	vld.idx.msk [tilespmem:v21+s1+$0x0], $0xffff  }
0x2d6: {  	v30 =	vand.u32 $0xFFFF0000, v30;
	v19 =	vand.u32 $0xFFFF0000, v19;
	v35 =	vadd.f32 v38, v35;
	v34 =	vld.idx.msk [tilespmem:v34+s1+$0x0], $0xffff  }
0x2d7: {  	v37 =	vshll.u32 v33, $0x10;
	v33 =	vand.u32 $0xFFFF0000, v33;
	v25 =	vshll.u32 v25, $0x5;
	v22 =	vld.idx.msk [tilespmem:v22+s1+$0x0], $0xffff  }
0x2d8: {  	v29 =	vadd.f32 v29, v35;
	v35 =	vand.u32 $0xFFFF0000, v36;
	v38 =	vor.u32 v2, v25;
	v32 =	vld.idx.msk [tilespmem:v32+s1+$0x0], $0xffff  }
0x2d9: {  	v36 =	vshll.u32 v36, $0x10;
	v25 =	vor.u32 v0, v25;
	v39 =	vshll.u32 v20, $0x10  }
0x2da: {  	v20 =	vand.u32 $0xFFFF0000, v20;
	v29 =	vadd.f32 v39, v29;
	v39 =	vor.u32 v2, v24;
	v17 =	vld.idx.msk [tilespmem:v17+s16+$0x0], $0xffff  }
0x2db: {  	v27 =	vadd.f32 v37, v27;
	v24 =	vor.u32 v0, v24;
	v37 =	vshll.u32 v21, $0x10;
	v23 =	vld.idx.msk [tilespmem:v23+s1+$0x0], $0xffff  }
0x2dc: {  	v26 =	vadd.f32 v31, v26;
	v21 =	vand.u32 $0xFFFF0000, v21;
	v29 =	vadd.f32 v37, v29  }
0x2dd: {  	v28 =	vadd.f32 v30, v28;
	v27 =	vadd.f32 v36, v27;
	v30 =	vshll.u32 v34, $0x10;
	v16 =	vld.idx.msk [tilespmem:v16+s16+$0x0], $0xffff  }
0x2de: {  	v18 =	vadd.f32 v18, v26;
	v26 =	vshll.u32 v22, $0x10;
	v31 =	vshll.u32 v32, $0x10;
	v15 =	vld.idx.msk [tilespmem:v15+s16+$0x0], $0xffff  }
0x2df: {  	v28 =	vadd.f32 v33, v28;
	v27 =	vadd.f32 v30, v27;
	v22 =	vand.u32 $0xFFFF0000, v22;
	v30 =	vld.idx.msk [tilespmem:v38+s1+$0x0], $0xffff  }
0x2e0: {  	v26 =	vadd.f32 v26, v29;
	v29 =	vand.u32 $0xFFFF0000, v32;
	v17 =	vshll.u32 v17, $0x5;
	v24 =	vld.idx.msk [tilespmem:v24+s1+$0x0], $0xffff  }
0x2e1: {  	v27 =	vadd.f32 v31, v27;
	v31 =	vand.u32 $0xFFFF0000, v23;
	v32 =	vor.u32 v2, v17;
	v25 =	vld.idx.msk [tilespmem:v25+s1+$0x0], $0xffff  }
0x2e2: {  	v28 =	vadd.f32 v35, v28;
	v33 =	vand.u32 $0xFFFF0000, v34;
	v23 =	vshll.u32 v23, $0x10;
	v34 =	vld.idx.msk [tilespmem:v39+s1+$0x0], $0xffff  }
0x2e3: {  	v18 =	vadd.f32 v19, v18;
	v17 =	vor.u32 v0, v17;
	v16 =	vshll.u32 v16, $0x5  }
0x2e4: {  	v19 =	vadd.f32 v33, v28;
	v23 =	vadd.f32 v23, v26;
	v26 =	vor.u32 v2, v16;
	v14 =	vld.idx.msk [tilespmem:v14+s16+$0x0], $0xffff  }
0x2e5: {  	v18 =	vadd.f32 v20, v18;
	v16 =	vor.u32 v0, v16;
	v15 =	vshll.u32 v15, $0x5  }
0x2e6: {  	v28 =	vshll.u32 v30, $0x10;
	v20 =	vshll.u32 v24, $0x10;
	v24 =	vand.u32 $0xFFFF0000, v24;
	v13 =	vld.idx.msk [tilespmem:v13+s16+$0x0], $0xffff  }
0x2e7: {  	v19 =	vadd.f32 v29, v19;
	v33 =	vor.u32 v2, v15;
	v29 =	vshll.u32 v25, $0x10;
	v32 =	vld.idx.msk [tilespmem:v32+s1+$0x0], $0xffff  }
0x2e8: {  	v18 =	vadd.f32 v21, v18;
	v25 =	vand.u32 $0xFFFF0000, v25;
	v21 =	vand.u32 $0xFFFF0000, v34;
	v17 =	vld.idx.msk [tilespmem:v17+s1+$0x0], $0xffff  }
0x2e9: {  	v15 =	vor.u32 v0, v15;
	v19 =	vadd.f32 v24, v19;
	v24 =	vshll.u32 v34, $0x10;
	v26 =	vld.idx.msk [tilespmem:v26+s1+$0x0], $0xffff  }
0x2ea: {  	v18 =	vadd.f32 v22, v18;
	v22 =	vadd.f32 v24, v23;
	v23 =	vand.u32 $0xFFFF0000, v30;
	v16 =	vld.idx.msk [tilespmem:v16+s1+$0x0], $0xffff  }
0x2eb: {  	v20 =	vadd.f32 v20, v27;
	v19 =	vadd.f32 v25, v19;
	v14 =	vshll.u32 v14, $0x5;
	v12 =	vld.idx.msk [tilespmem:v12+s16+$0x0], $0xffff  }
0x2ec: {  	v22 =	vadd.f32 v28, v22;
	v24 =	vor.u32 v0, v14;
	v14 =	vor.u32 v2, v14  }
0x2ed: {  	v18 =	vadd.f32 v31, v18;
	v20 =	vadd.f32 v29, v20;
	v25 =	vshll.u32 v32, $0x10  }
0x2ee: {  	v27 =	vshll.u32 v17, $0x10;
	v17 =	vand.u32 $0xFFFF0000, v17;
	v22 =	vadd.f32 v25, v22;
	v15 =	vld.idx.msk [tilespmem:v15+s1+$0x0], $0xffff  }
0x2ef: {  	v18 =	vadd.f32 v21, v18;
	v17 =	vadd.f32 v17, v19;
	v19 =	vshll.u32 v26, $0x10;
	v21 =	vld.idx.msk [tilespmem:v11+s16+$0x0], $0xffff  }
0x2f0: {  	v11 =	vadd.f32 v27, v20;
	v20 =	vshll.u32 v16, $0x10;
	v19 =	vadd.f32 v19, v22;
	v25 =	vld.idx.msk [tilespmem:v33+s1+$0x0], $0xffff  }
0x2f1: {  	v27 =	vand.u32 $0xFFFF0000, v32;
	v29 =	vshll.u32 v12, $0x5;
	v28 =	vld.idx.msk [tilespmem:v24+s1+$0x0], $0xffff;
	v24 =	vshll.u32 v13, $0x5  }
0x2f2: {  	v18 =	vadd.f32 v23, v18;
	v12 =	vand.u32 $0xFFFF0000, v16;
	v30 =	vadd.f32 v20, v11;
	v11 =	vld.idx.msk [tilespmem:v14+s1+$0x0], $0xffff  }
0x2f3: {  	v16 =	vand.u32 $0xFFFF0000, v26;
	v12 =	vadd.f32 v12, v17;
	v13 =	vor.u32 v2, v29  }
0x2f4: {  	v26 =	vshll.u32 v15, $0x10;
	v14 =	vand.u32 $0xFFFF0000, v15;
	v15 =	vor.u32 v2, v24;
	v22 =	vld.idx.msk [tilespmem:v10+s16+$0x0], $0xffff  }
.Ltmp3:
0x2f5: {  	v20 =	vor.u32 v0, v24;
	v12 =	vadd.f32 v14, v12;
	v14 =	vor.u32 v0, v29;
	(pc) =	sbr.rel @p0 .LBB2_8-.Ltmp3, $4  }
0x2f6: {  	v29 =	vshll.u32 v21, $0x5;
	v10 =	vshll.u32 v25, $0x10;
	v17 =	vand.u32 $0xFFFF0000, v25  }
0x2f7: {  	v24 =	vadd.f32 v27, v18;
	v18 =	vadd.f32 v10, v19;
	v23 =	vshll.u32 v28, $0x10;
	v21 =	vld.idx.msk [tilespmem:v9+s16+$0x0], $0xffff  }
0x2f8: {  	v25 =	vadd.f32 v26, v30;
	v19 =	vor.u32 v0, v29;
	v9 =	vshll.u32 v11, $0x10  }
0x2f9: {  	v10 =	vand.u32 $0xFFFF0000, v28;
	v9 =	vadd.f32 v9, v18;
	v18 =	vor.u32 v2, v29  }
0x2fa: {  	_ =	sdelay $0x3  }
0x2fb: {  	v20 =	vld.idx.msk [tilespmem:v20+s1+$0x0], $0xffff  }
0x2fc: {  	v16 =	vadd.f32 v16, v24;
	v15 =	vld.idx.msk [tilespmem:v15+s1+$0x0], $0xffff  }
0x2fd: {  	v22 =	vshll.u32 v22, $0x5;
	v23 =	vadd.f32 v23, v25;
	v14 =	vld.idx.msk [tilespmem:v14+s1+$0x0], $0xffff;
	v37 =	vor.u32 v4, v6  }
0x2fe: {  	v13 =	vld.idx.msk [tilespmem:v13+s1+$0x0], $0xffff;
	v11 =	vand.u32 $0xFFFF0000, v11;
	v26 =	vor.u32 v1, v6;
	v27 =	vor.u32 v3, v6  }
0x2ff: {  	v19 =	vld.idx.msk [tilespmem:v19+s1+$0x0], $0xffff;
	v10 =	vadd.f32 v10, v12;
	v16 =	vadd.f32 v17, v16;
	v36 =	vshll.u32 v21, $0x5  }
0x300: {  	v39 =	vld.idx.msk [tilespmem:v18+s1+$0x0], $0xffff;
	v35 =	vor.u32 v0, v22;
	v22 =	vor.u32 v2, v22;
	v21 =	vor.u32 v0, v36  }
0x301: {  	v17 =	vor.u32 v2, v36;
	v11 =	vadd.f32 v11, v16;
	v38 =	vshll.u32 v20, $0x10  }
0x302: {  	v8 =	vld.idx.msk [tilespmem:v8+s1+$0x0], $0xffff;
	v40 =	vand.u32 $0xFFFF0000, v20;
	v41 =	vshll.u32 v15, $0x10;
	v43 =	vshll.u32 v14, $0x10  }
0x303: {  	v15 =	vand.u32 $0xFFFF0000, v15;
	v14 =	vand.u32 $0xFFFF0000, v14;
	v45 =	vshll.u32 v13, $0x10  }
0x304: {  	v7 =	vld.idx.msk [tilespmem:v7+s1+$0x0], $0xffff;
	v46 =	vshll.u32 v19, $0x10;
	v47 =	vand.u32 $0xFFFF0000, v19;
	v13 =	vand.u32 $0xFFFF0000, v13  }
0x305: {  	v50 =	vshll.u32 v39, $0x10;
	v12 =	vadd.f32 v38, v23;
	v42 =	vld.idx.msk [tilespmem:v35+s1+$0x0], $0xffff;
	v10 =	vadd.f32 v40, v10  }
0x306: {  	v16 =	vand.u32 $0xFFFF0000, v39;
	v9 =	vadd.f32 v41, v9;
	v44 =	vld.idx.msk [tilespmem:v22+s1+$0x0], $0xffff;
	v11 =	vadd.f32 v15, v11  }
0x307: {  	v57 =	vshll.u32 v8, $0x10;
	v12 =	vadd.f32 v43, v12;
	v10 =	vadd.f32 v14, v10;
	v21 =	vld.idx.msk [tilespmem:v21+s1+$0x0], $0xffff  }
0x308: {  	v8 =	vand.u32 $0xFFFF0000, v8;
	v9 =	vadd.f32 v45, v9;
	v11 =	vadd.f32 v13, v11  }
0x309: {  	v60 =	vand.u32 $0xFFFF0000, v7;
	v48 =	vld.idx.msk [tilespmem:v17+s1+$0x0], $0xffff;
	v12 =	vadd.f32 v46, v12;
	v10 =	vadd.f32 v47, v10  }
0x30a: {  	v9 =	vadd.f32 v50, v9;
	v11 =	vadd.f32 v16, v11;
	v51 =	vshll.u32 v42, $0x10  }
0x30b: {  	v49 =	vand.u32 $0xFFFF0000, v42;
	v52 =	vshll.u32 v44, $0x10;
	v12 =	vadd.f32 v51, v12  }
0x30c: {  	v53 =	vand.u32 $0xFFFF0000, v44;
	v10 =	vadd.f32 v49, v10;
	v54 =	vshll.u32 v21, $0x10  }
0x30d: {  	v9 =	vadd.f32 v52, v9;
	v55 =	vand.u32 $0xFFFF0000, v21;
	v12 =	vadd.f32 v54, v12  }
0x30e: {  	v11 =	vadd.f32 v53, v11;
	v56 =	vshll.u32 v48, $0x10;
	v10 =	vadd.f32 v55, v10  }
0x30f: {  	v58 =	vand.u32 $0xFFFF0000, v48;
	v9 =	vadd.f32 v56, v9;
	v59 =	vadd.f32 v57, v12  }
0x310: {  	v7 =	vshll.u32 v7, $0x10;
	v11 =	vadd.f32 v58, v11;
	v8 =	vadd.f32 v8, v10  }
0x311: {  	v6 =	vor.u32 v5, v6;
	v7 =	vadd.f32 v7, v9;
	v61 =	vmul.f32 $5.000000070e-02, v59  }
0x312: {  	v62 =	vadd.f32 v60, v11;
	v8 =	vmul.f32 $5.000000070e-02, v8  }
0x313: {  	v7 =	vmul.f32 $5.000000070e-02, v7;
	[tilespmem:v26+s18+$0x0] =	vst.idx.msk $0xffff, v61  }
0x314: {  	s19 =	sadd.s32 $0x1, s19;
	v63 =	vmul.f32 $5.000000070e-02, v62;
	[tilespmem:v27+s18+$0x0] =	vst.idx.msk $0xffff, v8  }
0x315: {  	p0 =	sne.s32 s19, s4;
	[tilespmem:v37+s18+$0x0] =	vst.idx.msk $0xffff, v7  }
.Ltmp4:
0x316: {  	[tilespmem:v6+s18+$0x0] =	vst.idx.msk $0xffff, v63;
	(pc) =	sbr.rel @p0 .LBB2_1-.Ltmp4, $4  }
0x317: {  	[hbm4b:s12+s1] =	stream.linear.scatter [tilespmem:s18], [sflag:$0x2], $0x4000, $0x38;
	[tilespmem:$0xD100] =	vst v63  }
0x318: {  	_ =	swait.ge [sflag:s17], $0x4000  }
0x319: {  	[sflag:s17] =	ssyncset.done $0x0  }
0x31a: {  	[sflag:s17] =	ssyncadd.s32 $0xFFFFC000  }
0x31b: {  	_ =	sfence.sel $0x180000  }
0x31c: {  	[bflag:$0x0] =	sbarrier.arrive $0xFFFF  }
0x31d: {  	p0 =	sne.s32 s3, $0x0;
	_ =	strace $0x9000004A  }
0x31e: {  	s0 =	sadd.s32 @!p0 $0x100000, s0;
	[bflag:$0x2] =	sbarrier.arrive $0xFFFF  }
0x31f: {  	[sflag:s0] =	ssyncadd.tile.s32 @!p0 $0x1;
	_ =	shalt  }
.Lfunc_end2:
_tile_overlayer_lowered:
.L_overlay_start_2:
0x320: {  	(tag) =	ssettag $0x2  }
0x321: {  	s0 =	rddreg [dreg:$0x0];
	s2 =	stileid.u32  }
0x322: {  	s1 =	rddreg [dreg:$0x1];
	p0 =	sne.s32 s2, $0x0  }
0x323: {  	s3 =	rddreg [dreg:$0x2];
	[bflag:$0x3] =	sbarrier.arrive $0xFFFF;
	s2 =	simm.s32 @!p0 $0x1C02  }
0x324: {  	[timem:s3], [sflag:s2] =	dma.local @!p0 [hbm:s0], s1  }
0x325: {  	s0 =	simm.s32 @!p0 $0x2  }
0x326: {  	_ =	swait.ge @!p0 [sflag:s0], s1  }
0x327: {  	s1 =	ssub.s32 @!p0 $0x0, s1;
	[sflag:s0] =	ssyncset.done @!p0 $0x0  }
0x328: {  	[sflag:s0] =	ssyncadd.s32 @!p0 s1  }
0x329: {  	[bflag:$0x3] =	sbarrier.arrive $0xFFFF  }
0x32a: {  	_ =	shalt  }

// kernel: kernel.8.cloned.1.call-start
scs
__scs_entry_jumppad:
0x0: {  	(pc) =	sbr.rel $0x88, $3  }
0x1: {  	(tag) =	ssettag $0x0;
	lr =	simm.s32 $0x1  }
0x2: {  	[smem:$0x3F84] =	sst lr;
	_ =	strace $0xD0000000  }
0x3: {  	_ = 	snop  }
0x4: {  	_ = 	snop  }
0x5: {  	_ = 	snop  }
0x6: {  	_ = 	snop  }
0x7: {  	_ = 	snop  }
__scs_overlays_trampoline_lowered:
0x8: {  	[smem:$0x3F93] =	sst s0  }
0x9: {  	[smem:$0x3F94] =	sst s1  }
0xa: {  	[smem:$0x3F95] =	sst s2  }
0xb: {  	[smem:$0x3F96] =	sst s3  }
0xc: {  	[smem:$0x3F97] =	sst s4  }
0xd: {  	[smem:$0x3F98] =	sst s5  }
0xe: {  	[smem:$0x3F99] =	sst s6  }
0xf: {  	[smem:$0x3F9A] =	sst s7  }
0x10: {  	[smem:$0x3F9B] =	sst s8  }
0x11: {  	[smem:$0x3F9C] =	sst s9;
	s0 =	simm.s32 @!p0 $0x0  }
0x12: {  	s1 =	sld [smem:$0x3F82];
	s0 =	simm.s32 @p0 $0x1  }
0x13: {  	[smem:$0x3F9D] =	sst s0;
	s0 =	simm.s32 @!p1 $0x0  }
0x14: {  	s2 =	sld [smem:$0x3F81];
	s0 =	simm.s32 @p1 $0x1  }
0x15: {  	[smem:$0x3F9E] =	sst s0;
	s0 =	simm.s32 @!p2 $0x0  }
0x16: {  	s3 =	sld [smem:$0x3FDB];
	s0 =	simm.s32 @p2 $0x1  }
0x17: {  	s4 =	simm.s32 $0x1BF5;
	[smem:$0x3FA0] =	sst s0  }
0x18: {  	s0 =	sld [smem:$0x3F83];
	_ =	swait.ge [sflag:s4], $0x0  }
0x19: {  	s7 =	sld [smem:$0x3F84]  }
0x1a: {  	s8 =	sadd.s32 $0xFFFFE003, lr  }
0x1b: {  	s9 =	sadd.s32 $0xFFFFFEF7, lr;
	s5 =	simm.s32 $0xFFFFFFFF;
	p2 =	slt.u32 s8, $0xFFFFF086  }
0x1c: {  	p1 =	slt.u32 s9, $0xF7A;
	s5 =	simm.s32 @!p2 $0x0  }
0x1d: {  	s5 =	simm.s32 @p1 $0x1;
	p0 =	seq.s32 s7, s2  }
0x1e: {  	s7 =	smul.u32 @!p0 $0xF7A, s2;
	p2 =	seq.s32 @!p0 s5, $0x0  }
0x1f: {  	s9 =	smul.u32 $0xF7A, s1;
	s8 =	simm.s32 @!p0 $0x1BF5;
	p2 =	por !p2, p0  }
0x20: {  	[sflag:s8] =	ssyncset.s32 @!p0 $0xFFFFF086;
	s6 =	sadd.s32 @!p0 s3, s7;
	s7 =	simm.s32 @!p0 $0x108  }
0x21: {  	s3 =	sadd.s32 s3, s9;
	s6 =	sadd.s32 @!p0 $0x88, s6;
	s7 =	simm.s32 @p2 $0x1082  }
0x22: {  	[simem:s7], [sflag:s8] =	dma.local @!p0 [hbm:s6], $0xF7A  }
0x23: {  	s9 =	sor.u32 $0xD0000000, s2;
	s6 =	simm.s32 $0x108;
	_ =	swait.ge @!p0 [sflag:s8], $0x0  }
0x24: {  	s3 =	sadd.s32 $0x88, s3;
	s6 =	simm.s32 @!p1 $0x1082;
	[sflag:s4] =	ssyncset.s32 $0xFFFFF086  }
0x25: {  	[simem:s6], [sflag:s4] =	dma.local [hbm:s3], $0xF7A  }
0x26: {  	[smem:$0x3F84] =	sst s1;
	(tag) =	ssettag s2;
	_ =	strace s9  }
0x27: {  	s1 =	sld [smem:$0x3F94]  }
0x28: {  	s2 =	sld [smem:$0x3F95]  }
0x29: {  	s4 =	sld [smem:$0x3F97]  }
0x2a: {  	p0 =	seq.s32 s5, $0x0;
	s5 =	sld [smem:$0x3F98]  }
0x2b: {  	s6 =	sld [smem:$0x3F99]  }
0x2c: {  	s7 =	sld [smem:$0x3F9A]  }
0x2d: {  	s3 =	simm.s32 $0x108;
	s8 =	sld [smem:$0x3F9B]  }
0x2e: {  	s3 =	simm.s32 @!p0 $0x1082;
	s9 =	sld [smem:$0x3F9C]  }
0x2f: {  	lr =	sadd.s32 s0, s3;
	s0 =	sld [smem:$0x3F93]  }
0x30: {  	s3 =	sld [smem:$0x3F96]  }
0x31: {  	[smem:$0x3F9F] =	sst s10  }
0x32: {  	s10 =	sld [smem:$0x3F9D];
	_ =	sdelay $0x3  }
0x33: {  	p0 =	seq.s32 s10, $0x1;
	s10 =	sld [smem:$0x3F9F];
	_ =	sdelay $0x3  }
0x34: {  	[smem:$0x3F9F] =	sst s10  }
0x35: {  	s10 =	sld [smem:$0x3F9E];
	_ =	sdelay $0x3  }
0x36: {  	p1 =	seq.s32 s10, $0x1;
	s10 =	sld [smem:$0x3F9F];
	_ =	sdelay $0x3  }
0x37: {  	[smem:$0x3F9F] =	sst s10  }
0x38: {  	s10 =	sld [smem:$0x3FA0]  }
0x39: {  	_ = 	snop;
	(pc) =	sbr.ind lr, $3  }
0x3a: {  	_ = 	snop  }
0x3b: {  	_ = 	snop  }
0x3c: {  	p2 =	seq.s32 s10, $0x1;
	s10 =	sld [smem:$0x3F9F]  }
0x3d: {  	_ =	shalt  }
0x3e: {  	_ =	shalt  }
0x3f: {  	_ =	shalt  }
0x40: {  	_ =	shalt  }
0x41: {  	_ =	shalt  }
0x42: {  	_ =	shalt  }
0x43: {  	_ =	shalt  }
0x44: {  	_ =	shalt  }
0x45: {  	_ =	shalt  }
0x46: {  	_ =	shalt  }
0x47: {  	_ =	shalt  }
0x48: {  	_ =	shalt  }
0x49: {  	_ =	shalt  }
0x4a: {  	_ =	shalt  }
0x4b: {  	_ =	shalt  }
0x4c: {  	_ =	shalt  }
0x4d: {  	_ =	shalt  }
0x4e: {  	_ =	shalt  }
0x4f: {  	_ =	shalt  }
0x50: {  	_ =	shalt  }
0x51: {  	_ =	shalt  }
0x52: {  	_ =	shalt  }
0x53: {  	_ =	shalt  }
0x54: {  	_ =	shalt  }
0x55: {  	_ =	shalt  }
0x56: {  	_ =	shalt  }
0x57: {  	_ =	shalt  }
0x58: {  	_ =	shalt  }
0x59: {  	_ =	shalt  }
0x5a: {  	_ =	shalt  }
0x5b: {  	_ =	shalt  }
0x5c: {  	_ =	shalt  }
0x5d: {  	_ =	shalt  }
0x5e: {  	_ =	shalt  }
0x5f: {  	_ =	shalt  }
0x60: {  	_ =	shalt  }
0x61: {  	_ =	shalt  }
0x62: {  	_ =	shalt  }
0x63: {  	_ =	shalt  }
0x64: {  	_ =	shalt  }
0x65: {  	_ =	shalt  }
0x66: {  	_ =	shalt  }
0x67: {  	_ =	shalt  }
0x68: {  	_ =	shalt  }
0x69: {  	_ =	shalt  }
0x6a: {  	_ =	shalt  }
0x6b: {  	_ =	shalt  }
0x6c: {  	_ =	shalt  }
0x6d: {  	_ =	shalt  }
0x6e: {  	_ =	shalt  }
0x6f: {  	_ =	shalt  }
0x70: {  	_ =	shalt  }
0x71: {  	_ =	shalt  }
0x72: {  	_ =	shalt  }
0x73: {  	_ =	shalt  }
0x74: {  	_ =	shalt  }
0x75: {  	_ =	shalt  }
0x76: {  	_ =	shalt  }
0x77: {  	_ =	shalt  }
0x78: {  	_ =	shalt  }
0x79: {  	_ =	shalt  }
0x7a: {  	_ =	shalt  }
0x7b: {  	_ =	shalt  }
0x7c: {  	_ =	shalt  }
0x7d: {  	_ =	shalt  }
0x7e: {  	_ =	shalt  }
0x7f: {  	_ =	shalt  }
0x80: {  	_ =	shalt  }
0x81: {  	_ =	shalt  }
0x82: {  	_ =	shalt  }
0x83: {  	_ =	shalt  }
0x84: {  	_ =	shalt  }
0x85: {  	_ =	shalt  }
0x86: {  	_ =	shalt  }
0x87: {  	_ =	shalt  }
.Lfunc_end0:
.L_simem_size_0:
called_computation.1_lowered:
.L_overlay_start_0:
0x88: {  	s2 =	sld [smem:$0x3FD9]  }
0x89: {  	s3 =	sld [smem:$0x3FFE];
	_ =	sdelay $0x1  }
0x8a: {  	s1 =	srdreg.scid  }
0x8b: {  	s0 =	sand.u32 $0x1, s1  }
0x8c: {  	s17 =	sshll.u32 s0, $0xA;
	s2 =	sadd.s32 s3, s2  }
0x8d: {  	s2 =	sadd.s32 s2, s17  }
0x8e: {  	[smem:$0x3FAB] =	sst s2  }
0x8f: {  	_ = 	snop  }
0x90: {  	s2 =	sld [smem:$0x3FC5];
	(tm) =	ssettm $0x1  }
0x91: {  	s18 =	sld [smem:$0x3FFB];
	_ =	sdelay $0x3  }
0x92: {  	_ =	strace s18  }
0x93: {  	s3 =	sld [smem:$0x3FFC];
	_ =	sdelay $0x3  }
0x94: {  	_ =	strace s3  }
0x95: {  	s3 =	sld [smem:$0x3FFD];
	_ =	sdelay $0x3  }
0x96: {  	_ =	strace s3  }
0x97: {  	_ =	strace $0x8FFFFFFF  }
0x98: {  	s19 =	sld [smem:$0x3FDB];
	_ =	sdelay $0x1  }
0x99: {  	s4 =	simm.s32 $_scs_section_size  }
0x9a: {  	s5 =	simm.s32 $_size__tile_overlayer_lowered;
	s6 =	simm.s32 $_tile_overlayer_lowered  }
0x9b: {  	s22 =	simm.s32 $0x1BFF;
	s21 =	sshll.u32 s6, $0x1;
	s3 =	sadd.s32 s4, s19  }
0x9c: {  	s7 =	simm.s32 $0x0;
	s20 =	sshll.u32 s5, $0x1;
	s5 =	sadd.s32 s21, s3  }
0x9d: {  	[timem:s7], [sflag:s22] =	dma.local [hbm:s5], s20  }
0x9e: {  	_ =	swait.ge [sflag:s22], s20  }
0x9f: {  	s4 =	ssub.s32 $0x0, s20;
	[sflag:s22] =	ssyncset.done $0x0  }
0xa0: {  	[sflag:s22] =	ssyncadd.s32 s4;
	_ =	sdelay $0x1  }
0xa1: {  	s23 =	simm.s32 $0x1B8B  }
0xa2: {  	_ =	swait.ge [sflag:s23], $0x1  }
0xa3: {  	[sflag:s23] =	ssyncset.done $0x0  }
0xa4: {  	s25 =	simm.s32 $0x1B8E;
	s24 =	sld [smem:$0x3FFE];
	[sflag:s23] =	ssyncadd.s32 $0xFFFFFFFF  }
0xa5: {  	s26 =	simm.s32 $execute0_lowered;
	[smem:$0x3FD2] =	sst s25  }
0xa6: {  	s5 =	sshll.u32 s26, $0x1;
	_ =	strace $0x80000046;
	[dreg:$0x1] =	wrdreg $0xFFFFFFFF  }
0xa7: {  	s28 =	simm.s32 $_size_execute0_lowered;
	s3 =	sadd.s32 s3, s5;
	[dreg:$0x0] =	wrdreg $0x0  }
0xa8: {  	s5 =	sshll.u32 s28, $0x1;
	[dreg:$0x2] =	wrdreg s3  }
0xa9: {  	[dreg:$0x3] =	wrdreg s5  }
0xaa: {  	[dreg:$0x4] =	wrdreg $0xC0  }
0xab: {  	_ =	task [dreg:s7], $0x5FFFF  }
0xac: {  	[dreg:$0x1] =	wrdreg $0xFFFFFFFF  }
0xad: {  	[dreg:$0x0] =	wrdreg $0x60  }
0xae: {  	[dreg:$0x2] =	wrdreg s24  }
0xaf: {  	[dreg:$0x3] =	wrdreg s2  }
0xb0: {  	[dreg:$0x4] =	wrdreg $0xA  }
0xb1: {  	_ =	task.clear_ibuf [dreg:s7], $0x5FFFF;
	_ =	strace $0x90000046  }
0xb2: {  	s29 =	simm.s32 $0xA;
	_ =	strace $0x80000048  }
0xb3: {  	_ =	swait.ge [sflag:s29], $0x1  }
0xb4: {  	[sflag:s29] =	ssyncadd.s32 $0xFFFFFFFF  }
0xb5: {  	_ =	strace $0x90000048  }
0xb6: {  	_ =	sfence  }
0xb7: {  	s30 =	sld [smem:$0x0];
	_ =	sdelay $0x2  }
0xb8: {  	s31 =	sshll.u32 s1, $0xD;
	s1 =	sshrl.u32 s1, $0x2  }
0xb9: {  	s3 =	sand.u32 $0x4000, s31;
	s1 =	sadd.s32 s1, s30  }
0xba: {  	s0 =	sor.u32 s3, s0;
	s1 =	sshll.u32 s1, $0x11  }
0xbb: {  	s0 =	sor.u32 s1, s0  }
0xbc: {  	s0 =	sadd.s32 $0x8F2B, s0  }
0xbd: {  	[sflag:s0] =	ssyncadd.remote.s32 $0x1  }
0xbe: {  	_ =	sfence.sel $0xFFFF  }
0xbf: {  	[dreg:$0x0] =	wrdreg $0xFFFFFFFF;
	(pc) =	sbr.abs _section_cstart, $3  }
0xc0: {  	[dreg:$0x1] =	wrdreg $0xFFFFFFFF  }
0xc1: {  	_ =	task.clear_ibuf [dreg:s7], $0x2FFFF;
	_ =	strace $0x9FFFFFFF  }
0xc2: {  	(tm) =	ssettm $0x7FFFFFFF  }
0xc3: {  	_ =	shalt  }
tec
execute0_lowered:
.L_overlay_start_1:
0x0: {  	(tag) =	ssettag $0x1  }
0x1: {  	s1 =	srdreg.scid  }
0x2: {  	s14 =	rddreg [dreg:$0x0];
	s0 =	stileid.u32;
	s15 =	sand.u32 $0x1, s1  }
0x3: {  	s3 =	rddreg [dreg:$0x1];
	s4 =	sshll.u32 s0, $0xA;
	s5 =	sshll.u32 s15, $0x9  }
0x4: {  	s2 =	simm.s32 $0x0;
	s1 =	rddreg [dreg:$0x2];
	s16 =	sor.u32 s5, s4  }
0x5: {  	[smem:$0x7FF] =	sst s2;
	s4 =	sshrl.u32 s16, $0x3  }
0x6: {  	_ =	strace $0x80000047;
	s4 =	sadd.s32 s3, s4;
	s3 =	simm.s32 $0x2  }
0x7: {  	[tilespmem:s2], [sflag:$0x2] =	stream.linear.gather [hbm4b:s4+s2], $0x200, $0x38;
	[tilespmem:$0x8200] =	vst v63  }
0x8: {  	_ =	swait.ge [sflag:s3], $0x200  }
0x9: {  	s6 =	simm.s32 $0x80;
	[sflag:s3] =	ssyncset.done $0x0  }
0xa: {  	s7 =	simm.s32 $0x200;
	s5 =	sadd.s32 $0x18A600, s14;
	[sflag:s3] =	ssyncadd.s32 $0xFFFFFE00  }
0xb: {  	[tilespmem:s7], [sflag:$0x1] =	stream.indirect.gather [hbm4b:s5+s6], $0x40, s2, s6, $0xb8;
	[tilespmem:$0x8200] =	vst v63  }
0xc: {  	s8 =	simm.s32 $0x2200  }
0xd: {  	[tilespmem:s8], [sflag:$0x1] =	stream.indirect.gather [hbm4b:s5+s6], $0x40, s6, s6, $0xb8;
	[tilespmem:$0x8200] =	vst v63  }
0xe: {  	s9 =	simm.s32 $0x100;
	s10 =	simm.s32 $0x4200  }
0xf: {  	[tilespmem:s10], [sflag:$0x1] =	stream.indirect.gather [hbm4b:s5+s6], $0x40, s9, s6, $0xb8;
	[tilespmem:$0x8200] =	vst v63  }
0x10: {  	s11 =	simm.s32 $0x180;
	s12 =	simm.s32 $0x6200;
	s13 =	simm.s32 $0x1  }
0x11: {  	[tilespmem:s12], [sflag:$0x1] =	stream.indirect.gather [hbm4b:s5+s6], $0x40, s11, s6, $0xb8;
	[tilespmem:$0x8200] =	vst v63  }
0x12: {  	_ =	swait.ge [sflag:s13], $0x2000  }
0x13: {  	[sflag:s13] =	ssyncset.done $0x0  }
0x14: {  	[sflag:s13] =	ssyncadd.s32 $0xFFFFE000  }
0x15: {  	_ =	swait.ge [sflag:s13], $0x2000  }
0x16: {  	[sflag:s13] =	ssyncset.done $0x0  }
0x17: {  	s15 =	ssub.s32 $0x2, s15;
	[sflag:s13] =	ssyncadd.s32 $0xFFFFE000  }
0x18: {  	s17 =	sshrl.u32 s15, $0x1;
	_ =	swait.ge [sflag:s13], $0x2000  }
0x19: {  	s15 =	ssub.s32 s15, s17;
	[sflag:s13] =	ssyncset.done $0x0  }
0x1a: {  	s15 =	smax.u32 s15, $0x1;
	[sflag:s13] =	ssyncadd.s32 $0xFFFFE000  }
0x1b: {  	s16 =	sshll.u32 s16, $0x3;
	p0 =	sne.s32 s15, $0x1;
	_ =	swait.ge [sflag:s13], $0x2000  }
.Ltmp0:
0x1c: {  	s14 =	sadd.s32 s16, s14;
	[sflag:s13] =	ssyncset.done $0x0;
	(pc) =	sbr.rel @!p0 .LBB2_2-.Ltmp0, $4  }
0x1d: {  	s14 =	sadd.s32 $0x3C00, s14;
	[sflag:s13] =	ssyncadd.s32 $0xFFFFE000  }
0x1e: {  	[hbm4b:s14+s2] =	stream.linear.scatter [tilespmem:s7], [sflag:$0x2], $0x8000, $0x38;
	[tilespmem:$0x8200] =	vst v63  }
0x1f: {  	_ =	swait.ge [sflag:s3], $0x8000  }
0x20: {  	s15 =	sadd.s32 $0xFFFFFFFF, s15;
	[sflag:s3] =	ssyncset.done $0x0  }
.LBB2_1:
0x21: {  	p0 =	sne.s32 s15, $0x1;
	s15 =	sadd.s32 $0xFFFFFFFF, s15;
	[sflag:s3] =	ssyncadd.s32 $0xFFFF8000  }
0x22: {  	[tilespmem:s2], [sflag:$0x2] =	stream.linear.gather [hbm4b:s4+s2], $0x200, $0x38;
	[tilespmem:$0x8200] =	vst v63  }
0x23: {  	_ =	swait.ge [sflag:s3], $0x200  }
0x24: {  	[sflag:s3] =	ssyncset.done $0x0  }
0x25: {  	[sflag:s3] =	ssyncadd.s32 $0xFFFFFE00  }
0x26: {  	[tilespmem:s7], [sflag:$0x1] =	stream.indirect.gather [hbm4b:s5+s6], $0x40, s2, s6, $0xb8;
	[tilespmem:$0x8200] =	vst v63  }
0x27: {  	_ = 	snop  }
0x28: {  	[tilespmem:s8], [sflag:$0x1] =	stream.indirect.gather [hbm4b:s5+s6], $0x40, s6, s6, $0xb8;
	[tilespmem:$0x8200] =	vst v63  }
0x29: {  	_ = 	snop  }
0x2a: {  	[tilespmem:s10], [sflag:$0x1] =	stream.indirect.gather [hbm4b:s5+s6], $0x40, s9, s6, $0xb8;
	[tilespmem:$0x8200] =	vst v63  }
0x2b: {  	_ = 	snop  }
0x2c: {  	[tilespmem:s12], [sflag:$0x1] =	stream.indirect.gather [hbm4b:s5+s6], $0x40, s11, s6, $0xb8;
	[tilespmem:$0x8200] =	vst v63  }
0x2d: {  	_ =	swait.ge [sflag:s13], $0x2000  }
0x2e: {  	[sflag:s13] =	ssyncset.done $0x0  }
0x2f: {  	[sflag:s13] =	ssyncadd.s32 $0xFFFFE000  }
0x30: {  	_ =	swait.ge [sflag:s13], $0x2000  }
0x31: {  	[sflag:s13] =	ssyncset.done $0x0  }
0x32: {  	[sflag:s13] =	ssyncadd.s32 $0xFFFFE000  }
0x33: {  	_ =	swait.ge [sflag:s13], $0x2000  }
0x34: {  	[sflag:s13] =	ssyncset.done $0x0  }
0x35: {  	[sflag:s13] =	ssyncadd.s32 $0xFFFFE000  }
0x36: {  	_ =	swait.ge [sflag:s13], $0x2000  }
.Ltmp1:
0x37: {  	[sflag:s13] =	ssyncset.done $0x0;
	(pc) =	sbr.rel @p0 .LBB2_1-.Ltmp1, $4  }
0x38: {  	[sflag:s13] =	ssyncadd.s32 $0xFFFFE000  }
0x39: {  	[hbm4b:s14+s2] =	stream.linear.scatter [tilespmem:s7], [sflag:$0x2], $0x8000, $0x38;
	[tilespmem:$0x8200] =	vst v63  }
0x3a: {  	_ =	swait.ge [sflag:s3], $0x8000  }
0x3b: {  	[sflag:s3] =	ssyncset.done $0x0  }
.LBB2_2:
0x3c: {  	[sflag:s3] =	ssyncadd.s32 $0xFFFF8000  }
0x3d: {  	_ =	sfence.sel $0x180000  }
0x3e: {  	[bflag:$0x0] =	sbarrier.arrive $0xFFFF  }
0x3f: {  	p0 =	sne.s32 s0, $0x0;
	_ =	strace $0x90000047  }
0x40: {  	s0 =	sadd.s32 @!p0 $0x100000, s1;
	[bflag:$0x2] =	sbarrier.arrive $0xFFFF  }
0x41: {  	[sflag:s0] =	ssyncadd.tile.s32 @!p0 $0x1;
	_ =	shalt  }
.Lfunc_end2:
_tile_overlayer_lowered:
.L_overlay_start_2:
0x42: {  	(tag) =	ssettag $0x2  }
0x43: {  	s0 =	rddreg [dreg:$0x0];
	s2 =	stileid.u32  }
0x44: {  	s1 =	rddreg [dreg:$0x1];
	p0 =	sne.s32 s2, $0x0  }
0x45: {  	s3 =	rddreg [dreg:$0x2];
	[bflag:$0x3] =	sbarrier.arrive $0xFFFF;
	s2 =	simm.s32 @!p0 $0x1C02  }
0x46: {  	[timem:s3], [sflag:s2] =	dma.local @!p0 [hbm:s0], s1  }
0x47: {  	s0 =	simm.s32 @!p0 $0x2  }
0x48: {  	_ =	swait.ge @!p0 [sflag:s0], s1  }
0x49: {  	s1 =	ssub.s32 @!p0 $0x0, s1;
	[sflag:s0] =	ssyncset.done @!p0 $0x0  }
0x4a: {  	[sflag:s0] =	ssyncadd.s32 @!p0 s1  }
0x4b: {  	[bflag:$0x3] =	sbarrier.arrive $0xFFFF  }
0x4c: {  	_ =	shalt  }

</sc_bundles>
